<compile_context>
chip_gen: v7x
topology: tpu7x:2x2x1
jax: 0.10.2.dev20260603
libtpu: 0.0.44.dev20260713+nightly
codegen_flags: <defaults>
</compile_context>

<pallas_src>
import functools

import jax
import jax.numpy as jnp
from jax import lax
from jax.experimental import pallas as pl
from jax.experimental.pallas import tpu as pltpu
from jax.experimental.pallas import tpu_sc as plsc

N = 10000
E = 320000
D = 128
B = 256
SEQ = 1280

NC = 2
NS = 16
NW = NC * NS
EPW = E // NW
CH = 80
CH2 = 80
NCH2 = EPW // CH2
NZCH = N // CH
ZITER = (NZCH + NS - 1) // NS

_mesh = plsc.VectorSubcoreMesh(core_axis_name="c", subcore_axis_name="s",
                               num_cores=NC, num_subcores=NS)


def _fill_zero_rows(ref, nrows, width):
    def body(i, _):
        for j in range(width // 16):
            ref[i, pl.ds(16 * j, 16)] = jnp.zeros((16,), jnp.float32)
        return 0
    lax.fori_loop(0, nrows, body, 0)


def _reg_copy_idx(src_ref, off, dst_ref, n):
    for k in range(n // 16):
        dst_ref[pl.ds(16 * k, 16)] = src_ref[pl.ds(off + 16 * k, 16)]


def _fill_one_rows(ref, nrows, width):
    def body(i, _):
        for j in range(width // 16):
            ref[i, pl.ds(16 * j, 16)] = jnp.ones((16,), jnp.float32)
        return 0
    lax.fori_loop(0, nrows, body, 0)


_SCAT_LAG = 8


@functools.partial(
    pl.kernel,
    out_type=jax.ShapeDtypeStruct((2 * N, 16), jnp.float32),
    mesh=_mesh,
    scratch_types=[
        pltpu.VMEM((EPW,), jnp.int32),
        pltpu.VMEM((CH2,), jnp.int32),
        pltpu.VMEM((CH2,), jnp.int32),
        pltpu.VMEM((CH2, 16), jnp.float32),
        pltpu.VMEM((CH2, 16), jnp.float32),
        pltpu.VMEM_SHARED((N, 16), jnp.float32),
        pltpu.SemaphoreType.DMA,
        pltpu.SemaphoreType.DMA,
    ],
)
def _sc_deg(dst_hbm, out_hbm, dstm, dv0, dv1, ones_v, zrow_v, deg_sh,
            ssem, ssem2):
    c = lax.axis_index("c")
    s = lax.axis_index("s")
    wid = c * NS + s
    pltpu.sync_copy(dst_hbm.at[wid], dstm)
    _fill_one_rows(ones_v, CH2, 16)
    _fill_zero_rows(zrow_v, CH2, 16)

    def zbody(k, _):
        idx = s + k * NS
        @pl.when(idx < NZCH)
        def _():
            pltpu.sync_copy(zrow_v.at[pl.ds(0, CH)], deg_sh.at[pl.ds(idx * CH, CH)])
        return 0
    lax.fori_loop(0, ZITER, zbody, 0)
    plsc.subcore_barrier()

    def body(t, _):
        j0 = 2 * t
        _reg_copy_idx(dstm, j0 * CH2, dv0, CH2)
        h0 = pltpu.async_copy(ones_v, deg_sh.at[dv0], ssem, add=True)
        _reg_copy_idx(dstm, (j0 + 1) * CH2, dv1, CH2)
        h0.wait()
        h1 = pltpu.async_copy(ones_v, deg_sh.at[dv1], ssem2, add=True)
        h1.wait()
        return 0
    lax.fori_loop(0, NCH2 // 2, body, 0)
    _reg_copy_idx(dstm, (NCH2 - 1) * CH2, dv0, CH2)
    pltpu.sync_copy(ones_v, deg_sh.at[dv0], add=True)
    plsc.subcore_barrier()

    def wbody(k, _):
        idx = s + k * NS
        @pl.when(idx < NZCH)
        def _():
            pltpu.sync_copy(deg_sh.at[pl.ds(idx * CH, CH)],
                            out_hbm.at[pl.ds(c * N + idx * CH, CH)])
        return 0
    lax.fori_loop(0, ZITER, wbody, 0)


@functools.partial(
    pl.kernel,
    out_type=jax.ShapeDtypeStruct((2 * N, D), jnp.float32),
    mesh=_mesh,
    scratch_types=[
        pltpu.VMEM((EPW,), jnp.int32),
        pltpu.VMEM((EPW,), jnp.int32),
        pltpu.VMEM((CH2,), jnp.int32),
        pltpu.VMEM((CH2, D), jnp.float32),
        pltpu.VMEM((CH2, D), jnp.float32),
        pltpu.VMEM((CH2, D), jnp.float32),
        pltpu.VMEM_SHARED((N, D), jnp.float32),
        pltpu.SemaphoreType.DMA,
        pltpu.SemaphoreType.DMA,
        pltpu.SemaphoreType.DMA,
    ],
)
def _sc_agg(h_hbm, src_hbm, dst_hbm, out_hbm,
            srcm, dstm, dv0, rows0, rows1, rows2, acc_sh,
            gsem0, gsem1, gsem2):
    c = lax.axis_index("c")
    s = lax.axis_index("s")
    wid = c * NS + s
    pltpu.sync_copy(src_hbm.at[wid], srcm)
    pltpu.sync_copy(dst_hbm.at[wid], dstm)
    _fill_zero_rows(rows0, CH2, D)

    def zbody(k, _):
        idx = s + k * NS
        @pl.when(idx < NZCH)
        def _():
            pltpu.sync_copy(rows0.at[pl.ds(0, CH)], acc_sh.at[pl.ds(idx * CH, CH)])
        return 0
    lax.fori_loop(0, ZITER, zbody, 0)
    plsc.subcore_barrier()

    bufs = (rows0, rows1, rows2)
    gsems = (gsem0, gsem1, gsem2)

    def g_start(j, bi):
        return pltpu.async_copy(h_hbm.at[srcm.at[pl.ds(j * CH2, CH2)]],
                                bufs[bi], gsems[bi])

    def step(j, k, buf):
        _reg_copy_idx(dstm, j * CH2, dv0, CH2)
        pltpu.sync_copy(buf, acc_sh.at[dv0], add=True)

    U = 5
    def body(t, _):
        j0 = U * t
        hs = [None] * U
        hs[0] = g_start(j0 + 0, 0)
        hs[1] = g_start(j0 + 1, 1)
        for k in range(U):
            hs[k].wait()
            step(j0 + k, k, bufs[k % 3])
            if k + 2 < U:
                hs[k + 2] = g_start(j0 + k + 2, (k + 2) % 3)
        return 0
    lax.fori_loop(0, NCH2 // U, body, 0)
    plsc.subcore_barrier()

    def wbody(k, _):
        idx = s + k * NS
        @pl.when(idx < NZCH)
        def _():
            pltpu.sync_copy(acc_sh.at[pl.ds(idx * CH, CH)],
                            out_hbm.at[pl.ds(c * N + idx * CH, CH)])
        return 0
    lax.fori_loop(0, ZITER, wbody, 0)


@functools.partial(
    pl.kernel,
    out_type=(jax.ShapeDtypeStruct((2 * B, D), jnp.float32),
              jax.ShapeDtypeStruct((2 * B, 16), jnp.float32)),
    mesh=_mesh,
    scratch_types=[
        pltpu.VMEM((CH,), jnp.int32),
        pltpu.VMEM((CH, D), jnp.float32),
        pltpu.VMEM((CH, 16), jnp.float32),
        pltpu.VMEM((16, D), jnp.float32),
        pltpu.VMEM((16, 16), jnp.float32),
        pltpu.VMEM_SHARED((B, D), jnp.float32),
        pltpu.VMEM_SHARED((B, 16), jnp.float32),
    ],
)
def _sc_pool(h_hbm, batch_hbm, sum_hbm, cnt_hbm,
             bidx_v, rows_v, ones_v, zrow_v, zcnt_v, sum_sh, cnt_sh):
    c = lax.axis_index("c")
    s = lax.axis_index("s")
    wid = c * NS + s
    _fill_one_rows(ones_v, CH, 16)
    _fill_zero_rows(zrow_v, 16, D)
    _fill_zero_rows(zcnt_v, 16, 16)

    pltpu.sync_copy(zrow_v, sum_sh.at[pl.ds(16 * s, 16)])
    pltpu.sync_copy(zcnt_v, cnt_sh.at[pl.ds(16 * s, 16)])
    plsc.subcore_barrier()

    nrch = N // CH
    def body(k, _):
        idx = wid + k * NW
        @pl.when(idx < nrch)
        def _():
            off = idx * CH
            pltpu.sync_copy(batch_hbm.at[pl.ds(off, CH)], bidx_v)
            pltpu.sync_copy(h_hbm.at[pl.ds(off, CH)], rows_v)
            pltpu.sync_copy(rows_v, sum_sh.at[bidx_v], add=True)
            pltpu.sync_copy(ones_v, cnt_sh.at[bidx_v], add=True)
        return 0
    lax.fori_loop(0, (nrch + NW - 1) // NW, body, 0)
    plsc.subcore_barrier()

    pltpu.sync_copy(sum_sh.at[pl.ds(16 * s, 16)],
                    sum_hbm.at[pl.ds(c * B + 16 * s, 16)])
    pltpu.sync_copy(cnt_sh.at[pl.ds(16 * s, 16)],
                    cnt_hbm.at[pl.ds(c * B + 16 * s, 16)])


def _tc_pre_body(x_ref, w_ref, degp_ref, dis_ref, hs_ref):
    dp = degp_ref[...]
    deg = dp[0:N, 0:1] + dp[N:2 * N, 0:1] + 1.0
    dis = lax.rsqrt(deg)
    dis_ref[...] = dis
    h = jnp.dot(x_ref[...], w_ref[...], preferred_element_type=jnp.float32)
    hs_ref[...] = h * dis


_tc_pre = pl.pallas_call(
    _tc_pre_body,
    out_shape=(jax.ShapeDtypeStruct((N, 1), jnp.float32),
               jax.ShapeDtypeStruct((N, D), jnp.float32)),
)


def _bn_block(r, g, be):
    m = jnp.mean(r, axis=0, keepdims=True)
    v = jnp.mean((r - m) * (r - m), axis=0, keepdims=True)
    return g * (r - m) * lax.rsqrt(v + 1e-5) + be


def _tc_mid_body(agg_ref, hs_ref, dis_ref, bc_ref, g_ref, be_ref, w_ref,
                 out_ref):
    a = agg_ref[...]
    dis = dis_ref[...]
    z = dis * (a[0:N, :] + a[N:2 * N, :] + hs_ref[...]) + bc_ref[...]
    r = jnp.maximum(z, 0.0)
    bn = _bn_block(r, g_ref[...], be_ref[...])
    out_ref[...] = dis * jnp.dot(bn, w_ref[...],
                                 preferred_element_type=jnp.float32)


_tc_mid = pl.pallas_call(
    _tc_mid_body,
    out_shape=jax.ShapeDtypeStruct((N, D), jnp.float32),
)


def _tc_last_body(agg_ref, hs_ref, dis_ref, bc_ref, g_ref, be_ref, out_ref):
    a = agg_ref[...]
    dis = dis_ref[...]
    z = dis * (a[0:N, :] + a[N:2 * N, :] + hs_ref[...]) + bc_ref[...]
    out_ref[...] = _bn_block(z, g_ref[...], be_ref[...])


_tc_last = pl.pallas_call(
    _tc_last_body,
    out_shape=jax.ShapeDtypeStruct((N, D), jnp.float32),
)


def _tc_head_body(pp_ref, cc_ref, seq_ref, wfc_ref, bfc_ref,
                  wl0_ref, bl0_ref, wl1_ref, bl1_ref, o1_ref, o2_ref):
    pp = pp_ref[...]
    cc = cc_ref[...]
    cnt = jnp.maximum(cc[0:B, 0:1] + cc[B:2 * B, 0:1], 1.0)
    pooled = (pp[0:B, :] + pp[B:2 * B, :]) / cnt
    p = pooled + jnp.dot(seq_ref[...], wfc_ref[...],
                         preferred_element_type=jnp.float32) + bfc_ref[...]
    a1 = jnp.dot(p, wl0_ref[...], preferred_element_type=jnp.float32) + bl0_ref[...]
    a2 = jnp.dot(p, wl1_ref[...], preferred_element_type=jnp.float32) + bl1_ref[...]
    o1_ref[...] = 1.0 / (1.0 + jnp.exp(-a1))
    o2_ref[...] = 1.0 / (1.0 + jnp.exp(-a2))


_tc_head = pl.pallas_call(
    _tc_head_body,
    out_shape=(jax.ShapeDtypeStruct((B, 183), jnp.float32),
               jax.ShapeDtypeStruct((B, 182), jnp.float32)),
)


def kernel(x, edge_index, batch, seq, W1, bc1, W2, bc2, W3, bc3,
           g1, be1, g2, be2, g3, be3, Wfc, bfc, Wl0, bl0, Wl1, bl1):
    src = edge_index[0].astype(jnp.int32).reshape(NW, EPW)
    dst = edge_index[1].astype(jnp.int32).reshape(NW, EPW)
    batch = batch.astype(jnp.int32)
    bc1r = bc1.reshape(1, D); bc2r = bc2.reshape(1, D); bc3r = bc3.reshape(1, D)
    g1r = g1.reshape(1, D); g2r = g2.reshape(1, D); g3r = g3.reshape(1, D)
    be1r = be1.reshape(1, D); be2r = be2.reshape(1, D); be3r = be3.reshape(1, D)
    bfcr = bfc.reshape(1, D)
    bl0r = bl0.reshape(1, 183)
    bl1r = bl1.reshape(1, 182)

    degp = _sc_deg(dst)
    dis, hs1 = _tc_pre(x, W1, degp)
    agg1 = _sc_agg(hs1, src, dst)
    hs2 = _tc_mid(agg1, hs1, dis, bc1r, g1r, be1r, W2)
    agg2 = _sc_agg(hs2, src, dst)
    hs3 = _tc_mid(agg2, hs2, dis, bc2r, g2r, be2r, W3)
    agg3 = _sc_agg(hs3, src, dst)
    h3f = _tc_last(agg3, hs3, dis, bc3r, g3r, be3r)
    psum, pcnt = _sc_pool(h3f, batch)
    o1, o2 = _tc_head(psum, pcnt, seq, Wfc, bfcr, Wl0, bl0r, Wl1, bl1r)
    return jnp.concatenate([o1, o2, o2], axis=1)

# --- scband reference (transcript-rebuilt; emitter-appended) ---
"""Pipeline reference for scband-gcn-49916109914694 (READ-ONLY COPY).

The authoritative reference and input builder live on the scoring server;
editing this copy changes nothing except your own understanding.
"""

import jax, jax.numpy as jnp
import numpy as np

N = 10000
E = 320000
D = 128
H1 = 128; H2 = 128; H3 = 128
B = 256
SEQ = 1280

def _lin(k, i, o):
    return jax.random.normal(k, (i, o), jnp.float32) / np.sqrt(i)

def setup_inputs(seed: int = 0):
    key = jax.random.key(seed)
    ks = jax.random.split(key, 12)
    inp = {}
    inp['x'] = jax.random.normal(ks[0], (N, D), jnp.float32)
    inp['edge_index'] = jax.random.randint(ks[1], (2, E), 0, N)
    inp['batch'] = jnp.sort(jax.random.randint(ks[2], (N,), 0, B))
    inp['seq'] = jax.random.normal(ks[3], (B, SEQ), jnp.float32)
    inp['W1'] = _lin(ks[4], D, H1);  inp['bc1'] = jnp.zeros((H1,), jnp.float32)
    inp['W2'] = _lin(ks[5], H1, H2); inp['bc2'] = jnp.zeros((H2,), jnp.float32)
    inp['W3'] = _lin(ks[6], H2, H3); inp['bc3'] = jnp.zeros((H3,), jnp.float32)
    inp['g1'] = jnp.ones((H1,), jnp.float32); inp['be1'] = jnp.zeros((H1,), jnp.float32)
    inp['g2'] = jnp.ones((H2,), jnp.float32); inp['be2'] = jnp.zeros((H2,), jnp.float32)
    inp['g3'] = jnp.ones((H3,), jnp.float32); inp['be3'] = jnp.zeros((H3,), jnp.float32)
    inp['Wfc'] = _lin(ks[7], SEQ, H3); inp['bfc'] = jnp.zeros((H3,), jnp.float32)
    inp['Wl0'] = _lin(ks[8], H3, 183); inp['bl0'] = jnp.zeros((183,), jnp.float32)
    inp['Wl1'] = _lin(ks[9], H3, 182); inp['bl1'] = jnp.zeros((182,), jnp.float32)
    return inp

def _gcn(x, W, b, src, dst, n):
    # GCNConv with self-loops and symmetric normalization
    deg = jnp.zeros((n,), x.dtype).at[dst].add(jnp.ones((dst.shape[0],), x.dtype))
    dis = jax.lax.rsqrt(jnp.maximum(deg, 1e-12))
    norm = dis[src] * dis[dst]
    h = x @ W
    out = jnp.zeros((n, W.shape[1]), x.dtype).at[dst].add(h[src] * norm[:, None])
    return out + b

def _bn(x, g, b):
    m = jnp.mean(x, axis=0)
    v = jnp.var(x, axis=0)
    return g * (x - m) * jax.lax.rsqrt(v + 1e-5) + b

def reference(x, edge_index, batch, seq, W1, bc1, W2, bc2, W3, bc3, g1, be1, g2, be2, g3, be3, Wfc, bfc, Wl0, bl0, Wl1, bl1):
    loop = jnp.arange(N, dtype=edge_index.dtype)
    src = jnp.concatenate([edge_index[0], loop])
    dst = jnp.concatenate([edge_index[1], loop])
    h = _bn(jax.nn.relu(_gcn(x, W1, bc1, src, dst, N)), g1, be1)
    h = _bn(jax.nn.relu(_gcn(h, W2, bc2, src, dst, N)), g2, be2)
    h = _bn(_gcn(h, W3, bc3, src, dst, N), g3, be3)
    sums = jax.ops.segment_sum(h, batch, num_segments=B)
    cnt = jax.ops.segment_sum(jnp.ones((N,), h.dtype), batch, num_segments=B)
    pooled = sums / jnp.maximum(cnt, 1.0)[:, None]
    p = pooled + (seq @ Wfc + bfc)
    # dropout is identity in eval mode
    o1 = jax.nn.sigmoid(p @ Wl0 + bl0)
    o2 = jax.nn.sigmoid(p @ Wl1 + bl1)
    # forward_2 is called twice with identical params/inputs -> identical output
    return jnp.concatenate([o1, o2, o2], axis=1)

if __name__ == "__main__":
    import jax
    _d = setup_inputs()
    print(jax.jit(kernel)(*tuple(_d.values())))

</pallas_src>

<mosaic_0001>
#map = affine_map<(d0, d1) -> (0, 0)>
module attributes {stable_mosaic.version = 14 : i64} {
  func.func @_sc_deg(%arg0: i32, %arg1: i32, %arg2: memref<32x10000xi32, #tpu.memory_space<hbm>>, %arg3: memref<20000x16xf32, #tpu.memory_space<hbm>>, %arg4: memref<10000xi32, #tpu.memory_space<vmem>>, %arg5: memref<80xi32, #tpu.memory_space<vmem>>, %arg6: memref<80xi32, #tpu.memory_space<vmem>>, %arg7: memref<80x16xf32, #tpu.memory_space<vmem>>, %arg8: memref<80x16xf32, #tpu.memory_space<vmem>>, %arg9: memref<10000x16xf32, #tpu.memory_space<vmem_shared>>, %arg10: memref<!tpu.dma_semaphore, #tpu.memory_space<semaphore_mem>>, %arg11: memref<!tpu.dma_semaphore, #tpu.memory_space<semaphore_mem>>) attributes {dimension_semantics = [#tpu.dimension_semantics<core_parallel>, #tpu.dimension_semantics<subcore_parallel>], iteration_bounds = array<i64: 2, 16>, scalar_prefetch = 0 : i64, scratch_operands = 8 : i64, tpu.core_type = #tpu.core_type<sc_vector_subcore>, window_params = [{transform_indices = #map}, {transform_indices = #map}]} {
    %mul3A = arith.constant 16 : i32
    %mul3A_0 = arith.muli %arg0, %mul3A : i32
    %add3A = arith.addi %mul3A_0, %arg1 : i32
    "tpu.region"() ({
      %run_scoped3A = tpu.sem_alloc : memref<!tpu.dma_semaphore, #tpu.memory_space<semaphore_mem>>
      %dma_start3A = arith.constant 0 : i32
      %dma_start3A_69 = tpu.memref_slice %arg2[%add3A, %dma_start3A] : memref<32x10000xi32, #tpu.memory_space<hbm>> -> memref<1x10000xi32, #tpu.memory_space<hbm>>
      %dma_start3A_70 = tpu.memref_squeeze %dma_start3A_69 : memref<1x10000xi32, #tpu.memory_space<hbm>> -> memref<10000xi32, #tpu.memory_space<hbm>>
      %dma_start3A_71 = arith.constant 0 : i32
      %dma_start3A_72 = tpu.memref_slice %arg2[%add3A, %dma_start3A_71] : memref<32x10000xi32, #tpu.memory_space<hbm>> -> memref<1x10000xi32, #tpu.memory_space<hbm>>
      %dma_start3A_73 = tpu.memref_squeeze %dma_start3A_72 : memref<1x10000xi32, #tpu.memory_space<hbm>> -> memref<10000xi32, #tpu.memory_space<hbm>>
      tpu.enqueue_dma source(%dma_start3A_73 : memref<10000xi32, #tpu.memory_space<hbm>>) target(%arg4 : memref<10000xi32, #tpu.memory_space<vmem>>) target_semaphore(%run_scoped3A : memref<!tpu.dma_semaphore, #tpu.memory_space<semaphore_mem>>)
      %dma_wait3A = arith.constant 0 : i32
      %dma_wait3A_74 = tpu.memref_slice %arg2[%add3A, %dma_wait3A] : memref<32x10000xi32, #tpu.memory_space<hbm>> -> memref<1x10000xi32, #tpu.memory_space<hbm>>
      %dma_wait3A_75 = tpu.memref_squeeze %dma_wait3A_74 : memref<1x10000xi32, #tpu.memory_space<hbm>> -> memref<10000xi32, #tpu.memory_space<hbm>>
      %dma_wait3A_76 = arith.constant 0 : i32
      %dma_wait3A_77 = tpu.memref_slice %arg2[%add3A, %dma_wait3A_76] : memref<32x10000xi32, #tpu.memory_space<hbm>> -> memref<1x10000xi32, #tpu.memory_space<hbm>>
      %dma_wait3A_78 = tpu.memref_squeeze %dma_wait3A_77 : memref<1x10000xi32, #tpu.memory_space<hbm>> -> memref<10000xi32, #tpu.memory_space<hbm>>
      tpu.wait_dma2 semaphore(%run_scoped3A : memref<!tpu.dma_semaphore, #tpu.memory_space<semaphore_mem>>) src(%dma_wait3A_78 : memref<10000xi32, #tpu.memory_space<hbm>>) dst(%arg4 : memref<10000xi32, #tpu.memory_space<vmem>>)
      tpu.yield
    }) : () -> ()
    %scan3A = arith.constant 0 : i32
    %scan3A_1 = arith.constant 0 : i32
    %scan3A_2 = arith.constant 80 : i32
    %scan3A_3 = arith.addi %scan3A_1, %scan3A_2 : i32
    %scan3A_4 = arith.constant 1 : i32
    %scan3A_5 = scf.for %scan3A_69 = %scan3A_1 to %scan3A_3 step %scan3A_4 iter_args(%scan3A_70 = %scan3A) -> (i32)  : i32 {
      %broadcast_in_dim3A = arith.constant 1.000000e+00 : f32
      %broadcast_in_dim3A_71 = vector.broadcast %broadcast_in_dim3A : f32 to vector<16xf32>
      %swap3A_72 = arith.index_cast %scan3A_69 : i32 to index
      %swap3A_73 = arith.constant 0 : index
      %swap3A_74 = tpu.vector_load %arg7[%swap3A_72, %swap3A_73] {strides = array<i32>} : memref<80x16xf32, #tpu.memory_space<vmem>>, vector<1x16xf32>,
      %swap3A_75 = vector.shape_cast %swap3A_74 : vector<1x16xf32> to vector<16xf32>
      %swap3A_76 = vector.shape_cast %broadcast_in_dim3A_71 : vector<16xf32> to vector<1x16xf32>
      tpu.vector_store %arg7[%swap3A_72, %swap3A_73], %swap3A_76 {strides = array<i32>} : memref<80x16xf32, #tpu.memory_space<vmem>>, vector<1x16xf32>,
      %scan3A_77 = arith.constant 0 : i32
      scf.yield %scan3A_77 : i32
    }
    %scan3A_6 = arith.constant 80 : i32
    %scan3A_7 = arith.constant 0 : i32
    %scan3A_8 = arith.constant 0 : i32
    %scan3A_9 = arith.constant 80 : i32
    %scan3A_10 = arith.addi %scan3A_8, %scan3A_9 : i32
    %scan3A_11 = arith.constant 1 : i32
    %scan3A_12 = scf.for %scan3A_69 = %scan3A_8 to %scan3A_10 step %scan3A_11 iter_args(%scan3A_70 = %scan3A_7) -> (i32)  : i32 {
      %broadcast_in_dim3A = arith.constant 0.000000e+00 : f32
      %broadcast_in_dim3A_71 = vector.broadcast %broadcast_in_dim3A : f32 to vector<16xf32>
      %swap3A_72 = arith.index_cast %scan3A_69 : i32 to index
      %swap3A_73 = arith.constant 0 : index
      %swap3A_74 = tpu.vector_load %arg8[%swap3A_72, %swap3A_73] {strides = array<i32>} : memref<80x16xf32, #tpu.memory_space<vmem>>, vector<1x16xf32>,
      %swap3A_75 = vector.shape_cast %swap3A_74 : vector<1x16xf32> to vector<16xf32>
      %swap3A_76 = vector.shape_cast %broadcast_in_dim3A_71 : vector<16xf32> to vector<1x16xf32>
      tpu.vector_store %arg8[%swap3A_72, %swap3A_73], %swap3A_76 {strides = array<i32>} : memref<80x16xf32, #tpu.memory_space<vmem>>, vector<1x16xf32>,
      %scan3A_77 = arith.constant 0 : i32
      scf.yield %scan3A_77 : i32
    }
    %scan3A_13 = arith.constant 80 : i32
    %scan3A_14 = arith.constant 0 : i32
    %scan3A_15 = arith.constant 0 : i32
    %scan3A_16 = arith.constant 8 : i32
    %scan3A_17 = arith.addi %scan3A_15, %scan3A_16 : i32
    %scan3A_18 = arith.constant 1 : i32
    %scan3A_19 = scf.for %scan3A_69 = %scan3A_15 to %scan3A_17 step %scan3A_18 iter_args(%scan3A_70 = %scan3A_14) -> (i32)  : i32 {
      %mul3A_71 = arith.constant 16 : i32
      %mul3A_72 = arith.muli %scan3A_69, %mul3A_71 : i32
      %add3A_73 = arith.addi %arg1, %mul3A_72 : i32
      %lt3A = arith.constant 125 : i32
      %lt3A_74 = arith.cmpi slt, %add3A_73, %lt3A : i32
      %convert_element_type3A = arith.extui %lt3A_74 : i1 to i32
      %cond3A = arith.constant 0 : i32
      %cond3A_75 = arith.cmpi ne, %convert_element_type3A, %cond3A : i32
      scf.if %cond3A_75 {
        %mul3A_77 = arith.constant 80 : i32
        %mul3A_78 = arith.muli %add3A_73, %mul3A_77 : i32
        "tpu.region"() ({
          %run_scoped3A = tpu.sem_alloc : memref<!tpu.dma_semaphore, #tpu.memory_space<semaphore_mem>>
          %dma_start3A = arith.constant 0 : i32
          %dma_start3A_79 = arith.constant 0 : i32
          %dma_start3A_80 = tpu.memref_slice %arg8[%dma_start3A, %dma_start3A_79] : memref<80x16xf32, #tpu.memory_space<vmem>> -> memref<80x16xf32, #tpu.memory_space<vmem>>
          %dma_start3A_81 = arith.constant 0 : i32
          %dma_start3A_82 = tpu.memref_slice %arg9[%mul3A_78, %dma_start3A_81] : memref<10000x16xf32, #tpu.memory_space<vmem_shared>> -> memref<80x16xf32, #tpu.memory_space<vmem_shared>>
          %dma_start3A_83 = arith.constant 0 : i32
          %dma_start3A_84 = tpu.memref_slice %arg9[%mul3A_78, %dma_start3A_83] : memref<10000x16xf32, #tpu.memory_space<vmem_shared>> -> memref<80x16xf32, #tpu.memory_space<vmem_shared>>
          %dma_start3A_85 = arith.constant 0 : i32
          %dma_start3A_86 = arith.constant 0 : i32
          %dma_start3A_87 = tpu.memref_slice %arg8[%dma_start3A_85, %dma_start3A_86] : memref<80x16xf32, #tpu.memory_space<vmem>> -> memref<80x16xf32, #tpu.memory_space<vmem>>
          tpu.enqueue_dma source(%dma_start3A_87 : memref<80x16xf32, #tpu.memory_space<vmem>>) target(%dma_start3A_84 : memref<80x16xf32, #tpu.memory_space<vmem_shared>>) target_semaphore(%run_scoped3A : memref<!tpu.dma_semaphore, #tpu.memory_space<semaphore_mem>>)
          %dma_wait3A = arith.constant 0 : i32
          %dma_wait3A_88 = arith.constant 0 : i32
          %dma_wait3A_89 = tpu.memref_slice %arg8[%dma_wait3A, %dma_wait3A_88] : memref<80x16xf32, #tpu.memory_space<vmem>> -> memref<80x16xf32, #tpu.memory_space<vmem>>
          %dma_wait3A_90 = arith.constant 0 : i32
          %dma_wait3A_91 = tpu.memref_slice %arg9[%mul3A_78, %dma_wait3A_90] : memref<10000x16xf32, #tpu.memory_space<vmem_shared>> -> memref<80x16xf32, #tpu.memory_space<vmem_shared>>
          %dma_wait3A_92 = arith.constant 0 : i32
          %dma_wait3A_93 = tpu.memref_slice %arg9[%mul3A_78, %dma_wait3A_92] : memref<10000x16xf32, #tpu.memory_space<vmem_shared>> -> memref<80x16xf32, #tpu.memory_space<vmem_shared>>
          %dma_wait3A_94 = arith.constant 0 : i32
          %dma_wait3A_95 = arith.constant 0 : i32
          %dma_wait3A_96 = tpu.memref_slice %arg8[%dma_wait3A_94, %dma_wait3A_95] : memref<80x16xf32, #tpu.memory_space<vmem>> -> memref<80x16xf32, #tpu.memory_space<vmem>>
          tpu.wait_dma2 semaphore(%run_scoped3A : memref<!tpu.dma_semaphore, #tpu.memory_space<semaphore_mem>>) src(%dma_wait3A_96 : memref<80x16xf32, #tpu.memory_space<vmem>>) dst(%dma_wait3A_93 : memref<80x16xf32, #tpu.memory_space<vmem_shared>>)
          tpu.yield
        }) : () -> ()
      } else {
      }
      %scan3A_76 = arith.constant 0 : i32
      scf.yield %scan3A_76 : i32
    }
    %scan3A_20 = arith.constant 8 : i32
    %barrier3A = arith.constant 0 : index
    tpu.barrier barrier_id(%barrier3A)
    %scan3A_21 = arith.constant 0 : i32
    %scan3A_22 = arith.constant 0 : i32
    %scan3A_23 = arith.constant 62 : i32
    %scan3A_24 = arith.addi %scan3A_22, %scan3A_23 : i32
    %scan3A_25 = arith.constant 1 : i32
    %scan3A_26 = scf.for %scan3A_69 = %scan3A_22 to %scan3A_24 step %scan3A_25 iter_args(%scan3A_70 = %scan3A_21) -> (i32)  : i32 {
      %mul3A_71 = arith.constant 2 : i32
      %mul3A_72 = arith.muli %mul3A_71, %scan3A_69 : i32
      %mul3A_73 = arith.constant 80 : i32
      %mul3A_74 = arith.muli %mul3A_72, %mul3A_73 : i32
      %add3A_75 = arith.constant 0 : i32
      %add3A_76 = arith.addi %mul3A_74, %add3A_75 : i32
      %get3A_77 = arith.index_cast %add3A_76 : i32 to index
      %get3A_78 = tpu.vector_load %arg4[%get3A_77] {strides = array<i32>} : memref<10000xi32, #tpu.memory_space<vmem>>, vector<16xi32>,
      %get3A_79 = vector.shape_cast %get3A_78 : vector<16xi32> to vector<16xi32>
      %swap3A_80 = arith.constant 0 : index
      %swap3A_81 = tpu.vector_load %arg5[%swap3A_80] {strides = array<i32>} : memref<80xi32, #tpu.memory_space<vmem>>, vector<16xi32>,
      %swap3A_82 = vector.shape_cast %swap3A_81 : vector<16xi32> to vector<16xi32>
      %swap3A_83 = vector.shape_cast %get3A_79 : vector<16xi32> to vector<16xi32>
      tpu.vector_store %arg5[%swap3A_80], %swap3A_83 {strides = array<i32>} : memref<80xi32, #tpu.memory_space<vmem>>, vector<16xi32>,
      %add3A_84 = arith.constant 16 : i32
      %add3A_85 = arith.addi %mul3A_74, %add3A_84 : i32
      %get3A_86 = arith.index_cast %add3A_85 : i32 to index
      %get3A_87 = tpu.vector_load %arg4[%get3A_86] {strides = array<i32>} : memref<10000xi32, #tpu.memory_space<vmem>>, vector<16xi32>,
      %get3A_88 = vector.shape_cast %get3A_87 : vector<16xi32> to vector<16xi32>
      %swap3A_89 = arith.constant 16 : index
      %swap3A_90 = tpu.vector_load %arg5[%swap3A_89] {strides = array<i32>} : memref<80xi32, #tpu.memory_space<vmem>>, vector<16xi32>,
      %swap3A_91 = vector.shape_cast %swap3A_90 : vector<16xi32> to vector<16xi32>
      %swap3A_92 = vector.shape_cast %get3A_88 : vector<16xi32> to vector<16xi32>
      tpu.vector_store %arg5[%swap3A_89], %swap3A_92 {strides = array<i32>} : memref<80xi32, #tpu.memory_space<vmem>>, vector<16xi32>,
      %add3A_93 = arith.constant 32 : i32
      %add3A_94 = arith.addi %mul3A_74, %add3A_93 : i32
      %get3A_95 = arith.index_cast %add3A_94 : i32 to index
      %get3A_96 = tpu.vector_load %arg4[%get3A_95] {strides = array<i32>} : memref<10000xi32, #tpu.memory_space<vmem>>, vector<16xi32>,
      %get3A_97 = vector.shape_cast %get3A_96 : vector<16xi32> to vector<16xi32>
      %swap3A_98 = arith.constant 32 : index
      %swap3A_99 = tpu.vector_load %arg5[%swap3A_98] {strides = array<i32>} : memref<80xi32, #tpu.memory_space<vmem>>, vector<16xi32>,
      %swap3A_100 = vector.shape_cast %swap3A_99 : vector<16xi32> to vector<16xi32>
      %swap3A_101 = vector.shape_cast %get3A_97 : vector<16xi32> to vector<16xi32>
      tpu.vector_store %arg5[%swap3A_98], %swap3A_101 {strides = array<i32>} : memref<80xi32, #tpu.memory_space<vmem>>, vector<16xi32>,
      %add3A_102 = arith.constant 48 : i32
      %add3A_103 = arith.addi %mul3A_74, %add3A_102 : i32
      %get3A_104 = arith.index_cast %add3A_103 : i32 to index
      %get3A_105 = tpu.vector_load %arg4[%get3A_104] {strides = array<i32>} : memref<10000xi32, #tpu.memory_space<vmem>>, vector<16xi32>,
      %get3A_106 = vector.shape_cast %get3A_105 : vector<16xi32> to vector<16xi32>
      %swap3A_107 = arith.constant 48 : index
      %swap3A_108 = tpu.vector_load %arg5[%swap3A_107] {strides = array<i32>} : memref<80xi32, #tpu.memory_space<vmem>>, vector<16xi32>,
      %swap3A_109 = vector.shape_cast %swap3A_108 : vector<16xi32> to vector<16xi32>
      %swap3A_110 = vector.shape_cast %get3A_106 : vector<16xi32> to vector<16xi32>
      tpu.vector_store %arg5[%swap3A_107], %swap3A_110 {strides = array<i32>} : memref<80xi32, #tpu.memory_space<vmem>>, vector<16xi32>,
      %add3A_111 = arith.constant 64 : i32
      %add3A_112 = arith.addi %mul3A_74, %add3A_111 : i32
      %get3A_113 = arith.index_cast %add3A_112 : i32 to index
      %get3A_114 = tpu.vector_load %arg4[%get3A_113] {strides = array<i32>} : memref<10000xi32, #tpu.memory_space<vmem>>, vector<16xi32>,
      %get3A_115 = vector.shape_cast %get3A_114 : vector<16xi32> to vector<16xi32>
      %swap3A_116 = arith.constant 64 : index
      %swap3A_117 = tpu.vector_load %arg5[%swap3A_116] {strides = array<i32>} : memref<80xi32, #tpu.memory_space<vmem>>, vector<16xi32>,
      %swap3A_118 = vector.shape_cast %swap3A_117 : vector<16xi32> to vector<16xi32>
      %swap3A_119 = vector.shape_cast %get3A_115 : vector<16xi32> to vector<16xi32>
      tpu.vector_store %arg5[%swap3A_116], %swap3A_119 {strides = array<i32>} : memref<80xi32, #tpu.memory_space<vmem>>, vector<16xi32>,
      %dma_start3A = arith.constant 0 : i32
      %dma_start3A_120 = arith.constant 0 : i32
      %dma_start3A_121 = tpu.memref_slice %arg9[%dma_start3A, %dma_start3A_120] : memref<10000x16xf32, #tpu.memory_space<vmem_shared>> -> memref<10000x16xf32, #tpu.memory_space<vmem_shared>>
      tpu.enqueue_indirect_dma source(%arg7 : memref<80x16xf32, #tpu.memory_space<vmem>>) target(%dma_start3A_121 : memref<10000x16xf32, #tpu.memory_space<vmem_shared>>) offsets(%arg5 : memref<80xi32, #tpu.memory_space<vmem>>) semaphore(%arg10 : memref<!tpu.dma_semaphore, #tpu.memory_space<semaphore_mem>>) {add = true}
      %add3A_122 = arith.constant 1 : i32
      %add3A_123 = arith.addi %mul3A_72, %add3A_122 : i32
      %mul3A_124 = arith.constant 80 : i32
      %mul3A_125 = arith.muli %add3A_123, %mul3A_124 : i32
      %add3A_126 = arith.constant 0 : i32
      %add3A_127 = arith.addi %mul3A_125, %add3A_126 : i32
      %get3A_128 = arith.index_cast %add3A_127 : i32 to index
      %get3A_129 = tpu.vector_load %arg4[%get3A_128] {strides = array<i32>} : memref<10000xi32, #tpu.memory_space<vmem>>, vector<16xi32>,
      %get3A_130 = vector.shape_cast %get3A_129 : vector<16xi32> to vector<16xi32>
      %swap3A_131 = arith.constant 0 : index
      %swap3A_132 = tpu.vector_load %arg6[%swap3A_131] {strides = array<i32>} : memref<80xi32, #tpu.memory_space<vmem>>, vector<16xi32>,
      %swap3A_133 = vector.shape_cast %swap3A_132 : vector<16xi32> to vector<16xi32>
      %swap3A_134 = vector.shape_cast %get3A_130 : vector<16xi32> to vector<16xi32>
      tpu.vector_store %arg6[%swap3A_131], %swap3A_134 {strides = array<i32>} : memref<80xi32, #tpu.memory_space<vmem>>, vector<16xi32>,
      %add3A_135 = arith.constant 16 : i32
      %add3A_136 = arith.addi %mul3A_125, %add3A_135 : i32
      %get3A_137 = arith.index_cast %add3A_136 : i32 to index
      %get3A_138 = tpu.vector_load %arg4[%get3A_137] {strides = array<i32>} : memref<10000xi32, #tpu.memory_space<vmem>>, vector<16xi32>,
      %get3A_139 = vector.shape_cast %get3A_138 : vector<16xi32> to vector<16xi32>
      %swap3A_140 = arith.constant 16 : index
      %swap3A_141 = tpu.vector_load %arg6[%swap3A_140] {strides = array<i32>} : memref<80xi32, #tpu.memory_space<vmem>>, vector<16xi32>,
      %swap3A_142 = vector.shape_cast %swap3A_141 : vector<16xi32> to vector<16xi32>
      %swap3A_143 = vector.shape_cast %get3A_139 : vector<16xi32> to vector<16xi32>
      tpu.vector_store %arg6[%swap3A_140], %swap3A_143 {strides = array<i32>} : memref<80xi32, #tpu.memory_space<vmem>>, vector<16xi32>,
      %add3A_144 = arith.constant 32 : i32
      %add3A_145 = arith.addi %mul3A_125, %add3A_144 : i32
      %get3A_146 = arith.index_cast %add3A_145 : i32 to index
      %get3A_147 = tpu.vector_load %arg4[%get3A_146] {strides = array<i32>} : memref<10000xi32, #tpu.memory_space<vmem>>, vector<16xi32>,
      %get3A_148 = vector.shape_cast %get3A_147 : vector<16xi32> to vector<16xi32>
      %swap3A_149 = arith.constant 32 : index
      %swap3A_150 = tpu.vector_load %arg6[%swap3A_149] {strides = array<i32>} : memref<80xi32, #tpu.memory_space<vmem>>, vector<16xi32>,
      %swap3A_151 = vector.shape_cast %swap3A_150 : vector<16xi32> to vector<16xi32>
      %swap3A_152 = vector.shape_cast %get3A_148 : vector<16xi32> to vector<16xi32>
      tpu.vector_store %arg6[%swap3A_149], %swap3A_152 {strides = array<i32>} : memref<80xi32, #tpu.memory_space<vmem>>, vector<16xi32>,
      %add3A_153 = arith.constant 48 : i32
      %add3A_154 = arith.addi %mul3A_125, %add3A_153 : i32
      %get3A_155 = arith.index_cast %add3A_154 : i32 to index
      %get3A_156 = tpu.vector_load %arg4[%get3A_155] {strides = array<i32>} : memref<10000xi32, #tpu.memory_space<vmem>>, vector<16xi32>,
      %get3A_157 = vector.shape_cast %get3A_156 : vector<16xi32> to vector<16xi32>
      %swap3A_158 = arith.constant 48 : index
      %swap3A_159 = tpu.vector_load %arg6[%swap3A_158] {strides = array<i32>} : memref<80xi32, #tpu.memory_space<vmem>>, vector<16xi32>,
      %swap3A_160 = vector.shape_cast %swap3A_159 : vector<16xi32> to vector<16xi32>
      %swap3A_161 = vector.shape_cast %get3A_157 : vector<16xi32> to vector<16xi32>
      tpu.vector_store %arg6[%swap3A_158], %swap3A_161 {strides = array<i32>} : memref<80xi32, #tpu.memory_space<vmem>>, vector<16xi32>,
      %add3A_162 = arith.constant 64 : i32
      %add3A_163 = arith.addi %mul3A_125, %add3A_162 : i32
      %get3A_164 = arith.index_cast %add3A_163 : i32 to index
      %get3A_165 = tpu.vector_load %arg4[%get3A_164] {strides = array<i32>} : memref<10000xi32, #tpu.memory_space<vmem>>, vector<16xi32>,
      %get3A_166 = vector.shape_cast %get3A_165 : vector<16xi32> to vector<16xi32>
      %swap3A_167 = arith.constant 64 : index
      %swap3A_168 = tpu.vector_load %arg6[%swap3A_167] {strides = array<i32>} : memref<80xi32, #tpu.memory_space<vmem>>, vector<16xi32>,
      %swap3A_169 = vector.shape_cast %swap3A_168 : vector<16xi32> to vector<16xi32>
      %swap3A_170 = vector.shape_cast %get3A_166 : vector<16xi32> to vector<16xi32>
      tpu.vector_store %arg6[%swap3A_167], %swap3A_170 {strides = array<i32>} : memref<80xi32, #tpu.memory_space<vmem>>, vector<16xi32>,
      %dma_wait3A = arith.constant 0 : i32
      %dma_wait3A_171 = arith.constant 0 : i32
      %dma_wait3A_172 = tpu.memref_slice %arg9[%dma_wait3A, %dma_wait3A_171] : memref<10000x16xf32, #tpu.memory_space<vmem_shared>> -> memref<10000x16xf32, #tpu.memory_space<vmem_shared>>
      tpu.wait_indirect_dma semaphore(%arg10 : memref<!tpu.dma_semaphore, #tpu.memory_space<semaphore_mem>>) src(%arg7 : memref<80x16xf32, #tpu.memory_space<vmem>>) dst(%dma_wait3A_172 : memref<10000x16xf32, #tpu.memory_space<vmem_shared>>)
      %dma_start3A_173 = arith.constant 0 : i32
      %dma_start3A_174 = arith.constant 0 : i32
      %dma_start3A_175 = tpu.memref_slice %arg9[%dma_start3A_173, %dma_start3A_174] : memref<10000x16xf32, #tpu.memory_space<vmem_shared>> -> memref<10000x16xf32, #tpu.memory_space<vmem_shared>>
      tpu.enqueue_indirect_dma source(%arg7 : memref<80x16xf32, #tpu.memory_space<vmem>>) target(%dma_start3A_175 : memref<10000x16xf32, #tpu.memory_space<vmem_shared>>) offsets(%arg6 : memref<80xi32, #tpu.memory_space<vmem>>) semaphore(%arg11 : memref<!tpu.dma_semaphore, #tpu.memory_space<semaphore_mem>>) {add = true}
      %dma_wait3A_176 = arith.constant 0 : i32
      %dma_wait3A_177 = arith.constant 0 : i32
      %dma_wait3A_178 = tpu.memref_slice %arg9[%dma_wait3A_176, %dma_wait3A_177] : memref<10000x16xf32, #tpu.memory_space<vmem_shared>> -> memref<10000x16xf32, #tpu.memory_space<vmem_shared>>
      tpu.wait_indirect_dma semaphore(%arg11 : memref<!tpu.dma_semaphore, #tpu.memory_space<semaphore_mem>>) src(%arg7 : memref<80x16xf32, #tpu.memory_space<vmem>>) dst(%dma_wait3A_178 : memref<10000x16xf32, #tpu.memory_space<vmem_shared>>)
      %scan3A_179 = arith.constant 0 : i32
      scf.yield %scan3A_179 : i32
    }
    %scan3A_27 = arith.constant 62 : i32
    %get3A = arith.constant 9920 : index
    %get3A_28 = tpu.vector_load %arg4[%get3A] {strides = array<i32>} : memref<10000xi32, #tpu.memory_space<vmem>>, vector<16xi32>,
    %get3A_29 = vector.shape_cast %get3A_28 : vector<16xi32> to vector<16xi32>
    %swap3A = arith.constant 0 : index
    %swap3A_30 = tpu.vector_load %arg5[%swap3A] {strides = array<i32>} : memref<80xi32, #tpu.memory_space<vmem>>, vector<16xi32>,
    %swap3A_31 = vector.shape_cast %swap3A_30 : vector<16xi32> to vector<16xi32>
    %swap3A_32 = vector.shape_cast %get3A_29 : vector<16xi32> to vector<16xi32>
    tpu.vector_store %arg5[%swap3A], %swap3A_32 {strides = array<i32>} : memref<80xi32, #tpu.memory_space<vmem>>, vector<16xi32>,
    %get3A_33 = arith.constant 9936 : index
    %get3A_34 = tpu.vector_load %arg4[%get3A_33] {strides = array<i32>} : memref<10000xi32, #tpu.memory_space<vmem>>, vector<16xi32>,
    %get3A_35 = vector.shape_cast %get3A_34 : vector<16xi32> to vector<16xi32>
    %swap3A_36 = arith.constant 16 : index
    %swap3A_37 = tpu.vector_load %arg5[%swap3A_36] {strides = array<i32>} : memref<80xi32, #tpu.memory_space<vmem>>, vector<16xi32>,
    %swap3A_38 = vector.shape_cast %swap3A_37 : vector<16xi32> to vector<16xi32>
    %swap3A_39 = vector.shape_cast %get3A_35 : vector<16xi32> to vector<16xi32>
    tpu.vector_store %arg5[%swap3A_36], %swap3A_39 {strides = array<i32>} : memref<80xi32, #tpu.memory_space<vmem>>, vector<16xi32>,
    %get3A_40 = arith.constant 9952 : index
    %get3A_41 = tpu.vector_load %arg4[%get3A_40] {strides = array<i32>} : memref<10000xi32, #tpu.memory_space<vmem>>, vector<16xi32>,
    %get3A_42 = vector.shape_cast %get3A_41 : vector<16xi32> to vector<16xi32>
    %swap3A_43 = arith.constant 32 : index
    %swap3A_44 = tpu.vector_load %arg5[%swap3A_43] {strides = array<i32>} : memref<80xi32, #tpu.memory_space<vmem>>, vector<16xi32>,
    %swap3A_45 = vector.shape_cast %swap3A_44 : vector<16xi32> to vector<16xi32>
    %swap3A_46 = vector.shape_cast %get3A_42 : vector<16xi32> to vector<16xi32>
    tpu.vector_store %arg5[%swap3A_43], %swap3A_46 {strides = array<i32>} : memref<80xi32, #tpu.memory_space<vmem>>, vector<16xi32>,
    %get3A_47 = arith.constant 9968 : index
    %get3A_48 = tpu.vector_load %arg4[%get3A_47] {strides = array<i32>} : memref<10000xi32, #tpu.memory_space<vmem>>, vector<16xi32>,
    %get3A_49 = vector.shape_cast %get3A_48 : vector<16xi32> to vector<16xi32>
    %swap3A_50 = arith.constant 48 : index
    %swap3A_51 = tpu.vector_load %arg5[%swap3A_50] {strides = array<i32>} : memref<80xi32, #tpu.memory_space<vmem>>, vector<16xi32>,
    %swap3A_52 = vector.shape_cast %swap3A_51 : vector<16xi32> to vector<16xi32>
    %swap3A_53 = vector.shape_cast %get3A_49 : vector<16xi32> to vector<16xi32>
    tpu.vector_store %arg5[%swap3A_50], %swap3A_53 {strides = array<i32>} : memref<80xi32, #tpu.memory_space<vmem>>, vector<16xi32>,
    %get3A_54 = arith.constant 9984 : index
    %get3A_55 = tpu.vector_load %arg4[%get3A_54] {strides = array<i32>} : memref<10000xi32, #tpu.memory_space<vmem>>, vector<16xi32>,
    %get3A_56 = vector.shape_cast %get3A_55 : vector<16xi32> to vector<16xi32>
    %swap3A_57 = arith.constant 64 : index
    %swap3A_58 = tpu.vector_load %arg5[%swap3A_57] {strides = array<i32>} : memref<80xi32, #tpu.memory_space<vmem>>, vector<16xi32>,
    %swap3A_59 = vector.shape_cast %swap3A_58 : vector<16xi32> to vector<16xi32>
    %swap3A_60 = vector.shape_cast %get3A_56 : vector<16xi32> to vector<16xi32>
    tpu.vector_store %arg5[%swap3A_57], %swap3A_60 {strides = array<i32>} : memref<80xi32, #tpu.memory_space<vmem>>, vector<16xi32>,
    "tpu.region"() ({
      %run_scoped3A = tpu.sem_alloc : memref<!tpu.dma_semaphore, #tpu.memory_space<semaphore_mem>>
      %dma_start3A = arith.constant 0 : i32
      %dma_start3A_69 = arith.constant 0 : i32
      %dma_start3A_70 = tpu.memref_slice %arg9[%dma_start3A, %dma_start3A_69] : memref<10000x16xf32, #tpu.memory_space<vmem_shared>> -> memref<10000x16xf32, #tpu.memory_space<vmem_shared>>
      tpu.enqueue_indirect_dma source(%arg7 : memref<80x16xf32, #tpu.memory_space<vmem>>) target(%dma_start3A_70 : memref<10000x16xf32, #tpu.memory_space<vmem_shared>>) offsets(%arg5 : memref<80xi32, #tpu.memory_space<vmem>>) semaphore(%run_scoped3A : memref<!tpu.dma_semaphore, #tpu.memory_space<semaphore_mem>>) {add = true}
      %dma_wait3A = arith.constant 0 : i32
      %dma_wait3A_71 = arith.constant 0 : i32
      %dma_wait3A_72 = tpu.memref_slice %arg9[%dma_wait3A, %dma_wait3A_71] : memref<10000x16xf32, #tpu.memory_space<vmem_shared>> -> memref<10000x16xf32, #tpu.memory_space<vmem_shared>>
      tpu.wait_indirect_dma semaphore(%run_scoped3A : memref<!tpu.dma_semaphore, #tpu.memory_space<semaphore_mem>>) src(%arg7 : memref<80x16xf32, #tpu.memory_space<vmem>>) dst(%dma_wait3A_72 : memref<10000x16xf32, #tpu.memory_space<vmem_shared>>)
      tpu.yield
    }) : () -> ()
    %barrier3A_61 = arith.constant 0 : index
    tpu.barrier barrier_id(%barrier3A_61)
    %scan3A_62 = arith.constant 0 : i32
    %scan3A_63 = arith.constant 0 : i32
    %scan3A_64 = arith.constant 8 : i32
    %scan3A_65 = arith.addi %scan3A_63, %scan3A_64 : i32
    %scan3A_66 = arith.constant 1 : i32
    %scan3A_67 = scf.for %scan3A_69 = %scan3A_63 to %scan3A_65 step %scan3A_66 iter_args(%scan3A_70 = %scan3A_62) -> (i32)  : i32 {
      %mul3A_71 = arith.constant 16 : i32
      %mul3A_72 = arith.muli %scan3A_69, %mul3A_71 : i32
      %add3A_73 = arith.addi %arg1, %mul3A_72 : i32
      %lt3A = arith.constant 125 : i32
      %lt3A_74 = arith.cmpi slt, %add3A_73, %lt3A : i32
      %convert_element_type3A = arith.extui %lt3A_74 : i1 to i32
      %cond3A = arith.constant 0 : i32
      %cond3A_75 = arith.cmpi ne, %convert_element_type3A, %cond3A : i32
      scf.if %cond3A_75 {
        %mul3A_77 = arith.constant 80 : i32
        %mul3A_78 = arith.muli %add3A_73, %mul3A_77 : i32
        %mul3A_79 = arith.constant 10000 : i32
        %mul3A_80 = arith.muli %arg0, %mul3A_79 : i32
        %mul3A_81 = arith.constant 80 : i32
        %mul3A_82 = arith.muli %add3A_73, %mul3A_81 : i32
        %add3A_83 = arith.addi %mul3A_80, %mul3A_82 : i32
        "tpu.region"() ({
          %run_scoped3A = tpu.sem_alloc : memref<!tpu.dma_semaphore, #tpu.memory_space<semaphore_mem>>
          %dma_start3A = arith.constant 0 : i32
          %dma_start3A_84 = tpu.memref_slice %arg3[%add3A_83, %dma_start3A] : memref<20000x16xf32, #tpu.memory_space<hbm>> -> memref<80x16xf32, #tpu.memory_space<hbm>>
          %dma_start3A_85 = arith.constant 0 : i32
          %dma_start3A_86 = tpu.memref_slice %arg9[%mul3A_78, %dma_start3A_85] : memref<10000x16xf32, #tpu.memory_space<vmem_shared>> -> memref<80x16xf32, #tpu.memory_space<vmem_shared>>
          tpu.enqueue_dma source(%dma_start3A_86 : memref<80x16xf32, #tpu.memory_space<vmem_shared>>) target(%dma_start3A_84 : memref<80x16xf32, #tpu.memory_space<hbm>>) target_semaphore(%run_scoped3A : memref<!tpu.dma_semaphore, #tpu.memory_space<semaphore_mem>>)
          %dma_wait3A = arith.constant 0 : i32
          %dma_wait3A_87 = tpu.memref_slice %arg3[%add3A_83, %dma_wait3A] : memref<20000x16xf32, #tpu.memory_space<hbm>> -> memref<80x16xf32, #tpu.memory_space<hbm>>
          %dma_wait3A_88 = arith.constant 0 : i32
          %dma_wait3A_89 = tpu.memref_slice %arg9[%mul3A_78, %dma_wait3A_88] : memref<10000x16xf32, #tpu.memory_space<vmem_shared>> -> memref<80x16xf32, #tpu.memory_space<vmem_shared>>
          tpu.wait_dma2 semaphore(%run_scoped3A : memref<!tpu.dma_semaphore, #tpu.memory_space<semaphore_mem>>) src(%dma_wait3A_89 : memref<80x16xf32, #tpu.memory_space<vmem_shared>>) dst(%dma_wait3A_87 : memref<80x16xf32, #tpu.memory_space<hbm>>)
          tpu.yield
        }) : () -> ()
      } else {
      }
      %scan3A_76 = arith.constant 0 : i32
      scf.yield %scan3A_76 : i32
    }
    %scan3A_68 = arith.constant 8 : i32
    return
  }
}

#map = affine_map<(d0, d1) -> (0, 0)>
module attributes {stable_mosaic.version = 14 : i64} {
  func.func @_sc_agg(%arg0: i32, %arg1: i32, %arg2: memref<10000x128xf32, #tpu.memory_space<hbm>>, %arg3: memref<32x10000xi32, #tpu.memory_space<hbm>>, %arg4: memref<32x10000xi32, #tpu.memory_space<hbm>>, %arg5: memref<20000x128xf32, #tpu.memory_space<hbm>>, %arg6: memref<10000xi32, #tpu.memory_space<vmem>>, %arg7: memref<10000xi32, #tpu.memory_space<vmem>>, %arg8: memref<80xi32, #tpu.memory_space<vmem>>, %arg9: memref<80x128xf32, #tpu.memory_space<vmem>>, %arg10: memref<80x128xf32, #tpu.memory_space<vmem>>, %arg11: memref<80x128xf32, #tpu.memory_space<vmem>>, %arg12: memref<10000x128xf32, #tpu.memory_space<vmem_shared>>, %arg13: memref<!tpu.dma_semaphore, #tpu.memory_space<semaphore_mem>>, %arg14: memref<!tpu.dma_semaphore, #tpu.memory_space<semaphore_mem>>, %arg15: memref<!tpu.dma_semaphore, #tpu.memory_space<semaphore_mem>>) attributes {dimension_semantics = [#tpu.dimension_semantics<core_parallel>, #tpu.dimension_semantics<subcore_parallel>], iteration_bounds = array<i64: 2, 16>, scalar_prefetch = 0 : i64, scratch_operands = 10 : i64, tpu.core_type = #tpu.core_type<sc_vector_subcore>, window_params = [{transform_indices = #map}, {transform_indices = #map}, {transform_indices = #map}, {transform_indices = #map}]} {
    %mul3A = arith.constant 16 : i32
    %mul3A_0 = arith.muli %arg0, %mul3A : i32
    %add3A = arith.addi %mul3A_0, %arg1 : i32
    "tpu.region"() ({
      %run_scoped3A = tpu.sem_alloc : memref<!tpu.dma_semaphore, #tpu.memory_space<semaphore_mem>>
      %dma_start3A = arith.constant 0 : i32
      %dma_start3A_29 = tpu.memref_slice %arg3[%add3A, %dma_start3A] : memref<32x10000xi32, #tpu.memory_space<hbm>> -> memref<1x10000xi32, #tpu.memory_space<hbm>>
      %dma_start3A_30 = tpu.memref_squeeze %dma_start3A_29 : memref<1x10000xi32, #tpu.memory_space<hbm>> -> memref<10000xi32, #tpu.memory_space<hbm>>
      %dma_start3A_31 = arith.constant 0 : i32
      %dma_start3A_32 = tpu.memref_slice %arg3[%add3A, %dma_start3A_31] : memref<32x10000xi32, #tpu.memory_space<hbm>> -> memref<1x10000xi32, #tpu.memory_space<hbm>>
      %dma_start3A_33 = tpu.memref_squeeze %dma_start3A_32 : memref<1x10000xi32, #tpu.memory_space<hbm>> -> memref<10000xi32, #tpu.memory_space<hbm>>
      tpu.enqueue_dma source(%dma_start3A_33 : memref<10000xi32, #tpu.memory_space<hbm>>) target(%arg6 : memref<10000xi32, #tpu.memory_space<vmem>>) target_semaphore(%run_scoped3A : memref<!tpu.dma_semaphore, #tpu.memory_space<semaphore_mem>>)
      %dma_wait3A = arith.constant 0 : i32
      %dma_wait3A_34 = tpu.memref_slice %arg3[%add3A, %dma_wait3A] : memref<32x10000xi32, #tpu.memory_space<hbm>> -> memref<1x10000xi32, #tpu.memory_space<hbm>>
      %dma_wait3A_35 = tpu.memref_squeeze %dma_wait3A_34 : memref<1x10000xi32, #tpu.memory_space<hbm>> -> memref<10000xi32, #tpu.memory_space<hbm>>
      %dma_wait3A_36 = arith.constant 0 : i32
      %dma_wait3A_37 = tpu.memref_slice %arg3[%add3A, %dma_wait3A_36] : memref<32x10000xi32, #tpu.memory_space<hbm>> -> memref<1x10000xi32, #tpu.memory_space<hbm>>
      %dma_wait3A_38 = tpu.memref_squeeze %dma_wait3A_37 : memref<1x10000xi32, #tpu.memory_space<hbm>> -> memref<10000xi32, #tpu.memory_space<hbm>>
      tpu.wait_dma2 semaphore(%run_scoped3A : memref<!tpu.dma_semaphore, #tpu.memory_space<semaphore_mem>>) src(%dma_wait3A_38 : memref<10000xi32, #tpu.memory_space<hbm>>) dst(%arg6 : memref<10000xi32, #tpu.memory_space<vmem>>)
      tpu.yield
    }) : () -> ()
    "tpu.region"() ({
      %run_scoped3A = tpu.sem_alloc : memref<!tpu.dma_semaphore, #tpu.memory_space<semaphore_mem>>
      %dma_start3A = arith.constant 0 : i32
      %dma_start3A_29 = tpu.memref_slice %arg4[%add3A, %dma_start3A] : memref<32x10000xi32, #tpu.memory_space<hbm>> -> memref<1x10000xi32, #tpu.memory_space<hbm>>
      %dma_start3A_30 = tpu.memref_squeeze %dma_start3A_29 : memref<1x10000xi32, #tpu.memory_space<hbm>> -> memref<10000xi32, #tpu.memory_space<hbm>>
      %dma_start3A_31 = arith.constant 0 : i32
      %dma_start3A_32 = tpu.memref_slice %arg4[%add3A, %dma_start3A_31] : memref<32x10000xi32, #tpu.memory_space<hbm>> -> memref<1x10000xi32, #tpu.memory_space<hbm>>
      %dma_start3A_33 = tpu.memref_squeeze %dma_start3A_32 : memref<1x10000xi32, #tpu.memory_space<hbm>> -> memref<10000xi32, #tpu.memory_space<hbm>>
      tpu.enqueue_dma source(%dma_start3A_33 : memref<10000xi32, #tpu.memory_space<hbm>>) target(%arg7 : memref<10000xi32, #tpu.memory_space<vmem>>) target_semaphore(%run_scoped3A : memref<!tpu.dma_semaphore, #tpu.memory_space<semaphore_mem>>)
      %dma_wait3A = arith.constant 0 : i32
      %dma_wait3A_34 = tpu.memref_slice %arg4[%add3A, %dma_wait3A] : memref<32x10000xi32, #tpu.memory_space<hbm>> -> memref<1x10000xi32, #tpu.memory_space<hbm>>
      %dma_wait3A_35 = tpu.memref_squeeze %dma_wait3A_34 : memref<1x10000xi32, #tpu.memory_space<hbm>> -> memref<10000xi32, #tpu.memory_space<hbm>>
      %dma_wait3A_36 = arith.constant 0 : i32
      %dma_wait3A_37 = tpu.memref_slice %arg4[%add3A, %dma_wait3A_36] : memref<32x10000xi32, #tpu.memory_space<hbm>> -> memref<1x10000xi32, #tpu.memory_space<hbm>>
      %dma_wait3A_38 = tpu.memref_squeeze %dma_wait3A_37 : memref<1x10000xi32, #tpu.memory_space<hbm>> -> memref<10000xi32, #tpu.memory_space<hbm>>
      tpu.wait_dma2 semaphore(%run_scoped3A : memref<!tpu.dma_semaphore, #tpu.memory_space<semaphore_mem>>) src(%dma_wait3A_38 : memref<10000xi32, #tpu.memory_space<hbm>>) dst(%arg7 : memref<10000xi32, #tpu.memory_space<vmem>>)
      tpu.yield
    }) : () -> ()
    %scan3A = arith.constant 0 : i32
    %scan3A_1 = arith.constant 0 : i32
    %scan3A_2 = arith.constant 80 : i32
    %scan3A_3 = arith.addi %scan3A_1, %scan3A_2 : i32
    %scan3A_4 = arith.constant 1 : i32
    %scan3A_5 = scf.for %scan3A_29 = %scan3A_1 to %scan3A_3 step %scan3A_4 iter_args(%scan3A_30 = %scan3A) -> (i32)  : i32 {
      %broadcast_in_dim3A = arith.constant 0.000000e+00 : f32
      %broadcast_in_dim3A_31 = vector.broadcast %broadcast_in_dim3A : f32 to vector<16xf32>
      %swap3A = arith.index_cast %scan3A_29 : i32 to index
      %swap3A_32 = arith.constant 0 : index
      %swap3A_33 = tpu.vector_load %arg9[%swap3A, %swap3A_32] {strides = array<i32>} : memref<80x128xf32, #tpu.memory_space<vmem>>, vector<1x16xf32>,
      %swap3A_34 = vector.shape_cast %swap3A_33 : vector<1x16xf32> to vector<16xf32>
      %swap3A_35 = vector.shape_cast %broadcast_in_dim3A_31 : vector<16xf32> to vector<1x16xf32>
      tpu.vector_store %arg9[%swap3A, %swap3A_32], %swap3A_35 {strides = array<i32>} : memref<80x128xf32, #tpu.memory_space<vmem>>, vector<1x16xf32>,
      %broadcast_in_dim3A_36 = arith.constant 0.000000e+00 : f32
      %broadcast_in_dim3A_37 = vector.broadcast %broadcast_in_dim3A_36 : f32 to vector<16xf32>
      %swap3A_38 = arith.index_cast %scan3A_29 : i32 to index
      %swap3A_39 = arith.constant 16 : index
      %swap3A_40 = tpu.vector_load %arg9[%swap3A_38, %swap3A_39] {strides = array<i32>} : memref<80x128xf32, #tpu.memory_space<vmem>>, vector<1x16xf32>,
      %swap3A_41 = vector.shape_cast %swap3A_40 : vector<1x16xf32> to vector<16xf32>
      %swap3A_42 = vector.shape_cast %broadcast_in_dim3A_37 : vector<16xf32> to vector<1x16xf32>
      tpu.vector_store %arg9[%swap3A_38, %swap3A_39], %swap3A_42 {strides = array<i32>} : memref<80x128xf32, #tpu.memory_space<vmem>>, vector<1x16xf32>,
      %broadcast_in_dim3A_43 = arith.constant 0.000000e+00 : f32
      %broadcast_in_dim3A_44 = vector.broadcast %broadcast_in_dim3A_43 : f32 to vector<16xf32>
      %swap3A_45 = arith.index_cast %scan3A_29 : i32 to index
      %swap3A_46 = arith.constant 32 : index
      %swap3A_47 = tpu.vector_load %arg9[%swap3A_45, %swap3A_46] {strides = array<i32>} : memref<80x128xf32, #tpu.memory_space<vmem>>, vector<1x16xf32>,
      %swap3A_48 = vector.shape_cast %swap3A_47 : vector<1x16xf32> to vector<16xf32>
      %swap3A_49 = vector.shape_cast %broadcast_in_dim3A_44 : vector<16xf32> to vector<1x16xf32>
      tpu.vector_store %arg9[%swap3A_45, %swap3A_46], %swap3A_49 {strides = array<i32>} : memref<80x128xf32, #tpu.memory_space<vmem>>, vector<1x16xf32>,
      %broadcast_in_dim3A_50 = arith.constant 0.000000e+00 : f32
      %broadcast_in_dim3A_51 = vector.broadcast %broadcast_in_dim3A_50 : f32 to vector<16xf32>
      %swap3A_52 = arith.index_cast %scan3A_29 : i32 to index
      %swap3A_53 = arith.constant 48 : index
      %swap3A_54 = tpu.vector_load %arg9[%swap3A_52, %swap3A_53] {strides = array<i32>} : memref<80x128xf32, #tpu.memory_space<vmem>>, vector<1x16xf32>,
      %swap3A_55 = vector.shape_cast %swap3A_54 : vector<1x16xf32> to vector<16xf32>
      %swap3A_56 = vector.shape_cast %broadcast_in_dim3A_51 : vector<16xf32> to vector<1x16xf32>
      tpu.vector_store %arg9[%swap3A_52, %swap3A_53], %swap3A_56 {strides = array<i32>} : memref<80x128xf32, #tpu.memory_space<vmem>>, vector<1x16xf32>,
      %broadcast_in_dim3A_57 = arith.constant 0.000000e+00 : f32
      %broadcast_in_dim3A_58 = vector.broadcast %broadcast_in_dim3A_57 : f32 to vector<16xf32>
      %swap3A_59 = arith.index_cast %scan3A_29 : i32 to index
      %swap3A_60 = arith.constant 64 : index
      %swap3A_61 = tpu.vector_load %arg9[%swap3A_59, %swap3A_60] {strides = array<i32>} : memref<80x128xf32, #tpu.memory_space<vmem>>, vector<1x16xf32>,
      %swap3A_62 = vector.shape_cast %swap3A_61 : vector<1x16xf32> to vector<16xf32>
      %swap3A_63 = vector.shape_cast %broadcast_in_dim3A_58 : vector<16xf32> to vector<1x16xf32>
      tpu.vector_store %arg9[%swap3A_59, %swap3A_60], %swap3A_63 {strides = array<i32>} : memref<80x128xf32, #tpu.memory_space<vmem>>, vector<1x16xf32>,
      %broadcast_in_dim3A_64 = arith.constant 0.000000e+00 : f32
      %broadcast_in_dim3A_65 = vector.broadcast %broadcast_in_dim3A_64 : f32 to vector<16xf32>
      %swap3A_66 = arith.index_cast %scan3A_29 : i32 to index
      %swap3A_67 = arith.constant 80 : index
      %swap3A_68 = tpu.vector_load %arg9[%swap3A_66, %swap3A_67] {strides = array<i32>} : memref<80x128xf32, #tpu.memory_space<vmem>>, vector<1x16xf32>,
      %swap3A_69 = vector.shape_cast %swap3A_68 : vector<1x16xf32> to vector<16xf32>
      %swap3A_70 = vector.shape_cast %broadcast_in_dim3A_65 : vector<16xf32> to vector<1x16xf32>
      tpu.vector_store %arg9[%swap3A_66, %swap3A_67], %swap3A_70 {strides = array<i32>} : memref<80x128xf32, #tpu.memory_space<vmem>>, vector<1x16xf32>,
      %broadcast_in_dim3A_71 = arith.constant 0.000000e+00 : f32
      %broadcast_in_dim3A_72 = vector.broadcast %broadcast_in_dim3A_71 : f32 to vector<16xf32>
      %swap3A_73 = arith.index_cast %scan3A_29 : i32 to index
      %swap3A_74 = arith.constant 96 : index
      %swap3A_75 = tpu.vector_load %arg9[%swap3A_73, %swap3A_74] {strides = array<i32>} : memref<80x128xf32, #tpu.memory_space<vmem>>, vector<1x16xf32>,
      %swap3A_76 = vector.shape_cast %swap3A_75 : vector<1x16xf32> to vector<16xf32>
      %swap3A_77 = vector.shape_cast %broadcast_in_dim3A_72 : vector<16xf32> to vector<1x16xf32>
      tpu.vector_store %arg9[%swap3A_73, %swap3A_74], %swap3A_77 {strides = array<i32>} : memref<80x128xf32, #tpu.memory_space<vmem>>, vector<1x16xf32>,
      %broadcast_in_dim3A_78 = arith.constant 0.000000e+00 : f32
      %broadcast_in_dim3A_79 = vector.broadcast %broadcast_in_dim3A_78 : f32 to vector<16xf32>
      %swap3A_80 = arith.index_cast %scan3A_29 : i32 to index
      %swap3A_81 = arith.constant 112 : index
      %swap3A_82 = tpu.vector_load %arg9[%swap3A_80, %swap3A_81] {strides = array<i32>} : memref<80x128xf32, #tpu.memory_space<vmem>>, vector<1x16xf32>,
      %swap3A_83 = vector.shape_cast %swap3A_82 : vector<1x16xf32> to vector<16xf32>
      %swap3A_84 = vector.shape_cast %broadcast_in_dim3A_79 : vector<16xf32> to vector<1x16xf32>
      tpu.vector_store %arg9[%swap3A_80, %swap3A_81], %swap3A_84 {strides = array<i32>} : memref<80x128xf32, #tpu.memory_space<vmem>>, vector<1x16xf32>,
      %scan3A_85 = arith.constant 0 : i32
      scf.yield %scan3A_85 : i32
    }
    %scan3A_6 = arith.constant 80 : i32
    %scan3A_7 = arith.constant 0 : i32
    %scan3A_8 = arith.constant 0 : i32
    %scan3A_9 = arith.constant 8 : i32
    %scan3A_10 = arith.addi %scan3A_8, %scan3A_9 : i32
    %scan3A_11 = arith.constant 1 : i32
    %scan3A_12 = scf.for %scan3A_29 = %scan3A_8 to %scan3A_10 step %scan3A_11 iter_args(%scan3A_30 = %scan3A_7) -> (i32)  : i32 {
      %mul3A_31 = arith.constant 16 : i32
      %mul3A_32 = arith.muli %scan3A_29, %mul3A_31 : i32
      %add3A_33 = arith.addi %arg1, %mul3A_32 : i32
      %lt3A = arith.constant 125 : i32
      %lt3A_34 = arith.cmpi slt, %add3A_33, %lt3A : i32
      %convert_element_type3A = arith.extui %lt3A_34 : i1 to i32
      %cond3A = arith.constant 0 : i32
      %cond3A_35 = arith.cmpi ne, %convert_element_type3A, %cond3A : i32
      scf.if %cond3A_35 {
        %mul3A_37 = arith.constant 80 : i32
        %mul3A_38 = arith.muli %add3A_33, %mul3A_37 : i32
        "tpu.region"() ({
          %run_scoped3A = tpu.sem_alloc : memref<!tpu.dma_semaphore, #tpu.memory_space<semaphore_mem>>
          %dma_start3A = arith.constant 0 : i32
          %dma_start3A_39 = arith.constant 0 : i32
          %dma_start3A_40 = tpu.memref_slice %arg9[%dma_start3A, %dma_start3A_39] : memref<80x128xf32, #tpu.memory_space<vmem>> -> memref<80x128xf32, #tpu.memory_space<vmem>>
          %dma_start3A_41 = arith.constant 0 : i32
          %dma_start3A_42 = tpu.memref_slice %arg12[%mul3A_38, %dma_start3A_41] : memref<10000x128xf32, #tpu.memory_space<vmem_shared>> -> memref<80x128xf32, #tpu.memory_space<vmem_shared>>
          %dma_start3A_43 = arith.constant 0 : i32
          %dma_start3A_44 = tpu.memref_slice %arg12[%mul3A_38, %dma_start3A_43] : memref<10000x128xf32, #tpu.memory_space<vmem_shared>> -> memref<80x128xf32, #tpu.memory_space<vmem_shared>>
          %dma_start3A_45 = arith.constant 0 : i32
          %dma_start3A_46 = arith.constant 0 : i32
          %dma_start3A_47 = tpu.memref_slice %arg9[%dma_start3A_45, %dma_start3A_46] : memref<80x128xf32, #tpu.memory_space<vmem>> -> memref<80x128xf32, #tpu.memory_space<vmem>>
          tpu.enqueue_dma source(%dma_start3A_47 : memref<80x128xf32, #tpu.memory_space<vmem>>) target(%dma_start3A_44 : memref<80x128xf32, #tpu.memory_space<vmem_shared>>) target_semaphore(%run_scoped3A : memref<!tpu.dma_semaphore, #tpu.memory_space<semaphore_mem>>)
          %dma_wait3A = arith.constant 0 : i32
          %dma_wait3A_48 = arith.constant 0 : i32
          %dma_wait3A_49 = tpu.memref_slice %arg9[%dma_wait3A, %dma_wait3A_48] : memref<80x128xf32, #tpu.memory_space<vmem>> -> memref<80x128xf32, #tpu.memory_space<vmem>>
          %dma_wait3A_50 = arith.constant 0 : i32
          %dma_wait3A_51 = tpu.memref_slice %arg12[%mul3A_38, %dma_wait3A_50] : memref<10000x128xf32, #tpu.memory_space<vmem_shared>> -> memref<80x128xf32, #tpu.memory_space<vmem_shared>>
          %dma_wait3A_52 = arith.constant 0 : i32
          %dma_wait3A_53 = tpu.memref_slice %arg12[%mul3A_38, %dma_wait3A_52] : memref<10000x128xf32, #tpu.memory_space<vmem_shared>> -> memref<80x128xf32, #tpu.memory_space<vmem_shared>>
          %dma_wait3A_54 = arith.constant 0 : i32
          %dma_wait3A_55 = arith.constant 0 : i32
          %dma_wait3A_56 = tpu.memref_slice %arg9[%dma_wait3A_54, %dma_wait3A_55] : memref<80x128xf32, #tpu.memory_space<vmem>> -> memref<80x128xf32, #tpu.memory_space<vmem>>
          tpu.wait_dma2 semaphore(%run_scoped3A : memref<!tpu.dma_semaphore, #tpu.memory_space<semaphore_mem>>) src(%dma_wait3A_56 : memref<80x128xf32, #tpu.memory_space<vmem>>) dst(%dma_wait3A_53 : memref<80x128xf32, #tpu.memory_space<vmem_shared>>)
          tpu.yield
        }) : () -> ()
      } else {
      }
      %scan3A_36 = arith.constant 0 : i32
      scf.yield %scan3A_36 : i32
    }
    %scan3A_13 = arith.constant 8 : i32
    %barrier3A = arith.constant 0 : index
    tpu.barrier barrier_id(%barrier3A)
    %scan3A_14 = arith.constant 0 : i32
    %scan3A_15 = arith.constant 0 : i32
    %scan3A_16 = arith.constant 25 : i32
    %scan3A_17 = arith.addi %scan3A_15, %scan3A_16 : i32
    %scan3A_18 = arith.constant 1 : i32
    %scan3A_19 = scf.for %scan3A_29 = %scan3A_15 to %scan3A_17 step %scan3A_18 iter_args(%scan3A_30 = %scan3A_14) -> (i32)  : i32 {
      %mul3A_31 = arith.constant 5 : i32
      %mul3A_32 = arith.muli %mul3A_31, %scan3A_29 : i32
      %add3A_33 = arith.constant 0 : i32
      %add3A_34 = arith.addi %mul3A_32, %add3A_33 : i32
      %mul3A_35 = arith.constant 80 : i32
      %mul3A_36 = arith.muli %add3A_34, %mul3A_35 : i32
      %dma_start3A = tpu.memref_slice %arg6[%mul3A_36] : memref<10000xi32, #tpu.memory_space<vmem>> -> memref<80xi32, #tpu.memory_space<vmem>>
      %dma_start3A_37 = arith.constant 0 : i32
      %dma_start3A_38 = arith.constant 0 : i32
      %dma_start3A_39 = tpu.memref_slice %arg2[%dma_start3A_37, %dma_start3A_38] : memref<10000x128xf32, #tpu.memory_space<hbm>> -> memref<10000x128xf32, #tpu.memory_space<hbm>>
      tpu.enqueue_indirect_dma source(%dma_start3A_39 : memref<10000x128xf32, #tpu.memory_space<hbm>>) target(%arg9 : memref<80x128xf32, #tpu.memory_space<vmem>>) offsets(%dma_start3A : memref<80xi32, #tpu.memory_space<vmem>>) semaphore(%arg13 : memref<!tpu.dma_semaphore, #tpu.memory_space<semaphore_mem>>)
      %add3A_40 = arith.constant 1 : i32
      %add3A_41 = arith.addi %mul3A_32, %add3A_40 : i32
      %mul3A_42 = arith.constant 80 : i32
      %mul3A_43 = arith.muli %add3A_41, %mul3A_42 : i32
      %dma_start3A_44 = tpu.memref_slice %arg6[%mul3A_43] : memref<10000xi32, #tpu.memory_space<vmem>> -> memref<80xi32, #tpu.memory_space<vmem>>
      %dma_start3A_45 = arith.constant 0 : i32
      %dma_start3A_46 = arith.constant 0 : i32
      %dma_start3A_47 = tpu.memref_slice %arg2[%dma_start3A_45, %dma_start3A_46] : memref<10000x128xf32, #tpu.memory_space<hbm>> -> memref<10000x128xf32, #tpu.memory_space<hbm>>
      tpu.enqueue_indirect_dma source(%dma_start3A_47 : memref<10000x128xf32, #tpu.memory_space<hbm>>) target(%arg10 : memref<80x128xf32, #tpu.memory_space<vmem>>) offsets(%dma_start3A_44 : memref<80xi32, #tpu.memory_space<vmem>>) semaphore(%arg14 : memref<!tpu.dma_semaphore, #tpu.memory_space<semaphore_mem>>)
      %dma_wait3A = tpu.memref_slice %arg6[%mul3A_36] : memref<10000xi32, #tpu.memory_space<vmem>> -> memref<80xi32, #tpu.memory_space<vmem>>
      %dma_wait3A_48 = arith.constant 0 : i32
      %dma_wait3A_49 = arith.constant 0 : i32
      %dma_wait3A_50 = tpu.memref_slice %arg2[%dma_wait3A_48, %dma_wait3A_49] : memref<10000x128xf32, #tpu.memory_space<hbm>> -> memref<10000x128xf32, #tpu.memory_space<hbm>>
      tpu.wait_indirect_dma semaphore(%arg13 : memref<!tpu.dma_semaphore, #tpu.memory_space<semaphore_mem>>) src(%dma_wait3A_50 : memref<10000x128xf32, #tpu.memory_space<hbm>>) dst(%arg9 : memref<80x128xf32, #tpu.memory_space<vmem>>)
      %add3A_51 = arith.constant 0 : i32
      %add3A_52 = arith.addi %mul3A_32, %add3A_51 : i32
      %mul3A_53 = arith.constant 80 : i32
      %mul3A_54 = arith.muli %add3A_52, %mul3A_53 : i32
      %add3A_55 = arith.constant 0 : i32
      %add3A_56 = arith.addi %mul3A_54, %add3A_55 : i32
      %get3A = arith.index_cast %add3A_56 : i32 to index
      %get3A_57 = tpu.vector_load %arg7[%get3A] {strides = array<i32>} : memref<10000xi32, #tpu.memory_space<vmem>>, vector<16xi32>,
      %get3A_58 = vector.shape_cast %get3A_57 : vector<16xi32> to vector<16xi32>
      %swap3A = arith.constant 0 : index
      %swap3A_59 = tpu.vector_load %arg8[%swap3A] {strides = array<i32>} : memref<80xi32, #tpu.memory_space<vmem>>, vector<16xi32>,
      %swap3A_60 = vector.shape_cast %swap3A_59 : vector<16xi32> to vector<16xi32>
      %swap3A_61 = vector.shape_cast %get3A_58 : vector<16xi32> to vector<16xi32>
      tpu.vector_store %arg8[%swap3A], %swap3A_61 {strides = array<i32>} : memref<80xi32, #tpu.memory_space<vmem>>, vector<16xi32>,
      %add3A_62 = arith.constant 16 : i32
      %add3A_63 = arith.addi %mul3A_54, %add3A_62 : i32
      %get3A_64 = arith.index_cast %add3A_63 : i32 to index
      %get3A_65 = tpu.vector_load %arg7[%get3A_64] {strides = array<i32>} : memref<10000xi32, #tpu.memory_space<vmem>>, vector<16xi32>,
      %get3A_66 = vector.shape_cast %get3A_65 : vector<16xi32> to vector<16xi32>
      %swap3A_67 = arith.constant 16 : index
      %swap3A_68 = tpu.vector_load %arg8[%swap3A_67] {strides = array<i32>} : memref<80xi32, #tpu.memory_space<vmem>>, vector<16xi32>,
      %swap3A_69 = vector.shape_cast %swap3A_68 : vector<16xi32> to vector<16xi32>
      %swap3A_70 = vector.shape_cast %get3A_66 : vector<16xi32> to vector<16xi32>
      tpu.vector_store %arg8[%swap3A_67], %swap3A_70 {strides = array<i32>} : memref<80xi32, #tpu.memory_space<vmem>>, vector<16xi32>,
      %add3A_71 = arith.constant 32 : i32
      %add3A_72 = arith.addi %mul3A_54, %add3A_71 : i32
      %get3A_73 = arith.index_cast %add3A_72 : i32 to index
      %get3A_74 = tpu.vector_load %arg7[%get3A_73] {strides = array<i32>} : memref<10000xi32, #tpu.memory_space<vmem>>, vector<16xi32>,
      %get3A_75 = vector.shape_cast %get3A_74 : vector<16xi32> to vector<16xi32>
      %swap3A_76 = arith.constant 32 : index
      %swap3A_77 = tpu.vector_load %arg8[%swap3A_76] {strides = array<i32>} : memref<80xi32, #tpu.memory_space<vmem>>, vector<16xi32>,
      %swap3A_78 = vector.shape_cast %swap3A_77 : vector<16xi32> to vector<16xi32>
      %swap3A_79 = vector.shape_cast %get3A_75 : vector<16xi32> to vector<16xi32>
      tpu.vector_store %arg8[%swap3A_76], %swap3A_79 {strides = array<i32>} : memref<80xi32, #tpu.memory_space<vmem>>, vector<16xi32>,
      %add3A_80 = arith.constant 48 : i32
      %add3A_81 = arith.addi %mul3A_54, %add3A_80 : i32
      %get3A_82 = arith.index_cast %add3A_81 : i32 to index
      %get3A_83 = tpu.vector_load %arg7[%get3A_82] {strides = array<i32>} : memref<10000xi32, #tpu.memory_space<vmem>>, vector<16xi32>,
      %get3A_84 = vector.shape_cast %get3A_83 : vector<16xi32> to vector<16xi32>
      %swap3A_85 = arith.constant 48 : index
      %swap3A_86 = tpu.vector_load %arg8[%swap3A_85] {strides = array<i32>} : memref<80xi32, #tpu.memory_space<vmem>>, vector<16xi32>,
      %swap3A_87 = vector.shape_cast %swap3A_86 : vector<16xi32> to vector<16xi32>
      %swap3A_88 = vector.shape_cast %get3A_84 : vector<16xi32> to vector<16xi32>
      tpu.vector_store %arg8[%swap3A_85], %swap3A_88 {strides = array<i32>} : memref<80xi32, #tpu.memory_space<vmem>>, vector<16xi32>,
      %add3A_89 = arith.constant 64 : i32
      %add3A_90 = arith.addi %mul3A_54, %add3A_89 : i32
      %get3A_91 = arith.index_cast %add3A_90 : i32 to index
      %get3A_92 = tpu.vector_load %arg7[%get3A_91] {strides = array<i32>} : memref<10000xi32, #tpu.memory_space<vmem>>, vector<16xi32>,
      %get3A_93 = vector.shape_cast %get3A_92 : vector<16xi32> to vector<16xi32>
      %swap3A_94 = arith.constant 64 : index
      %swap3A_95 = tpu.vector_load %arg8[%swap3A_94] {strides = array<i32>} : memref<80xi32, #tpu.memory_space<vmem>>, vector<16xi32>,
      %swap3A_96 = vector.shape_cast %swap3A_95 : vector<16xi32> to vector<16xi32>
      %swap3A_97 = vector.shape_cast %get3A_93 : vector<16xi32> to vector<16xi32>
      tpu.vector_store %arg8[%swap3A_94], %swap3A_97 {strides = array<i32>} : memref<80xi32, #tpu.memory_space<vmem>>, vector<16xi32>,
      "tpu.region"() ({
        %run_scoped3A = tpu.sem_alloc : memref<!tpu.dma_semaphore, #tpu.memory_space<semaphore_mem>>
        %dma_start3A_341 = arith.constant 0 : i32
        %dma_start3A_342 = arith.constant 0 : i32
        %dma_start3A_343 = tpu.memref_slice %arg12[%dma_start3A_341, %dma_start3A_342] : memref<10000x128xf32, #tpu.memory_space<vmem_shared>> -> memref<10000x128xf32, #tpu.memory_space<vmem_shared>>
        tpu.enqueue_indirect_dma source(%arg9 : memref<80x128xf32, #tpu.memory_space<vmem>>) target(%dma_start3A_343 : memref<10000x128xf32, #tpu.memory_space<vmem_shared>>) offsets(%arg8 : memref<80xi32, #tpu.memory_space<vmem>>) semaphore(%run_scoped3A : memref<!tpu.dma_semaphore, #tpu.memory_space<semaphore_mem>>) {add = true}
        %dma_wait3A_344 = arith.constant 0 : i32
        %dma_wait3A_345 = arith.constant 0 : i32
        %dma_wait3A_346 = tpu.memref_slice %arg12[%dma_wait3A_344, %dma_wait3A_345] : memref<10000x128xf32, #tpu.memory_space<vmem_shared>> -> memref<10000x128xf32, #tpu.memory_space<vmem_shared>>
        tpu.wait_indirect_dma semaphore(%run_scoped3A : memref<!tpu.dma_semaphore, #tpu.memory_space<semaphore_mem>>) src(%arg9 : memref<80x128xf32, #tpu.memory_space<vmem>>) dst(%dma_wait3A_346 : memref<10000x128xf32, #tpu.memory_space<vmem_shared>>)
        tpu.yield
      }) : () -> ()
      %add3A_98 = arith.constant 0 : i32
      %add3A_99 = arith.addi %mul3A_32, %add3A_98 : i32
      %add3A_100 = arith.constant 2 : i32
      %add3A_101 = arith.addi %add3A_99, %add3A_100 : i32
      %mul3A_102 = arith.constant 80 : i32
      %mul3A_103 = arith.muli %add3A_101, %mul3A_102 : i32
      %dma_start3A_104 = tpu.memref_slice %arg6[%mul3A_103] : memref<10000xi32, #tpu.memory_space<vmem>> -> memref<80xi32, #tpu.memory_space<vmem>>
      %dma_start3A_105 = arith.constant 0 : i32
      %dma_start3A_106 = arith.constant 0 : i32
      %dma_start3A_107 = tpu.memref_slice %arg2[%dma_start3A_105, %dma_start3A_106] : memref<10000x128xf32, #tpu.memory_space<hbm>> -> memref<10000x128xf32, #tpu.memory_space<hbm>>
      tpu.enqueue_indirect_dma source(%dma_start3A_107 : memref<10000x128xf32, #tpu.memory_space<hbm>>) target(%arg11 : memref<80x128xf32, #tpu.memory_space<vmem>>) offsets(%dma_start3A_104 : memref<80xi32, #tpu.memory_space<vmem>>) semaphore(%arg15 : memref<!tpu.dma_semaphore, #tpu.memory_space<semaphore_mem>>)
      %dma_wait3A_108 = tpu.memref_slice %arg6[%mul3A_43] : memref<10000xi32, #tpu.memory_space<vmem>> -> memref<80xi32, #tpu.memory_space<vmem>>
      %dma_wait3A_109 = arith.constant 0 : i32
      %dma_wait3A_110 = arith.constant 0 : i32
      %dma_wait3A_111 = tpu.memref_slice %arg2[%dma_wait3A_109, %dma_wait3A_110] : memref<10000x128xf32, #tpu.memory_space<hbm>> -> memref<10000x128xf32, #tpu.memory_space<hbm>>
      tpu.wait_indirect_dma semaphore(%arg14 : memref<!tpu.dma_semaphore, #tpu.memory_space<semaphore_mem>>) src(%dma_wait3A_111 : memref<10000x128xf32, #tpu.memory_space<hbm>>) dst(%arg10 : memref<80x128xf32, #tpu.memory_space<vmem>>)
      %add3A_112 = arith.constant 1 : i32
      %add3A_113 = arith.addi %mul3A_32, %add3A_112 : i32
      %mul3A_114 = arith.constant 80 : i32
      %mul3A_115 = arith.muli %add3A_113, %mul3A_114 : i32
      %add3A_116 = arith.constant 0 : i32
      %add3A_117 = arith.addi %mul3A_115, %add3A_116 : i32
      %get3A_118 = arith.index_cast %add3A_117 : i32 to index
      %get3A_119 = tpu.vector_load %arg7[%get3A_118] {strides = array<i32>} : memref<10000xi32, #tpu.memory_space<vmem>>, vector<16xi32>,
      %get3A_120 = vector.shape_cast %get3A_119 : vector<16xi32> to vector<16xi32>
      %swap3A_121 = arith.constant 0 : index
      %swap3A_122 = tpu.vector_load %arg8[%swap3A_121] {strides = array<i32>} : memref<80xi32, #tpu.memory_space<vmem>>, vector<16xi32>,
      %swap3A_123 = vector.shape_cast %swap3A_122 : vector<16xi32> to vector<16xi32>
      %swap3A_124 = vector.shape_cast %get3A_120 : vector<16xi32> to vector<16xi32>
      tpu.vector_store %arg8[%swap3A_121], %swap3A_124 {strides = array<i32>} : memref<80xi32, #tpu.memory_space<vmem>>, vector<16xi32>,
      %add3A_125 = arith.constant 16 : i32
      %add3A_126 = arith.addi %mul3A_115, %add3A_125 : i32
      %get3A_127 = arith.index_cast %add3A_126 : i32 to index
      %get3A_128 = tpu.vector_load %arg7[%get3A_127] {strides = array<i32>} : memref<10000xi32, #tpu.memory_space<vmem>>, vector<16xi32>,
      %get3A_129 = vector.shape_cast %get3A_128 : vector<16xi32> to vector<16xi32>
      %swap3A_130 = arith.constant 16 : index
      %swap3A_131 = tpu.vector_load %arg8[%swap3A_130] {strides = array<i32>} : memref<80xi32, #tpu.memory_space<vmem>>, vector<16xi32>,
      %swap3A_132 = vector.shape_cast %swap3A_131 : vector<16xi32> to vector<16xi32>
      %swap3A_133 = vector.shape_cast %get3A_129 : vector<16xi32> to vector<16xi32>
      tpu.vector_store %arg8[%swap3A_130], %swap3A_133 {strides = array<i32>} : memref<80xi32, #tpu.memory_space<vmem>>, vector<16xi32>,
      %add3A_134 = arith.constant 32 : i32
      %add3A_135 = arith.addi %mul3A_115, %add3A_134 : i32
      %get3A_136 = arith.index_cast %add3A_135 : i32 to index
      %get3A_137 = tpu.vector_load %arg7[%get3A_136] {strides = array<i32>} : memref<10000xi32, #tpu.memory_space<vmem>>, vector<16xi32>,
      %get3A_138 = vector.shape_cast %get3A_137 : vector<16xi32> to vector<16xi32>
      %swap3A_139 = arith.constant 32 : index
      %swap3A_140 = tpu.vector_load %arg8[%swap3A_139] {strides = array<i32>} : memref<80xi32, #tpu.memory_space<vmem>>, vector<16xi32>,
      %swap3A_141 = vector.shape_cast %swap3A_140 : vector<16xi32> to vector<16xi32>
      %swap3A_142 = vector.shape_cast %get3A_138 : vector<16xi32> to vector<16xi32>
      tpu.vector_store %arg8[%swap3A_139], %swap3A_142 {strides = array<i32>} : memref<80xi32, #tpu.memory_space<vmem>>, vector<16xi32>,
      %add3A_143 = arith.constant 48 : i32
      %add3A_144 = arith.addi %mul3A_115, %add3A_143 : i32
      %get3A_145 = arith.index_cast %add3A_144 : i32 to index
      %get3A_146 = tpu.vector_load %arg7[%get3A_145] {strides = array<i32>} : memref<10000xi32, #tpu.memory_space<vmem>>, vector<16xi32>,
      %get3A_147 = vector.shape_cast %get3A_146 : vector<16xi32> to vector<16xi32>
      %swap3A_148 = arith.constant 48 : index
      %swap3A_149 = tpu.vector_load %arg8[%swap3A_148] {strides = array<i32>} : memref<80xi32, #tpu.memory_space<vmem>>, vector<16xi32>,
      %swap3A_150 = vector.shape_cast %swap3A_149 : vector<16xi32> to vector<16xi32>
      %swap3A_151 = vector.shape_cast %get3A_147 : vector<16xi32> to vector<16xi32>
      tpu.vector_store %arg8[%swap3A_148], %swap3A_151 {strides = array<i32>} : memref<80xi32, #tpu.memory_space<vmem>>, vector<16xi32>,
      %add3A_152 = arith.constant 64 : i32
      %add3A_153 = arith.addi %mul3A_115, %add3A_152 : i32
      %get3A_154 = arith.index_cast %add3A_153 : i32 to index
      %get3A_155 = tpu.vector_load %arg7[%get3A_154] {strides = array<i32>} : memref<10000xi32, #tpu.memory_space<vmem>>, vector<16xi32>,
      %get3A_156 = vector.shape_cast %get3A_155 : vector<16xi32> to vector<16xi32>
      %swap3A_157 = arith.constant 64 : index
      %swap3A_158 = tpu.vector_load %arg8[%swap3A_157] {strides = array<i32>} : memref<80xi32, #tpu.memory_space<vmem>>, vector<16xi32>,
      %swap3A_159 = vector.shape_cast %swap3A_158 : vector<16xi32> to vector<16xi32>
      %swap3A_160 = vector.shape_cast %get3A_156 : vector<16xi32> to vector<16xi32>
      tpu.vector_store %arg8[%swap3A_157], %swap3A_160 {strides = array<i32>} : memref<80xi32, #tpu.memory_space<vmem>>, vector<16xi32>,
      "tpu.region"() ({
        %run_scoped3A = tpu.sem_alloc : memref<!tpu.dma_semaphore, #tpu.memory_space<semaphore_mem>>
        %dma_start3A_341 = arith.constant 0 : i32
        %dma_start3A_342 = arith.constant 0 : i32
        %dma_start3A_343 = tpu.memref_slice %arg12[%dma_start3A_341, %dma_start3A_342] : memref<10000x128xf32, #tpu.memory_space<vmem_shared>> -> memref<10000x128xf32, #tpu.memory_space<vmem_shared>>
        tpu.enqueue_indirect_dma source(%arg10 : memref<80x128xf32, #tpu.memory_space<vmem>>) target(%dma_start3A_343 : memref<10000x128xf32, #tpu.memory_space<vmem_shared>>) offsets(%arg8 : memref<80xi32, #tpu.memory_space<vmem>>) semaphore(%run_scoped3A : memref<!tpu.dma_semaphore, #tpu.memory_space<semaphore_mem>>) {add = true}
        %dma_wait3A_344 = arith.constant 0 : i32
        %dma_wait3A_345 = arith.constant 0 : i32
        %dma_wait3A_346 = tpu.memref_slice %arg12[%dma_wait3A_344, %dma_wait3A_345] : memref<10000x128xf32, #tpu.memory_space<vmem_shared>> -> memref<10000x128xf32, #tpu.memory_space<vmem_shared>>
        tpu.wait_indirect_dma semaphore(%run_scoped3A : memref<!tpu.dma_semaphore, #tpu.memory_space<semaphore_mem>>) src(%arg10 : memref<80x128xf32, #tpu.memory_space<vmem>>) dst(%dma_wait3A_346 : memref<10000x128xf32, #tpu.memory_space<vmem_shared>>)
        tpu.yield
      }) : () -> ()
      %add3A_161 = arith.constant 1 : i32
      %add3A_162 = arith.addi %mul3A_32, %add3A_161 : i32
      %add3A_163 = arith.constant 2 : i32
      %add3A_164 = arith.addi %add3A_162, %add3A_163 : i32
      %mul3A_165 = arith.constant 80 : i32
      %mul3A_166 = arith.muli %add3A_164, %mul3A_165 : i32
      %dma_start3A_167 = tpu.memref_slice %arg6[%mul3A_166] : memref<10000xi32, #tpu.memory_space<vmem>> -> memref<80xi32, #tpu.memory_space<vmem>>
      %dma_start3A_168 = arith.constant 0 : i32
      %dma_start3A_169 = arith.constant 0 : i32
      %dma_start3A_170 = tpu.memref_slice %arg2[%dma_start3A_168, %dma_start3A_169] : memref<10000x128xf32, #tpu.memory_space<hbm>> -> memref<10000x128xf32, #tpu.memory_space<hbm>>
      tpu.enqueue_indirect_dma source(%dma_start3A_170 : memref<10000x128xf32, #tpu.memory_space<hbm>>) target(%arg9 : memref<80x128xf32, #tpu.memory_space<vmem>>) offsets(%dma_start3A_167 : memref<80xi32, #tpu.memory_space<vmem>>) semaphore(%arg13 : memref<!tpu.dma_semaphore, #tpu.memory_space<semaphore_mem>>)
      %dma_wait3A_171 = tpu.memref_slice %arg6[%mul3A_103] : memref<10000xi32, #tpu.memory_space<vmem>> -> memref<80xi32, #tpu.memory_space<vmem>>
      %dma_wait3A_172 = arith.constant 0 : i32
      %dma_wait3A_173 = arith.constant 0 : i32
      %dma_wait3A_174 = tpu.memref_slice %arg2[%dma_wait3A_172, %dma_wait3A_173] : memref<10000x128xf32, #tpu.memory_space<hbm>> -> memref<10000x128xf32, #tpu.memory_space<hbm>>
      tpu.wait_indirect_dma semaphore(%arg15 : memref<!tpu.dma_semaphore, #tpu.memory_space<semaphore_mem>>) src(%dma_wait3A_174 : memref<10000x128xf32, #tpu.memory_space<hbm>>) dst(%arg11 : memref<80x128xf32, #tpu.memory_space<vmem>>)
      %add3A_175 = arith.constant 2 : i32
      %add3A_176 = arith.addi %mul3A_32, %add3A_175 : i32
      %mul3A_177 = arith.constant 80 : i32
      %mul3A_178 = arith.muli %add3A_176, %mul3A_177 : i32
      %add3A_179 = arith.constant 0 : i32
      %add3A_180 = arith.addi %mul3A_178, %add3A_179 : i32
      %get3A_181 = arith.index_cast %add3A_180 : i32 to index
      %get3A_182 = tpu.vector_load %arg7[%get3A_181] {strides = array<i32>} : memref<10000xi32, #tpu.memory_space<vmem>>, vector<16xi32>,
      %get3A_183 = vector.shape_cast %get3A_182 : vector<16xi32> to vector<16xi32>
      %swap3A_184 = arith.constant 0 : index
      %swap3A_185 = tpu.vector_load %arg8[%swap3A_184] {strides = array<i32>} : memref<80xi32, #tpu.memory_space<vmem>>, vector<16xi32>,
      %swap3A_186 = vector.shape_cast %swap3A_185 : vector<16xi32> to vector<16xi32>
      %swap3A_187 = vector.shape_cast %get3A_183 : vector<16xi32> to vector<16xi32>
      tpu.vector_store %arg8[%swap3A_184], %swap3A_187 {strides = array<i32>} : memref<80xi32, #tpu.memory_space<vmem>>, vector<16xi32>,
      %add3A_188 = arith.constant 16 : i32
      %add3A_189 = arith.addi %mul3A_178, %add3A_188 : i32
      %get3A_190 = arith.index_cast %add3A_189 : i32 to index
      %get3A_191 = tpu.vector_load %arg7[%get3A_190] {strides = array<i32>} : memref<10000xi32, #tpu.memory_space<vmem>>, vector<16xi32>,
      %get3A_192 = vector.shape_cast %get3A_191 : vector<16xi32> to vector<16xi32>
      %swap3A_193 = arith.constant 16 : index
      %swap3A_194 = tpu.vector_load %arg8[%swap3A_193] {strides = array<i32>} : memref<80xi32, #tpu.memory_space<vmem>>, vector<16xi32>,
      %swap3A_195 = vector.shape_cast %swap3A_194 : vector<16xi32> to vector<16xi32>
      %swap3A_196 = vector.shape_cast %get3A_192 : vector<16xi32> to vector<16xi32>
      tpu.vector_store %arg8[%swap3A_193], %swap3A_196 {strides = array<i32>} : memref<80xi32, #tpu.memory_space<vmem>>, vector<16xi32>,
      %add3A_197 = arith.constant 32 : i32
      %add3A_198 = arith.addi %mul3A_178, %add3A_197 : i32
      %get3A_199 = arith.index_cast %add3A_198 : i32 to index
      %get3A_200 = tpu.vector_load %arg7[%get3A_199] {strides = array<i32>} : memref<10000xi32, #tpu.memory_space<vmem>>, vector<16xi32>,
      %get3A_201 = vector.shape_cast %get3A_200 : vector<16xi32> to vector<16xi32>
      %swap3A_202 = arith.constant 32 : index
      %swap3A_203 = tpu.vector_load %arg8[%swap3A_202] {strides = array<i32>} : memref<80xi32, #tpu.memory_space<vmem>>, vector<16xi32>,
      %swap3A_204 = vector.shape_cast %swap3A_203 : vector<16xi32> to vector<16xi32>
      %swap3A_205 = vector.shape_cast %get3A_201 : vector<16xi32> to vector<16xi32>
      tpu.vector_store %arg8[%swap3A_202], %swap3A_205 {strides = array<i32>} : memref<80xi32, #tpu.memory_space<vmem>>, vector<16xi32>,
      %add3A_206 = arith.constant 48 : i32
      %add3A_207 = arith.addi %mul3A_178, %add3A_206 : i32
      %get3A_208 = arith.index_cast %add3A_207 : i32 to index
      %get3A_209 = tpu.vector_load %arg7[%get3A_208] {strides = array<i32>} : memref<10000xi32, #tpu.memory_space<vmem>>, vector<16xi32>,
      %get3A_210 = vector.shape_cast %get3A_209 : vector<16xi32> to vector<16xi32>
      %swap3A_211 = arith.constant 48 : index
      %swap3A_212 = tpu.vector_load %arg8[%swap3A_211] {strides = array<i32>} : memref<80xi32, #tpu.memory_space<vmem>>, vector<16xi32>,
      %swap3A_213 = vector.shape_cast %swap3A_212 : vector<16xi32> to vector<16xi32>
      %swap3A_214 = vector.shape_cast %get3A_210 : vector<16xi32> to vector<16xi32>
      tpu.vector_store %arg8[%swap3A_211], %swap3A_214 {strides = array<i32>} : memref<80xi32, #tpu.memory_space<vmem>>, vector<16xi32>,
      %add3A_215 = arith.constant 64 : i32
      %add3A_216 = arith.addi %mul3A_178, %add3A_215 : i32
      %get3A_217 = arith.index_cast %add3A_216 : i32 to index
      %get3A_218 = tpu.vector_load %arg7[%get3A_217] {strides = array<i32>} : memref<10000xi32, #tpu.memory_space<vmem>>, vector<16xi32>,
      %get3A_219 = vector.shape_cast %get3A_218 : vector<16xi32> to vector<16xi32>
      %swap3A_220 = arith.constant 64 : index
      %swap3A_221 = tpu.vector_load %arg8[%swap3A_220] {strides = array<i32>} : memref<80xi32, #tpu.memory_space<vmem>>, vector<16xi32>,
      %swap3A_222 = vector.shape_cast %swap3A_221 : vector<16xi32> to vector<16xi32>
      %swap3A_223 = vector.shape_cast %get3A_219 : vector<16xi32> to vector<16xi32>
      tpu.vector_store %arg8[%swap3A_220], %swap3A_223 {strides = array<i32>} : memref<80xi32, #tpu.memory_space<vmem>>, vector<16xi32>,
      "tpu.region"() ({
        %run_scoped3A = tpu.sem_alloc : memref<!tpu.dma_semaphore, #tpu.memory_space<semaphore_mem>>
        %dma_start3A_341 = arith.constant 0 : i32
        %dma_start3A_342 = arith.constant 0 : i32
        %dma_start3A_343 = tpu.memref_slice %arg12[%dma_start3A_341, %dma_start3A_342] : memref<10000x128xf32, #tpu.memory_space<vmem_shared>> -> memref<10000x128xf32, #tpu.memory_space<vmem_shared>>
        tpu.enqueue_indirect_dma source(%arg11 : memref<80x128xf32, #tpu.memory_space<vmem>>) target(%dma_start3A_343 : memref<10000x128xf32, #tpu.memory_space<vmem_shared>>) offsets(%arg8 : memref<80xi32, #tpu.memory_space<vmem>>) semaphore(%run_scoped3A : memref<!tpu.dma_semaphore, #tpu.memory_space<semaphore_mem>>) {add = true}
        %dma_wait3A_344 = arith.constant 0 : i32
        %dma_wait3A_345 = arith.constant 0 : i32
        %dma_wait3A_346 = tpu.memref_slice %arg12[%dma_wait3A_344, %dma_wait3A_345] : memref<10000x128xf32, #tpu.memory_space<vmem_shared>> -> memref<10000x128xf32, #tpu.memory_space<vmem_shared>>
        tpu.wait_indirect_dma semaphore(%run_scoped3A : memref<!tpu.dma_semaphore, #tpu.memory_space<semaphore_mem>>) src(%arg11 : memref<80x128xf32, #tpu.memory_space<vmem>>) dst(%dma_wait3A_346 : memref<10000x128xf32, #tpu.memory_space<vmem_shared>>)
        tpu.yield
      }) : () -> ()
      %add3A_224 = arith.constant 2 : i32
      %add3A_225 = arith.addi %mul3A_32, %add3A_224 : i32
      %add3A_226 = arith.constant 2 : i32
      %add3A_227 = arith.addi %add3A_225, %add3A_226 : i32
      %mul3A_228 = arith.constant 80 : i32
      %mul3A_229 = arith.muli %add3A_227, %mul3A_228 : i32
      %dma_start3A_230 = tpu.memref_slice %arg6[%mul3A_229] : memref<10000xi32, #tpu.memory_space<vmem>> -> memref<80xi32, #tpu.memory_space<vmem>>
      %dma_start3A_231 = arith.constant 0 : i32
      %dma_start3A_232 = arith.constant 0 : i32
      %dma_start3A_233 = tpu.memref_slice %arg2[%dma_start3A_231, %dma_start3A_232] : memref<10000x128xf32, #tpu.memory_space<hbm>> -> memref<10000x128xf32, #tpu.memory_space<hbm>>
      tpu.enqueue_indirect_dma source(%dma_start3A_233 : memref<10000x128xf32, #tpu.memory_space<hbm>>) target(%arg10 : memref<80x128xf32, #tpu.memory_space<vmem>>) offsets(%dma_start3A_230 : memref<80xi32, #tpu.memory_space<vmem>>) semaphore(%arg14 : memref<!tpu.dma_semaphore, #tpu.memory_space<semaphore_mem>>)
      %dma_wait3A_234 = tpu.memref_slice %arg6[%mul3A_166] : memref<10000xi32, #tpu.memory_space<vmem>> -> memref<80xi32, #tpu.memory_space<vmem>>
      %dma_wait3A_235 = arith.constant 0 : i32
      %dma_wait3A_236 = arith.constant 0 : i32
      %dma_wait3A_237 = tpu.memref_slice %arg2[%dma_wait3A_235, %dma_wait3A_236] : memref<10000x128xf32, #tpu.memory_space<hbm>> -> memref<10000x128xf32, #tpu.memory_space<hbm>>
      tpu.wait_indirect_dma semaphore(%arg13 : memref<!tpu.dma_semaphore, #tpu.memory_space<semaphore_mem>>) src(%dma_wait3A_237 : memref<10000x128xf32, #tpu.memory_space<hbm>>) dst(%arg9 : memref<80x128xf32, #tpu.memory_space<vmem>>)
      %add3A_238 = arith.constant 3 : i32
      %add3A_239 = arith.addi %mul3A_32, %add3A_238 : i32
      %mul3A_240 = arith.constant 80 : i32
      %mul3A_241 = arith.muli %add3A_239, %mul3A_240 : i32
      %add3A_242 = arith.constant 0 : i32
      %add3A_243 = arith.addi %mul3A_241, %add3A_242 : i32
      %get3A_244 = arith.index_cast %add3A_243 : i32 to index
      %get3A_245 = tpu.vector_load %arg7[%get3A_244] {strides = array<i32>} : memref<10000xi32, #tpu.memory_space<vmem>>, vector<16xi32>,
      %get3A_246 = vector.shape_cast %get3A_245 : vector<16xi32> to vector<16xi32>
      %swap3A_247 = arith.constant 0 : index
      %swap3A_248 = tpu.vector_load %arg8[%swap3A_247] {strides = array<i32>} : memref<80xi32, #tpu.memory_space<vmem>>, vector<16xi32>,
      %swap3A_249 = vector.shape_cast %swap3A_248 : vector<16xi32> to vector<16xi32>
      %swap3A_250 = vector.shape_cast %get3A_246 : vector<16xi32> to vector<16xi32>
      tpu.vector_store %arg8[%swap3A_247], %swap3A_250 {strides = array<i32>} : memref<80xi32, #tpu.memory_space<vmem>>, vector<16xi32>,
      %add3A_251 = arith.constant 16 : i32
      %add3A_252 = arith.addi %mul3A_241, %add3A_251 : i32
      %get3A_253 = arith.index_cast %add3A_252 : i32 to index
      %get3A_254 = tpu.vector_load %arg7[%get3A_253] {strides = array<i32>} : memref<10000xi32, #tpu.memory_space<vmem>>, vector<16xi32>,
      %get3A_255 = vector.shape_cast %get3A_254 : vector<16xi32> to vector<16xi32>
      %swap3A_256 = arith.constant 16 : index
      %swap3A_257 = tpu.vector_load %arg8[%swap3A_256] {strides = array<i32>} : memref<80xi32, #tpu.memory_space<vmem>>, vector<16xi32>,
      %swap3A_258 = vector.shape_cast %swap3A_257 : vector<16xi32> to vector<16xi32>
      %swap3A_259 = vector.shape_cast %get3A_255 : vector<16xi32> to vector<16xi32>
      tpu.vector_store %arg8[%swap3A_256], %swap3A_259 {strides = array<i32>} : memref<80xi32, #tpu.memory_space<vmem>>, vector<16xi32>,
      %add3A_260 = arith.constant 32 : i32
      %add3A_261 = arith.addi %mul3A_241, %add3A_260 : i32
      %get3A_262 = arith.index_cast %add3A_261 : i32 to index
      %get3A_263 = tpu.vector_load %arg7[%get3A_262] {strides = array<i32>} : memref<10000xi32, #tpu.memory_space<vmem>>, vector<16xi32>,
      %get3A_264 = vector.shape_cast %get3A_263 : vector<16xi32> to vector<16xi32>
      %swap3A_265 = arith.constant 32 : index
      %swap3A_266 = tpu.vector_load %arg8[%swap3A_265] {strides = array<i32>} : memref<80xi32, #tpu.memory_space<vmem>>, vector<16xi32>,
      %swap3A_267 = vector.shape_cast %swap3A_266 : vector<16xi32> to vector<16xi32>
      %swap3A_268 = vector.shape_cast %get3A_264 : vector<16xi32> to vector<16xi32>
      tpu.vector_store %arg8[%swap3A_265], %swap3A_268 {strides = array<i32>} : memref<80xi32, #tpu.memory_space<vmem>>, vector<16xi32>,
      %add3A_269 = arith.constant 48 : i32
      %add3A_270 = arith.addi %mul3A_241, %add3A_269 : i32
      %get3A_271 = arith.index_cast %add3A_270 : i32 to index
      %get3A_272 = tpu.vector_load %arg7[%get3A_271] {strides = array<i32>} : memref<10000xi32, #tpu.memory_space<vmem>>, vector<16xi32>,
      %get3A_273 = vector.shape_cast %get3A_272 : vector<16xi32> to vector<16xi32>
      %swap3A_274 = arith.constant 48 : index
      %swap3A_275 = tpu.vector_load %arg8[%swap3A_274] {strides = array<i32>} : memref<80xi32, #tpu.memory_space<vmem>>, vector<16xi32>,
      %swap3A_276 = vector.shape_cast %swap3A_275 : vector<16xi32> to vector<16xi32>
      %swap3A_277 = vector.shape_cast %get3A_273 : vector<16xi32> to vector<16xi32>
      tpu.vector_store %arg8[%swap3A_274], %swap3A_277 {strides = array<i32>} : memref<80xi32, #tpu.memory_space<vmem>>, vector<16xi32>,
      %add3A_278 = arith.constant 64 : i32
      %add3A_279 = arith.addi %mul3A_241, %add3A_278 : i32
      %get3A_280 = arith.index_cast %add3A_279 : i32 to index
      %get3A_281 = tpu.vector_load %arg7[%get3A_280] {strides = array<i32>} : memref<10000xi32, #tpu.memory_space<vmem>>, vector<16xi32>,
      %get3A_282 = vector.shape_cast %get3A_281 : vector<16xi32> to vector<16xi32>
      %swap3A_283 = arith.constant 64 : index
      %swap3A_284 = tpu.vector_load %arg8[%swap3A_283] {strides = array<i32>} : memref<80xi32, #tpu.memory_space<vmem>>, vector<16xi32>,
      %swap3A_285 = vector.shape_cast %swap3A_284 : vector<16xi32> to vector<16xi32>
      %swap3A_286 = vector.shape_cast %get3A_282 : vector<16xi32> to vector<16xi32>
      tpu.vector_store %arg8[%swap3A_283], %swap3A_286 {strides = array<i32>} : memref<80xi32, #tpu.memory_space<vmem>>, vector<16xi32>,
      "tpu.region"() ({
        %run_scoped3A = tpu.sem_alloc : memref<!tpu.dma_semaphore, #tpu.memory_space<semaphore_mem>>
        %dma_start3A_341 = arith.constant 0 : i32
        %dma_start3A_342 = arith.constant 0 : i32
        %dma_start3A_343 = tpu.memref_slice %arg12[%dma_start3A_341, %dma_start3A_342] : memref<10000x128xf32, #tpu.memory_space<vmem_shared>> -> memref<10000x128xf32, #tpu.memory_space<vmem_shared>>
        tpu.enqueue_indirect_dma source(%arg9 : memref<80x128xf32, #tpu.memory_space<vmem>>) target(%dma_start3A_343 : memref<10000x128xf32, #tpu.memory_space<vmem_shared>>) offsets(%arg8 : memref<80xi32, #tpu.memory_space<vmem>>) semaphore(%run_scoped3A : memref<!tpu.dma_semaphore, #tpu.memory_space<semaphore_mem>>) {add = true}
        %dma_wait3A_344 = arith.constant 0 : i32
        %dma_wait3A_345 = arith.constant 0 : i32
        %dma_wait3A_346 = tpu.memref_slice %arg12[%dma_wait3A_344, %dma_wait3A_345] : memref<10000x128xf32, #tpu.memory_space<vmem_shared>> -> memref<10000x128xf32, #tpu.memory_space<vmem_shared>>
        tpu.wait_indirect_dma semaphore(%run_scoped3A : memref<!tpu.dma_semaphore, #tpu.memory_space<semaphore_mem>>) src(%arg9 : memref<80x128xf32, #tpu.memory_space<vmem>>) dst(%dma_wait3A_346 : memref<10000x128xf32, #tpu.memory_space<vmem_shared>>)
        tpu.yield
      }) : () -> ()
      %dma_wait3A_287 = tpu.memref_slice %arg6[%mul3A_229] : memref<10000xi32, #tpu.memory_space<vmem>> -> memref<80xi32, #tpu.memory_space<vmem>>
      %dma_wait3A_288 = arith.constant 0 : i32
      %dma_wait3A_289 = arith.constant 0 : i32
      %dma_wait3A_290 = tpu.memref_slice %arg2[%dma_wait3A_288, %dma_wait3A_289] : memref<10000x128xf32, #tpu.memory_space<hbm>> -> memref<10000x128xf32, #tpu.memory_space<hbm>>
      tpu.wait_indirect_dma semaphore(%arg14 : memref<!tpu.dma_semaphore, #tpu.memory_space<semaphore_mem>>) src(%dma_wait3A_290 : memref<10000x128xf32, #tpu.memory_space<hbm>>) dst(%arg10 : memref<80x128xf32, #tpu.memory_space<vmem>>)
      %add3A_291 = arith.constant 4 : i32
      %add3A_292 = arith.addi %mul3A_32, %add3A_291 : i32
      %mul3A_293 = arith.constant 80 : i32
      %mul3A_294 = arith.muli %add3A_292, %mul3A_293 : i32
      %add3A_295 = arith.constant 0 : i32
      %add3A_296 = arith.addi %mul3A_294, %add3A_295 : i32
      %get3A_297 = arith.index_cast %add3A_296 : i32 to index
      %get3A_298 = tpu.vector_load %arg7[%get3A_297] {strides = array<i32>} : memref<10000xi32, #tpu.memory_space<vmem>>, vector<16xi32>,
      %get3A_299 = vector.shape_cast %get3A_298 : vector<16xi32> to vector<16xi32>
      %swap3A_300 = arith.constant 0 : index
      %swap3A_301 = tpu.vector_load %arg8[%swap3A_300] {strides = array<i32>} : memref<80xi32, #tpu.memory_space<vmem>>, vector<16xi32>,
      %swap3A_302 = vector.shape_cast %swap3A_301 : vector<16xi32> to vector<16xi32>
      %swap3A_303 = vector.shape_cast %get3A_299 : vector<16xi32> to vector<16xi32>
      tpu.vector_store %arg8[%swap3A_300], %swap3A_303 {strides = array<i32>} : memref<80xi32, #tpu.memory_space<vmem>>, vector<16xi32>,
      %add3A_304 = arith.constant 16 : i32
      %add3A_305 = arith.addi %mul3A_294, %add3A_304 : i32
      %get3A_306 = arith.index_cast %add3A_305 : i32 to index
      %get3A_307 = tpu.vector_load %arg7[%get3A_306] {strides = array<i32>} : memref<10000xi32, #tpu.memory_space<vmem>>, vector<16xi32>,
      %get3A_308 = vector.shape_cast %get3A_307 : vector<16xi32> to vector<16xi32>
      %swap3A_309 = arith.constant 16 : index
      %swap3A_310 = tpu.vector_load %arg8[%swap3A_309] {strides = array<i32>} : memref<80xi32, #tpu.memory_space<vmem>>, vector<16xi32>,
      %swap3A_311 = vector.shape_cast %swap3A_310 : vector<16xi32> to vector<16xi32>
      %swap3A_312 = vector.shape_cast %get3A_308 : vector<16xi32> to vector<16xi32>
      tpu.vector_store %arg8[%swap3A_309], %swap3A_312 {strides = array<i32>} : memref<80xi32, #tpu.memory_space<vmem>>, vector<16xi32>,
      %add3A_313 = arith.constant 32 : i32
      %add3A_314 = arith.addi %mul3A_294, %add3A_313 : i32
      %get3A_315 = arith.index_cast %add3A_314 : i32 to index
      %get3A_316 = tpu.vector_load %arg7[%get3A_315] {strides = array<i32>} : memref<10000xi32, #tpu.memory_space<vmem>>, vector<16xi32>,
      %get3A_317 = vector.shape_cast %get3A_316 : vector<16xi32> to vector<16xi32>
      %swap3A_318 = arith.constant 32 : index
      %swap3A_319 = tpu.vector_load %arg8[%swap3A_318] {strides = array<i32>} : memref<80xi32, #tpu.memory_space<vmem>>, vector<16xi32>,
      %swap3A_320 = vector.shape_cast %swap3A_319 : vector<16xi32> to vector<16xi32>
      %swap3A_321 = vector.shape_cast %get3A_317 : vector<16xi32> to vector<16xi32>
      tpu.vector_store %arg8[%swap3A_318], %swap3A_321 {strides = array<i32>} : memref<80xi32, #tpu.memory_space<vmem>>, vector<16xi32>,
      %add3A_322 = arith.constant 48 : i32
      %add3A_323 = arith.addi %mul3A_294, %add3A_322 : i32
      %get3A_324 = arith.index_cast %add3A_323 : i32 to index
      %get3A_325 = tpu.vector_load %arg7[%get3A_324] {strides = array<i32>} : memref<10000xi32, #tpu.memory_space<vmem>>, vector<16xi32>,
      %get3A_326 = vector.shape_cast %get3A_325 : vector<16xi32> to vector<16xi32>
      %swap3A_327 = arith.constant 48 : index
      %swap3A_328 = tpu.vector_load %arg8[%swap3A_327] {strides = array<i32>} : memref<80xi32, #tpu.memory_space<vmem>>, vector<16xi32>,
      %swap3A_329 = vector.shape_cast %swap3A_328 : vector<16xi32> to vector<16xi32>
      %swap3A_330 = vector.shape_cast %get3A_326 : vector<16xi32> to vector<16xi32>
      tpu.vector_store %arg8[%swap3A_327], %swap3A_330 {strides = array<i32>} : memref<80xi32, #tpu.memory_space<vmem>>, vector<16xi32>,
      %add3A_331 = arith.constant 64 : i32
      %add3A_332 = arith.addi %mul3A_294, %add3A_331 : i32
      %get3A_333 = arith.index_cast %add3A_332 : i32 to index
      %get3A_334 = tpu.vector_load %arg7[%get3A_333] {strides = array<i32>} : memref<10000xi32, #tpu.memory_space<vmem>>, vector<16xi32>,
      %get3A_335 = vector.shape_cast %get3A_334 : vector<16xi32> to vector<16xi32>
      %swap3A_336 = arith.constant 64 : index
      %swap3A_337 = tpu.vector_load %arg8[%swap3A_336] {strides = array<i32>} : memref<80xi32, #tpu.memory_space<vmem>>, vector<16xi32>,
      %swap3A_338 = vector.shape_cast %swap3A_337 : vector<16xi32> to vector<16xi32>
      %swap3A_339 = vector.shape_cast %get3A_335 : vector<16xi32> to vector<16xi32>
      tpu.vector_store %arg8[%swap3A_336], %swap3A_339 {strides = array<i32>} : memref<80xi32, #tpu.memory_space<vmem>>, vector<16xi32>,
      "tpu.region"() ({
        %run_scoped3A = tpu.sem_alloc : memref<!tpu.dma_semaphore, #tpu.memory_space<semaphore_mem>>
        %dma_start3A_341 = arith.constant 0 : i32
        %dma_start3A_342 = arith.constant 0 : i32
        %dma_start3A_343 = tpu.memref_slice %arg12[%dma_start3A_341, %dma_start3A_342] : memref<10000x128xf32, #tpu.memory_space<vmem_shared>> -> memref<10000x128xf32, #tpu.memory_space<vmem_shared>>
        tpu.enqueue_indirect_dma source(%arg10 : memref<80x128xf32, #tpu.memory_space<vmem>>) target(%dma_start3A_343 : memref<10000x128xf32, #tpu.memory_space<vmem_shared>>) offsets(%arg8 : memref<80xi32, #tpu.memory_space<vmem>>) semaphore(%run_scoped3A : memref<!tpu.dma_semaphore, #tpu.memory_space<semaphore_mem>>) {add = true}
        %dma_wait3A_344 = arith.constant 0 : i32
        %dma_wait3A_345 = arith.constant 0 : i32
        %dma_wait3A_346 = tpu.memref_slice %arg12[%dma_wait3A_344, %dma_wait3A_345] : memref<10000x128xf32, #tpu.memory_space<vmem_shared>> -> memref<10000x128xf32, #tpu.memory_space<vmem_shared>>
        tpu.wait_indirect_dma semaphore(%run_scoped3A : memref<!tpu.dma_semaphore, #tpu.memory_space<semaphore_mem>>) src(%arg10 : memref<80x128xf32, #tpu.memory_space<vmem>>) dst(%dma_wait3A_346 : memref<10000x128xf32, #tpu.memory_space<vmem_shared>>)
        tpu.yield
      }) : () -> ()
      %scan3A_340 = arith.constant 0 : i32
      scf.yield %scan3A_340 : i32
    }
    %scan3A_20 = arith.constant 25 : i32
    %barrier3A_21 = arith.constant 0 : index
    tpu.barrier barrier_id(%barrier3A_21)
    %scan3A_22 = arith.constant 0 : i32
    %scan3A_23 = arith.constant 0 : i32
    %scan3A_24 = arith.constant 8 : i32
    %scan3A_25 = arith.addi %scan3A_23, %scan3A_24 : i32
    %scan3A_26 = arith.constant 1 : i32
    %scan3A_27 = scf.for %scan3A_29 = %scan3A_23 to %scan3A_25 step %scan3A_26 iter_args(%scan3A_30 = %scan3A_22) -> (i32)  : i32 {
      %mul3A_31 = arith.constant 16 : i32
      %mul3A_32 = arith.muli %scan3A_29, %mul3A_31 : i32
      %add3A_33 = arith.addi %arg1, %mul3A_32 : i32
      %lt3A = arith.constant 125 : i32
      %lt3A_34 = arith.cmpi slt, %add3A_33, %lt3A : i32
      %convert_element_type3A = arith.extui %lt3A_34 : i1 to i32
      %cond3A = arith.constant 0 : i32
      %cond3A_35 = arith.cmpi ne, %convert_element_type3A, %cond3A : i32
      scf.if %cond3A_35 {
        %mul3A_37 = arith.constant 80 : i32
        %mul3A_38 = arith.muli %add3A_33, %mul3A_37 : i32
        %mul3A_39 = arith.constant 10000 : i32
        %mul3A_40 = arith.muli %arg0, %mul3A_39 : i32
        %mul3A_41 = arith.constant 80 : i32
        %mul3A_42 = arith.muli %add3A_33, %mul3A_41 : i32
        %add3A_43 = arith.addi %mul3A_40, %mul3A_42 : i32
        "tpu.region"() ({
          %run_scoped3A = tpu.sem_alloc : memref<!tpu.dma_semaphore, #tpu.memory_space<semaphore_mem>>
          %dma_start3A = arith.constant 0 : i32
          %dma_start3A_44 = tpu.memref_slice %arg5[%add3A_43, %dma_start3A] : memref<20000x128xf32, #tpu.memory_space<hbm>> -> memref<80x128xf32, #tpu.memory_space<hbm>>
          %dma_start3A_45 = arith.constant 0 : i32
          %dma_start3A_46 = tpu.memref_slice %arg12[%mul3A_38, %dma_start3A_45] : memref<10000x128xf32, #tpu.memory_space<vmem_shared>> -> memref<80x128xf32, #tpu.memory_space<vmem_shared>>
          tpu.enqueue_dma source(%dma_start3A_46 : memref<80x128xf32, #tpu.memory_space<vmem_shared>>) target(%dma_start3A_44 : memref<80x128xf32, #tpu.memory_space<hbm>>) target_semaphore(%run_scoped3A : memref<!tpu.dma_semaphore, #tpu.memory_space<semaphore_mem>>)
          %dma_wait3A = arith.constant 0 : i32
          %dma_wait3A_47 = tpu.memref_slice %arg5[%add3A_43, %dma_wait3A] : memref<20000x128xf32, #tpu.memory_space<hbm>> -> memref<80x128xf32, #tpu.memory_space<hbm>>
          %dma_wait3A_48 = arith.constant 0 : i32
          %dma_wait3A_49 = tpu.memref_slice %arg12[%mul3A_38, %dma_wait3A_48] : memref<10000x128xf32, #tpu.memory_space<vmem_shared>> -> memref<80x128xf32, #tpu.memory_space<vmem_shared>>
          tpu.wait_dma2 semaphore(%run_scoped3A : memref<!tpu.dma_semaphore, #tpu.memory_space<semaphore_mem>>) src(%dma_wait3A_49 : memref<80x128xf32, #tpu.memory_space<vmem_shared>>) dst(%dma_wait3A_47 : memref<80x128xf32, #tpu.memory_space<hbm>>)
          tpu.yield
        }) : () -> ()
      } else {
      }
      %scan3A_36 = arith.constant 0 : i32
      scf.yield %scan3A_36 : i32
    }
    %scan3A_28 = arith.constant 8 : i32
    return
  }
}

#map = affine_map<(d0, d1) -> (0, 0)>
module attributes {stable_mosaic.version = 14 : i64} {
  func.func @_sc_agg(%arg0: i32, %arg1: i32, %arg2: memref<10000x128xf32, #tpu.memory_space<hbm>>, %arg3: memref<32x10000xi32, #tpu.memory_space<hbm>>, %arg4: memref<32x10000xi32, #tpu.memory_space<hbm>>, %arg5: memref<20000x128xf32, #tpu.memory_space<hbm>>, %arg6: memref<10000xi32, #tpu.memory_space<vmem>>, %arg7: memref<10000xi32, #tpu.memory_space<vmem>>, %arg8: memref<80xi32, #tpu.memory_space<vmem>>, %arg9: memref<80x128xf32, #tpu.memory_space<vmem>>, %arg10: memref<80x128xf32, #tpu.memory_space<vmem>>, %arg11: memref<80x128xf32, #tpu.memory_space<vmem>>, %arg12: memref<10000x128xf32, #tpu.memory_space<vmem_shared>>, %arg13: memref<!tpu.dma_semaphore, #tpu.memory_space<semaphore_mem>>, %arg14: memref<!tpu.dma_semaphore, #tpu.memory_space<semaphore_mem>>, %arg15: memref<!tpu.dma_semaphore, #tpu.memory_space<semaphore_mem>>) attributes {dimension_semantics = [#tpu.dimension_semantics<core_parallel>, #tpu.dimension_semantics<subcore_parallel>], iteration_bounds = array<i64: 2, 16>, scalar_prefetch = 0 : i64, scratch_operands = 10 : i64, tpu.core_type = #tpu.core_type<sc_vector_subcore>, window_params = [{transform_indices = #map}, {transform_indices = #map}, {transform_indices = #map}, {transform_indices = #map}]} {
    %mul3A = arith.constant 16 : i32
    %mul3A_0 = arith.muli %arg0, %mul3A : i32
    %add3A = arith.addi %mul3A_0, %arg1 : i32
    "tpu.region"() ({
      %run_scoped3A = tpu.sem_alloc : memref<!tpu.dma_semaphore, #tpu.memory_space<semaphore_mem>>
      %dma_start3A = arith.constant 0 : i32
      %dma_start3A_29 = tpu.memref_slice %arg3[%add3A, %dma_start3A] : memref<32x10000xi32, #tpu.memory_space<hbm>> -> memref<1x10000xi32, #tpu.memory_space<hbm>>
      %dma_start3A_30 = tpu.memref_squeeze %dma_start3A_29 : memref<1x10000xi32, #tpu.memory_space<hbm>> -> memref<10000xi32, #tpu.memory_space<hbm>>
      %dma_start3A_31 = arith.constant 0 : i32
      %dma_start3A_32 = tpu.memref_slice %arg3[%add3A, %dma_start3A_31] : memref<32x10000xi32, #tpu.memory_space<hbm>> -> memref<1x10000xi32, #tpu.memory_space<hbm>>
      %dma_start3A_33 = tpu.memref_squeeze %dma_start3A_32 : memref<1x10000xi32, #tpu.memory_space<hbm>> -> memref<10000xi32, #tpu.memory_space<hbm>>
      tpu.enqueue_dma source(%dma_start3A_33 : memref<10000xi32, #tpu.memory_space<hbm>>) target(%arg6 : memref<10000xi32, #tpu.memory_space<vmem>>) target_semaphore(%run_scoped3A : memref<!tpu.dma_semaphore, #tpu.memory_space<semaphore_mem>>)
      %dma_wait3A = arith.constant 0 : i32
      %dma_wait3A_34 = tpu.memref_slice %arg3[%add3A, %dma_wait3A] : memref<32x10000xi32, #tpu.memory_space<hbm>> -> memref<1x10000xi32, #tpu.memory_space<hbm>>
      %dma_wait3A_35 = tpu.memref_squeeze %dma_wait3A_34 : memref<1x10000xi32, #tpu.memory_space<hbm>> -> memref<10000xi32, #tpu.memory_space<hbm>>
      %dma_wait3A_36 = arith.constant 0 : i32
      %dma_wait3A_37 = tpu.memref_slice %arg3[%add3A, %dma_wait3A_36] : memref<32x10000xi32, #tpu.memory_space<hbm>> -> memref<1x10000xi32, #tpu.memory_space<hbm>>
      %dma_wait3A_38 = tpu.memref_squeeze %dma_wait3A_37 : memref<1x10000xi32, #tpu.memory_space<hbm>> -> memref<10000xi32, #tpu.memory_space<hbm>>
      tpu.wait_dma2 semaphore(%run_scoped3A : memref<!tpu.dma_semaphore, #tpu.memory_space<semaphore_mem>>) src(%dma_wait3A_38 : memref<10000xi32, #tpu.memory_space<hbm>>) dst(%arg6 : memref<10000xi32, #tpu.memory_space<vmem>>)
      tpu.yield
    }) : () -> ()
    "tpu.region"() ({
      %run_scoped3A = tpu.sem_alloc : memref<!tpu.dma_semaphore, #tpu.memory_space<semaphore_mem>>
      %dma_start3A = arith.constant 0 : i32
      %dma_start3A_29 = tpu.memref_slice %arg4[%add3A, %dma_start3A] : memref<32x10000xi32, #tpu.memory_space<hbm>> -> memref<1x10000xi32, #tpu.memory_space<hbm>>
      %dma_start3A_30 = tpu.memref_squeeze %dma_start3A_29 : memref<1x10000xi32, #tpu.memory_space<hbm>> -> memref<10000xi32, #tpu.memory_space<hbm>>
      %dma_start3A_31 = arith.constant 0 : i32
      %dma_start3A_32 = tpu.memref_slice %arg4[%add3A, %dma_start3A_31] : memref<32x10000xi32, #tpu.memory_space<hbm>> -> memref<1x10000xi32, #tpu.memory_space<hbm>>
      %dma_start3A_33 = tpu.memref_squeeze %dma_start3A_32 : memref<1x10000xi32, #tpu.memory_space<hbm>> -> memref<10000xi32, #tpu.memory_space<hbm>>
      tpu.enqueue_dma source(%dma_start3A_33 : memref<10000xi32, #tpu.memory_space<hbm>>) target(%arg7 : memref<10000xi32, #tpu.memory_space<vmem>>) target_semaphore(%run_scoped3A : memref<!tpu.dma_semaphore, #tpu.memory_space<semaphore_mem>>)
      %dma_wait3A = arith.constant 0 : i32
      %dma_wait3A_34 = tpu.memref_slice %arg4[%add3A, %dma_wait3A] : memref<32x10000xi32, #tpu.memory_space<hbm>> -> memref<1x10000xi32, #tpu.memory_space<hbm>>
      %dma_wait3A_35 = tpu.memref_squeeze %dma_wait3A_34 : memref<1x10000xi32, #tpu.memory_space<hbm>> -> memref<10000xi32, #tpu.memory_space<hbm>>
      %dma_wait3A_36 = arith.constant 0 : i32
      %dma_wait3A_37 = tpu.memref_slice %arg4[%add3A, %dma_wait3A_36] : memref<32x10000xi32, #tpu.memory_space<hbm>> -> memref<1x10000xi32, #tpu.memory_space<hbm>>
      %dma_wait3A_38 = tpu.memref_squeeze %dma_wait3A_37 : memref<1x10000xi32, #tpu.memory_space<hbm>> -> memref<10000xi32, #tpu.memory_space<hbm>>
      tpu.wait_dma2 semaphore(%run_scoped3A : memref<!tpu.dma_semaphore, #tpu.memory_space<semaphore_mem>>) src(%dma_wait3A_38 : memref<10000xi32, #tpu.memory_space<hbm>>) dst(%arg7 : memref<10000xi32, #tpu.memory_space<vmem>>)
      tpu.yield
    }) : () -> ()
    %scan3A = arith.constant 0 : i32
    %scan3A_1 = arith.constant 0 : i32
    %scan3A_2 = arith.constant 80 : i32
    %scan3A_3 = arith.addi %scan3A_1, %scan3A_2 : i32
    %scan3A_4 = arith.constant 1 : i32
    %scan3A_5 = scf.for %scan3A_29 = %scan3A_1 to %scan3A_3 step %scan3A_4 iter_args(%scan3A_30 = %scan3A) -> (i32)  : i32 {
      %broadcast_in_dim3A = arith.constant 0.000000e+00 : f32
      %broadcast_in_dim3A_31 = vector.broadcast %broadcast_in_dim3A : f32 to vector<16xf32>
      %swap3A = arith.index_cast %scan3A_29 : i32 to index
      %swap3A_32 = arith.constant 0 : index
      %swap3A_33 = tpu.vector_load %arg9[%swap3A, %swap3A_32] {strides = array<i32>} : memref<80x128xf32, #tpu.memory_space<vmem>>, vector<1x16xf32>,
      %swap3A_34 = vector.shape_cast %swap3A_33 : vector<1x16xf32> to vector<16xf32>
      %swap3A_35 = vector.shape_cast %broadcast_in_dim3A_31 : vector<16xf32> to vector<1x16xf32>
      tpu.vector_store %arg9[%swap3A, %swap3A_32], %swap3A_35 {strides = array<i32>} : memref<80x128xf32, #tpu.memory_space<vmem>>, vector<1x16xf32>,
      %broadcast_in_dim3A_36 = arith.constant 0.000000e+00 : f32
      %broadcast_in_dim3A_37 = vector.broadcast %broadcast_in_dim3A_36 : f32 to vector<16xf32>
      %swap3A_38 = arith.index_cast %scan3A_29 : i32 to index
      %swap3A_39 = arith.constant 16 : index
      %swap3A_40 = tpu.vector_load %arg9[%swap3A_38, %swap3A_39] {strides = array<i32>} : memref<80x128xf32, #tpu.memory_space<vmem>>, vector<1x16xf32>,
      %swap3A_41 = vector.shape_cast %swap3A_40 : vector<1x16xf32> to vector<16xf32>
      %swap3A_42 = vector.shape_cast %broadcast_in_dim3A_37 : vector<16xf32> to vector<1x16xf32>
      tpu.vector_store %arg9[%swap3A_38, %swap3A_39], %swap3A_42 {strides = array<i32>} : memref<80x128xf32, #tpu.memory_space<vmem>>, vector<1x16xf32>,
      %broadcast_in_dim3A_43 = arith.constant 0.000000e+00 : f32
      %broadcast_in_dim3A_44 = vector.broadcast %broadcast_in_dim3A_43 : f32 to vector<16xf32>
      %swap3A_45 = arith.index_cast %scan3A_29 : i32 to index
      %swap3A_46 = arith.constant 32 : index
      %swap3A_47 = tpu.vector_load %arg9[%swap3A_45, %swap3A_46] {strides = array<i32>} : memref<80x128xf32, #tpu.memory_space<vmem>>, vector<1x16xf32>,
      %swap3A_48 = vector.shape_cast %swap3A_47 : vector<1x16xf32> to vector<16xf32>
      %swap3A_49 = vector.shape_cast %broadcast_in_dim3A_44 : vector<16xf32> to vector<1x16xf32>
      tpu.vector_store %arg9[%swap3A_45, %swap3A_46], %swap3A_49 {strides = array<i32>} : memref<80x128xf32, #tpu.memory_space<vmem>>, vector<1x16xf32>,
      %broadcast_in_dim3A_50 = arith.constant 0.000000e+00 : f32
      %broadcast_in_dim3A_51 = vector.broadcast %broadcast_in_dim3A_50 : f32 to vector<16xf32>
      %swap3A_52 = arith.index_cast %scan3A_29 : i32 to index
      %swap3A_53 = arith.constant 48 : index
      %swap3A_54 = tpu.vector_load %arg9[%swap3A_52, %swap3A_53] {strides = array<i32>} : memref<80x128xf32, #tpu.memory_space<vmem>>, vector<1x16xf32>,
      %swap3A_55 = vector.shape_cast %swap3A_54 : vector<1x16xf32> to vector<16xf32>
      %swap3A_56 = vector.shape_cast %broadcast_in_dim3A_51 : vector<16xf32> to vector<1x16xf32>
      tpu.vector_store %arg9[%swap3A_52, %swap3A_53], %swap3A_56 {strides = array<i32>} : memref<80x128xf32, #tpu.memory_space<vmem>>, vector<1x16xf32>,
      %broadcast_in_dim3A_57 = arith.constant 0.000000e+00 : f32
      %broadcast_in_dim3A_58 = vector.broadcast %broadcast_in_dim3A_57 : f32 to vector<16xf32>
      %swap3A_59 = arith.index_cast %scan3A_29 : i32 to index
      %swap3A_60 = arith.constant 64 : index
      %swap3A_61 = tpu.vector_load %arg9[%swap3A_59, %swap3A_60] {strides = array<i32>} : memref<80x128xf32, #tpu.memory_space<vmem>>, vector<1x16xf32>,
      %swap3A_62 = vector.shape_cast %swap3A_61 : vector<1x16xf32> to vector<16xf32>
      %swap3A_63 = vector.shape_cast %broadcast_in_dim3A_58 : vector<16xf32> to vector<1x16xf32>
      tpu.vector_store %arg9[%swap3A_59, %swap3A_60], %swap3A_63 {strides = array<i32>} : memref<80x128xf32, #tpu.memory_space<vmem>>, vector<1x16xf32>,
      %broadcast_in_dim3A_64 = arith.constant 0.000000e+00 : f32
      %broadcast_in_dim3A_65 = vector.broadcast %broadcast_in_dim3A_64 : f32 to vector<16xf32>
      %swap3A_66 = arith.index_cast %scan3A_29 : i32 to index
      %swap3A_67 = arith.constant 80 : index
      %swap3A_68 = tpu.vector_load %arg9[%swap3A_66, %swap3A_67] {strides = array<i32>} : memref<80x128xf32, #tpu.memory_space<vmem>>, vector<1x16xf32>,
      %swap3A_69 = vector.shape_cast %swap3A_68 : vector<1x16xf32> to vector<16xf32>
      %swap3A_70 = vector.shape_cast %broadcast_in_dim3A_65 : vector<16xf32> to vector<1x16xf32>
      tpu.vector_store %arg9[%swap3A_66, %swap3A_67], %swap3A_70 {strides = array<i32>} : memref<80x128xf32, #tpu.memory_space<vmem>>, vector<1x16xf32>,
      %broadcast_in_dim3A_71 = arith.constant 0.000000e+00 : f32
      %broadcast_in_dim3A_72 = vector.broadcast %broadcast_in_dim3A_71 : f32 to vector<16xf32>
      %swap3A_73 = arith.index_cast %scan3A_29 : i32 to index
      %swap3A_74 = arith.constant 96 : index
      %swap3A_75 = tpu.vector_load %arg9[%swap3A_73, %swap3A_74] {strides = array<i32>} : memref<80x128xf32, #tpu.memory_space<vmem>>, vector<1x16xf32>,
      %swap3A_76 = vector.shape_cast %swap3A_75 : vector<1x16xf32> to vector<16xf32>
      %swap3A_77 = vector.shape_cast %broadcast_in_dim3A_72 : vector<16xf32> to vector<1x16xf32>
      tpu.vector_store %arg9[%swap3A_73, %swap3A_74], %swap3A_77 {strides = array<i32>} : memref<80x128xf32, #tpu.memory_space<vmem>>, vector<1x16xf32>,
      %broadcast_in_dim3A_78 = arith.constant 0.000000e+00 : f32
      %broadcast_in_dim3A_79 = vector.broadcast %broadcast_in_dim3A_78 : f32 to vector<16xf32>
      %swap3A_80 = arith.index_cast %scan3A_29 : i32 to index
      %swap3A_81 = arith.constant 112 : index
      %swap3A_82 = tpu.vector_load %arg9[%swap3A_80, %swap3A_81] {strides = array<i32>} : memref<80x128xf32, #tpu.memory_space<vmem>>, vector<1x16xf32>,
      %swap3A_83 = vector.shape_cast %swap3A_82 : vector<1x16xf32> to vector<16xf32>
      %swap3A_84 = vector.shape_cast %broadcast_in_dim3A_79 : vector<16xf32> to vector<1x16xf32>
      tpu.vector_store %arg9[%swap3A_80, %swap3A_81], %swap3A_84 {strides = array<i32>} : memref<80x128xf32, #tpu.memory_space<vmem>>, vector<1x16xf32>,
      %scan3A_85 = arith.constant 0 : i32
      scf.yield %scan3A_85 : i32
    }
    %scan3A_6 = arith.constant 80 : i32
    %scan3A_7 = arith.constant 0 : i32
    %scan3A_8 = arith.constant 0 : i32
    %scan3A_9 = arith.constant 8 : i32
    %scan3A_10 = arith.addi %scan3A_8, %scan3A_9 : i32
    %scan3A_11 = arith.constant 1 : i32
    %scan3A_12 = scf.for %scan3A_29 = %scan3A_8 to %scan3A_10 step %scan3A_11 iter_args(%scan3A_30 = %scan3A_7) -> (i32)  : i32 {
      %mul3A_31 = arith.constant 16 : i32
      %mul3A_32 = arith.muli %scan3A_29, %mul3A_31 : i32
      %add3A_33 = arith.addi %arg1, %mul3A_32 : i32
      %lt3A = arith.constant 125 : i32
      %lt3A_34 = arith.cmpi slt, %add3A_33, %lt3A : i32
      %convert_element_type3A = arith.extui %lt3A_34 : i1 to i32
      %cond3A = arith.constant 0 : i32
      %cond3A_35 = arith.cmpi ne, %convert_element_type3A, %cond3A : i32
      scf.if %cond3A_35 {
        %mul3A_37 = arith.constant 80 : i32
        %mul3A_38 = arith.muli %add3A_33, %mul3A_37 : i32
        "tpu.region"() ({
          %run_scoped3A = tpu.sem_alloc : memref<!tpu.dma_semaphore, #tpu.memory_space<semaphore_mem>>
          %dma_start3A = arith.constant 0 : i32
          %dma_start3A_39 = arith.constant 0 : i32
          %dma_start3A_40 = tpu.memref_slice %arg9[%dma_start3A, %dma_start3A_39] : memref<80x128xf32, #tpu.memory_space<vmem>> -> memref<80x128xf32, #tpu.memory_space<vmem>>
          %dma_start3A_41 = arith.constant 0 : i32
          %dma_start3A_42 = tpu.memref_slice %arg12[%mul3A_38, %dma_start3A_41] : memref<10000x128xf32, #tpu.memory_space<vmem_shared>> -> memref<80x128xf32, #tpu.memory_space<vmem_shared>>
          %dma_start3A_43 = arith.constant 0 : i32
          %dma_start3A_44 = tpu.memref_slice %arg12[%mul3A_38, %dma_start3A_43] : memref<10000x128xf32, #tpu.memory_space<vmem_shared>> -> memref<80x128xf32, #tpu.memory_space<vmem_shared>>
          %dma_start3A_45 = arith.constant 0 : i32
          %dma_start3A_46 = arith.constant 0 : i32
          %dma_start3A_47 = tpu.memref_slice %arg9[%dma_start3A_45, %dma_start3A_46] : memref<80x128xf32, #tpu.memory_space<vmem>> -> memref<80x128xf32, #tpu.memory_space<vmem>>
          tpu.enqueue_dma source(%dma_start3A_47 : memref<80x128xf32, #tpu.memory_space<vmem>>) target(%dma_start3A_44 : memref<80x128xf32, #tpu.memory_space<vmem_shared>>) target_semaphore(%run_scoped3A : memref<!tpu.dma_semaphore, #tpu.memory_space<semaphore_mem>>)
          %dma_wait3A = arith.constant 0 : i32
          %dma_wait3A_48 = arith.constant 0 : i32
          %dma_wait3A_49 = tpu.memref_slice %arg9[%dma_wait3A, %dma_wait3A_48] : memref<80x128xf32, #tpu.memory_space<vmem>> -> memref<80x128xf32, #tpu.memory_space<vmem>>
          %dma_wait3A_50 = arith.constant 0 : i32
          %dma_wait3A_51 = tpu.memref_slice %arg12[%mul3A_38, %dma_wait3A_50] : memref<10000x128xf32, #tpu.memory_space<vmem_shared>> -> memref<80x128xf32, #tpu.memory_space<vmem_shared>>
          %dma_wait3A_52 = arith.constant 0 : i32
          %dma_wait3A_53 = tpu.memref_slice %arg12[%mul3A_38, %dma_wait3A_52] : memref<10000x128xf32, #tpu.memory_space<vmem_shared>> -> memref<80x128xf32, #tpu.memory_space<vmem_shared>>
          %dma_wait3A_54 = arith.constant 0 : i32
          %dma_wait3A_55 = arith.constant 0 : i32
          %dma_wait3A_56 = tpu.memref_slice %arg9[%dma_wait3A_54, %dma_wait3A_55] : memref<80x128xf32, #tpu.memory_space<vmem>> -> memref<80x128xf32, #tpu.memory_space<vmem>>
          tpu.wait_dma2 semaphore(%run_scoped3A : memref<!tpu.dma_semaphore, #tpu.memory_space<semaphore_mem>>) src(%dma_wait3A_56 : memref<80x128xf32, #tpu.memory_space<vmem>>) dst(%dma_wait3A_53 : memref<80x128xf32, #tpu.memory_space<vmem_shared>>)
          tpu.yield
        }) : () -> ()
      } else {
      }
      %scan3A_36 = arith.constant 0 : i32
      scf.yield %scan3A_36 : i32
    }
    %scan3A_13 = arith.constant 8 : i32
    %barrier3A = arith.constant 0 : index
    tpu.barrier barrier_id(%barrier3A)
    %scan3A_14 = arith.constant 0 : i32
    %scan3A_15 = arith.constant 0 : i32
    %scan3A_16 = arith.constant 25 : i32
    %scan3A_17 = arith.addi %scan3A_15, %scan3A_16 : i32
    %scan3A_18 = arith.constant 1 : i32
    %scan3A_19 = scf.for %scan3A_29 = %scan3A_15 to %scan3A_17 step %scan3A_18 iter_args(%scan3A_30 = %scan3A_14) -> (i32)  : i32 {
      %mul3A_31 = arith.constant 5 : i32
      %mul3A_32 = arith.muli %mul3A_31, %scan3A_29 : i32
      %add3A_33 = arith.constant 0 : i32
      %add3A_34 = arith.addi %mul3A_32, %add3A_33 : i32
      %mul3A_35 = arith.constant 80 : i32
      %mul3A_36 = arith.muli %add3A_34, %mul3A_35 : i32
      %dma_start3A = tpu.memref_slice %arg6[%mul3A_36] : memref<10000xi32, #tpu.memory_space<vmem>> -> memref<80xi32, #tpu.memory_space<vmem>>
      %dma_start3A_37 = arith.constant 0 : i32
      %dma_start3A_38 = arith.constant 0 : i32
      %dma_start3A_39 = tpu.memref_slice %arg2[%dma_start3A_37, %dma_start3A_38] : memref<10000x128xf32, #tpu.memory_space<hbm>> -> memref<10000x128xf32, #tpu.memory_space<hbm>>
      tpu.enqueue_indirect_dma source(%dma_start3A_39 : memref<10000x128xf32, #tpu.memory_space<hbm>>) target(%arg9 : memref<80x128xf32, #tpu.memory_space<vmem>>) offsets(%dma_start3A : memref<80xi32, #tpu.memory_space<vmem>>) semaphore(%arg13 : memref<!tpu.dma_semaphore, #tpu.memory_space<semaphore_mem>>)
      %add3A_40 = arith.constant 1 : i32
      %add3A_41 = arith.addi %mul3A_32, %add3A_40 : i32
      %mul3A_42 = arith.constant 80 : i32
      %mul3A_43 = arith.muli %add3A_41, %mul3A_42 : i32
      %dma_start3A_44 = tpu.memref_slice %arg6[%mul3A_43] : memref<10000xi32, #tpu.memory_space<vmem>> -> memref<80xi32, #tpu.memory_space<vmem>>
      %dma_start3A_45 = arith.constant 0 : i32
      %dma_start3A_46 = arith.constant 0 : i32
      %dma_start3A_47 = tpu.memref_slice %arg2[%dma_start3A_45, %dma_start3A_46] : memref<10000x128xf32, #tpu.memory_space<hbm>> -> memref<10000x128xf32, #tpu.memory_space<hbm>>
      tpu.enqueue_indirect_dma source(%dma_start3A_47 : memref<10000x128xf32, #tpu.memory_space<hbm>>) target(%arg10 : memref<80x128xf32, #tpu.memory_space<vmem>>) offsets(%dma_start3A_44 : memref<80xi32, #tpu.memory_space<vmem>>) semaphore(%arg14 : memref<!tpu.dma_semaphore, #tpu.memory_space<semaphore_mem>>)
      %dma_wait3A = tpu.memref_slice %arg6[%mul3A_36] : memref<10000xi32, #tpu.memory_space<vmem>> -> memref<80xi32, #tpu.memory_space<vmem>>
      %dma_wait3A_48 = arith.constant 0 : i32
      %dma_wait3A_49 = arith.constant 0 : i32
      %dma_wait3A_50 = tpu.memref_slice %arg2[%dma_wait3A_48, %dma_wait3A_49] : memref<10000x128xf32, #tpu.memory_space<hbm>> -> memref<10000x128xf32, #tpu.memory_space<hbm>>
      tpu.wait_indirect_dma semaphore(%arg13 : memref<!tpu.dma_semaphore, #tpu.memory_space<semaphore_mem>>) src(%dma_wait3A_50 : memref<10000x128xf32, #tpu.memory_space<hbm>>) dst(%arg9 : memref<80x128xf32, #tpu.memory_space<vmem>>)
      %add3A_51 = arith.constant 0 : i32
      %add3A_52 = arith.addi %mul3A_32, %add3A_51 : i32
      %mul3A_53 = arith.constant 80 : i32
      %mul3A_54 = arith.muli %add3A_52, %mul3A_53 : i32
      %add3A_55 = arith.constant 0 : i32
      %add3A_56 = arith.addi %mul3A_54, %add3A_55 : i32
      %get3A = arith.index_cast %add3A_56 : i32 to index
      %get3A_57 = tpu.vector_load %arg7[%get3A] {strides = array<i32>} : memref<10000xi32, #tpu.memory_space<vmem>>, vector<16xi32>,
      %get3A_58 = vector.shape_cast %get3A_57 : vector<16xi32> to vector<16xi32>
      %swap3A = arith.constant 0 : index
      %swap3A_59 = tpu.vector_load %arg8[%swap3A] {strides = array<i32>} : memref<80xi32, #tpu.memory_space<vmem>>, vector<16xi32>,
      %swap3A_60 = vector.shape_cast %swap3A_59 : vector<16xi32> to vector<16xi32>
      %swap3A_61 = vector.shape_cast %get3A_58 : vector<16xi32> to vector<16xi32>
      tpu.vector_store %arg8[%swap3A], %swap3A_61 {strides = array<i32>} : memref<80xi32, #tpu.memory_space<vmem>>, vector<16xi32>,
      %add3A_62 = arith.constant 16 : i32
      %add3A_63 = arith.addi %mul3A_54, %add3A_62 : i32
      %get3A_64 = arith.index_cast %add3A_63 : i32 to index
      %get3A_65 = tpu.vector_load %arg7[%get3A_64] {strides = array<i32>} : memref<10000xi32, #tpu.memory_space<vmem>>, vector<16xi32>,
      %get3A_66 = vector.shape_cast %get3A_65 : vector<16xi32> to vector<16xi32>
      %swap3A_67 = arith.constant 16 : index
      %swap3A_68 = tpu.vector_load %arg8[%swap3A_67] {strides = array<i32>} : memref<80xi32, #tpu.memory_space<vmem>>, vector<16xi32>,
      %swap3A_69 = vector.shape_cast %swap3A_68 : vector<16xi32> to vector<16xi32>
      %swap3A_70 = vector.shape_cast %get3A_66 : vector<16xi32> to vector<16xi32>
      tpu.vector_store %arg8[%swap3A_67], %swap3A_70 {strides = array<i32>} : memref<80xi32, #tpu.memory_space<vmem>>, vector<16xi32>,
      %add3A_71 = arith.constant 32 : i32
      %add3A_72 = arith.addi %mul3A_54, %add3A_71 : i32
      %get3A_73 = arith.index_cast %add3A_72 : i32 to index
      %get3A_74 = tpu.vector_load %arg7[%get3A_73] {strides = array<i32>} : memref<10000xi32, #tpu.memory_space<vmem>>, vector<16xi32>,
      %get3A_75 = vector.shape_cast %get3A_74 : vector<16xi32> to vector<16xi32>
      %swap3A_76 = arith.constant 32 : index
      %swap3A_77 = tpu.vector_load %arg8[%swap3A_76] {strides = array<i32>} : memref<80xi32, #tpu.memory_space<vmem>>, vector<16xi32>,
      %swap3A_78 = vector.shape_cast %swap3A_77 : vector<16xi32> to vector<16xi32>
      %swap3A_79 = vector.shape_cast %get3A_75 : vector<16xi32> to vector<16xi32>
      tpu.vector_store %arg8[%swap3A_76], %swap3A_79 {strides = array<i32>} : memref<80xi32, #tpu.memory_space<vmem>>, vector<16xi32>,
      %add3A_80 = arith.constant 48 : i32
      %add3A_81 = arith.addi %mul3A_54, %add3A_80 : i32
      %get3A_82 = arith.index_cast %add3A_81 : i32 to index
      %get3A_83 = tpu.vector_load %arg7[%get3A_82] {strides = array<i32>} : memref<10000xi32, #tpu.memory_space<vmem>>, vector<16xi32>,
      %get3A_84 = vector.shape_cast %get3A_83 : vector<16xi32> to vector<16xi32>
      %swap3A_85 = arith.constant 48 : index
      %swap3A_86 = tpu.vector_load %arg8[%swap3A_85] {strides = array<i32>} : memref<80xi32, #tpu.memory_space<vmem>>, vector<16xi32>,
      %swap3A_87 = vector.shape_cast %swap3A_86 : vector<16xi32> to vector<16xi32>
      %swap3A_88 = vector.shape_cast %get3A_84 : vector<16xi32> to vector<16xi32>
      tpu.vector_store %arg8[%swap3A_85], %swap3A_88 {strides = array<i32>} : memref<80xi32, #tpu.memory_space<vmem>>, vector<16xi32>,
      %add3A_89 = arith.constant 64 : i32
      %add3A_90 = arith.addi %mul3A_54, %add3A_89 : i32
      %get3A_91 = arith.index_cast %add3A_90 : i32 to index
      %get3A_92 = tpu.vector_load %arg7[%get3A_91] {strides = array<i32>} : memref<10000xi32, #tpu.memory_space<vmem>>, vector<16xi32>,
      %get3A_93 = vector.shape_cast %get3A_92 : vector<16xi32> to vector<16xi32>
      %swap3A_94 = arith.constant 64 : index
      %swap3A_95 = tpu.vector_load %arg8[%swap3A_94] {strides = array<i32>} : memref<80xi32, #tpu.memory_space<vmem>>, vector<16xi32>,
      %swap3A_96 = vector.shape_cast %swap3A_95 : vector<16xi32> to vector<16xi32>
      %swap3A_97 = vector.shape_cast %get3A_93 : vector<16xi32> to vector<16xi32>
      tpu.vector_store %arg8[%swap3A_94], %swap3A_97 {strides = array<i32>} : memref<80xi32, #tpu.memory_space<vmem>>, vector<16xi32>,
      "tpu.region"() ({
        %run_scoped3A = tpu.sem_alloc : memref<!tpu.dma_semaphore, #tpu.memory_space<semaphore_mem>>
        %dma_start3A_341 = arith.constant 0 : i32
        %dma_start3A_342 = arith.constant 0 : i32
        %dma_start3A_343 = tpu.memref_slice %arg12[%dma_start3A_341, %dma_start3A_342] : memref<10000x128xf32, #tpu.memory_space<vmem_shared>> -> memref<10000x128xf32, #tpu.memory_space<vmem_shared>>
        tpu.enqueue_indirect_dma source(%arg9 : memref<80x128xf32, #tpu.memory_space<vmem>>) target(%dma_start3A_343 : memref<10000x128xf32, #tpu.memory_space<vmem_shared>>) offsets(%arg8 : memref<80xi32, #tpu.memory_space<vmem>>) semaphore(%run_scoped3A : memref<!tpu.dma_semaphore, #tpu.memory_space<semaphore_mem>>) {add = true}
        %dma_wait3A_344 = arith.constant 0 : i32
        %dma_wait3A_345 = arith.constant 0 : i32
        %dma_wait3A_346 = tpu.memref_slice %arg12[%dma_wait3A_344, %dma_wait3A_345] : memref<10000x128xf32, #tpu.memory_space<vmem_shared>> -> memref<10000x128xf32, #tpu.memory_space<vmem_shared>>
        tpu.wait_indirect_dma semaphore(%run_scoped3A : memref<!tpu.dma_semaphore, #tpu.memory_space<semaphore_mem>>) src(%arg9 : memref<80x128xf32, #tpu.memory_space<vmem>>) dst(%dma_wait3A_346 : memref<10000x128xf32, #tpu.memory_space<vmem_shared>>)
        tpu.yield
      }) : () -> ()
      %add3A_98 = arith.constant 0 : i32
      %add3A_99 = arith.addi %mul3A_32, %add3A_98 : i32
      %add3A_100 = arith.constant 2 : i32
      %add3A_101 = arith.addi %add3A_99, %add3A_100 : i32
      %mul3A_102 = arith.constant 80 : i32
      %mul3A_103 = arith.muli %add3A_101, %mul3A_102 : i32
      %dma_start3A_104 = tpu.memref_slice %arg6[%mul3A_103] : memref<10000xi32, #tpu.memory_space<vmem>> -> memref<80xi32, #tpu.memory_space<vmem>>
      %dma_start3A_105 = arith.constant 0 : i32
      %dma_start3A_106 = arith.constant 0 : i32
      %dma_start3A_107 = tpu.memref_slice %arg2[%dma_start3A_105, %dma_start3A_106] : memref<10000x128xf32, #tpu.memory_space<hbm>> -> memref<10000x128xf32, #tpu.memory_space<hbm>>
      tpu.enqueue_indirect_dma source(%dma_start3A_107 : memref<10000x128xf32, #tpu.memory_space<hbm>>) target(%arg11 : memref<80x128xf32, #tpu.memory_space<vmem>>) offsets(%dma_start3A_104 : memref<80xi32, #tpu.memory_space<vmem>>) semaphore(%arg15 : memref<!tpu.dma_semaphore, #tpu.memory_space<semaphore_mem>>)
      %dma_wait3A_108 = tpu.memref_slice %arg6[%mul3A_43] : memref<10000xi32, #tpu.memory_space<vmem>> -> memref<80xi32, #tpu.memory_space<vmem>>
      %dma_wait3A_109 = arith.constant 0 : i32
      %dma_wait3A_110 = arith.constant 0 : i32
      %dma_wait3A_111 = tpu.memref_slice %arg2[%dma_wait3A_109, %dma_wait3A_110] : memref<10000x128xf32, #tpu.memory_space<hbm>> -> memref<10000x128xf32, #tpu.memory_space<hbm>>
      tpu.wait_indirect_dma semaphore(%arg14 : memref<!tpu.dma_semaphore, #tpu.memory_space<semaphore_mem>>) src(%dma_wait3A_111 : memref<10000x128xf32, #tpu.memory_space<hbm>>) dst(%arg10 : memref<80x128xf32, #tpu.memory_space<vmem>>)
      %add3A_112 = arith.constant 1 : i32
      %add3A_113 = arith.addi %mul3A_32, %add3A_112 : i32
      %mul3A_114 = arith.constant 80 : i32
      %mul3A_115 = arith.muli %add3A_113, %mul3A_114 : i32
      %add3A_116 = arith.constant 0 : i32
      %add3A_117 = arith.addi %mul3A_115, %add3A_116 : i32
      %get3A_118 = arith.index_cast %add3A_117 : i32 to index
      %get3A_119 = tpu.vector_load %arg7[%get3A_118] {strides = array<i32>} : memref<10000xi32, #tpu.memory_space<vmem>>, vector<16xi32>,
      %get3A_120 = vector.shape_cast %get3A_119 : vector<16xi32> to vector<16xi32>
      %swap3A_121 = arith.constant 0 : index
      %swap3A_122 = tpu.vector_load %arg8[%swap3A_121] {strides = array<i32>} : memref<80xi32, #tpu.memory_space<vmem>>, vector<16xi32>,
      %swap3A_123 = vector.shape_cast %swap3A_122 : vector<16xi32> to vector<16xi32>
      %swap3A_124 = vector.shape_cast %get3A_120 : vector<16xi32> to vector<16xi32>
      tpu.vector_store %arg8[%swap3A_121], %swap3A_124 {strides = array<i32>} : memref<80xi32, #tpu.memory_space<vmem>>, vector<16xi32>,
      %add3A_125 = arith.constant 16 : i32
      %add3A_126 = arith.addi %mul3A_115, %add3A_125 : i32
      %get3A_127 = arith.index_cast %add3A_126 : i32 to index
      %get3A_128 = tpu.vector_load %arg7[%get3A_127] {strides = array<i32>} : memref<10000xi32, #tpu.memory_space<vmem>>, vector<16xi32>,
      %get3A_129 = vector.shape_cast %get3A_128 : vector<16xi32> to vector<16xi32>
      %swap3A_130 = arith.constant 16 : index
      %swap3A_131 = tpu.vector_load %arg8[%swap3A_130] {strides = array<i32>} : memref<80xi32, #tpu.memory_space<vmem>>, vector<16xi32>,
      %swap3A_132 = vector.shape_cast %swap3A_131 : vector<16xi32> to vector<16xi32>
      %swap3A_133 = vector.shape_cast %get3A_129 : vector<16xi32> to vector<16xi32>
      tpu.vector_store %arg8[%swap3A_130], %swap3A_133 {strides = array<i32>} : memref<80xi32, #tpu.memory_space<vmem>>, vector<16xi32>,
      %add3A_134 = arith.constant 32 : i32
      %add3A_135 = arith.addi %mul3A_115, %add3A_134 : i32
      %get3A_136 = arith.index_cast %add3A_135 : i32 to index
      %get3A_137 = tpu.vector_load %arg7[%get3A_136] {strides = array<i32>} : memref<10000xi32, #tpu.memory_space<vmem>>, vector<16xi32>,
      %get3A_138 = vector.shape_cast %get3A_137 : vector<16xi32> to vector<16xi32>
      %swap3A_139 = arith.constant 32 : index
      %swap3A_140 = tpu.vector_load %arg8[%swap3A_139] {strides = array<i32>} : memref<80xi32, #tpu.memory_space<vmem>>, vector<16xi32>,
      %swap3A_141 = vector.shape_cast %swap3A_140 : vector<16xi32> to vector<16xi32>
      %swap3A_142 = vector.shape_cast %get3A_138 : vector<16xi32> to vector<16xi32>
      tpu.vector_store %arg8[%swap3A_139], %swap3A_142 {strides = array<i32>} : memref<80xi32, #tpu.memory_space<vmem>>, vector<16xi32>,
      %add3A_143 = arith.constant 48 : i32
      %add3A_144 = arith.addi %mul3A_115, %add3A_143 : i32
      %get3A_145 = arith.index_cast %add3A_144 : i32 to index
      %get3A_146 = tpu.vector_load %arg7[%get3A_145] {strides = array<i32>} : memref<10000xi32, #tpu.memory_space<vmem>>, vector<16xi32>,
      %get3A_147 = vector.shape_cast %get3A_146 : vector<16xi32> to vector<16xi32>
      %swap3A_148 = arith.constant 48 : index
      %swap3A_149 = tpu.vector_load %arg8[%swap3A_148] {strides = array<i32>} : memref<80xi32, #tpu.memory_space<vmem>>, vector<16xi32>,
      %swap3A_150 = vector.shape_cast %swap3A_149 : vector<16xi32> to vector<16xi32>
      %swap3A_151 = vector.shape_cast %get3A_147 : vector<16xi32> to vector<16xi32>
      tpu.vector_store %arg8[%swap3A_148], %swap3A_151 {strides = array<i32>} : memref<80xi32, #tpu.memory_space<vmem>>, vector<16xi32>,
      %add3A_152 = arith.constant 64 : i32
      %add3A_153 = arith.addi %mul3A_115, %add3A_152 : i32
      %get3A_154 = arith.index_cast %add3A_153 : i32 to index
      %get3A_155 = tpu.vector_load %arg7[%get3A_154] {strides = array<i32>} : memref<10000xi32, #tpu.memory_space<vmem>>, vector<16xi32>,
      %get3A_156 = vector.shape_cast %get3A_155 : vector<16xi32> to vector<16xi32>
      %swap3A_157 = arith.constant 64 : index
      %swap3A_158 = tpu.vector_load %arg8[%swap3A_157] {strides = array<i32>} : memref<80xi32, #tpu.memory_space<vmem>>, vector<16xi32>,
      %swap3A_159 = vector.shape_cast %swap3A_158 : vector<16xi32> to vector<16xi32>
      %swap3A_160 = vector.shape_cast %get3A_156 : vector<16xi32> to vector<16xi32>
      tpu.vector_store %arg8[%swap3A_157], %swap3A_160 {strides = array<i32>} : memref<80xi32, #tpu.memory_space<vmem>>, vector<16xi32>,
      "tpu.region"() ({
        %run_scoped3A = tpu.sem_alloc : memref<!tpu.dma_semaphore, #tpu.memory_space<semaphore_mem>>
        %dma_start3A_341 = arith.constant 0 : i32
        %dma_start3A_342 = arith.constant 0 : i32
        %dma_start3A_343 = tpu.memref_slice %arg12[%dma_start3A_341, %dma_start3A_342] : memref<10000x128xf32, #tpu.memory_space<vmem_shared>> -> memref<10000x128xf32, #tpu.memory_space<vmem_shared>>
        tpu.enqueue_indirect_dma source(%arg10 : memref<80x128xf32, #tpu.memory_space<vmem>>) target(%dma_start3A_343 : memref<10000x128xf32, #tpu.memory_space<vmem_shared>>) offsets(%arg8 : memref<80xi32, #tpu.memory_space<vmem>>) semaphore(%run_scoped3A : memref<!tpu.dma_semaphore, #tpu.memory_space<semaphore_mem>>) {add = true}
        %dma_wait3A_344 = arith.constant 0 : i32
        %dma_wait3A_345 = arith.constant 0 : i32
        %dma_wait3A_346 = tpu.memref_slice %arg12[%dma_wait3A_344, %dma_wait3A_345] : memref<10000x128xf32, #tpu.memory_space<vmem_shared>> -> memref<10000x128xf32, #tpu.memory_space<vmem_shared>>
        tpu.wait_indirect_dma semaphore(%run_scoped3A : memref<!tpu.dma_semaphore, #tpu.memory_space<semaphore_mem>>) src(%arg10 : memref<80x128xf32, #tpu.memory_space<vmem>>) dst(%dma_wait3A_346 : memref<10000x128xf32, #tpu.memory_space<vmem_shared>>)
        tpu.yield
      }) : () -> ()
      %add3A_161 = arith.constant 1 : i32
      %add3A_162 = arith.addi %mul3A_32, %add3A_161 : i32
      %add3A_163 = arith.constant 2 : i32
      %add3A_164 = arith.addi %add3A_162, %add3A_163 : i32
      %mul3A_165 = arith.constant 80 : i32
      %mul3A_166 = arith.muli %add3A_164, %mul3A_165 : i32
      %dma_start3A_167 = tpu.memref_slice %arg6[%mul3A_166] : memref<10000xi32, #tpu.memory_space<vmem>> -> memref<80xi32, #tpu.memory_space<vmem>>
      %dma_start3A_168 = arith.constant 0 : i32
      %dma_start3A_169 = arith.constant 0 : i32
      %dma_start3A_170 = tpu.memref_slice %arg2[%dma_start3A_168, %dma_start3A_169] : memref<10000x128xf32, #tpu.memory_space<hbm>> -> memref<10000x128xf32, #tpu.memory_space<hbm>>
      tpu.enqueue_indirect_dma source(%dma_start3A_170 : memref<10000x128xf32, #tpu.memory_space<hbm>>) target(%arg9 : memref<80x128xf32, #tpu.memory_space<vmem>>) offsets(%dma_start3A_167 : memref<80xi32, #tpu.memory_space<vmem>>) semaphore(%arg13 : memref<!tpu.dma_semaphore, #tpu.memory_space<semaphore_mem>>)
      %dma_wait3A_171 = tpu.memref_slice %arg6[%mul3A_103] : memref<10000xi32, #tpu.memory_space<vmem>> -> memref<80xi32, #tpu.memory_space<vmem>>
      %dma_wait3A_172 = arith.constant 0 : i32
      %dma_wait3A_173 = arith.constant 0 : i32
      %dma_wait3A_174 = tpu.memref_slice %arg2[%dma_wait3A_172, %dma_wait3A_173] : memref<10000x128xf32, #tpu.memory_space<hbm>> -> memref<10000x128xf32, #tpu.memory_space<hbm>>
      tpu.wait_indirect_dma semaphore(%arg15 : memref<!tpu.dma_semaphore, #tpu.memory_space<semaphore_mem>>) src(%dma_wait3A_174 : memref<10000x128xf32, #tpu.memory_space<hbm>>) dst(%arg11 : memref<80x128xf32, #tpu.memory_space<vmem>>)
      %add3A_175 = arith.constant 2 : i32
      %add3A_176 = arith.addi %mul3A_32, %add3A_175 : i32
      %mul3A_177 = arith.constant 80 : i32
      %mul3A_178 = arith.muli %add3A_176, %mul3A_177 : i32
      %add3A_179 = arith.constant 0 : i32
      %add3A_180 = arith.addi %mul3A_178, %add3A_179 : i32
      %get3A_181 = arith.index_cast %add3A_180 : i32 to index
      %get3A_182 = tpu.vector_load %arg7[%get3A_181] {strides = array<i32>} : memref<10000xi32, #tpu.memory_space<vmem>>, vector<16xi32>,
      %get3A_183 = vector.shape_cast %get3A_182 : vector<16xi32> to vector<16xi32>
      %swap3A_184 = arith.constant 0 : index
      %swap3A_185 = tpu.vector_load %arg8[%swap3A_184] {strides = array<i32>} : memref<80xi32, #tpu.memory_space<vmem>>, vector<16xi32>,
      %swap3A_186 = vector.shape_cast %swap3A_185 : vector<16xi32> to vector<16xi32>
      %swap3A_187 = vector.shape_cast %get3A_183 : vector<16xi32> to vector<16xi32>
      tpu.vector_store %arg8[%swap3A_184], %swap3A_187 {strides = array<i32>} : memref<80xi32, #tpu.memory_space<vmem>>, vector<16xi32>,
      %add3A_188 = arith.constant 16 : i32
      %add3A_189 = arith.addi %mul3A_178, %add3A_188 : i32
      %get3A_190 = arith.index_cast %add3A_189 : i32 to index
      %get3A_191 = tpu.vector_load %arg7[%get3A_190] {strides = array<i32>} : memref<10000xi32, #tpu.memory_space<vmem>>, vector<16xi32>,
      %get3A_192 = vector.shape_cast %get3A_191 : vector<16xi32> to vector<16xi32>
      %swap3A_193 = arith.constant 16 : index
      %swap3A_194 = tpu.vector_load %arg8[%swap3A_193] {strides = array<i32>} : memref<80xi32, #tpu.memory_space<vmem>>, vector<16xi32>,
      %swap3A_195 = vector.shape_cast %swap3A_194 : vector<16xi32> to vector<16xi32>
      %swap3A_196 = vector.shape_cast %get3A_192 : vector<16xi32> to vector<16xi32>
      tpu.vector_store %arg8[%swap3A_193], %swap3A_196 {strides = array<i32>} : memref<80xi32, #tpu.memory_space<vmem>>, vector<16xi32>,
      %add3A_197 = arith.constant 32 : i32
      %add3A_198 = arith.addi %mul3A_178, %add3A_197 : i32
      %get3A_199 = arith.index_cast %add3A_198 : i32 to index
      %get3A_200 = tpu.vector_load %arg7[%get3A_199] {strides = array<i32>} : memref<10000xi32, #tpu.memory_space<vmem>>, vector<16xi32>,
      %get3A_201 = vector.shape_cast %get3A_200 : vector<16xi32> to vector<16xi32>
      %swap3A_202 = arith.constant 32 : index
      %swap3A_203 = tpu.vector_load %arg8[%swap3A_202] {strides = array<i32>} : memref<80xi32, #tpu.memory_space<vmem>>, vector<16xi32>,
      %swap3A_204 = vector.shape_cast %swap3A_203 : vector<16xi32> to vector<16xi32>
      %swap3A_205 = vector.shape_cast %get3A_201 : vector<16xi32> to vector<16xi32>
      tpu.vector_store %arg8[%swap3A_202], %swap3A_205 {strides = array<i32>} : memref<80xi32, #tpu.memory_space<vmem>>, vector<16xi32>,
      %add3A_206 = arith.constant 48 : i32
      %add3A_207 = arith.addi %mul3A_178, %add3A_206 : i32
      %get3A_208 = arith.index_cast %add3A_207 : i32 to index
      %get3A_209 = tpu.vector_load %arg7[%get3A_208] {strides = array<i32>} : memref<10000xi32, #tpu.memory_space<vmem>>, vector<16xi32>,
      %get3A_210 = vector.shape_cast %get3A_209 : vector<16xi32> to vector<16xi32>
      %swap3A_211 = arith.constant 48 : index
      %swap3A_212 = tpu.vector_load %arg8[%swap3A_211] {strides = array<i32>} : memref<80xi32, #tpu.memory_space<vmem>>, vector<16xi32>,
      %swap3A_213 = vector.shape_cast %swap3A_212 : vector<16xi32> to vector<16xi32>
      %swap3A_214 = vector.shape_cast %get3A_210 : vector<16xi32> to vector<16xi32>
      tpu.vector_store %arg8[%swap3A_211], %swap3A_214 {strides = array<i32>} : memref<80xi32, #tpu.memory_space<vmem>>, vector<16xi32>,
      %add3A_215 = arith.constant 64 : i32
      %add3A_216 = arith.addi %mul3A_178, %add3A_215 : i32
      %get3A_217 = arith.index_cast %add3A_216 : i32 to index
      %get3A_218 = tpu.vector_load %arg7[%get3A_217] {strides = array<i32>} : memref<10000xi32, #tpu.memory_space<vmem>>, vector<16xi32>,
      %get3A_219 = vector.shape_cast %get3A_218 : vector<16xi32> to vector<16xi32>
      %swap3A_220 = arith.constant 64 : index
      %swap3A_221 = tpu.vector_load %arg8[%swap3A_220] {strides = array<i32>} : memref<80xi32, #tpu.memory_space<vmem>>, vector<16xi32>,
      %swap3A_222 = vector.shape_cast %swap3A_221 : vector<16xi32> to vector<16xi32>
      %swap3A_223 = vector.shape_cast %get3A_219 : vector<16xi32> to vector<16xi32>
      tpu.vector_store %arg8[%swap3A_220], %swap3A_223 {strides = array<i32>} : memref<80xi32, #tpu.memory_space<vmem>>, vector<16xi32>,
      "tpu.region"() ({
        %run_scoped3A = tpu.sem_alloc : memref<!tpu.dma_semaphore, #tpu.memory_space<semaphore_mem>>
        %dma_start3A_341 = arith.constant 0 : i32
        %dma_start3A_342 = arith.constant 0 : i32
        %dma_start3A_343 = tpu.memref_slice %arg12[%dma_start3A_341, %dma_start3A_342] : memref<10000x128xf32, #tpu.memory_space<vmem_shared>> -> memref<10000x128xf32, #tpu.memory_space<vmem_shared>>
        tpu.enqueue_indirect_dma source(%arg11 : memref<80x128xf32, #tpu.memory_space<vmem>>) target(%dma_start3A_343 : memref<10000x128xf32, #tpu.memory_space<vmem_shared>>) offsets(%arg8 : memref<80xi32, #tpu.memory_space<vmem>>) semaphore(%run_scoped3A : memref<!tpu.dma_semaphore, #tpu.memory_space<semaphore_mem>>) {add = true}
        %dma_wait3A_344 = arith.constant 0 : i32
        %dma_wait3A_345 = arith.constant 0 : i32
        %dma_wait3A_346 = tpu.memref_slice %arg12[%dma_wait3A_344, %dma_wait3A_345] : memref<10000x128xf32, #tpu.memory_space<vmem_shared>> -> memref<10000x128xf32, #tpu.memory_space<vmem_shared>>
        tpu.wait_indirect_dma semaphore(%run_scoped3A : memref<!tpu.dma_semaphore, #tpu.memory_space<semaphore_mem>>) src(%arg11 : memref<80x128xf32, #tpu.memory_space<vmem>>) dst(%dma_wait3A_346 : memref<10000x128xf32, #tpu.memory_space<vmem_shared>>)
        tpu.yield
      }) : () -> ()
      %add3A_224 = arith.constant 2 : i32
      %add3A_225 = arith.addi %mul3A_32, %add3A_224 : i32
      %add3A_226 = arith.constant 2 : i32
      %add3A_227 = arith.addi %add3A_225, %add3A_226 : i32
      %mul3A_228 = arith.constant 80 : i32
      %mul3A_229 = arith.muli %add3A_227, %mul3A_228 : i32
      %dma_start3A_230 = tpu.memref_slice %arg6[%mul3A_229] : memref<10000xi32, #tpu.memory_space<vmem>> -> memref<80xi32, #tpu.memory_space<vmem>>
      %dma_start3A_231 = arith.constant 0 : i32
      %dma_start3A_232 = arith.constant 0 : i32
      %dma_start3A_233 = tpu.memref_slice %arg2[%dma_start3A_231, %dma_start3A_232] : memref<10000x128xf32, #tpu.memory_space<hbm>> -> memref<10000x128xf32, #tpu.memory_space<hbm>>
      tpu.enqueue_indirect_dma source(%dma_start3A_233 : memref<10000x128xf32, #tpu.memory_space<hbm>>) target(%arg10 : memref<80x128xf32, #tpu.memory_space<vmem>>) offsets(%dma_start3A_230 : memref<80xi32, #tpu.memory_space<vmem>>) semaphore(%arg14 : memref<!tpu.dma_semaphore, #tpu.memory_space<semaphore_mem>>)
      %dma_wait3A_234 = tpu.memref_slice %arg6[%mul3A_166] : memref<10000xi32, #tpu.memory_space<vmem>> -> memref<80xi32, #tpu.memory_space<vmem>>
      %dma_wait3A_235 = arith.constant 0 : i32
      %dma_wait3A_236 = arith.constant 0 : i32
      %dma_wait3A_237 = tpu.memref_slice %arg2[%dma_wait3A_235, %dma_wait3A_236] : memref<10000x128xf32, #tpu.memory_space<hbm>> -> memref<10000x128xf32, #tpu.memory_space<hbm>>
      tpu.wait_indirect_dma semaphore(%arg13 : memref<!tpu.dma_semaphore, #tpu.memory_space<semaphore_mem>>) src(%dma_wait3A_237 : memref<10000x128xf32, #tpu.memory_space<hbm>>) dst(%arg9 : memref<80x128xf32, #tpu.memory_space<vmem>>)
      %add3A_238 = arith.constant 3 : i32
      %add3A_239 = arith.addi %mul3A_32, %add3A_238 : i32
      %mul3A_240 = arith.constant 80 : i32
      %mul3A_241 = arith.muli %add3A_239, %mul3A_240 : i32
      %add3A_242 = arith.constant 0 : i32
      %add3A_243 = arith.addi %mul3A_241, %add3A_242 : i32
      %get3A_244 = arith.index_cast %add3A_243 : i32 to index
      %get3A_245 = tpu.vector_load %arg7[%get3A_244] {strides = array<i32>} : memref<10000xi32, #tpu.memory_space<vmem>>, vector<16xi32>,
      %get3A_246 = vector.shape_cast %get3A_245 : vector<16xi32> to vector<16xi32>
      %swap3A_247 = arith.constant 0 : index
      %swap3A_248 = tpu.vector_load %arg8[%swap3A_247] {strides = array<i32>} : memref<80xi32, #tpu.memory_space<vmem>>, vector<16xi32>,
      %swap3A_249 = vector.shape_cast %swap3A_248 : vector<16xi32> to vector<16xi32>
      %swap3A_250 = vector.shape_cast %get3A_246 : vector<16xi32> to vector<16xi32>
      tpu.vector_store %arg8[%swap3A_247], %swap3A_250 {strides = array<i32>} : memref<80xi32, #tpu.memory_space<vmem>>, vector<16xi32>,
      %add3A_251 = arith.constant 16 : i32
      %add3A_252 = arith.addi %mul3A_241, %add3A_251 : i32
      %get3A_253 = arith.index_cast %add3A_252 : i32 to index
      %get3A_254 = tpu.vector_load %arg7[%get3A_253] {strides = array<i32>} : memref<10000xi32, #tpu.memory_space<vmem>>, vector<16xi32>,
      %get3A_255 = vector.shape_cast %get3A_254 : vector<16xi32> to vector<16xi32>
      %swap3A_256 = arith.constant 16 : index
      %swap3A_257 = tpu.vector_load %arg8[%swap3A_256] {strides = array<i32>} : memref<80xi32, #tpu.memory_space<vmem>>, vector<16xi32>,
      %swap3A_258 = vector.shape_cast %swap3A_257 : vector<16xi32> to vector<16xi32>
      %swap3A_259 = vector.shape_cast %get3A_255 : vector<16xi32> to vector<16xi32>
      tpu.vector_store %arg8[%swap3A_256], %swap3A_259 {strides = array<i32>} : memref<80xi32, #tpu.memory_space<vmem>>, vector<16xi32>,
      %add3A_260 = arith.constant 32 : i32
      %add3A_261 = arith.addi %mul3A_241, %add3A_260 : i32
      %get3A_262 = arith.index_cast %add3A_261 : i32 to index
      %get3A_263 = tpu.vector_load %arg7[%get3A_262] {strides = array<i32>} : memref<10000xi32, #tpu.memory_space<vmem>>, vector<16xi32>,
      %get3A_264 = vector.shape_cast %get3A_263 : vector<16xi32> to vector<16xi32>
      %swap3A_265 = arith.constant 32 : index
      %swap3A_266 = tpu.vector_load %arg8[%swap3A_265] {strides = array<i32>} : memref<80xi32, #tpu.memory_space<vmem>>, vector<16xi32>,
      %swap3A_267 = vector.shape_cast %swap3A_266 : vector<16xi32> to vector<16xi32>
      %swap3A_268 = vector.shape_cast %get3A_264 : vector<16xi32> to vector<16xi32>
      tpu.vector_store %arg8[%swap3A_265], %swap3A_268 {strides = array<i32>} : memref<80xi32, #tpu.memory_space<vmem>>, vector<16xi32>,
      %add3A_269 = arith.constant 48 : i32
      %add3A_270 = arith.addi %mul3A_241, %add3A_269 : i32
      %get3A_271 = arith.index_cast %add3A_270 : i32 to index
      %get3A_272 = tpu.vector_load %arg7[%get3A_271] {strides = array<i32>} : memref<10000xi32, #tpu.memory_space<vmem>>, vector<16xi32>,
      %get3A_273 = vector.shape_cast %get3A_272 : vector<16xi32> to vector<16xi32>
      %swap3A_274 = arith.constant 48 : index
      %swap3A_275 = tpu.vector_load %arg8[%swap3A_274] {strides = array<i32>} : memref<80xi32, #tpu.memory_space<vmem>>, vector<16xi32>,
      %swap3A_276 = vector.shape_cast %swap3A_275 : vector<16xi32> to vector<16xi32>
      %swap3A_277 = vector.shape_cast %get3A_273 : vector<16xi32> to vector<16xi32>
      tpu.vector_store %arg8[%swap3A_274], %swap3A_277 {strides = array<i32>} : memref<80xi32, #tpu.memory_space<vmem>>, vector<16xi32>,
      %add3A_278 = arith.constant 64 : i32
      %add3A_279 = arith.addi %mul3A_241, %add3A_278 : i32
      %get3A_280 = arith.index_cast %add3A_279 : i32 to index
      %get3A_281 = tpu.vector_load %arg7[%get3A_280] {strides = array<i32>} : memref<10000xi32, #tpu.memory_space<vmem>>, vector<16xi32>,
      %get3A_282 = vector.shape_cast %get3A_281 : vector<16xi32> to vector<16xi32>
      %swap3A_283 = arith.constant 64 : index
      %swap3A_284 = tpu.vector_load %arg8[%swap3A_283] {strides = array<i32>} : memref<80xi32, #tpu.memory_space<vmem>>, vector<16xi32>,
      %swap3A_285 = vector.shape_cast %swap3A_284 : vector<16xi32> to vector<16xi32>
      %swap3A_286 = vector.shape_cast %get3A_282 : vector<16xi32> to vector<16xi32>
      tpu.vector_store %arg8[%swap3A_283], %swap3A_286 {strides = array<i32>} : memref<80xi32, #tpu.memory_space<vmem>>, vector<16xi32>,
      "tpu.region"() ({
        %run_scoped3A = tpu.sem_alloc : memref<!tpu.dma_semaphore, #tpu.memory_space<semaphore_mem>>
        %dma_start3A_341 = arith.constant 0 : i32
        %dma_start3A_342 = arith.constant 0 : i32
        %dma_start3A_343 = tpu.memref_slice %arg12[%dma_start3A_341, %dma_start3A_342] : memref<10000x128xf32, #tpu.memory_space<vmem_shared>> -> memref<10000x128xf32, #tpu.memory_space<vmem_shared>>
        tpu.enqueue_indirect_dma source(%arg9 : memref<80x128xf32, #tpu.memory_space<vmem>>) target(%dma_start3A_343 : memref<10000x128xf32, #tpu.memory_space<vmem_shared>>) offsets(%arg8 : memref<80xi32, #tpu.memory_space<vmem>>) semaphore(%run_scoped3A : memref<!tpu.dma_semaphore, #tpu.memory_space<semaphore_mem>>) {add = true}
        %dma_wait3A_344 = arith.constant 0 : i32
        %dma_wait3A_345 = arith.constant 0 : i32
        %dma_wait3A_346 = tpu.memref_slice %arg12[%dma_wait3A_344, %dma_wait3A_345] : memref<10000x128xf32, #tpu.memory_space<vmem_shared>> -> memref<10000x128xf32, #tpu.memory_space<vmem_shared>>
        tpu.wait_indirect_dma semaphore(%run_scoped3A : memref<!tpu.dma_semaphore, #tpu.memory_space<semaphore_mem>>) src(%arg9 : memref<80x128xf32, #tpu.memory_space<vmem>>) dst(%dma_wait3A_346 : memref<10000x128xf32, #tpu.memory_space<vmem_shared>>)
        tpu.yield
      }) : () -> ()
      %dma_wait3A_287 = tpu.memref_slice %arg6[%mul3A_229] : memref<10000xi32, #tpu.memory_space<vmem>> -> memref<80xi32, #tpu.memory_space<vmem>>
      %dma_wait3A_288 = arith.constant 0 : i32
      %dma_wait3A_289 = arith.constant 0 : i32
      %dma_wait3A_290 = tpu.memref_slice %arg2[%dma_wait3A_288, %dma_wait3A_289] : memref<10000x128xf32, #tpu.memory_space<hbm>> -> memref<10000x128xf32, #tpu.memory_space<hbm>>
      tpu.wait_indirect_dma semaphore(%arg14 : memref<!tpu.dma_semaphore, #tpu.memory_space<semaphore_mem>>) src(%dma_wait3A_290 : memref<10000x128xf32, #tpu.memory_space<hbm>>) dst(%arg10 : memref<80x128xf32, #tpu.memory_space<vmem>>)
      %add3A_291 = arith.constant 4 : i32
      %add3A_292 = arith.addi %mul3A_32, %add3A_291 : i32
      %mul3A_293 = arith.constant 80 : i32
      %mul3A_294 = arith.muli %add3A_292, %mul3A_293 : i32
      %add3A_295 = arith.constant 0 : i32
      %add3A_296 = arith.addi %mul3A_294, %add3A_295 : i32
      %get3A_297 = arith.index_cast %add3A_296 : i32 to index
      %get3A_298 = tpu.vector_load %arg7[%get3A_297] {strides = array<i32>} : memref<10000xi32, #tpu.memory_space<vmem>>, vector<16xi32>,
      %get3A_299 = vector.shape_cast %get3A_298 : vector<16xi32> to vector<16xi32>
      %swap3A_300 = arith.constant 0 : index
      %swap3A_301 = tpu.vector_load %arg8[%swap3A_300] {strides = array<i32>} : memref<80xi32, #tpu.memory_space<vmem>>, vector<16xi32>,
      %swap3A_302 = vector.shape_cast %swap3A_301 : vector<16xi32> to vector<16xi32>
      %swap3A_303 = vector.shape_cast %get3A_299 : vector<16xi32> to vector<16xi32>
      tpu.vector_store %arg8[%swap3A_300], %swap3A_303 {strides = array<i32>} : memref<80xi32, #tpu.memory_space<vmem>>, vector<16xi32>,
      %add3A_304 = arith.constant 16 : i32
      %add3A_305 = arith.addi %mul3A_294, %add3A_304 : i32
      %get3A_306 = arith.index_cast %add3A_305 : i32 to index
      %get3A_307 = tpu.vector_load %arg7[%get3A_306] {strides = array<i32>} : memref<10000xi32, #tpu.memory_space<vmem>>, vector<16xi32>,
      %get3A_308 = vector.shape_cast %get3A_307 : vector<16xi32> to vector<16xi32>
      %swap3A_309 = arith.constant 16 : index
      %swap3A_310 = tpu.vector_load %arg8[%swap3A_309] {strides = array<i32>} : memref<80xi32, #tpu.memory_space<vmem>>, vector<16xi32>,
      %swap3A_311 = vector.shape_cast %swap3A_310 : vector<16xi32> to vector<16xi32>
      %swap3A_312 = vector.shape_cast %get3A_308 : vector<16xi32> to vector<16xi32>
      tpu.vector_store %arg8[%swap3A_309], %swap3A_312 {strides = array<i32>} : memref<80xi32, #tpu.memory_space<vmem>>, vector<16xi32>,
      %add3A_313 = arith.constant 32 : i32
      %add3A_314 = arith.addi %mul3A_294, %add3A_313 : i32
      %get3A_315 = arith.index_cast %add3A_314 : i32 to index
      %get3A_316 = tpu.vector_load %arg7[%get3A_315] {strides = array<i32>} : memref<10000xi32, #tpu.memory_space<vmem>>, vector<16xi32>,
      %get3A_317 = vector.shape_cast %get3A_316 : vector<16xi32> to vector<16xi32>
      %swap3A_318 = arith.constant 32 : index
      %swap3A_319 = tpu.vector_load %arg8[%swap3A_318] {strides = array<i32>} : memref<80xi32, #tpu.memory_space<vmem>>, vector<16xi32>,
      %swap3A_320 = vector.shape_cast %swap3A_319 : vector<16xi32> to vector<16xi32>
      %swap3A_321 = vector.shape_cast %get3A_317 : vector<16xi32> to vector<16xi32>
      tpu.vector_store %arg8[%swap3A_318], %swap3A_321 {strides = array<i32>} : memref<80xi32, #tpu.memory_space<vmem>>, vector<16xi32>,
      %add3A_322 = arith.constant 48 : i32
      %add3A_323 = arith.addi %mul3A_294, %add3A_322 : i32
      %get3A_324 = arith.index_cast %add3A_323 : i32 to index
      %get3A_325 = tpu.vector_load %arg7[%get3A_324] {strides = array<i32>} : memref<10000xi32, #tpu.memory_space<vmem>>, vector<16xi32>,
      %get3A_326 = vector.shape_cast %get3A_325 : vector<16xi32> to vector<16xi32>
      %swap3A_327 = arith.constant 48 : index
      %swap3A_328 = tpu.vector_load %arg8[%swap3A_327] {strides = array<i32>} : memref<80xi32, #tpu.memory_space<vmem>>, vector<16xi32>,
      %swap3A_329 = vector.shape_cast %swap3A_328 : vector<16xi32> to vector<16xi32>
      %swap3A_330 = vector.shape_cast %get3A_326 : vector<16xi32> to vector<16xi32>
      tpu.vector_store %arg8[%swap3A_327], %swap3A_330 {strides = array<i32>} : memref<80xi32, #tpu.memory_space<vmem>>, vector<16xi32>,
      %add3A_331 = arith.constant 64 : i32
      %add3A_332 = arith.addi %mul3A_294, %add3A_331 : i32
      %get3A_333 = arith.index_cast %add3A_332 : i32 to index
      %get3A_334 = tpu.vector_load %arg7[%get3A_333] {strides = array<i32>} : memref<10000xi32, #tpu.memory_space<vmem>>, vector<16xi32>,
      %get3A_335 = vector.shape_cast %get3A_334 : vector<16xi32> to vector<16xi32>
      %swap3A_336 = arith.constant 64 : index
      %swap3A_337 = tpu.vector_load %arg8[%swap3A_336] {strides = array<i32>} : memref<80xi32, #tpu.memory_space<vmem>>, vector<16xi32>,
      %swap3A_338 = vector.shape_cast %swap3A_337 : vector<16xi32> to vector<16xi32>
      %swap3A_339 = vector.shape_cast %get3A_335 : vector<16xi32> to vector<16xi32>
      tpu.vector_store %arg8[%swap3A_336], %swap3A_339 {strides = array<i32>} : memref<80xi32, #tpu.memory_space<vmem>>, vector<16xi32>,
      "tpu.region"() ({
        %run_scoped3A = tpu.sem_alloc : memref<!tpu.dma_semaphore, #tpu.memory_space<semaphore_mem>>
        %dma_start3A_341 = arith.constant 0 : i32
        %dma_start3A_342 = arith.constant 0 : i32
        %dma_start3A_343 = tpu.memref_slice %arg12[%dma_start3A_341, %dma_start3A_342] : memref<10000x128xf32, #tpu.memory_space<vmem_shared>> -> memref<10000x128xf32, #tpu.memory_space<vmem_shared>>
        tpu.enqueue_indirect_dma source(%arg10 : memref<80x128xf32, #tpu.memory_space<vmem>>) target(%dma_start3A_343 : memref<10000x128xf32, #tpu.memory_space<vmem_shared>>) offsets(%arg8 : memref<80xi32, #tpu.memory_space<vmem>>) semaphore(%run_scoped3A : memref<!tpu.dma_semaphore, #tpu.memory_space<semaphore_mem>>) {add = true}
        %dma_wait3A_344 = arith.constant 0 : i32
        %dma_wait3A_345 = arith.constant 0 : i32
        %dma_wait3A_346 = tpu.memref_slice %arg12[%dma_wait3A_344, %dma_wait3A_345] : memref<10000x128xf32, #tpu.memory_space<vmem_shared>> -> memref<10000x128xf32, #tpu.memory_space<vmem_shared>>
        tpu.wait_indirect_dma semaphore(%run_scoped3A : memref<!tpu.dma_semaphore, #tpu.memory_space<semaphore_mem>>) src(%arg10 : memref<80x128xf32, #tpu.memory_space<vmem>>) dst(%dma_wait3A_346 : memref<10000x128xf32, #tpu.memory_space<vmem_shared>>)
        tpu.yield
      }) : () -> ()
      %scan3A_340 = arith.constant 0 : i32
      scf.yield %scan3A_340 : i32
    }
    %scan3A_20 = arith.constant 25 : i32
    %barrier3A_21 = arith.constant 0 : index
    tpu.barrier barrier_id(%barrier3A_21)
    %scan3A_22 = arith.constant 0 : i32
    %scan3A_23 = arith.constant 0 : i32
    %scan3A_24 = arith.constant 8 : i32
    %scan3A_25 = arith.addi %scan3A_23, %scan3A_24 : i32
    %scan3A_26 = arith.constant 1 : i32
    %scan3A_27 = scf.for %scan3A_29 = %scan3A_23 to %scan3A_25 step %scan3A_26 iter_args(%scan3A_30 = %scan3A_22) -> (i32)  : i32 {
      %mul3A_31 = arith.constant 16 : i32
      %mul3A_32 = arith.muli %scan3A_29, %mul3A_31 : i32
      %add3A_33 = arith.addi %arg1, %mul3A_32 : i32
      %lt3A = arith.constant 125 : i32
      %lt3A_34 = arith.cmpi slt, %add3A_33, %lt3A : i32
      %convert_element_type3A = arith.extui %lt3A_34 : i1 to i32
      %cond3A = arith.constant 0 : i32
      %cond3A_35 = arith.cmpi ne, %convert_element_type3A, %cond3A : i32
      scf.if %cond3A_35 {
        %mul3A_37 = arith.constant 80 : i32
        %mul3A_38 = arith.muli %add3A_33, %mul3A_37 : i32
        %mul3A_39 = arith.constant 10000 : i32
        %mul3A_40 = arith.muli %arg0, %mul3A_39 : i32
        %mul3A_41 = arith.constant 80 : i32
        %mul3A_42 = arith.muli %add3A_33, %mul3A_41 : i32
        %add3A_43 = arith.addi %mul3A_40, %mul3A_42 : i32
        "tpu.region"() ({
          %run_scoped3A = tpu.sem_alloc : memref<!tpu.dma_semaphore, #tpu.memory_space<semaphore_mem>>
          %dma_start3A = arith.constant 0 : i32
          %dma_start3A_44 = tpu.memref_slice %arg5[%add3A_43, %dma_start3A] : memref<20000x128xf32, #tpu.memory_space<hbm>> -> memref<80x128xf32, #tpu.memory_space<hbm>>
          %dma_start3A_45 = arith.constant 0 : i32
          %dma_start3A_46 = tpu.memref_slice %arg12[%mul3A_38, %dma_start3A_45] : memref<10000x128xf32, #tpu.memory_space<vmem_shared>> -> memref<80x128xf32, #tpu.memory_space<vmem_shared>>
          tpu.enqueue_dma source(%dma_start3A_46 : memref<80x128xf32, #tpu.memory_space<vmem_shared>>) target(%dma_start3A_44 : memref<80x128xf32, #tpu.memory_space<hbm>>) target_semaphore(%run_scoped3A : memref<!tpu.dma_semaphore, #tpu.memory_space<semaphore_mem>>)
          %dma_wait3A = arith.constant 0 : i32
          %dma_wait3A_47 = tpu.memref_slice %arg5[%add3A_43, %dma_wait3A] : memref<20000x128xf32, #tpu.memory_space<hbm>> -> memref<80x128xf32, #tpu.memory_space<hbm>>
          %dma_wait3A_48 = arith.constant 0 : i32
          %dma_wait3A_49 = tpu.memref_slice %arg12[%mul3A_38, %dma_wait3A_48] : memref<10000x128xf32, #tpu.memory_space<vmem_shared>> -> memref<80x128xf32, #tpu.memory_space<vmem_shared>>
          tpu.wait_dma2 semaphore(%run_scoped3A : memref<!tpu.dma_semaphore, #tpu.memory_space<semaphore_mem>>) src(%dma_wait3A_49 : memref<80x128xf32, #tpu.memory_space<vmem_shared>>) dst(%dma_wait3A_47 : memref<80x128xf32, #tpu.memory_space<hbm>>)
          tpu.yield
        }) : () -> ()
      } else {
      }
      %scan3A_36 = arith.constant 0 : i32
      scf.yield %scan3A_36 : i32
    }
    %scan3A_28 = arith.constant 8 : i32
    return
  }
}

#map = affine_map<(d0, d1) -> (0, 0)>
module attributes {stable_mosaic.version = 14 : i64} {
  func.func @_sc_agg(%arg0: i32, %arg1: i32, %arg2: memref<10000x128xf32, #tpu.memory_space<hbm>>, %arg3: memref<32x10000xi32, #tpu.memory_space<hbm>>, %arg4: memref<32x10000xi32, #tpu.memory_space<hbm>>, %arg5: memref<20000x128xf32, #tpu.memory_space<hbm>>, %arg6: memref<10000xi32, #tpu.memory_space<vmem>>, %arg7: memref<10000xi32, #tpu.memory_space<vmem>>, %arg8: memref<80xi32, #tpu.memory_space<vmem>>, %arg9: memref<80x128xf32, #tpu.memory_space<vmem>>, %arg10: memref<80x128xf32, #tpu.memory_space<vmem>>, %arg11: memref<80x128xf32, #tpu.memory_space<vmem>>, %arg12: memref<10000x128xf32, #tpu.memory_space<vmem_shared>>, %arg13: memref<!tpu.dma_semaphore, #tpu.memory_space<semaphore_mem>>, %arg14: memref<!tpu.dma_semaphore, #tpu.memory_space<semaphore_mem>>, %arg15: memref<!tpu.dma_semaphore, #tpu.memory_space<semaphore_mem>>) attributes {dimension_semantics = [#tpu.dimension_semantics<core_parallel>, #tpu.dimension_semantics<subcore_parallel>], iteration_bounds = array<i64: 2, 16>, scalar_prefetch = 0 : i64, scratch_operands = 10 : i64, tpu.core_type = #tpu.core_type<sc_vector_subcore>, window_params = [{transform_indices = #map}, {transform_indices = #map}, {transform_indices = #map}, {transform_indices = #map}]} {
    %mul3A = arith.constant 16 : i32
    %mul3A_0 = arith.muli %arg0, %mul3A : i32
    %add3A = arith.addi %mul3A_0, %arg1 : i32
    "tpu.region"() ({
      %run_scoped3A = tpu.sem_alloc : memref<!tpu.dma_semaphore, #tpu.memory_space<semaphore_mem>>
      %dma_start3A = arith.constant 0 : i32
      %dma_start3A_29 = tpu.memref_slice %arg3[%add3A, %dma_start3A] : memref<32x10000xi32, #tpu.memory_space<hbm>> -> memref<1x10000xi32, #tpu.memory_space<hbm>>
      %dma_start3A_30 = tpu.memref_squeeze %dma_start3A_29 : memref<1x10000xi32, #tpu.memory_space<hbm>> -> memref<10000xi32, #tpu.memory_space<hbm>>
      %dma_start3A_31 = arith.constant 0 : i32
      %dma_start3A_32 = tpu.memref_slice %arg3[%add3A, %dma_start3A_31] : memref<32x10000xi32, #tpu.memory_space<hbm>> -> memref<1x10000xi32, #tpu.memory_space<hbm>>
      %dma_start3A_33 = tpu.memref_squeeze %dma_start3A_32 : memref<1x10000xi32, #tpu.memory_space<hbm>> -> memref<10000xi32, #tpu.memory_space<hbm>>
      tpu.enqueue_dma source(%dma_start3A_33 : memref<10000xi32, #tpu.memory_space<hbm>>) target(%arg6 : memref<10000xi32, #tpu.memory_space<vmem>>) target_semaphore(%run_scoped3A : memref<!tpu.dma_semaphore, #tpu.memory_space<semaphore_mem>>)
      %dma_wait3A = arith.constant 0 : i32
      %dma_wait3A_34 = tpu.memref_slice %arg3[%add3A, %dma_wait3A] : memref<32x10000xi32, #tpu.memory_space<hbm>> -> memref<1x10000xi32, #tpu.memory_space<hbm>>
      %dma_wait3A_35 = tpu.memref_squeeze %dma_wait3A_34 : memref<1x10000xi32, #tpu.memory_space<hbm>> -> memref<10000xi32, #tpu.memory_space<hbm>>
      %dma_wait3A_36 = arith.constant 0 : i32
      %dma_wait3A_37 = tpu.memref_slice %arg3[%add3A, %dma_wait3A_36] : memref<32x10000xi32, #tpu.memory_space<hbm>> -> memref<1x10000xi32, #tpu.memory_space<hbm>>
      %dma_wait3A_38 = tpu.memref_squeeze %dma_wait3A_37 : memref<1x10000xi32, #tpu.memory_space<hbm>> -> memref<10000xi32, #tpu.memory_space<hbm>>
      tpu.wait_dma2 semaphore(%run_scoped3A : memref<!tpu.dma_semaphore, #tpu.memory_space<semaphore_mem>>) src(%dma_wait3A_38 : memref<10000xi32, #tpu.memory_space<hbm>>) dst(%arg6 : memref<10000xi32, #tpu.memory_space<vmem>>)
      tpu.yield
    }) : () -> ()
    "tpu.region"() ({
      %run_scoped3A = tpu.sem_alloc : memref<!tpu.dma_semaphore, #tpu.memory_space<semaphore_mem>>
      %dma_start3A = arith.constant 0 : i32
      %dma_start3A_29 = tpu.memref_slice %arg4[%add3A, %dma_start3A] : memref<32x10000xi32, #tpu.memory_space<hbm>> -> memref<1x10000xi32, #tpu.memory_space<hbm>>
      %dma_start3A_30 = tpu.memref_squeeze %dma_start3A_29 : memref<1x10000xi32, #tpu.memory_space<hbm>> -> memref<10000xi32, #tpu.memory_space<hbm>>
      %dma_start3A_31 = arith.constant 0 : i32
      %dma_start3A_32 = tpu.memref_slice %arg4[%add3A, %dma_start3A_31] : memref<32x10000xi32, #tpu.memory_space<hbm>> -> memref<1x10000xi32, #tpu.memory_space<hbm>>
      %dma_start3A_33 = tpu.memref_squeeze %dma_start3A_32 : memref<1x10000xi32, #tpu.memory_space<hbm>> -> memref<10000xi32, #tpu.memory_space<hbm>>
      tpu.enqueue_dma source(%dma_start3A_33 : memref<10000xi32, #tpu.memory_space<hbm>>) target(%arg7 : memref<10000xi32, #tpu.memory_space<vmem>>) target_semaphore(%run_scoped3A : memref<!tpu.dma_semaphore, #tpu.memory_space<semaphore_mem>>)
      %dma_wait3A = arith.constant 0 : i32
      %dma_wait3A_34 = tpu.memref_slice %arg4[%add3A, %dma_wait3A] : memref<32x10000xi32, #tpu.memory_space<hbm>> -> memref<1x10000xi32, #tpu.memory_space<hbm>>
      %dma_wait3A_35 = tpu.memref_squeeze %dma_wait3A_34 : memref<1x10000xi32, #tpu.memory_space<hbm>> -> memref<10000xi32, #tpu.memory_space<hbm>>
      %dma_wait3A_36 = arith.constant 0 : i32
      %dma_wait3A_37 = tpu.memref_slice %arg4[%add3A, %dma_wait3A_36] : memref<32x10000xi32, #tpu.memory_space<hbm>> -> memref<1x10000xi32, #tpu.memory_space<hbm>>
      %dma_wait3A_38 = tpu.memref_squeeze %dma_wait3A_37 : memref<1x10000xi32, #tpu.memory_space<hbm>> -> memref<10000xi32, #tpu.memory_space<hbm>>
      tpu.wait_dma2 semaphore(%run_scoped3A : memref<!tpu.dma_semaphore, #tpu.memory_space<semaphore_mem>>) src(%dma_wait3A_38 : memref<10000xi32, #tpu.memory_space<hbm>>) dst(%arg7 : memref<10000xi32, #tpu.memory_space<vmem>>)
      tpu.yield
    }) : () -> ()
    %scan3A = arith.constant 0 : i32
    %scan3A_1 = arith.constant 0 : i32
    %scan3A_2 = arith.constant 80 : i32
    %scan3A_3 = arith.addi %scan3A_1, %scan3A_2 : i32
    %scan3A_4 = arith.constant 1 : i32
    %scan3A_5 = scf.for %scan3A_29 = %scan3A_1 to %scan3A_3 step %scan3A_4 iter_args(%scan3A_30 = %scan3A) -> (i32)  : i32 {
      %broadcast_in_dim3A = arith.constant 0.000000e+00 : f32
      %broadcast_in_dim3A_31 = vector.broadcast %broadcast_in_dim3A : f32 to vector<16xf32>
      %swap3A = arith.index_cast %scan3A_29 : i32 to index
      %swap3A_32 = arith.constant 0 : index
      %swap3A_33 = tpu.vector_load %arg9[%swap3A, %swap3A_32] {strides = array<i32>} : memref<80x128xf32, #tpu.memory_space<vmem>>, vector<1x16xf32>,
      %swap3A_34 = vector.shape_cast %swap3A_33 : vector<1x16xf32> to vector<16xf32>
      %swap3A_35 = vector.shape_cast %broadcast_in_dim3A_31 : vector<16xf32> to vector<1x16xf32>
      tpu.vector_store %arg9[%swap3A, %swap3A_32], %swap3A_35 {strides = array<i32>} : memref<80x128xf32, #tpu.memory_space<vmem>>, vector<1x16xf32>,
      %broadcast_in_dim3A_36 = arith.constant 0.000000e+00 : f32
      %broadcast_in_dim3A_37 = vector.broadcast %broadcast_in_dim3A_36 : f32 to vector<16xf32>
      %swap3A_38 = arith.index_cast %scan3A_29 : i32 to index
      %swap3A_39 = arith.constant 16 : index
      %swap3A_40 = tpu.vector_load %arg9[%swap3A_38, %swap3A_39] {strides = array<i32>} : memref<80x128xf32, #tpu.memory_space<vmem>>, vector<1x16xf32>,
      %swap3A_41 = vector.shape_cast %swap3A_40 : vector<1x16xf32> to vector<16xf32>
      %swap3A_42 = vector.shape_cast %broadcast_in_dim3A_37 : vector<16xf32> to vector<1x16xf32>
      tpu.vector_store %arg9[%swap3A_38, %swap3A_39], %swap3A_42 {strides = array<i32>} : memref<80x128xf32, #tpu.memory_space<vmem>>, vector<1x16xf32>,
      %broadcast_in_dim3A_43 = arith.constant 0.000000e+00 : f32
      %broadcast_in_dim3A_44 = vector.broadcast %broadcast_in_dim3A_43 : f32 to vector<16xf32>
      %swap3A_45 = arith.index_cast %scan3A_29 : i32 to index
      %swap3A_46 = arith.constant 32 : index
      %swap3A_47 = tpu.vector_load %arg9[%swap3A_45, %swap3A_46] {strides = array<i32>} : memref<80x128xf32, #tpu.memory_space<vmem>>, vector<1x16xf32>,
      %swap3A_48 = vector.shape_cast %swap3A_47 : vector<1x16xf32> to vector<16xf32>
      %swap3A_49 = vector.shape_cast %broadcast_in_dim3A_44 : vector<16xf32> to vector<1x16xf32>
      tpu.vector_store %arg9[%swap3A_45, %swap3A_46], %swap3A_49 {strides = array<i32>} : memref<80x128xf32, #tpu.memory_space<vmem>>, vector<1x16xf32>,
      %broadcast_in_dim3A_50 = arith.constant 0.000000e+00 : f32
      %broadcast_in_dim3A_51 = vector.broadcast %broadcast_in_dim3A_50 : f32 to vector<16xf32>
      %swap3A_52 = arith.index_cast %scan3A_29 : i32 to index
      %swap3A_53 = arith.constant 48 : index
      %swap3A_54 = tpu.vector_load %arg9[%swap3A_52, %swap3A_53] {strides = array<i32>} : memref<80x128xf32, #tpu.memory_space<vmem>>, vector<1x16xf32>,
      %swap3A_55 = vector.shape_cast %swap3A_54 : vector<1x16xf32> to vector<16xf32>
      %swap3A_56 = vector.shape_cast %broadcast_in_dim3A_51 : vector<16xf32> to vector<1x16xf32>
      tpu.vector_store %arg9[%swap3A_52, %swap3A_53], %swap3A_56 {strides = array<i32>} : memref<80x128xf32, #tpu.memory_space<vmem>>, vector<1x16xf32>,
      %broadcast_in_dim3A_57 = arith.constant 0.000000e+00 : f32
      %broadcast_in_dim3A_58 = vector.broadcast %broadcast_in_dim3A_57 : f32 to vector<16xf32>
      %swap3A_59 = arith.index_cast %scan3A_29 : i32 to index
      %swap3A_60 = arith.constant 64 : index
      %swap3A_61 = tpu.vector_load %arg9[%swap3A_59, %swap3A_60] {strides = array<i32>} : memref<80x128xf32, #tpu.memory_space<vmem>>, vector<1x16xf32>,
      %swap3A_62 = vector.shape_cast %swap3A_61 : vector<1x16xf32> to vector<16xf32>
      %swap3A_63 = vector.shape_cast %broadcast_in_dim3A_58 : vector<16xf32> to vector<1x16xf32>
      tpu.vector_store %arg9[%swap3A_59, %swap3A_60], %swap3A_63 {strides = array<i32>} : memref<80x128xf32, #tpu.memory_space<vmem>>, vector<1x16xf32>,
      %broadcast_in_dim3A_64 = arith.constant 0.000000e+00 : f32
      %broadcast_in_dim3A_65 = vector.broadcast %broadcast_in_dim3A_64 : f32 to vector<16xf32>
      %swap3A_66 = arith.index_cast %scan3A_29 : i32 to index
      %swap3A_67 = arith.constant 80 : index
      %swap3A_68 = tpu.vector_load %arg9[%swap3A_66, %swap3A_67] {strides = array<i32>} : memref<80x128xf32, #tpu.memory_space<vmem>>, vector<1x16xf32>,
      %swap3A_69 = vector.shape_cast %swap3A_68 : vector<1x16xf32> to vector<16xf32>
      %swap3A_70 = vector.shape_cast %broadcast_in_dim3A_65 : vector<16xf32> to vector<1x16xf32>
      tpu.vector_store %arg9[%swap3A_66, %swap3A_67], %swap3A_70 {strides = array<i32>} : memref<80x128xf32, #tpu.memory_space<vmem>>, vector<1x16xf32>,
      %broadcast_in_dim3A_71 = arith.constant 0.000000e+00 : f32
      %broadcast_in_dim3A_72 = vector.broadcast %broadcast_in_dim3A_71 : f32 to vector<16xf32>
      %swap3A_73 = arith.index_cast %scan3A_29 : i32 to index
      %swap3A_74 = arith.constant 96 : index
      %swap3A_75 = tpu.vector_load %arg9[%swap3A_73, %swap3A_74] {strides = array<i32>} : memref<80x128xf32, #tpu.memory_space<vmem>>, vector<1x16xf32>,
      %swap3A_76 = vector.shape_cast %swap3A_75 : vector<1x16xf32> to vector<16xf32>
      %swap3A_77 = vector.shape_cast %broadcast_in_dim3A_72 : vector<16xf32> to vector<1x16xf32>
      tpu.vector_store %arg9[%swap3A_73, %swap3A_74], %swap3A_77 {strides = array<i32>} : memref<80x128xf32, #tpu.memory_space<vmem>>, vector<1x16xf32>,
      %broadcast_in_dim3A_78 = arith.constant 0.000000e+00 : f32
      %broadcast_in_dim3A_79 = vector.broadcast %broadcast_in_dim3A_78 : f32 to vector<16xf32>
      %swap3A_80 = arith.index_cast %scan3A_29 : i32 to index
      %swap3A_81 = arith.constant 112 : index
      %swap3A_82 = tpu.vector_load %arg9[%swap3A_80, %swap3A_81] {strides = array<i32>} : memref<80x128xf32, #tpu.memory_space<vmem>>, vector<1x16xf32>,
      %swap3A_83 = vector.shape_cast %swap3A_82 : vector<1x16xf32> to vector<16xf32>
      %swap3A_84 = vector.shape_cast %broadcast_in_dim3A_79 : vector<16xf32> to vector<1x16xf32>
      tpu.vector_store %arg9[%swap3A_80, %swap3A_81], %swap3A_84 {strides = array<i32>} : memref<80x128xf32, #tpu.memory_space<vmem>>, vector<1x16xf32>,
      %scan3A_85 = arith.constant 0 : i32
      scf.yield %scan3A_85 : i32
    }
    %scan3A_6 = arith.constant 80 : i32
    %scan3A_7 = arith.constant 0 : i32
    %scan3A_8 = arith.constant 0 : i32
    %scan3A_9 = arith.constant 8 : i32
    %scan3A_10 = arith.addi %scan3A_8, %scan3A_9 : i32
    %scan3A_11 = arith.constant 1 : i32
    %scan3A_12 = scf.for %scan3A_29 = %scan3A_8 to %scan3A_10 step %scan3A_11 iter_args(%scan3A_30 = %scan3A_7) -> (i32)  : i32 {
      %mul3A_31 = arith.constant 16 : i32
      %mul3A_32 = arith.muli %scan3A_29, %mul3A_31 : i32
      %add3A_33 = arith.addi %arg1, %mul3A_32 : i32
      %lt3A = arith.constant 125 : i32
      %lt3A_34 = arith.cmpi slt, %add3A_33, %lt3A : i32
      %convert_element_type3A = arith.extui %lt3A_34 : i1 to i32
      %cond3A = arith.constant 0 : i32
      %cond3A_35 = arith.cmpi ne, %convert_element_type3A, %cond3A : i32
      scf.if %cond3A_35 {
        %mul3A_37 = arith.constant 80 : i32
        %mul3A_38 = arith.muli %add3A_33, %mul3A_37 : i32
        "tpu.region"() ({
          %run_scoped3A = tpu.sem_alloc : memref<!tpu.dma_semaphore, #tpu.memory_space<semaphore_mem>>
          %dma_start3A = arith.constant 0 : i32
          %dma_start3A_39 = arith.constant 0 : i32
          %dma_start3A_40 = tpu.memref_slice %arg9[%dma_start3A, %dma_start3A_39] : memref<80x128xf32, #tpu.memory_space<vmem>> -> memref<80x128xf32, #tpu.memory_space<vmem>>
          %dma_start3A_41 = arith.constant 0 : i32
          %dma_start3A_42 = tpu.memref_slice %arg12[%mul3A_38, %dma_start3A_41] : memref<10000x128xf32, #tpu.memory_space<vmem_shared>> -> memref<80x128xf32, #tpu.memory_space<vmem_shared>>
          %dma_start3A_43 = arith.constant 0 : i32
          %dma_start3A_44 = tpu.memref_slice %arg12[%mul3A_38, %dma_start3A_43] : memref<10000x128xf32, #tpu.memory_space<vmem_shared>> -> memref<80x128xf32, #tpu.memory_space<vmem_shared>>
          %dma_start3A_45 = arith.constant 0 : i32
          %dma_start3A_46 = arith.constant 0 : i32
          %dma_start3A_47 = tpu.memref_slice %arg9[%dma_start3A_45, %dma_start3A_46] : memref<80x128xf32, #tpu.memory_space<vmem>> -> memref<80x128xf32, #tpu.memory_space<vmem>>
          tpu.enqueue_dma source(%dma_start3A_47 : memref<80x128xf32, #tpu.memory_space<vmem>>) target(%dma_start3A_44 : memref<80x128xf32, #tpu.memory_space<vmem_shared>>) target_semaphore(%run_scoped3A : memref<!tpu.dma_semaphore, #tpu.memory_space<semaphore_mem>>)
          %dma_wait3A = arith.constant 0 : i32
          %dma_wait3A_48 = arith.constant 0 : i32
          %dma_wait3A_49 = tpu.memref_slice %arg9[%dma_wait3A, %dma_wait3A_48] : memref<80x128xf32, #tpu.memory_space<vmem>> -> memref<80x128xf32, #tpu.memory_space<vmem>>
          %dma_wait3A_50 = arith.constant 0 : i32
          %dma_wait3A_51 = tpu.memref_slice %arg12[%mul3A_38, %dma_wait3A_50] : memref<10000x128xf32, #tpu.memory_space<vmem_shared>> -> memref<80x128xf32, #tpu.memory_space<vmem_shared>>
          %dma_wait3A_52 = arith.constant 0 : i32
          %dma_wait3A_53 = tpu.memref_slice %arg12[%mul3A_38, %dma_wait3A_52] : memref<10000x128xf32, #tpu.memory_space<vmem_shared>> -> memref<80x128xf32, #tpu.memory_space<vmem_shared>>
          %dma_wait3A_54 = arith.constant 0 : i32
          %dma_wait3A_55 = arith.constant 0 : i32
          %dma_wait3A_56 = tpu.memref_slice %arg9[%dma_wait3A_54, %dma_wait3A_55] : memref<80x128xf32, #tpu.memory_space<vmem>> -> memref<80x128xf32, #tpu.memory_space<vmem>>
          tpu.wait_dma2 semaphore(%run_scoped3A : memref<!tpu.dma_semaphore, #tpu.memory_space<semaphore_mem>>) src(%dma_wait3A_56 : memref<80x128xf32, #tpu.memory_space<vmem>>) dst(%dma_wait3A_53 : memref<80x128xf32, #tpu.memory_space<vmem_shared>>)
          tpu.yield
        }) : () -> ()
      } else {
      }
      %scan3A_36 = arith.constant 0 : i32
      scf.yield %scan3A_36 : i32
    }
    %scan3A_13 = arith.constant 8 : i32
    %barrier3A = arith.constant 0 : index
    tpu.barrier barrier_id(%barrier3A)
    %scan3A_14 = arith.constant 0 : i32
    %scan3A_15 = arith.constant 0 : i32
    %scan3A_16 = arith.constant 25 : i32
    %scan3A_17 = arith.addi %scan3A_15, %scan3A_16 : i32
    %scan3A_18 = arith.constant 1 : i32
    %scan3A_19 = scf.for %scan3A_29 = %scan3A_15 to %scan3A_17 step %scan3A_18 iter_args(%scan3A_30 = %scan3A_14) -> (i32)  : i32 {
      %mul3A_31 = arith.constant 5 : i32
      %mul3A_32 = arith.muli %mul3A_31, %scan3A_29 : i32
      %add3A_33 = arith.constant 0 : i32
      %add3A_34 = arith.addi %mul3A_32, %add3A_33 : i32
      %mul3A_35 = arith.constant 80 : i32
      %mul3A_36 = arith.muli %add3A_34, %mul3A_35 : i32
      %dma_start3A = tpu.memref_slice %arg6[%mul3A_36] : memref<10000xi32, #tpu.memory_space<vmem>> -> memref<80xi32, #tpu.memory_space<vmem>>
      %dma_start3A_37 = arith.constant 0 : i32
      %dma_start3A_38 = arith.constant 0 : i32
      %dma_start3A_39 = tpu.memref_slice %arg2[%dma_start3A_37, %dma_start3A_38] : memref<10000x128xf32, #tpu.memory_space<hbm>> -> memref<10000x128xf32, #tpu.memory_space<hbm>>
      tpu.enqueue_indirect_dma source(%dma_start3A_39 : memref<10000x128xf32, #tpu.memory_space<hbm>>) target(%arg9 : memref<80x128xf32, #tpu.memory_space<vmem>>) offsets(%dma_start3A : memref<80xi32, #tpu.memory_space<vmem>>) semaphore(%arg13 : memref<!tpu.dma_semaphore, #tpu.memory_space<semaphore_mem>>)
      %add3A_40 = arith.constant 1 : i32
      %add3A_41 = arith.addi %mul3A_32, %add3A_40 : i32
      %mul3A_42 = arith.constant 80 : i32
      %mul3A_43 = arith.muli %add3A_41, %mul3A_42 : i32
      %dma_start3A_44 = tpu.memref_slice %arg6[%mul3A_43] : memref<10000xi32, #tpu.memory_space<vmem>> -> memref<80xi32, #tpu.memory_space<vmem>>
      %dma_start3A_45 = arith.constant 0 : i32
      %dma_start3A_46 = arith.constant 0 : i32
      %dma_start3A_47 = tpu.memref_slice %arg2[%dma_start3A_45, %dma_start3A_46] : memref<10000x128xf32, #tpu.memory_space<hbm>> -> memref<10000x128xf32, #tpu.memory_space<hbm>>
      tpu.enqueue_indirect_dma source(%dma_start3A_47 : memref<10000x128xf32, #tpu.memory_space<hbm>>) target(%arg10 : memref<80x128xf32, #tpu.memory_space<vmem>>) offsets(%dma_start3A_44 : memref<80xi32, #tpu.memory_space<vmem>>) semaphore(%arg14 : memref<!tpu.dma_semaphore, #tpu.memory_space<semaphore_mem>>)
      %dma_wait3A = tpu.memref_slice %arg6[%mul3A_36] : memref<10000xi32, #tpu.memory_space<vmem>> -> memref<80xi32, #tpu.memory_space<vmem>>
      %dma_wait3A_48 = arith.constant 0 : i32
      %dma_wait3A_49 = arith.constant 0 : i32
      %dma_wait3A_50 = tpu.memref_slice %arg2[%dma_wait3A_48, %dma_wait3A_49] : memref<10000x128xf32, #tpu.memory_space<hbm>> -> memref<10000x128xf32, #tpu.memory_space<hbm>>
      tpu.wait_indirect_dma semaphore(%arg13 : memref<!tpu.dma_semaphore, #tpu.memory_space<semaphore_mem>>) src(%dma_wait3A_50 : memref<10000x128xf32, #tpu.memory_space<hbm>>) dst(%arg9 : memref<80x128xf32, #tpu.memory_space<vmem>>)
      %add3A_51 = arith.constant 0 : i32
      %add3A_52 = arith.addi %mul3A_32, %add3A_51 : i32
      %mul3A_53 = arith.constant 80 : i32
      %mul3A_54 = arith.muli %add3A_52, %mul3A_53 : i32
      %add3A_55 = arith.constant 0 : i32
      %add3A_56 = arith.addi %mul3A_54, %add3A_55 : i32
      %get3A = arith.index_cast %add3A_56 : i32 to index
      %get3A_57 = tpu.vector_load %arg7[%get3A] {strides = array<i32>} : memref<10000xi32, #tpu.memory_space<vmem>>, vector<16xi32>,
      %get3A_58 = vector.shape_cast %get3A_57 : vector<16xi32> to vector<16xi32>
      %swap3A = arith.constant 0 : index
      %swap3A_59 = tpu.vector_load %arg8[%swap3A] {strides = array<i32>} : memref<80xi32, #tpu.memory_space<vmem>>, vector<16xi32>,
      %swap3A_60 = vector.shape_cast %swap3A_59 : vector<16xi32> to vector<16xi32>
      %swap3A_61 = vector.shape_cast %get3A_58 : vector<16xi32> to vector<16xi32>
      tpu.vector_store %arg8[%swap3A], %swap3A_61 {strides = array<i32>} : memref<80xi32, #tpu.memory_space<vmem>>, vector<16xi32>,
      %add3A_62 = arith.constant 16 : i32
      %add3A_63 = arith.addi %mul3A_54, %add3A_62 : i32
      %get3A_64 = arith.index_cast %add3A_63 : i32 to index
      %get3A_65 = tpu.vector_load %arg7[%get3A_64] {strides = array<i32>} : memref<10000xi32, #tpu.memory_space<vmem>>, vector<16xi32>,
      %get3A_66 = vector.shape_cast %get3A_65 : vector<16xi32> to vector<16xi32>
      %swap3A_67 = arith.constant 16 : index
      %swap3A_68 = tpu.vector_load %arg8[%swap3A_67] {strides = array<i32>} : memref<80xi32, #tpu.memory_space<vmem>>, vector<16xi32>,
      %swap3A_69 = vector.shape_cast %swap3A_68 : vector<16xi32> to vector<16xi32>
      %swap3A_70 = vector.shape_cast %get3A_66 : vector<16xi32> to vector<16xi32>
      tpu.vector_store %arg8[%swap3A_67], %swap3A_70 {strides = array<i32>} : memref<80xi32, #tpu.memory_space<vmem>>, vector<16xi32>,
      %add3A_71 = arith.constant 32 : i32
      %add3A_72 = arith.addi %mul3A_54, %add3A_71 : i32
      %get3A_73 = arith.index_cast %add3A_72 : i32 to index
      %get3A_74 = tpu.vector_load %arg7[%get3A_73] {strides = array<i32>} : memref<10000xi32, #tpu.memory_space<vmem>>, vector<16xi32>,
      %get3A_75 = vector.shape_cast %get3A_74 : vector<16xi32> to vector<16xi32>
      %swap3A_76 = arith.constant 32 : index
      %swap3A_77 = tpu.vector_load %arg8[%swap3A_76] {strides = array<i32>} : memref<80xi32, #tpu.memory_space<vmem>>, vector<16xi32>,
      %swap3A_78 = vector.shape_cast %swap3A_77 : vector<16xi32> to vector<16xi32>
      %swap3A_79 = vector.shape_cast %get3A_75 : vector<16xi32> to vector<16xi32>
      tpu.vector_store %arg8[%swap3A_76], %swap3A_79 {strides = array<i32>} : memref<80xi32, #tpu.memory_space<vmem>>, vector<16xi32>,
      %add3A_80 = arith.constant 48 : i32
      %add3A_81 = arith.addi %mul3A_54, %add3A_80 : i32
      %get3A_82 = arith.index_cast %add3A_81 : i32 to index
      %get3A_83 = tpu.vector_load %arg7[%get3A_82] {strides = array<i32>} : memref<10000xi32, #tpu.memory_space<vmem>>, vector<16xi32>,
      %get3A_84 = vector.shape_cast %get3A_83 : vector<16xi32> to vector<16xi32>
      %swap3A_85 = arith.constant 48 : index
      %swap3A_86 = tpu.vector_load %arg8[%swap3A_85] {strides = array<i32>} : memref<80xi32, #tpu.memory_space<vmem>>, vector<16xi32>,
      %swap3A_87 = vector.shape_cast %swap3A_86 : vector<16xi32> to vector<16xi32>
      %swap3A_88 = vector.shape_cast %get3A_84 : vector<16xi32> to vector<16xi32>
      tpu.vector_store %arg8[%swap3A_85], %swap3A_88 {strides = array<i32>} : memref<80xi32, #tpu.memory_space<vmem>>, vector<16xi32>,
      %add3A_89 = arith.constant 64 : i32
      %add3A_90 = arith.addi %mul3A_54, %add3A_89 : i32
      %get3A_91 = arith.index_cast %add3A_90 : i32 to index
      %get3A_92 = tpu.vector_load %arg7[%get3A_91] {strides = array<i32>} : memref<10000xi32, #tpu.memory_space<vmem>>, vector<16xi32>,
      %get3A_93 = vector.shape_cast %get3A_92 : vector<16xi32> to vector<16xi32>
      %swap3A_94 = arith.constant 64 : index
      %swap3A_95 = tpu.vector_load %arg8[%swap3A_94] {strides = array<i32>} : memref<80xi32, #tpu.memory_space<vmem>>, vector<16xi32>,
      %swap3A_96 = vector.shape_cast %swap3A_95 : vector<16xi32> to vector<16xi32>
      %swap3A_97 = vector.shape_cast %get3A_93 : vector<16xi32> to vector<16xi32>
      tpu.vector_store %arg8[%swap3A_94], %swap3A_97 {strides = array<i32>} : memref<80xi32, #tpu.memory_space<vmem>>, vector<16xi32>,
      "tpu.region"() ({
        %run_scoped3A = tpu.sem_alloc : memref<!tpu.dma_semaphore, #tpu.memory_space<semaphore_mem>>
        %dma_start3A_341 = arith.constant 0 : i32
        %dma_start3A_342 = arith.constant 0 : i32
        %dma_start3A_343 = tpu.memref_slice %arg12[%dma_start3A_341, %dma_start3A_342] : memref<10000x128xf32, #tpu.memory_space<vmem_shared>> -> memref<10000x128xf32, #tpu.memory_space<vmem_shared>>
        tpu.enqueue_indirect_dma source(%arg9 : memref<80x128xf32, #tpu.memory_space<vmem>>) target(%dma_start3A_343 : memref<10000x128xf32, #tpu.memory_space<vmem_shared>>) offsets(%arg8 : memref<80xi32, #tpu.memory_space<vmem>>) semaphore(%run_scoped3A : memref<!tpu.dma_semaphore, #tpu.memory_space<semaphore_mem>>) {add = true}
        %dma_wait3A_344 = arith.constant 0 : i32
        %dma_wait3A_345 = arith.constant 0 : i32
        %dma_wait3A_346 = tpu.memref_slice %arg12[%dma_wait3A_344, %dma_wait3A_345] : memref<10000x128xf32, #tpu.memory_space<vmem_shared>> -> memref<10000x128xf32, #tpu.memory_space<vmem_shared>>
        tpu.wait_indirect_dma semaphore(%run_scoped3A : memref<!tpu.dma_semaphore, #tpu.memory_space<semaphore_mem>>) src(%arg9 : memref<80x128xf32, #tpu.memory_space<vmem>>) dst(%dma_wait3A_346 : memref<10000x128xf32, #tpu.memory_space<vmem_shared>>)
        tpu.yield
      }) : () -> ()
      %add3A_98 = arith.constant 0 : i32
      %add3A_99 = arith.addi %mul3A_32, %add3A_98 : i32
      %add3A_100 = arith.constant 2 : i32
      %add3A_101 = arith.addi %add3A_99, %add3A_100 : i32
      %mul3A_102 = arith.constant 80 : i32
      %mul3A_103 = arith.muli %add3A_101, %mul3A_102 : i32
      %dma_start3A_104 = tpu.memref_slice %arg6[%mul3A_103] : memref<10000xi32, #tpu.memory_space<vmem>> -> memref<80xi32, #tpu.memory_space<vmem>>
      %dma_start3A_105 = arith.constant 0 : i32
      %dma_start3A_106 = arith.constant 0 : i32
      %dma_start3A_107 = tpu.memref_slice %arg2[%dma_start3A_105, %dma_start3A_106] : memref<10000x128xf32, #tpu.memory_space<hbm>> -> memref<10000x128xf32, #tpu.memory_space<hbm>>
      tpu.enqueue_indirect_dma source(%dma_start3A_107 : memref<10000x128xf32, #tpu.memory_space<hbm>>) target(%arg11 : memref<80x128xf32, #tpu.memory_space<vmem>>) offsets(%dma_start3A_104 : memref<80xi32, #tpu.memory_space<vmem>>) semaphore(%arg15 : memref<!tpu.dma_semaphore, #tpu.memory_space<semaphore_mem>>)
      %dma_wait3A_108 = tpu.memref_slice %arg6[%mul3A_43] : memref<10000xi32, #tpu.memory_space<vmem>> -> memref<80xi32, #tpu.memory_space<vmem>>
      %dma_wait3A_109 = arith.constant 0 : i32
      %dma_wait3A_110 = arith.constant 0 : i32
      %dma_wait3A_111 = tpu.memref_slice %arg2[%dma_wait3A_109, %dma_wait3A_110] : memref<10000x128xf32, #tpu.memory_space<hbm>> -> memref<10000x128xf32, #tpu.memory_space<hbm>>
      tpu.wait_indirect_dma semaphore(%arg14 : memref<!tpu.dma_semaphore, #tpu.memory_space<semaphore_mem>>) src(%dma_wait3A_111 : memref<10000x128xf32, #tpu.memory_space<hbm>>) dst(%arg10 : memref<80x128xf32, #tpu.memory_space<vmem>>)
      %add3A_112 = arith.constant 1 : i32
      %add3A_113 = arith.addi %mul3A_32, %add3A_112 : i32
      %mul3A_114 = arith.constant 80 : i32
      %mul3A_115 = arith.muli %add3A_113, %mul3A_114 : i32
      %add3A_116 = arith.constant 0 : i32
      %add3A_117 = arith.addi %mul3A_115, %add3A_116 : i32
      %get3A_118 = arith.index_cast %add3A_117 : i32 to index
      %get3A_119 = tpu.vector_load %arg7[%get3A_118] {strides = array<i32>} : memref<10000xi32, #tpu.memory_space<vmem>>, vector<16xi32>,
      %get3A_120 = vector.shape_cast %get3A_119 : vector<16xi32> to vector<16xi32>
      %swap3A_121 = arith.constant 0 : index
      %swap3A_122 = tpu.vector_load %arg8[%swap3A_121] {strides = array<i32>} : memref<80xi32, #tpu.memory_space<vmem>>, vector<16xi32>,
      %swap3A_123 = vector.shape_cast %swap3A_122 : vector<16xi32> to vector<16xi32>
      %swap3A_124 = vector.shape_cast %get3A_120 : vector<16xi32> to vector<16xi32>
      tpu.vector_store %arg8[%swap3A_121], %swap3A_124 {strides = array<i32>} : memref<80xi32, #tpu.memory_space<vmem>>, vector<16xi32>,
      %add3A_125 = arith.constant 16 : i32
      %add3A_126 = arith.addi %mul3A_115, %add3A_125 : i32
      %get3A_127 = arith.index_cast %add3A_126 : i32 to index
      %get3A_128 = tpu.vector_load %arg7[%get3A_127] {strides = array<i32>} : memref<10000xi32, #tpu.memory_space<vmem>>, vector<16xi32>,
      %get3A_129 = vector.shape_cast %get3A_128 : vector<16xi32> to vector<16xi32>
      %swap3A_130 = arith.constant 16 : index
      %swap3A_131 = tpu.vector_load %arg8[%swap3A_130] {strides = array<i32>} : memref<80xi32, #tpu.memory_space<vmem>>, vector<16xi32>,
      %swap3A_132 = vector.shape_cast %swap3A_131 : vector<16xi32> to vector<16xi32>
      %swap3A_133 = vector.shape_cast %get3A_129 : vector<16xi32> to vector<16xi32>
      tpu.vector_store %arg8[%swap3A_130], %swap3A_133 {strides = array<i32>} : memref<80xi32, #tpu.memory_space<vmem>>, vector<16xi32>,
      %add3A_134 = arith.constant 32 : i32
      %add3A_135 = arith.addi %mul3A_115, %add3A_134 : i32
      %get3A_136 = arith.index_cast %add3A_135 : i32 to index
      %get3A_137 = tpu.vector_load %arg7[%get3A_136] {strides = array<i32>} : memref<10000xi32, #tpu.memory_space<vmem>>, vector<16xi32>,
      %get3A_138 = vector.shape_cast %get3A_137 : vector<16xi32> to vector<16xi32>
      %swap3A_139 = arith.constant 32 : index
      %swap3A_140 = tpu.vector_load %arg8[%swap3A_139] {strides = array<i32>} : memref<80xi32, #tpu.memory_space<vmem>>, vector<16xi32>,
      %swap3A_141 = vector.shape_cast %swap3A_140 : vector<16xi32> to vector<16xi32>
      %swap3A_142 = vector.shape_cast %get3A_138 : vector<16xi32> to vector<16xi32>
      tpu.vector_store %arg8[%swap3A_139], %swap3A_142 {strides = array<i32>} : memref<80xi32, #tpu.memory_space<vmem>>, vector<16xi32>,
      %add3A_143 = arith.constant 48 : i32
      %add3A_144 = arith.addi %mul3A_115, %add3A_143 : i32
      %get3A_145 = arith.index_cast %add3A_144 : i32 to index
      %get3A_146 = tpu.vector_load %arg7[%get3A_145] {strides = array<i32>} : memref<10000xi32, #tpu.memory_space<vmem>>, vector<16xi32>,
      %get3A_147 = vector.shape_cast %get3A_146 : vector<16xi32> to vector<16xi32>
      %swap3A_148 = arith.constant 48 : index
      %swap3A_149 = tpu.vector_load %arg8[%swap3A_148] {strides = array<i32>} : memref<80xi32, #tpu.memory_space<vmem>>, vector<16xi32>,
      %swap3A_150 = vector.shape_cast %swap3A_149 : vector<16xi32> to vector<16xi32>
      %swap3A_151 = vector.shape_cast %get3A_147 : vector<16xi32> to vector<16xi32>
      tpu.vector_store %arg8[%swap3A_148], %swap3A_151 {strides = array<i32>} : memref<80xi32, #tpu.memory_space<vmem>>, vector<16xi32>,
      %add3A_152 = arith.constant 64 : i32
      %add3A_153 = arith.addi %mul3A_115, %add3A_152 : i32
      %get3A_154 = arith.index_cast %add3A_153 : i32 to index
      %get3A_155 = tpu.vector_load %arg7[%get3A_154] {strides = array<i32>} : memref<10000xi32, #tpu.memory_space<vmem>>, vector<16xi32>,
      %get3A_156 = vector.shape_cast %get3A_155 : vector<16xi32> to vector<16xi32>
      %swap3A_157 = arith.constant 64 : index
      %swap3A_158 = tpu.vector_load %arg8[%swap3A_157] {strides = array<i32>} : memref<80xi32, #tpu.memory_space<vmem>>, vector<16xi32>,
      %swap3A_159 = vector.shape_cast %swap3A_158 : vector<16xi32> to vector<16xi32>
      %swap3A_160 = vector.shape_cast %get3A_156 : vector<16xi32> to vector<16xi32>
      tpu.vector_store %arg8[%swap3A_157], %swap3A_160 {strides = array<i32>} : memref<80xi32, #tpu.memory_space<vmem>>, vector<16xi32>,
      "tpu.region"() ({
        %run_scoped3A = tpu.sem_alloc : memref<!tpu.dma_semaphore, #tpu.memory_space<semaphore_mem>>
        %dma_start3A_341 = arith.constant 0 : i32
        %dma_start3A_342 = arith.constant 0 : i32
        %dma_start3A_343 = tpu.memref_slice %arg12[%dma_start3A_341, %dma_start3A_342] : memref<10000x128xf32, #tpu.memory_space<vmem_shared>> -> memref<10000x128xf32, #tpu.memory_space<vmem_shared>>
        tpu.enqueue_indirect_dma source(%arg10 : memref<80x128xf32, #tpu.memory_space<vmem>>) target(%dma_start3A_343 : memref<10000x128xf32, #tpu.memory_space<vmem_shared>>) offsets(%arg8 : memref<80xi32, #tpu.memory_space<vmem>>) semaphore(%run_scoped3A : memref<!tpu.dma_semaphore, #tpu.memory_space<semaphore_mem>>) {add = true}
        %dma_wait3A_344 = arith.constant 0 : i32
        %dma_wait3A_345 = arith.constant 0 : i32
        %dma_wait3A_346 = tpu.memref_slice %arg12[%dma_wait3A_344, %dma_wait3A_345] : memref<10000x128xf32, #tpu.memory_space<vmem_shared>> -> memref<10000x128xf32, #tpu.memory_space<vmem_shared>>
        tpu.wait_indirect_dma semaphore(%run_scoped3A : memref<!tpu.dma_semaphore, #tpu.memory_space<semaphore_mem>>) src(%arg10 : memref<80x128xf32, #tpu.memory_space<vmem>>) dst(%dma_wait3A_346 : memref<10000x128xf32, #tpu.memory_space<vmem_shared>>)
        tpu.yield
      }) : () -> ()
      %add3A_161 = arith.constant 1 : i32
      %add3A_162 = arith.addi %mul3A_32, %add3A_161 : i32
      %add3A_163 = arith.constant 2 : i32
      %add3A_164 = arith.addi %add3A_162, %add3A_163 : i32
      %mul3A_165 = arith.constant 80 : i32
      %mul3A_166 = arith.muli %add3A_164, %mul3A_165 : i32
      %dma_start3A_167 = tpu.memref_slice %arg6[%mul3A_166] : memref<10000xi32, #tpu.memory_space<vmem>> -> memref<80xi32, #tpu.memory_space<vmem>>
      %dma_start3A_168 = arith.constant 0 : i32
      %dma_start3A_169 = arith.constant 0 : i32
      %dma_start3A_170 = tpu.memref_slice %arg2[%dma_start3A_168, %dma_start3A_169] : memref<10000x128xf32, #tpu.memory_space<hbm>> -> memref<10000x128xf32, #tpu.memory_space<hbm>>
      tpu.enqueue_indirect_dma source(%dma_start3A_170 : memref<10000x128xf32, #tpu.memory_space<hbm>>) target(%arg9 : memref<80x128xf32, #tpu.memory_space<vmem>>) offsets(%dma_start3A_167 : memref<80xi32, #tpu.memory_space<vmem>>) semaphore(%arg13 : memref<!tpu.dma_semaphore, #tpu.memory_space<semaphore_mem>>)
      %dma_wait3A_171 = tpu.memref_slice %arg6[%mul3A_103] : memref<10000xi32, #tpu.memory_space<vmem>> -> memref<80xi32, #tpu.memory_space<vmem>>
      %dma_wait3A_172 = arith.constant 0 : i32
      %dma_wait3A_173 = arith.constant 0 : i32
      %dma_wait3A_174 = tpu.memref_slice %arg2[%dma_wait3A_172, %dma_wait3A_173] : memref<10000x128xf32, #tpu.memory_space<hbm>> -> memref<10000x128xf32, #tpu.memory_space<hbm>>
      tpu.wait_indirect_dma semaphore(%arg15 : memref<!tpu.dma_semaphore, #tpu.memory_space<semaphore_mem>>) src(%dma_wait3A_174 : memref<10000x128xf32, #tpu.memory_space<hbm>>) dst(%arg11 : memref<80x128xf32, #tpu.memory_space<vmem>>)
      %add3A_175 = arith.constant 2 : i32
      %add3A_176 = arith.addi %mul3A_32, %add3A_175 : i32
      %mul3A_177 = arith.constant 80 : i32
      %mul3A_178 = arith.muli %add3A_176, %mul3A_177 : i32
      %add3A_179 = arith.constant 0 : i32
      %add3A_180 = arith.addi %mul3A_178, %add3A_179 : i32
      %get3A_181 = arith.index_cast %add3A_180 : i32 to index
      %get3A_182 = tpu.vector_load %arg7[%get3A_181] {strides = array<i32>} : memref<10000xi32, #tpu.memory_space<vmem>>, vector<16xi32>,
      %get3A_183 = vector.shape_cast %get3A_182 : vector<16xi32> to vector<16xi32>
      %swap3A_184 = arith.constant 0 : index
      %swap3A_185 = tpu.vector_load %arg8[%swap3A_184] {strides = array<i32>} : memref<80xi32, #tpu.memory_space<vmem>>, vector<16xi32>,
      %swap3A_186 = vector.shape_cast %swap3A_185 : vector<16xi32> to vector<16xi32>
      %swap3A_187 = vector.shape_cast %get3A_183 : vector<16xi32> to vector<16xi32>
      tpu.vector_store %arg8[%swap3A_184], %swap3A_187 {strides = array<i32>} : memref<80xi32, #tpu.memory_space<vmem>>, vector<16xi32>,
      %add3A_188 = arith.constant 16 : i32
      %add3A_189 = arith.addi %mul3A_178, %add3A_188 : i32
      %get3A_190 = arith.index_cast %add3A_189 : i32 to index
      %get3A_191 = tpu.vector_load %arg7[%get3A_190] {strides = array<i32>} : memref<10000xi32, #tpu.memory_space<vmem>>, vector<16xi32>,
      %get3A_192 = vector.shape_cast %get3A_191 : vector<16xi32> to vector<16xi32>
      %swap3A_193 = arith.constant 16 : index
      %swap3A_194 = tpu.vector_load %arg8[%swap3A_193] {strides = array<i32>} : memref<80xi32, #tpu.memory_space<vmem>>, vector<16xi32>,
      %swap3A_195 = vector.shape_cast %swap3A_194 : vector<16xi32> to vector<16xi32>
      %swap3A_196 = vector.shape_cast %get3A_192 : vector<16xi32> to vector<16xi32>
      tpu.vector_store %arg8[%swap3A_193], %swap3A_196 {strides = array<i32>} : memref<80xi32, #tpu.memory_space<vmem>>, vector<16xi32>,
      %add3A_197 = arith.constant 32 : i32
      %add3A_198 = arith.addi %mul3A_178, %add3A_197 : i32
      %get3A_199 = arith.index_cast %add3A_198 : i32 to index
      %get3A_200 = tpu.vector_load %arg7[%get3A_199] {strides = array<i32>} : memref<10000xi32, #tpu.memory_space<vmem>>, vector<16xi32>,
      %get3A_201 = vector.shape_cast %get3A_200 : vector<16xi32> to vector<16xi32>
      %swap3A_202 = arith.constant 32 : index
      %swap3A_203 = tpu.vector_load %arg8[%swap3A_202] {strides = array<i32>} : memref<80xi32, #tpu.memory_space<vmem>>, vector<16xi32>,
      %swap3A_204 = vector.shape_cast %swap3A_203 : vector<16xi32> to vector<16xi32>
      %swap3A_205 = vector.shape_cast %get3A_201 : vector<16xi32> to vector<16xi32>
      tpu.vector_store %arg8[%swap3A_202], %swap3A_205 {strides = array<i32>} : memref<80xi32, #tpu.memory_space<vmem>>, vector<16xi32>,
      %add3A_206 = arith.constant 48 : i32
      %add3A_207 = arith.addi %mul3A_178, %add3A_206 : i32
      %get3A_208 = arith.index_cast %add3A_207 : i32 to index
      %get3A_209 = tpu.vector_load %arg7[%get3A_208] {strides = array<i32>} : memref<10000xi32, #tpu.memory_space<vmem>>, vector<16xi32>,
      %get3A_210 = vector.shape_cast %get3A_209 : vector<16xi32> to vector<16xi32>
      %swap3A_211 = arith.constant 48 : index
      %swap3A_212 = tpu.vector_load %arg8[%swap3A_211] {strides = array<i32>} : memref<80xi32, #tpu.memory_space<vmem>>, vector<16xi32>,
      %swap3A_213 = vector.shape_cast %swap3A_212 : vector<16xi32> to vector<16xi32>
      %swap3A_214 = vector.shape_cast %get3A_210 : vector<16xi32> to vector<16xi32>
      tpu.vector_store %arg8[%swap3A_211], %swap3A_214 {strides = array<i32>} : memref<80xi32, #tpu.memory_space<vmem>>, vector<16xi32>,
      %add3A_215 = arith.constant 64 : i32
      %add3A_216 = arith.addi %mul3A_178, %add3A_215 : i32
      %get3A_217 = arith.index_cast %add3A_216 : i32 to index
      %get3A_218 = tpu.vector_load %arg7[%get3A_217] {strides = array<i32>} : memref<10000xi32, #tpu.memory_space<vmem>>, vector<16xi32>,
      %get3A_219 = vector.shape_cast %get3A_218 : vector<16xi32> to vector<16xi32>
      %swap3A_220 = arith.constant 64 : index
      %swap3A_221 = tpu.vector_load %arg8[%swap3A_220] {strides = array<i32>} : memref<80xi32, #tpu.memory_space<vmem>>, vector<16xi32>,
      %swap3A_222 = vector.shape_cast %swap3A_221 : vector<16xi32> to vector<16xi32>
      %swap3A_223 = vector.shape_cast %get3A_219 : vector<16xi32> to vector<16xi32>
      tpu.vector_store %arg8[%swap3A_220], %swap3A_223 {strides = array<i32>} : memref<80xi32, #tpu.memory_space<vmem>>, vector<16xi32>,
      "tpu.region"() ({
        %run_scoped3A = tpu.sem_alloc : memref<!tpu.dma_semaphore, #tpu.memory_space<semaphore_mem>>
        %dma_start3A_341 = arith.constant 0 : i32
        %dma_start3A_342 = arith.constant 0 : i32
        %dma_start3A_343 = tpu.memref_slice %arg12[%dma_start3A_341, %dma_start3A_342] : memref<10000x128xf32, #tpu.memory_space<vmem_shared>> -> memref<10000x128xf32, #tpu.memory_space<vmem_shared>>
        tpu.enqueue_indirect_dma source(%arg11 : memref<80x128xf32, #tpu.memory_space<vmem>>) target(%dma_start3A_343 : memref<10000x128xf32, #tpu.memory_space<vmem_shared>>) offsets(%arg8 : memref<80xi32, #tpu.memory_space<vmem>>) semaphore(%run_scoped3A : memref<!tpu.dma_semaphore, #tpu.memory_space<semaphore_mem>>) {add = true}
        %dma_wait3A_344 = arith.constant 0 : i32
        %dma_wait3A_345 = arith.constant 0 : i32
        %dma_wait3A_346 = tpu.memref_slice %arg12[%dma_wait3A_344, %dma_wait3A_345] : memref<10000x128xf32, #tpu.memory_space<vmem_shared>> -> memref<10000x128xf32, #tpu.memory_space<vmem_shared>>
        tpu.wait_indirect_dma semaphore(%run_scoped3A : memref<!tpu.dma_semaphore, #tpu.memory_space<semaphore_mem>>) src(%arg11 : memref<80x128xf32, #tpu.memory_space<vmem>>) dst(%dma_wait3A_346 : memref<10000x128xf32, #tpu.memory_space<vmem_shared>>)
        tpu.yield
      }) : () -> ()
      %add3A_224 = arith.constant 2 : i32
      %add3A_225 = arith.addi %mul3A_32, %add3A_224 : i32
      %add3A_226 = arith.constant 2 : i32
      %add3A_227 = arith.addi %add3A_225, %add3A_226 : i32
      %mul3A_228 = arith.constant 80 : i32
      %mul3A_229 = arith.muli %add3A_227, %mul3A_228 : i32
      %dma_start3A_230 = tpu.memref_slice %arg6[%mul3A_229] : memref<10000xi32, #tpu.memory_space<vmem>> -> memref<80xi32, #tpu.memory_space<vmem>>
      %dma_start3A_231 = arith.constant 0 : i32
      %dma_start3A_232 = arith.constant 0 : i32
      %dma_start3A_233 = tpu.memref_slice %arg2[%dma_start3A_231, %dma_start3A_232] : memref<10000x128xf32, #tpu.memory_space<hbm>> -> memref<10000x128xf32, #tpu.memory_space<hbm>>
      tpu.enqueue_indirect_dma source(%dma_start3A_233 : memref<10000x128xf32, #tpu.memory_space<hbm>>) target(%arg10 : memref<80x128xf32, #tpu.memory_space<vmem>>) offsets(%dma_start3A_230 : memref<80xi32, #tpu.memory_space<vmem>>) semaphore(%arg14 : memref<!tpu.dma_semaphore, #tpu.memory_space<semaphore_mem>>)
      %dma_wait3A_234 = tpu.memref_slice %arg6[%mul3A_166] : memref<10000xi32, #tpu.memory_space<vmem>> -> memref<80xi32, #tpu.memory_space<vmem>>
      %dma_wait3A_235 = arith.constant 0 : i32
      %dma_wait3A_236 = arith.constant 0 : i32
      %dma_wait3A_237 = tpu.memref_slice %arg2[%dma_wait3A_235, %dma_wait3A_236] : memref<10000x128xf32, #tpu.memory_space<hbm>> -> memref<10000x128xf32, #tpu.memory_space<hbm>>
      tpu.wait_indirect_dma semaphore(%arg13 : memref<!tpu.dma_semaphore, #tpu.memory_space<semaphore_mem>>) src(%dma_wait3A_237 : memref<10000x128xf32, #tpu.memory_space<hbm>>) dst(%arg9 : memref<80x128xf32, #tpu.memory_space<vmem>>)
      %add3A_238 = arith.constant 3 : i32
      %add3A_239 = arith.addi %mul3A_32, %add3A_238 : i32
      %mul3A_240 = arith.constant 80 : i32
      %mul3A_241 = arith.muli %add3A_239, %mul3A_240 : i32
      %add3A_242 = arith.constant 0 : i32
      %add3A_243 = arith.addi %mul3A_241, %add3A_242 : i32
      %get3A_244 = arith.index_cast %add3A_243 : i32 to index
      %get3A_245 = tpu.vector_load %arg7[%get3A_244] {strides = array<i32>} : memref<10000xi32, #tpu.memory_space<vmem>>, vector<16xi32>,
      %get3A_246 = vector.shape_cast %get3A_245 : vector<16xi32> to vector<16xi32>
      %swap3A_247 = arith.constant 0 : index
      %swap3A_248 = tpu.vector_load %arg8[%swap3A_247] {strides = array<i32>} : memref<80xi32, #tpu.memory_space<vmem>>, vector<16xi32>,
      %swap3A_249 = vector.shape_cast %swap3A_248 : vector<16xi32> to vector<16xi32>
      %swap3A_250 = vector.shape_cast %get3A_246 : vector<16xi32> to vector<16xi32>
      tpu.vector_store %arg8[%swap3A_247], %swap3A_250 {strides = array<i32>} : memref<80xi32, #tpu.memory_space<vmem>>, vector<16xi32>,
      %add3A_251 = arith.constant 16 : i32
      %add3A_252 = arith.addi %mul3A_241, %add3A_251 : i32
      %get3A_253 = arith.index_cast %add3A_252 : i32 to index
      %get3A_254 = tpu.vector_load %arg7[%get3A_253] {strides = array<i32>} : memref<10000xi32, #tpu.memory_space<vmem>>, vector<16xi32>,
      %get3A_255 = vector.shape_cast %get3A_254 : vector<16xi32> to vector<16xi32>
      %swap3A_256 = arith.constant 16 : index
      %swap3A_257 = tpu.vector_load %arg8[%swap3A_256] {strides = array<i32>} : memref<80xi32, #tpu.memory_space<vmem>>, vector<16xi32>,
      %swap3A_258 = vector.shape_cast %swap3A_257 : vector<16xi32> to vector<16xi32>
      %swap3A_259 = vector.shape_cast %get3A_255 : vector<16xi32> to vector<16xi32>
      tpu.vector_store %arg8[%swap3A_256], %swap3A_259 {strides = array<i32>} : memref<80xi32, #tpu.memory_space<vmem>>, vector<16xi32>,
      %add3A_260 = arith.constant 32 : i32
      %add3A_261 = arith.addi %mul3A_241, %add3A_260 : i32
      %get3A_262 = arith.index_cast %add3A_261 : i32 to index
      %get3A_263 = tpu.vector_load %arg7[%get3A_262] {strides = array<i32>} : memref<10000xi32, #tpu.memory_space<vmem>>, vector<16xi32>,
      %get3A_264 = vector.shape_cast %get3A_263 : vector<16xi32> to vector<16xi32>
      %swap3A_265 = arith.constant 32 : index
      %swap3A_266 = tpu.vector_load %arg8[%swap3A_265] {strides = array<i32>} : memref<80xi32, #tpu.memory_space<vmem>>, vector<16xi32>,
      %swap3A_267 = vector.shape_cast %swap3A_266 : vector<16xi32> to vector<16xi32>
      %swap3A_268 = vector.shape_cast %get3A_264 : vector<16xi32> to vector<16xi32>
      tpu.vector_store %arg8[%swap3A_265], %swap3A_268 {strides = array<i32>} : memref<80xi32, #tpu.memory_space<vmem>>, vector<16xi32>,
      %add3A_269 = arith.constant 48 : i32
      %add3A_270 = arith.addi %mul3A_241, %add3A_269 : i32
      %get3A_271 = arith.index_cast %add3A_270 : i32 to index
      %get3A_272 = tpu.vector_load %arg7[%get3A_271] {strides = array<i32>} : memref<10000xi32, #tpu.memory_space<vmem>>, vector<16xi32>,
      %get3A_273 = vector.shape_cast %get3A_272 : vector<16xi32> to vector<16xi32>
      %swap3A_274 = arith.constant 48 : index
      %swap3A_275 = tpu.vector_load %arg8[%swap3A_274] {strides = array<i32>} : memref<80xi32, #tpu.memory_space<vmem>>, vector<16xi32>,
      %swap3A_276 = vector.shape_cast %swap3A_275 : vector<16xi32> to vector<16xi32>
      %swap3A_277 = vector.shape_cast %get3A_273 : vector<16xi32> to vector<16xi32>
      tpu.vector_store %arg8[%swap3A_274], %swap3A_277 {strides = array<i32>} : memref<80xi32, #tpu.memory_space<vmem>>, vector<16xi32>,
      %add3A_278 = arith.constant 64 : i32
      %add3A_279 = arith.addi %mul3A_241, %add3A_278 : i32
      %get3A_280 = arith.index_cast %add3A_279 : i32 to index
      %get3A_281 = tpu.vector_load %arg7[%get3A_280] {strides = array<i32>} : memref<10000xi32, #tpu.memory_space<vmem>>, vector<16xi32>,
      %get3A_282 = vector.shape_cast %get3A_281 : vector<16xi32> to vector<16xi32>
      %swap3A_283 = arith.constant 64 : index
      %swap3A_284 = tpu.vector_load %arg8[%swap3A_283] {strides = array<i32>} : memref<80xi32, #tpu.memory_space<vmem>>, vector<16xi32>,
      %swap3A_285 = vector.shape_cast %swap3A_284 : vector<16xi32> to vector<16xi32>
      %swap3A_286 = vector.shape_cast %get3A_282 : vector<16xi32> to vector<16xi32>
      tpu.vector_store %arg8[%swap3A_283], %swap3A_286 {strides = array<i32>} : memref<80xi32, #tpu.memory_space<vmem>>, vector<16xi32>,
      "tpu.region"() ({
        %run_scoped3A = tpu.sem_alloc : memref<!tpu.dma_semaphore, #tpu.memory_space<semaphore_mem>>
        %dma_start3A_341 = arith.constant 0 : i32
        %dma_start3A_342 = arith.constant 0 : i32
        %dma_start3A_343 = tpu.memref_slice %arg12[%dma_start3A_341, %dma_start3A_342] : memref<10000x128xf32, #tpu.memory_space<vmem_shared>> -> memref<10000x128xf32, #tpu.memory_space<vmem_shared>>
        tpu.enqueue_indirect_dma source(%arg9 : memref<80x128xf32, #tpu.memory_space<vmem>>) target(%dma_start3A_343 : memref<10000x128xf32, #tpu.memory_space<vmem_shared>>) offsets(%arg8 : memref<80xi32, #tpu.memory_space<vmem>>) semaphore(%run_scoped3A : memref<!tpu.dma_semaphore, #tpu.memory_space<semaphore_mem>>) {add = true}
        %dma_wait3A_344 = arith.constant 0 : i32
        %dma_wait3A_345 = arith.constant 0 : i32
        %dma_wait3A_346 = tpu.memref_slice %arg12[%dma_wait3A_344, %dma_wait3A_345] : memref<10000x128xf32, #tpu.memory_space<vmem_shared>> -> memref<10000x128xf32, #tpu.memory_space<vmem_shared>>
        tpu.wait_indirect_dma semaphore(%run_scoped3A : memref<!tpu.dma_semaphore, #tpu.memory_space<semaphore_mem>>) src(%arg9 : memref<80x128xf32, #tpu.memory_space<vmem>>) dst(%dma_wait3A_346 : memref<10000x128xf32, #tpu.memory_space<vmem_shared>>)
        tpu.yield
      }) : () -> ()
      %dma_wait3A_287 = tpu.memref_slice %arg6[%mul3A_229] : memref<10000xi32, #tpu.memory_space<vmem>> -> memref<80xi32, #tpu.memory_space<vmem>>
      %dma_wait3A_288 = arith.constant 0 : i32
      %dma_wait3A_289 = arith.constant 0 : i32
      %dma_wait3A_290 = tpu.memref_slice %arg2[%dma_wait3A_288, %dma_wait3A_289] : memref<10000x128xf32, #tpu.memory_space<hbm>> -> memref<10000x128xf32, #tpu.memory_space<hbm>>
      tpu.wait_indirect_dma semaphore(%arg14 : memref<!tpu.dma_semaphore, #tpu.memory_space<semaphore_mem>>) src(%dma_wait3A_290 : memref<10000x128xf32, #tpu.memory_space<hbm>>) dst(%arg10 : memref<80x128xf32, #tpu.memory_space<vmem>>)
      %add3A_291 = arith.constant 4 : i32
      %add3A_292 = arith.addi %mul3A_32, %add3A_291 : i32
      %mul3A_293 = arith.constant 80 : i32
      %mul3A_294 = arith.muli %add3A_292, %mul3A_293 : i32
      %add3A_295 = arith.constant 0 : i32
      %add3A_296 = arith.addi %mul3A_294, %add3A_295 : i32
      %get3A_297 = arith.index_cast %add3A_296 : i32 to index
      %get3A_298 = tpu.vector_load %arg7[%get3A_297] {strides = array<i32>} : memref<10000xi32, #tpu.memory_space<vmem>>, vector<16xi32>,
      %get3A_299 = vector.shape_cast %get3A_298 : vector<16xi32> to vector<16xi32>
      %swap3A_300 = arith.constant 0 : index
      %swap3A_301 = tpu.vector_load %arg8[%swap3A_300] {strides = array<i32>} : memref<80xi32, #tpu.memory_space<vmem>>, vector<16xi32>,
      %swap3A_302 = vector.shape_cast %swap3A_301 : vector<16xi32> to vector<16xi32>
      %swap3A_303 = vector.shape_cast %get3A_299 : vector<16xi32> to vector<16xi32>
      tpu.vector_store %arg8[%swap3A_300], %swap3A_303 {strides = array<i32>} : memref<80xi32, #tpu.memory_space<vmem>>, vector<16xi32>,
      %add3A_304 = arith.constant 16 : i32
      %add3A_305 = arith.addi %mul3A_294, %add3A_304 : i32
      %get3A_306 = arith.index_cast %add3A_305 : i32 to index
      %get3A_307 = tpu.vector_load %arg7[%get3A_306] {strides = array<i32>} : memref<10000xi32, #tpu.memory_space<vmem>>, vector<16xi32>,
      %get3A_308 = vector.shape_cast %get3A_307 : vector<16xi32> to vector<16xi32>
      %swap3A_309 = arith.constant 16 : index
      %swap3A_310 = tpu.vector_load %arg8[%swap3A_309] {strides = array<i32>} : memref<80xi32, #tpu.memory_space<vmem>>, vector<16xi32>,
      %swap3A_311 = vector.shape_cast %swap3A_310 : vector<16xi32> to vector<16xi32>
      %swap3A_312 = vector.shape_cast %get3A_308 : vector<16xi32> to vector<16xi32>
      tpu.vector_store %arg8[%swap3A_309], %swap3A_312 {strides = array<i32>} : memref<80xi32, #tpu.memory_space<vmem>>, vector<16xi32>,
      %add3A_313 = arith.constant 32 : i32
      %add3A_314 = arith.addi %mul3A_294, %add3A_313 : i32
      %get3A_315 = arith.index_cast %add3A_314 : i32 to index
      %get3A_316 = tpu.vector_load %arg7[%get3A_315] {strides = array<i32>} : memref<10000xi32, #tpu.memory_space<vmem>>, vector<16xi32>,
      %get3A_317 = vector.shape_cast %get3A_316 : vector<16xi32> to vector<16xi32>
      %swap3A_318 = arith.constant 32 : index
      %swap3A_319 = tpu.vector_load %arg8[%swap3A_318] {strides = array<i32>} : memref<80xi32, #tpu.memory_space<vmem>>, vector<16xi32>,
      %swap3A_320 = vector.shape_cast %swap3A_319 : vector<16xi32> to vector<16xi32>
      %swap3A_321 = vector.shape_cast %get3A_317 : vector<16xi32> to vector<16xi32>
      tpu.vector_store %arg8[%swap3A_318], %swap3A_321 {strides = array<i32>} : memref<80xi32, #tpu.memory_space<vmem>>, vector<16xi32>,
      %add3A_322 = arith.constant 48 : i32
      %add3A_323 = arith.addi %mul3A_294, %add3A_322 : i32
      %get3A_324 = arith.index_cast %add3A_323 : i32 to index
      %get3A_325 = tpu.vector_load %arg7[%get3A_324] {strides = array<i32>} : memref<10000xi32, #tpu.memory_space<vmem>>, vector<16xi32>,
      %get3A_326 = vector.shape_cast %get3A_325 : vector<16xi32> to vector<16xi32>
      %swap3A_327 = arith.constant 48 : index
      %swap3A_328 = tpu.vector_load %arg8[%swap3A_327] {strides = array<i32>} : memref<80xi32, #tpu.memory_space<vmem>>, vector<16xi32>,
      %swap3A_329 = vector.shape_cast %swap3A_328 : vector<16xi32> to vector<16xi32>
      %swap3A_330 = vector.shape_cast %get3A_326 : vector<16xi32> to vector<16xi32>
      tpu.vector_store %arg8[%swap3A_327], %swap3A_330 {strides = array<i32>} : memref<80xi32, #tpu.memory_space<vmem>>, vector<16xi32>,
      %add3A_331 = arith.constant 64 : i32
      %add3A_332 = arith.addi %mul3A_294, %add3A_331 : i32
      %get3A_333 = arith.index_cast %add3A_332 : i32 to index
      %get3A_334 = tpu.vector_load %arg7[%get3A_333] {strides = array<i32>} : memref<10000xi32, #tpu.memory_space<vmem>>, vector<16xi32>,
      %get3A_335 = vector.shape_cast %get3A_334 : vector<16xi32> to vector<16xi32>
      %swap3A_336 = arith.constant 64 : index
      %swap3A_337 = tpu.vector_load %arg8[%swap3A_336] {strides = array<i32>} : memref<80xi32, #tpu.memory_space<vmem>>, vector<16xi32>,
      %swap3A_338 = vector.shape_cast %swap3A_337 : vector<16xi32> to vector<16xi32>
      %swap3A_339 = vector.shape_cast %get3A_335 : vector<16xi32> to vector<16xi32>
      tpu.vector_store %arg8[%swap3A_336], %swap3A_339 {strides = array<i32>} : memref<80xi32, #tpu.memory_space<vmem>>, vector<16xi32>,
      "tpu.region"() ({
        %run_scoped3A = tpu.sem_alloc : memref<!tpu.dma_semaphore, #tpu.memory_space<semaphore_mem>>
        %dma_start3A_341 = arith.constant 0 : i32
        %dma_start3A_342 = arith.constant 0 : i32
        %dma_start3A_343 = tpu.memref_slice %arg12[%dma_start3A_341, %dma_start3A_342] : memref<10000x128xf32, #tpu.memory_space<vmem_shared>> -> memref<10000x128xf32, #tpu.memory_space<vmem_shared>>
        tpu.enqueue_indirect_dma source(%arg10 : memref<80x128xf32, #tpu.memory_space<vmem>>) target(%dma_start3A_343 : memref<10000x128xf32, #tpu.memory_space<vmem_shared>>) offsets(%arg8 : memref<80xi32, #tpu.memory_space<vmem>>) semaphore(%run_scoped3A : memref<!tpu.dma_semaphore, #tpu.memory_space<semaphore_mem>>) {add = true}
        %dma_wait3A_344 = arith.constant 0 : i32
        %dma_wait3A_345 = arith.constant 0 : i32
        %dma_wait3A_346 = tpu.memref_slice %arg12[%dma_wait3A_344, %dma_wait3A_345] : memref<10000x128xf32, #tpu.memory_space<vmem_shared>> -> memref<10000x128xf32, #tpu.memory_space<vmem_shared>>
        tpu.wait_indirect_dma semaphore(%run_scoped3A : memref<!tpu.dma_semaphore, #tpu.memory_space<semaphore_mem>>) src(%arg10 : memref<80x128xf32, #tpu.memory_space<vmem>>) dst(%dma_wait3A_346 : memref<10000x128xf32, #tpu.memory_space<vmem_shared>>)
        tpu.yield
      }) : () -> ()
      %scan3A_340 = arith.constant 0 : i32
      scf.yield %scan3A_340 : i32
    }
    %scan3A_20 = arith.constant 25 : i32
    %barrier3A_21 = arith.constant 0 : index
    tpu.barrier barrier_id(%barrier3A_21)
    %scan3A_22 = arith.constant 0 : i32
    %scan3A_23 = arith.constant 0 : i32
    %scan3A_24 = arith.constant 8 : i32
    %scan3A_25 = arith.addi %scan3A_23, %scan3A_24 : i32
    %scan3A_26 = arith.constant 1 : i32
    %scan3A_27 = scf.for %scan3A_29 = %scan3A_23 to %scan3A_25 step %scan3A_26 iter_args(%scan3A_30 = %scan3A_22) -> (i32)  : i32 {
      %mul3A_31 = arith.constant 16 : i32
      %mul3A_32 = arith.muli %scan3A_29, %mul3A_31 : i32
      %add3A_33 = arith.addi %arg1, %mul3A_32 : i32
      %lt3A = arith.constant 125 : i32
      %lt3A_34 = arith.cmpi slt, %add3A_33, %lt3A : i32
      %convert_element_type3A = arith.extui %lt3A_34 : i1 to i32
      %cond3A = arith.constant 0 : i32
      %cond3A_35 = arith.cmpi ne, %convert_element_type3A, %cond3A : i32
      scf.if %cond3A_35 {
        %mul3A_37 = arith.constant 80 : i32
        %mul3A_38 = arith.muli %add3A_33, %mul3A_37 : i32
        %mul3A_39 = arith.constant 10000 : i32
        %mul3A_40 = arith.muli %arg0, %mul3A_39 : i32
        %mul3A_41 = arith.constant 80 : i32
        %mul3A_42 = arith.muli %add3A_33, %mul3A_41 : i32
        %add3A_43 = arith.addi %mul3A_40, %mul3A_42 : i32
        "tpu.region"() ({
          %run_scoped3A = tpu.sem_alloc : memref<!tpu.dma_semaphore, #tpu.memory_space<semaphore_mem>>
          %dma_start3A = arith.constant 0 : i32
          %dma_start3A_44 = tpu.memref_slice %arg5[%add3A_43, %dma_start3A] : memref<20000x128xf32, #tpu.memory_space<hbm>> -> memref<80x128xf32, #tpu.memory_space<hbm>>
          %dma_start3A_45 = arith.constant 0 : i32
          %dma_start3A_46 = tpu.memref_slice %arg12[%mul3A_38, %dma_start3A_45] : memref<10000x128xf32, #tpu.memory_space<vmem_shared>> -> memref<80x128xf32, #tpu.memory_space<vmem_shared>>
          tpu.enqueue_dma source(%dma_start3A_46 : memref<80x128xf32, #tpu.memory_space<vmem_shared>>) target(%dma_start3A_44 : memref<80x128xf32, #tpu.memory_space<hbm>>) target_semaphore(%run_scoped3A : memref<!tpu.dma_semaphore, #tpu.memory_space<semaphore_mem>>)
          %dma_wait3A = arith.constant 0 : i32
          %dma_wait3A_47 = tpu.memref_slice %arg5[%add3A_43, %dma_wait3A] : memref<20000x128xf32, #tpu.memory_space<hbm>> -> memref<80x128xf32, #tpu.memory_space<hbm>>
          %dma_wait3A_48 = arith.constant 0 : i32
          %dma_wait3A_49 = tpu.memref_slice %arg12[%mul3A_38, %dma_wait3A_48] : memref<10000x128xf32, #tpu.memory_space<vmem_shared>> -> memref<80x128xf32, #tpu.memory_space<vmem_shared>>
          tpu.wait_dma2 semaphore(%run_scoped3A : memref<!tpu.dma_semaphore, #tpu.memory_space<semaphore_mem>>) src(%dma_wait3A_49 : memref<80x128xf32, #tpu.memory_space<vmem_shared>>) dst(%dma_wait3A_47 : memref<80x128xf32, #tpu.memory_space<hbm>>)
          tpu.yield
        }) : () -> ()
      } else {
      }
      %scan3A_36 = arith.constant 0 : i32
      scf.yield %scan3A_36 : i32
    }
    %scan3A_28 = arith.constant 8 : i32
    return
  }
}

#map = affine_map<(d0, d1) -> (0, 0)>
#map1 = affine_map<(d0, d1) -> (0)>
module attributes {stable_mosaic.version = 14 : i64} {
  func.func @_sc_pool(%arg0: i32, %arg1: i32, %arg2: memref<10000x128xf32, #tpu.memory_space<hbm>>, %arg3: memref<10000xi32, #tpu.memory_space<hbm>>, %arg4: memref<512x128xf32, #tpu.memory_space<hbm>>, %arg5: memref<512x16xf32, #tpu.memory_space<hbm>>, %arg6: memref<80xi32, #tpu.memory_space<vmem>>, %arg7: memref<80x128xf32, #tpu.memory_space<vmem>>, %arg8: memref<80x16xf32, #tpu.memory_space<vmem>>, %arg9: memref<16x128xf32, #tpu.memory_space<vmem>>, %arg10: memref<16x16xf32, #tpu.memory_space<vmem>>, %arg11: memref<256x128xf32, #tpu.memory_space<vmem_shared>>, %arg12: memref<256x16xf32, #tpu.memory_space<vmem_shared>>) attributes {dimension_semantics = [#tpu.dimension_semantics<core_parallel>, #tpu.dimension_semantics<subcore_parallel>], iteration_bounds = array<i64: 2, 16>, scalar_prefetch = 0 : i64, scratch_operands = 7 : i64, tpu.core_type = #tpu.core_type<sc_vector_subcore>, window_params = [{transform_indices = #map}, {transform_indices = #map1}, {transform_indices = #map}, {transform_indices = #map}]} {
    %mul3A = arith.constant 16 : i32
    %mul3A_0 = arith.muli %arg0, %mul3A : i32
    %add3A = arith.addi %mul3A_0, %arg1 : i32
    %scan3A = arith.constant 0 : i32
    %scan3A_1 = arith.constant 0 : i32
    %scan3A_2 = arith.constant 80 : i32
    %scan3A_3 = arith.addi %scan3A_1, %scan3A_2 : i32
    %scan3A_4 = arith.constant 1 : i32
    %scan3A_5 = scf.for %scan3A_47 = %scan3A_1 to %scan3A_3 step %scan3A_4 iter_args(%scan3A_48 = %scan3A) -> (i32)  : i32 {
      %broadcast_in_dim3A = arith.constant 1.000000e+00 : f32
      %broadcast_in_dim3A_49 = vector.broadcast %broadcast_in_dim3A : f32 to vector<16xf32>
      %swap3A = arith.index_cast %scan3A_47 : i32 to index
      %swap3A_50 = arith.constant 0 : index
      %swap3A_51 = tpu.vector_load %arg8[%swap3A, %swap3A_50] {strides = array<i32>} : memref<80x16xf32, #tpu.memory_space<vmem>>, vector<1x16xf32>,
      %swap3A_52 = vector.shape_cast %swap3A_51 : vector<1x16xf32> to vector<16xf32>
      %swap3A_53 = vector.shape_cast %broadcast_in_dim3A_49 : vector<16xf32> to vector<1x16xf32>
      tpu.vector_store %arg8[%swap3A, %swap3A_50], %swap3A_53 {strides = array<i32>} : memref<80x16xf32, #tpu.memory_space<vmem>>, vector<1x16xf32>,
      %scan3A_54 = arith.constant 0 : i32
      scf.yield %scan3A_54 : i32
    }
    %scan3A_6 = arith.constant 80 : i32
    %scan3A_7 = arith.constant 0 : i32
    %scan3A_8 = arith.constant 0 : i32
    %scan3A_9 = arith.constant 16 : i32
    %scan3A_10 = arith.addi %scan3A_8, %scan3A_9 : i32
    %scan3A_11 = arith.constant 1 : i32
    %scan3A_12 = scf.for %scan3A_47 = %scan3A_8 to %scan3A_10 step %scan3A_11 iter_args(%scan3A_48 = %scan3A_7) -> (i32)  : i32 {
      %broadcast_in_dim3A = arith.constant 0.000000e+00 : f32
      %broadcast_in_dim3A_49 = vector.broadcast %broadcast_in_dim3A : f32 to vector<16xf32>
      %swap3A = arith.index_cast %scan3A_47 : i32 to index
      %swap3A_50 = arith.constant 0 : index
      %swap3A_51 = tpu.vector_load %arg9[%swap3A, %swap3A_50] {strides = array<i32>} : memref<16x128xf32, #tpu.memory_space<vmem>>, vector<1x16xf32>,
      %swap3A_52 = vector.shape_cast %swap3A_51 : vector<1x16xf32> to vector<16xf32>
      %swap3A_53 = vector.shape_cast %broadcast_in_dim3A_49 : vector<16xf32> to vector<1x16xf32>
      tpu.vector_store %arg9[%swap3A, %swap3A_50], %swap3A_53 {strides = array<i32>} : memref<16x128xf32, #tpu.memory_space<vmem>>, vector<1x16xf32>,
      %broadcast_in_dim3A_54 = arith.constant 0.000000e+00 : f32
      %broadcast_in_dim3A_55 = vector.broadcast %broadcast_in_dim3A_54 : f32 to vector<16xf32>
      %swap3A_56 = arith.index_cast %scan3A_47 : i32 to index
      %swap3A_57 = arith.constant 16 : index
      %swap3A_58 = tpu.vector_load %arg9[%swap3A_56, %swap3A_57] {strides = array<i32>} : memref<16x128xf32, #tpu.memory_space<vmem>>, vector<1x16xf32>,
      %swap3A_59 = vector.shape_cast %swap3A_58 : vector<1x16xf32> to vector<16xf32>
      %swap3A_60 = vector.shape_cast %broadcast_in_dim3A_55 : vector<16xf32> to vector<1x16xf32>
      tpu.vector_store %arg9[%swap3A_56, %swap3A_57], %swap3A_60 {strides = array<i32>} : memref<16x128xf32, #tpu.memory_space<vmem>>, vector<1x16xf32>,
      %broadcast_in_dim3A_61 = arith.constant 0.000000e+00 : f32
      %broadcast_in_dim3A_62 = vector.broadcast %broadcast_in_dim3A_61 : f32 to vector<16xf32>
      %swap3A_63 = arith.index_cast %scan3A_47 : i32 to index
      %swap3A_64 = arith.constant 32 : index
      %swap3A_65 = tpu.vector_load %arg9[%swap3A_63, %swap3A_64] {strides = array<i32>} : memref<16x128xf32, #tpu.memory_space<vmem>>, vector<1x16xf32>,
      %swap3A_66 = vector.shape_cast %swap3A_65 : vector<1x16xf32> to vector<16xf32>
      %swap3A_67 = vector.shape_cast %broadcast_in_dim3A_62 : vector<16xf32> to vector<1x16xf32>
      tpu.vector_store %arg9[%swap3A_63, %swap3A_64], %swap3A_67 {strides = array<i32>} : memref<16x128xf32, #tpu.memory_space<vmem>>, vector<1x16xf32>,
      %broadcast_in_dim3A_68 = arith.constant 0.000000e+00 : f32
      %broadcast_in_dim3A_69 = vector.broadcast %broadcast_in_dim3A_68 : f32 to vector<16xf32>
      %swap3A_70 = arith.index_cast %scan3A_47 : i32 to index
      %swap3A_71 = arith.constant 48 : index
      %swap3A_72 = tpu.vector_load %arg9[%swap3A_70, %swap3A_71] {strides = array<i32>} : memref<16x128xf32, #tpu.memory_space<vmem>>, vector<1x16xf32>,
      %swap3A_73 = vector.shape_cast %swap3A_72 : vector<1x16xf32> to vector<16xf32>
      %swap3A_74 = vector.shape_cast %broadcast_in_dim3A_69 : vector<16xf32> to vector<1x16xf32>
      tpu.vector_store %arg9[%swap3A_70, %swap3A_71], %swap3A_74 {strides = array<i32>} : memref<16x128xf32, #tpu.memory_space<vmem>>, vector<1x16xf32>,
      %broadcast_in_dim3A_75 = arith.constant 0.000000e+00 : f32
      %broadcast_in_dim3A_76 = vector.broadcast %broadcast_in_dim3A_75 : f32 to vector<16xf32>
      %swap3A_77 = arith.index_cast %scan3A_47 : i32 to index
      %swap3A_78 = arith.constant 64 : index
      %swap3A_79 = tpu.vector_load %arg9[%swap3A_77, %swap3A_78] {strides = array<i32>} : memref<16x128xf32, #tpu.memory_space<vmem>>, vector<1x16xf32>,
      %swap3A_80 = vector.shape_cast %swap3A_79 : vector<1x16xf32> to vector<16xf32>
      %swap3A_81 = vector.shape_cast %broadcast_in_dim3A_76 : vector<16xf32> to vector<1x16xf32>
      tpu.vector_store %arg9[%swap3A_77, %swap3A_78], %swap3A_81 {strides = array<i32>} : memref<16x128xf32, #tpu.memory_space<vmem>>, vector<1x16xf32>,
      %broadcast_in_dim3A_82 = arith.constant 0.000000e+00 : f32
      %broadcast_in_dim3A_83 = vector.broadcast %broadcast_in_dim3A_82 : f32 to vector<16xf32>
      %swap3A_84 = arith.index_cast %scan3A_47 : i32 to index
      %swap3A_85 = arith.constant 80 : index
      %swap3A_86 = tpu.vector_load %arg9[%swap3A_84, %swap3A_85] {strides = array<i32>} : memref<16x128xf32, #tpu.memory_space<vmem>>, vector<1x16xf32>,
      %swap3A_87 = vector.shape_cast %swap3A_86 : vector<1x16xf32> to vector<16xf32>
      %swap3A_88 = vector.shape_cast %broadcast_in_dim3A_83 : vector<16xf32> to vector<1x16xf32>
      tpu.vector_store %arg9[%swap3A_84, %swap3A_85], %swap3A_88 {strides = array<i32>} : memref<16x128xf32, #tpu.memory_space<vmem>>, vector<1x16xf32>,
      %broadcast_in_dim3A_89 = arith.constant 0.000000e+00 : f32
      %broadcast_in_dim3A_90 = vector.broadcast %broadcast_in_dim3A_89 : f32 to vector<16xf32>
      %swap3A_91 = arith.index_cast %scan3A_47 : i32 to index
      %swap3A_92 = arith.constant 96 : index
      %swap3A_93 = tpu.vector_load %arg9[%swap3A_91, %swap3A_92] {strides = array<i32>} : memref<16x128xf32, #tpu.memory_space<vmem>>, vector<1x16xf32>,
      %swap3A_94 = vector.shape_cast %swap3A_93 : vector<1x16xf32> to vector<16xf32>
      %swap3A_95 = vector.shape_cast %broadcast_in_dim3A_90 : vector<16xf32> to vector<1x16xf32>
      tpu.vector_store %arg9[%swap3A_91, %swap3A_92], %swap3A_95 {strides = array<i32>} : memref<16x128xf32, #tpu.memory_space<vmem>>, vector<1x16xf32>,
      %broadcast_in_dim3A_96 = arith.constant 0.000000e+00 : f32
      %broadcast_in_dim3A_97 = vector.broadcast %broadcast_in_dim3A_96 : f32 to vector<16xf32>
      %swap3A_98 = arith.index_cast %scan3A_47 : i32 to index
      %swap3A_99 = arith.constant 112 : index
      %swap3A_100 = tpu.vector_load %arg9[%swap3A_98, %swap3A_99] {strides = array<i32>} : memref<16x128xf32, #tpu.memory_space<vmem>>, vector<1x16xf32>,
      %swap3A_101 = vector.shape_cast %swap3A_100 : vector<1x16xf32> to vector<16xf32>
      %swap3A_102 = vector.shape_cast %broadcast_in_dim3A_97 : vector<16xf32> to vector<1x16xf32>
      tpu.vector_store %arg9[%swap3A_98, %swap3A_99], %swap3A_102 {strides = array<i32>} : memref<16x128xf32, #tpu.memory_space<vmem>>, vector<1x16xf32>,
      %scan3A_103 = arith.constant 0 : i32
      scf.yield %scan3A_103 : i32
    }
    %scan3A_13 = arith.constant 16 : i32
    %scan3A_14 = arith.constant 0 : i32
    %scan3A_15 = arith.constant 0 : i32
    %scan3A_16 = arith.constant 16 : i32
    %scan3A_17 = arith.addi %scan3A_15, %scan3A_16 : i32
    %scan3A_18 = arith.constant 1 : i32
    %scan3A_19 = scf.for %scan3A_47 = %scan3A_15 to %scan3A_17 step %scan3A_18 iter_args(%scan3A_48 = %scan3A_14) -> (i32)  : i32 {
      %broadcast_in_dim3A = arith.constant 0.000000e+00 : f32
      %broadcast_in_dim3A_49 = vector.broadcast %broadcast_in_dim3A : f32 to vector<16xf32>
      %swap3A = arith.index_cast %scan3A_47 : i32 to index
      %swap3A_50 = arith.constant 0 : index
      %swap3A_51 = tpu.vector_load %arg10[%swap3A, %swap3A_50] {strides = array<i32>} : memref<16x16xf32, #tpu.memory_space<vmem>>, vector<1x16xf32>,
      %swap3A_52 = vector.shape_cast %swap3A_51 : vector<1x16xf32> to vector<16xf32>
      %swap3A_53 = vector.shape_cast %broadcast_in_dim3A_49 : vector<16xf32> to vector<1x16xf32>
      tpu.vector_store %arg10[%swap3A, %swap3A_50], %swap3A_53 {strides = array<i32>} : memref<16x16xf32, #tpu.memory_space<vmem>>, vector<1x16xf32>,
      %scan3A_54 = arith.constant 0 : i32
      scf.yield %scan3A_54 : i32
    }
    %scan3A_20 = arith.constant 16 : i32
    %mul3A_21 = arith.constant 16 : i32
    %mul3A_22 = arith.muli %mul3A_21, %arg1 : i32
    "tpu.region"() ({
      %run_scoped3A = tpu.sem_alloc : memref<!tpu.dma_semaphore, #tpu.memory_space<semaphore_mem>>
      %dma_start3A = arith.constant 0 : i32
      %dma_start3A_47 = tpu.memref_slice %arg11[%mul3A_22, %dma_start3A] : memref<256x128xf32, #tpu.memory_space<vmem_shared>> -> memref<16x128xf32, #tpu.memory_space<vmem_shared>>
      %dma_start3A_48 = arith.constant 0 : i32
      %dma_start3A_49 = tpu.memref_slice %arg11[%mul3A_22, %dma_start3A_48] : memref<256x128xf32, #tpu.memory_space<vmem_shared>> -> memref<16x128xf32, #tpu.memory_space<vmem_shared>>
      tpu.enqueue_dma source(%arg9 : memref<16x128xf32, #tpu.memory_space<vmem>>) target(%dma_start3A_49 : memref<16x128xf32, #tpu.memory_space<vmem_shared>>) target_semaphore(%run_scoped3A : memref<!tpu.dma_semaphore, #tpu.memory_space<semaphore_mem>>)
      %dma_wait3A = arith.constant 0 : i32
      %dma_wait3A_50 = tpu.memref_slice %arg11[%mul3A_22, %dma_wait3A] : memref<256x128xf32, #tpu.memory_space<vmem_shared>> -> memref<16x128xf32, #tpu.memory_space<vmem_shared>>
      %dma_wait3A_51 = arith.constant 0 : i32
      %dma_wait3A_52 = tpu.memref_slice %arg11[%mul3A_22, %dma_wait3A_51] : memref<256x128xf32, #tpu.memory_space<vmem_shared>> -> memref<16x128xf32, #tpu.memory_space<vmem_shared>>
      tpu.wait_dma2 semaphore(%run_scoped3A : memref<!tpu.dma_semaphore, #tpu.memory_space<semaphore_mem>>) src(%arg9 : memref<16x128xf32, #tpu.memory_space<vmem>>) dst(%dma_wait3A_52 : memref<16x128xf32, #tpu.memory_space<vmem_shared>>)
      tpu.yield
    }) : () -> ()
    %mul3A_23 = arith.constant 16 : i32
    %mul3A_24 = arith.muli %mul3A_23, %arg1 : i32
    "tpu.region"() ({
      %run_scoped3A = tpu.sem_alloc : memref<!tpu.dma_semaphore, #tpu.memory_space<semaphore_mem>>
      %dma_start3A = arith.constant 0 : i32
      %dma_start3A_47 = tpu.memref_slice %arg12[%mul3A_24, %dma_start3A] : memref<256x16xf32, #tpu.memory_space<vmem_shared>> -> memref<16x16xf32, #tpu.memory_space<vmem_shared>>
      %dma_start3A_48 = arith.constant 0 : i32
      %dma_start3A_49 = tpu.memref_slice %arg12[%mul3A_24, %dma_start3A_48] : memref<256x16xf32, #tpu.memory_space<vmem_shared>> -> memref<16x16xf32, #tpu.memory_space<vmem_shared>>
      tpu.enqueue_dma source(%arg10 : memref<16x16xf32, #tpu.memory_space<vmem>>) target(%dma_start3A_49 : memref<16x16xf32, #tpu.memory_space<vmem_shared>>) target_semaphore(%run_scoped3A : memref<!tpu.dma_semaphore, #tpu.memory_space<semaphore_mem>>)
      %dma_wait3A = arith.constant 0 : i32
      %dma_wait3A_50 = tpu.memref_slice %arg12[%mul3A_24, %dma_wait3A] : memref<256x16xf32, #tpu.memory_space<vmem_shared>> -> memref<16x16xf32, #tpu.memory_space<vmem_shared>>
      %dma_wait3A_51 = arith.constant 0 : i32
      %dma_wait3A_52 = tpu.memref_slice %arg12[%mul3A_24, %dma_wait3A_51] : memref<256x16xf32, #tpu.memory_space<vmem_shared>> -> memref<16x16xf32, #tpu.memory_space<vmem_shared>>
      tpu.wait_dma2 semaphore(%run_scoped3A : memref<!tpu.dma_semaphore, #tpu.memory_space<semaphore_mem>>) src(%arg10 : memref<16x16xf32, #tpu.memory_space<vmem>>) dst(%dma_wait3A_52 : memref<16x16xf32, #tpu.memory_space<vmem_shared>>)
      tpu.yield
    }) : () -> ()
    %barrier3A = arith.constant 0 : index
    tpu.barrier barrier_id(%barrier3A)
    %scan3A_25 = arith.constant 0 : i32
    %scan3A_26 = arith.constant 0 : i32
    %scan3A_27 = arith.constant 4 : i32
    %scan3A_28 = arith.addi %scan3A_26, %scan3A_27 : i32
    %scan3A_29 = arith.constant 1 : i32
    %scan3A_30 = scf.for %scan3A_47 = %scan3A_26 to %scan3A_28 step %scan3A_29 iter_args(%scan3A_48 = %scan3A_25) -> (i32)  : i32 {
      %mul3A_49 = arith.constant 32 : i32
      %mul3A_50 = arith.muli %scan3A_47, %mul3A_49 : i32
      %add3A_51 = arith.addi %add3A, %mul3A_50 : i32
      %lt3A = arith.constant 125 : i32
      %lt3A_52 = arith.cmpi slt, %add3A_51, %lt3A : i32
      %convert_element_type3A = arith.extui %lt3A_52 : i1 to i32
      %cond3A = arith.constant 0 : i32
      %cond3A_53 = arith.cmpi ne, %convert_element_type3A, %cond3A : i32
      scf.if %cond3A_53 {
        %mul3A_55 = arith.constant 80 : i32
        %mul3A_56 = arith.muli %add3A_51, %mul3A_55 : i32
        "tpu.region"() ({
          %run_scoped3A = tpu.sem_alloc : memref<!tpu.dma_semaphore, #tpu.memory_space<semaphore_mem>>
          %dma_start3A = tpu.memref_slice %arg3[%mul3A_56] : memref<10000xi32, #tpu.memory_space<hbm>> -> memref<80xi32, #tpu.memory_space<hbm>>
          %dma_start3A_57 = tpu.memref_slice %arg3[%mul3A_56] : memref<10000xi32, #tpu.memory_space<hbm>> -> memref<80xi32, #tpu.memory_space<hbm>>
          tpu.enqueue_dma source(%dma_start3A_57 : memref<80xi32, #tpu.memory_space<hbm>>) target(%arg6 : memref<80xi32, #tpu.memory_space<vmem>>) target_semaphore(%run_scoped3A : memref<!tpu.dma_semaphore, #tpu.memory_space<semaphore_mem>>)
          %dma_wait3A = tpu.memref_slice %arg3[%mul3A_56] : memref<10000xi32, #tpu.memory_space<hbm>> -> memref<80xi32, #tpu.memory_space<hbm>>
          %dma_wait3A_58 = tpu.memref_slice %arg3[%mul3A_56] : memref<10000xi32, #tpu.memory_space<hbm>> -> memref<80xi32, #tpu.memory_space<hbm>>
          tpu.wait_dma2 semaphore(%run_scoped3A : memref<!tpu.dma_semaphore, #tpu.memory_space<semaphore_mem>>) src(%dma_wait3A_58 : memref<80xi32, #tpu.memory_space<hbm>>) dst(%arg6 : memref<80xi32, #tpu.memory_space<vmem>>)
          tpu.yield
        }) : () -> ()
        "tpu.region"() ({
          %run_scoped3A = tpu.sem_alloc : memref<!tpu.dma_semaphore, #tpu.memory_space<semaphore_mem>>
          %dma_start3A = arith.constant 0 : i32
          %dma_start3A_57 = tpu.memref_slice %arg2[%mul3A_56, %dma_start3A] : memref<10000x128xf32, #tpu.memory_space<hbm>> -> memref<80x128xf32, #tpu.memory_space<hbm>>
          %dma_start3A_58 = arith.constant 0 : i32
          %dma_start3A_59 = tpu.memref_slice %arg2[%mul3A_56, %dma_start3A_58] : memref<10000x128xf32, #tpu.memory_space<hbm>> -> memref<80x128xf32, #tpu.memory_space<hbm>>
          tpu.enqueue_dma source(%dma_start3A_59 : memref<80x128xf32, #tpu.memory_space<hbm>>) target(%arg7 : memref<80x128xf32, #tpu.memory_space<vmem>>) target_semaphore(%run_scoped3A : memref<!tpu.dma_semaphore, #tpu.memory_space<semaphore_mem>>)
          %dma_wait3A = arith.constant 0 : i32
          %dma_wait3A_60 = tpu.memref_slice %arg2[%mul3A_56, %dma_wait3A] : memref<10000x128xf32, #tpu.memory_space<hbm>> -> memref<80x128xf32, #tpu.memory_space<hbm>>
          %dma_wait3A_61 = arith.constant 0 : i32
          %dma_wait3A_62 = tpu.memref_slice %arg2[%mul3A_56, %dma_wait3A_61] : memref<10000x128xf32, #tpu.memory_space<hbm>> -> memref<80x128xf32, #tpu.memory_space<hbm>>
          tpu.wait_dma2 semaphore(%run_scoped3A : memref<!tpu.dma_semaphore, #tpu.memory_space<semaphore_mem>>) src(%dma_wait3A_62 : memref<80x128xf32, #tpu.memory_space<hbm>>) dst(%arg7 : memref<80x128xf32, #tpu.memory_space<vmem>>)
          tpu.yield
        }) : () -> ()
        "tpu.region"() ({
          %run_scoped3A = tpu.sem_alloc : memref<!tpu.dma_semaphore, #tpu.memory_space<semaphore_mem>>
          %dma_start3A = arith.constant 0 : i32
          %dma_start3A_57 = arith.constant 0 : i32
          %dma_start3A_58 = tpu.memref_slice %arg11[%dma_start3A, %dma_start3A_57] : memref<256x128xf32, #tpu.memory_space<vmem_shared>> -> memref<256x128xf32, #tpu.memory_space<vmem_shared>>
          tpu.enqueue_indirect_dma source(%arg7 : memref<80x128xf32, #tpu.memory_space<vmem>>) target(%dma_start3A_58 : memref<256x128xf32, #tpu.memory_space<vmem_shared>>) offsets(%arg6 : memref<80xi32, #tpu.memory_space<vmem>>) semaphore(%run_scoped3A : memref<!tpu.dma_semaphore, #tpu.memory_space<semaphore_mem>>) {add = true}
          %dma_wait3A = arith.constant 0 : i32
          %dma_wait3A_59 = arith.constant 0 : i32
          %dma_wait3A_60 = tpu.memref_slice %arg11[%dma_wait3A, %dma_wait3A_59] : memref<256x128xf32, #tpu.memory_space<vmem_shared>> -> memref<256x128xf32, #tpu.memory_space<vmem_shared>>
          tpu.wait_indirect_dma semaphore(%run_scoped3A : memref<!tpu.dma_semaphore, #tpu.memory_space<semaphore_mem>>) src(%arg7 : memref<80x128xf32, #tpu.memory_space<vmem>>) dst(%dma_wait3A_60 : memref<256x128xf32, #tpu.memory_space<vmem_shared>>)
          tpu.yield
        }) : () -> ()
        "tpu.region"() ({
          %run_scoped3A = tpu.sem_alloc : memref<!tpu.dma_semaphore, #tpu.memory_space<semaphore_mem>>
          %dma_start3A = arith.constant 0 : i32
          %dma_start3A_57 = arith.constant 0 : i32
          %dma_start3A_58 = tpu.memref_slice %arg12[%dma_start3A, %dma_start3A_57] : memref<256x16xf32, #tpu.memory_space<vmem_shared>> -> memref<256x16xf32, #tpu.memory_space<vmem_shared>>
          tpu.enqueue_indirect_dma source(%arg8 : memref<80x16xf32, #tpu.memory_space<vmem>>) target(%dma_start3A_58 : memref<256x16xf32, #tpu.memory_space<vmem_shared>>) offsets(%arg6 : memref<80xi32, #tpu.memory_space<vmem>>) semaphore(%run_scoped3A : memref<!tpu.dma_semaphore, #tpu.memory_space<semaphore_mem>>) {add = true}
          %dma_wait3A = arith.constant 0 : i32
          %dma_wait3A_59 = arith.constant 0 : i32
          %dma_wait3A_60 = tpu.memref_slice %arg12[%dma_wait3A, %dma_wait3A_59] : memref<256x16xf32, #tpu.memory_space<vmem_shared>> -> memref<256x16xf32, #tpu.memory_space<vmem_shared>>
          tpu.wait_indirect_dma semaphore(%run_scoped3A : memref<!tpu.dma_semaphore, #tpu.memory_space<semaphore_mem>>) src(%arg8 : memref<80x16xf32, #tpu.memory_space<vmem>>) dst(%dma_wait3A_60 : memref<256x16xf32, #tpu.memory_space<vmem_shared>>)
          tpu.yield
        }) : () -> ()
      } else {
      }
      %scan3A_54 = arith.constant 0 : i32
      scf.yield %scan3A_54 : i32
    }
    %scan3A_31 = arith.constant 4 : i32
    %barrier3A_32 = arith.constant 0 : index
    tpu.barrier barrier_id(%barrier3A_32)
    %mul3A_33 = arith.constant 16 : i32
    %mul3A_34 = arith.muli %mul3A_33, %arg1 : i32
    %mul3A_35 = arith.constant 256 : i32
    %mul3A_36 = arith.muli %arg0, %mul3A_35 : i32
    %mul3A_37 = arith.constant 16 : i32
    %mul3A_38 = arith.muli %mul3A_37, %arg1 : i32
    %add3A_39 = arith.addi %mul3A_36, %mul3A_38 : i32
    "tpu.region"() ({
      %run_scoped3A = tpu.sem_alloc : memref<!tpu.dma_semaphore, #tpu.memory_space<semaphore_mem>>
      %dma_start3A = arith.constant 0 : i32
      %dma_start3A_47 = tpu.memref_slice %arg4[%add3A_39, %dma_start3A] : memref<512x128xf32, #tpu.memory_space<hbm>> -> memref<16x128xf32, #tpu.memory_space<hbm>>
      %dma_start3A_48 = arith.constant 0 : i32
      %dma_start3A_49 = tpu.memref_slice %arg11[%mul3A_34, %dma_start3A_48] : memref<256x128xf32, #tpu.memory_space<vmem_shared>> -> memref<16x128xf32, #tpu.memory_space<vmem_shared>>
      tpu.enqueue_dma source(%dma_start3A_49 : memref<16x128xf32, #tpu.memory_space<vmem_shared>>) target(%dma_start3A_47 : memref<16x128xf32, #tpu.memory_space<hbm>>) target_semaphore(%run_scoped3A : memref<!tpu.dma_semaphore, #tpu.memory_space<semaphore_mem>>)
      %dma_wait3A = arith.constant 0 : i32
      %dma_wait3A_50 = tpu.memref_slice %arg4[%add3A_39, %dma_wait3A] : memref<512x128xf32, #tpu.memory_space<hbm>> -> memref<16x128xf32, #tpu.memory_space<hbm>>
      %dma_wait3A_51 = arith.constant 0 : i32
      %dma_wait3A_52 = tpu.memref_slice %arg11[%mul3A_34, %dma_wait3A_51] : memref<256x128xf32, #tpu.memory_space<vmem_shared>> -> memref<16x128xf32, #tpu.memory_space<vmem_shared>>
      tpu.wait_dma2 semaphore(%run_scoped3A : memref<!tpu.dma_semaphore, #tpu.memory_space<semaphore_mem>>) src(%dma_wait3A_52 : memref<16x128xf32, #tpu.memory_space<vmem_shared>>) dst(%dma_wait3A_50 : memref<16x128xf32, #tpu.memory_space<hbm>>)
      tpu.yield
    }) : () -> ()
    %mul3A_40 = arith.constant 16 : i32
    %mul3A_41 = arith.muli %mul3A_40, %arg1 : i32
    %mul3A_42 = arith.constant 256 : i32
    %mul3A_43 = arith.muli %arg0, %mul3A_42 : i32
    %mul3A_44 = arith.constant 16 : i32
    %mul3A_45 = arith.muli %mul3A_44, %arg1 : i32
    %add3A_46 = arith.addi %mul3A_43, %mul3A_45 : i32
    "tpu.region"() ({
      %run_scoped3A = tpu.sem_alloc : memref<!tpu.dma_semaphore, #tpu.memory_space<semaphore_mem>>
      %dma_start3A = arith.constant 0 : i32
      %dma_start3A_47 = tpu.memref_slice %arg5[%add3A_46, %dma_start3A] : memref<512x16xf32, #tpu.memory_space<hbm>> -> memref<16x16xf32, #tpu.memory_space<hbm>>
      %dma_start3A_48 = arith.constant 0 : i32
      %dma_start3A_49 = tpu.memref_slice %arg12[%mul3A_41, %dma_start3A_48] : memref<256x16xf32, #tpu.memory_space<vmem_shared>> -> memref<16x16xf32, #tpu.memory_space<vmem_shared>>
      tpu.enqueue_dma source(%dma_start3A_49 : memref<16x16xf32, #tpu.memory_space<vmem_shared>>) target(%dma_start3A_47 : memref<16x16xf32, #tpu.memory_space<hbm>>) target_semaphore(%run_scoped3A : memref<!tpu.dma_semaphore, #tpu.memory_space<semaphore_mem>>)
      %dma_wait3A = arith.constant 0 : i32
      %dma_wait3A_50 = tpu.memref_slice %arg5[%add3A_46, %dma_wait3A] : memref<512x16xf32, #tpu.memory_space<hbm>> -> memref<16x16xf32, #tpu.memory_space<hbm>>
      %dma_wait3A_51 = arith.constant 0 : i32
      %dma_wait3A_52 = tpu.memref_slice %arg12[%mul3A_41, %dma_wait3A_51] : memref<256x16xf32, #tpu.memory_space<vmem_shared>> -> memref<16x16xf32, #tpu.memory_space<vmem_shared>>
      tpu.wait_dma2 semaphore(%run_scoped3A : memref<!tpu.dma_semaphore, #tpu.memory_space<semaphore_mem>>) src(%dma_wait3A_52 : memref<16x16xf32, #tpu.memory_space<vmem_shared>>) dst(%dma_wait3A_50 : memref<16x16xf32, #tpu.memory_space<hbm>>)
      tpu.yield
    }) : () -> ()
    return
  }
}

module attributes {stable_mosaic.version = 14 : i64} {
  func.func @_tc_mid_body(%arg0: memref<20000x128xf32, #tpu.memory_space<vmem>>, %arg1: memref<10000x128xf32, #tpu.memory_space<vmem>>, %arg2: memref<10000x1xf32, #tpu.memory_space<vmem>>, %arg3: memref<1x128xf32, #tpu.memory_space<vmem>>, %arg4: memref<1x128xf32, #tpu.memory_space<vmem>>, %arg5: memref<1x128xf32, #tpu.memory_space<vmem>>, %arg6: memref<128x128xf32, #tpu.memory_space<vmem>>, %arg7: memref<10000x128xf32, #tpu.memory_space<vmem>>) attributes {dimension_semantics = [], scalar_prefetch = 0 : i64, scratch_operands = 0 : i64, tpu.core_type = #tpu.core_type<tc>} {
    %get3A = arith.constant 0 : index
    %get3A_0 = arith.constant 0 : index
    %get3A_1 = vector.load %arg0[%get3A, %get3A_0] : memref<20000x128xf32, #tpu.memory_space<vmem>>, vector<20000x128xf32>
    %get3A_2 = arith.constant 0 : index
    %get3A_3 = arith.constant 0 : index
    %get3A_4 = vector.load %arg2[%get3A_2, %get3A_3] : memref<10000x1xf32, #tpu.memory_space<vmem>>, vector<10000x1xf32>
    %slice3A = vector.extract_strided_slice %get3A_1 {offsets = [0, 0], sizes = [10000, 128], strides = [1, 1]} : vector<20000x128xf32> to vector<10000x128xf32>
    %slice3A_5 = vector.extract_strided_slice %get3A_1 {offsets = [10000, 0], sizes = [10000, 128], strides = [1, 1]} : vector<20000x128xf32> to vector<10000x128xf32>
    %add3A = arith.addf %slice3A, %slice3A_5 : vector<10000x128xf32>
    %get3A_6 = arith.constant 0 : index
    %get3A_7 = arith.constant 0 : index
    %get3A_8 = vector.load %arg1[%get3A_6, %get3A_7] : memref<10000x128xf32, #tpu.memory_space<vmem>>, vector<10000x128xf32>
    %add3A_9 = arith.addf %add3A, %get3A_8 : vector<10000x128xf32>
    %mul3A = vector.broadcast %get3A_4 : vector<10000x1xf32> to vector<10000x128xf32>
    %mul3A_10 = arith.mulf %mul3A, %add3A_9 : vector<10000x128xf32>
    %get3A_11 = arith.constant 0 : index
    %get3A_12 = arith.constant 0 : index
    %get3A_13 = vector.load %arg3[%get3A_11, %get3A_12] : memref<1x128xf32, #tpu.memory_space<vmem>>, vector<1x128xf32>
    %add3A_14 = vector.broadcast %get3A_13 : vector<1x128xf32> to vector<10000x128xf32>
    %add3A_15 = arith.addf %mul3A_10, %add3A_14 : vector<10000x128xf32>
    %max3A = arith.constant 0.000000e+00 : f32
    %max3A_16 = vector.broadcast %max3A : f32 to vector<10000x128xf32>
    %max3A_17 = arith.maximumf %add3A_15, %max3A_16 : vector<10000x128xf32>
    %get3A_18 = arith.constant 0 : index
    %get3A_19 = arith.constant 0 : index
    %get3A_20 = vector.load %arg4[%get3A_18, %get3A_19] : memref<1x128xf32, #tpu.memory_space<vmem>>, vector<1x128xf32>
    %get3A_21 = arith.constant 0 : index
    %get3A_22 = arith.constant 0 : index
    %get3A_23 = vector.load %arg5[%get3A_21, %get3A_22] : memref<1x128xf32, #tpu.memory_space<vmem>>, vector<1x128xf32>
    %reduce_sum3A = arith.constant dense<0.000000e+00> : vector<128xf32>
    %reduce_sum3A_24 = vector.multi_reduction <add>, %max3A_17, %reduce_sum3A [0] : vector<10000x128xf32> to vector<128xf32>
    %broadcast_in_dim3A = vector.shape_cast %reduce_sum3A_24 : vector<128xf32> to vector<1x128xf32>
    %div3A = arith.constant 1.000000e+04 : f32
    %div3A_25 = vector.broadcast %div3A : f32 to vector<1x128xf32>
    %div3A_26 = arith.divf %broadcast_in_dim3A, %div3A_25 : vector<1x128xf32>
    %sub3A = vector.broadcast %div3A_26 : vector<1x128xf32> to vector<10000x128xf32>
    %sub3A_27 = arith.subf %max3A_17, %sub3A : vector<10000x128xf32>
    %sub3A_28 = vector.broadcast %div3A_26 : vector<1x128xf32> to vector<10000x128xf32>
    %sub3A_29 = arith.subf %max3A_17, %sub3A_28 : vector<10000x128xf32>
    %mul3A_30 = arith.mulf %sub3A_27, %sub3A_29 : vector<10000x128xf32>
    %reduce_sum3A_31 = arith.constant dense<0.000000e+00> : vector<128xf32>
    %reduce_sum3A_32 = vector.multi_reduction <add>, %mul3A_30, %reduce_sum3A_31 [0] : vector<10000x128xf32> to vector<128xf32>
    %broadcast_in_dim3A_33 = vector.shape_cast %reduce_sum3A_32 : vector<128xf32> to vector<1x128xf32>
    %div3A_34 = arith.constant 1.000000e+04 : f32
    %div3A_35 = vector.broadcast %div3A_34 : f32 to vector<1x128xf32>
    %div3A_36 = arith.divf %broadcast_in_dim3A_33, %div3A_35 : vector<1x128xf32>
    %sub3A_37 = vector.broadcast %div3A_26 : vector<1x128xf32> to vector<10000x128xf32>
    %sub3A_38 = arith.subf %max3A_17, %sub3A_37 : vector<10000x128xf32>
    %mul3A_39 = vector.broadcast %get3A_20 : vector<1x128xf32> to vector<10000x128xf32>
    %mul3A_40 = arith.mulf %mul3A_39, %sub3A_38 : vector<10000x128xf32>
    %add3A_41 = arith.constant 9.99999974E-6 : f32
    %add3A_42 = vector.broadcast %add3A_41 : f32 to vector<1x128xf32>
    %add3A_43 = arith.addf %div3A_36, %add3A_42 : vector<1x128xf32>
    %rsqrt3A = math.rsqrt %add3A_43 : vector<1x128xf32>
    %mul3A_44 = vector.broadcast %rsqrt3A : vector<1x128xf32> to vector<10000x128xf32>
    %mul3A_45 = arith.mulf %mul3A_40, %mul3A_44 : vector<10000x128xf32>
    %add3A_46 = vector.broadcast %get3A_23 : vector<1x128xf32> to vector<10000x128xf32>
    %add3A_47 = arith.addf %mul3A_45, %add3A_46 : vector<10000x128xf32>
    %get3A_48 = arith.constant 0 : index
    %get3A_49 = arith.constant 0 : index
    %get3A_50 = vector.load %arg6[%get3A_48, %get3A_49] : memref<128x128xf32, #tpu.memory_space<vmem>>, vector<128x128xf32>
    %dot_general3A = arith.constant dense<0.000000e+00> : vector<10000x128xf32>
    %dot_general3A_51 = tpu.matmul %add3A_47, %get3A_50, %dot_general3A {dimension_numbers = #tpu.dot_dimension_numbers<[1], [0], [0], [1], [0, 0, 1, 1], [], []>, transpose_lhs_hint = false} : vector<10000x128xf32>, vector<128x128xf32>, vector<10000x128xf32> -> vector<10000x128xf32>
    %mul3A_52 = vector.broadcast %get3A_4 : vector<10000x1xf32> to vector<10000x128xf32>
    %mul3A_53 = arith.mulf %mul3A_52, %dot_general3A_51 : vector<10000x128xf32>
    %swap3A = arith.constant 0 : index
    %swap3A_54 = arith.constant 0 : index
    %swap3A_55 = vector.load %arg7[%swap3A, %swap3A_54] : memref<10000x128xf32, #tpu.memory_space<vmem>>, vector<10000x128xf32>
    tpu.vector_store %arg7[%swap3A, %swap3A_54], %mul3A_53 {strides = array<i32>} : memref<10000x128xf32, #tpu.memory_space<vmem>>, vector<10000x128xf32>,
    return
  }
}

module attributes {stable_mosaic.version = 14 : i64} {
  func.func @_tc_pre_body(%arg0: memref<10000x128xf32, #tpu.memory_space<vmem>>, %arg1: memref<128x128xf32, #tpu.memory_space<vmem>>, %arg2: memref<20000x16xf32, #tpu.memory_space<vmem>>, %arg3: memref<10000x1xf32, #tpu.memory_space<vmem>>, %arg4: memref<10000x128xf32, #tpu.memory_space<vmem>>) attributes {dimension_semantics = [], scalar_prefetch = 0 : i64, scratch_operands = 0 : i64, tpu.core_type = #tpu.core_type<tc>} {
    %get3A = arith.constant 0 : index
    %get3A_0 = arith.constant 0 : index
    %get3A_1 = vector.load %arg2[%get3A, %get3A_0] : memref<20000x16xf32, #tpu.memory_space<vmem>>, vector<20000x16xf32>
    %slice3A = vector.extract_strided_slice %get3A_1 {offsets = [0, 0], sizes = [10000, 1], strides = [1, 1]} : vector<20000x16xf32> to vector<10000x1xf32>
    %slice3A_2 = vector.extract_strided_slice %get3A_1 {offsets = [10000, 0], sizes = [10000, 1], strides = [1, 1]} : vector<20000x16xf32> to vector<10000x1xf32>
    %add3A = arith.addf %slice3A, %slice3A_2 : vector<10000x1xf32>
    %add3A_3 = arith.constant 1.000000e+00 : f32
    %add3A_4 = vector.broadcast %add3A_3 : f32 to vector<10000x1xf32>
    %add3A_5 = arith.addf %add3A, %add3A_4 : vector<10000x1xf32>
    %rsqrt3A = math.rsqrt %add3A_5 : vector<10000x1xf32>
    %swap3A = arith.constant 0 : index
    %swap3A_6 = arith.constant 0 : index
    %swap3A_7 = vector.load %arg3[%swap3A, %swap3A_6] : memref<10000x1xf32, #tpu.memory_space<vmem>>, vector<10000x1xf32>
    tpu.vector_store %arg3[%swap3A, %swap3A_6], %rsqrt3A {strides = array<i32>} : memref<10000x1xf32, #tpu.memory_space<vmem>>, vector<10000x1xf32>,
    %get3A_8 = arith.constant 0 : index
    %get3A_9 = arith.constant 0 : index
    %get3A_10 = vector.load %arg0[%get3A_8, %get3A_9] : memref<10000x128xf32, #tpu.memory_space<vmem>>, vector<10000x128xf32>
    %get3A_11 = arith.constant 0 : index
    %get3A_12 = arith.constant 0 : index
    %get3A_13 = vector.load %arg1[%get3A_11, %get3A_12] : memref<128x128xf32, #tpu.memory_space<vmem>>, vector<128x128xf32>
    %dot_general3A = arith.constant dense<0.000000e+00> : vector<10000x128xf32>
    %dot_general3A_14 = tpu.matmul %get3A_10, %get3A_13, %dot_general3A {dimension_numbers = #tpu.dot_dimension_numbers<[1], [0], [0], [1], [0, 0, 1, 1], [], []>, transpose_lhs_hint = false} : vector<10000x128xf32>, vector<128x128xf32>, vector<10000x128xf32> -> vector<10000x128xf32>
    %mul3A = vector.broadcast %rsqrt3A : vector<10000x1xf32> to vector<10000x128xf32>
    %mul3A_15 = arith.mulf %dot_general3A_14, %mul3A : vector<10000x128xf32>
    %swap3A_16 = arith.constant 0 : index
    %swap3A_17 = arith.constant 0 : index
    %swap3A_18 = vector.load %arg4[%swap3A_16, %swap3A_17] : memref<10000x128xf32, #tpu.memory_space<vmem>>, vector<10000x128xf32>
    tpu.vector_store %arg4[%swap3A_16, %swap3A_17], %mul3A_15 {strides = array<i32>} : memref<10000x128xf32, #tpu.memory_space<vmem>>, vector<10000x128xf32>,
    return
  }
}

module attributes {stable_mosaic.version = 14 : i64} {
  func.func @_tc_last_body(%arg0: memref<20000x128xf32, #tpu.memory_space<vmem>>, %arg1: memref<10000x128xf32, #tpu.memory_space<vmem>>, %arg2: memref<10000x1xf32, #tpu.memory_space<vmem>>, %arg3: memref<1x128xf32, #tpu.memory_space<vmem>>, %arg4: memref<1x128xf32, #tpu.memory_space<vmem>>, %arg5: memref<1x128xf32, #tpu.memory_space<vmem>>, %arg6: memref<10000x128xf32, #tpu.memory_space<vmem>>) attributes {dimension_semantics = [], scalar_prefetch = 0 : i64, scratch_operands = 0 : i64, tpu.core_type = #tpu.core_type<tc>} {
    %get3A = arith.constant 0 : index
    %get3A_0 = arith.constant 0 : index
    %get3A_1 = vector.load %arg0[%get3A, %get3A_0] : memref<20000x128xf32, #tpu.memory_space<vmem>>, vector<20000x128xf32>
    %get3A_2 = arith.constant 0 : index
    %get3A_3 = arith.constant 0 : index
    %get3A_4 = vector.load %arg2[%get3A_2, %get3A_3] : memref<10000x1xf32, #tpu.memory_space<vmem>>, vector<10000x1xf32>
    %slice3A = vector.extract_strided_slice %get3A_1 {offsets = [0, 0], sizes = [10000, 128], strides = [1, 1]} : vector<20000x128xf32> to vector<10000x128xf32>
    %slice3A_5 = vector.extract_strided_slice %get3A_1 {offsets = [10000, 0], sizes = [10000, 128], strides = [1, 1]} : vector<20000x128xf32> to vector<10000x128xf32>
    %add3A = arith.addf %slice3A, %slice3A_5 : vector<10000x128xf32>
    %get3A_6 = arith.constant 0 : index
    %get3A_7 = arith.constant 0 : index
    %get3A_8 = vector.load %arg1[%get3A_6, %get3A_7] : memref<10000x128xf32, #tpu.memory_space<vmem>>, vector<10000x128xf32>
    %add3A_9 = arith.addf %add3A, %get3A_8 : vector<10000x128xf32>
    %mul3A = vector.broadcast %get3A_4 : vector<10000x1xf32> to vector<10000x128xf32>
    %mul3A_10 = arith.mulf %mul3A, %add3A_9 : vector<10000x128xf32>
    %get3A_11 = arith.constant 0 : index
    %get3A_12 = arith.constant 0 : index
    %get3A_13 = vector.load %arg3[%get3A_11, %get3A_12] : memref<1x128xf32, #tpu.memory_space<vmem>>, vector<1x128xf32>
    %add3A_14 = vector.broadcast %get3A_13 : vector<1x128xf32> to vector<10000x128xf32>
    %add3A_15 = arith.addf %mul3A_10, %add3A_14 : vector<10000x128xf32>
    %get3A_16 = arith.constant 0 : index
    %get3A_17 = arith.constant 0 : index
    %get3A_18 = vector.load %arg4[%get3A_16, %get3A_17] : memref<1x128xf32, #tpu.memory_space<vmem>>, vector<1x128xf32>
    %get3A_19 = arith.constant 0 : index
    %get3A_20 = arith.constant 0 : index
    %get3A_21 = vector.load %arg5[%get3A_19, %get3A_20] : memref<1x128xf32, #tpu.memory_space<vmem>>, vector<1x128xf32>
    %reduce_sum3A = arith.constant dense<0.000000e+00> : vector<128xf32>
    %reduce_sum3A_22 = vector.multi_reduction <add>, %add3A_15, %reduce_sum3A [0] : vector<10000x128xf32> to vector<128xf32>
    %broadcast_in_dim3A = vector.shape_cast %reduce_sum3A_22 : vector<128xf32> to vector<1x128xf32>
    %div3A = arith.constant 1.000000e+04 : f32
    %div3A_23 = vector.broadcast %div3A : f32 to vector<1x128xf32>
    %div3A_24 = arith.divf %broadcast_in_dim3A, %div3A_23 : vector<1x128xf32>
    %sub3A = vector.broadcast %div3A_24 : vector<1x128xf32> to vector<10000x128xf32>
    %sub3A_25 = arith.subf %add3A_15, %sub3A : vector<10000x128xf32>
    %sub3A_26 = vector.broadcast %div3A_24 : vector<1x128xf32> to vector<10000x128xf32>
    %sub3A_27 = arith.subf %add3A_15, %sub3A_26 : vector<10000x128xf32>
    %mul3A_28 = arith.mulf %sub3A_25, %sub3A_27 : vector<10000x128xf32>
    %reduce_sum3A_29 = arith.constant dense<0.000000e+00> : vector<128xf32>
    %reduce_sum3A_30 = vector.multi_reduction <add>, %mul3A_28, %reduce_sum3A_29 [0] : vector<10000x128xf32> to vector<128xf32>
    %broadcast_in_dim3A_31 = vector.shape_cast %reduce_sum3A_30 : vector<128xf32> to vector<1x128xf32>
    %div3A_32 = arith.constant 1.000000e+04 : f32
    %div3A_33 = vector.broadcast %div3A_32 : f32 to vector<1x128xf32>
    %div3A_34 = arith.divf %broadcast_in_dim3A_31, %div3A_33 : vector<1x128xf32>
    %sub3A_35 = vector.broadcast %div3A_24 : vector<1x128xf32> to vector<10000x128xf32>
    %sub3A_36 = arith.subf %add3A_15, %sub3A_35 : vector<10000x128xf32>
    %mul3A_37 = vector.broadcast %get3A_18 : vector<1x128xf32> to vector<10000x128xf32>
    %mul3A_38 = arith.mulf %mul3A_37, %sub3A_36 : vector<10000x128xf32>
    %add3A_39 = arith.constant 9.99999974E-6 : f32
    %add3A_40 = vector.broadcast %add3A_39 : f32 to vector<1x128xf32>
    %add3A_41 = arith.addf %div3A_34, %add3A_40 : vector<1x128xf32>
    %rsqrt3A = math.rsqrt %add3A_41 : vector<1x128xf32>
    %mul3A_42 = vector.broadcast %rsqrt3A : vector<1x128xf32> to vector<10000x128xf32>
    %mul3A_43 = arith.mulf %mul3A_38, %mul3A_42 : vector<10000x128xf32>
    %add3A_44 = vector.broadcast %get3A_21 : vector<1x128xf32> to vector<10000x128xf32>
    %add3A_45 = arith.addf %mul3A_43, %add3A_44 : vector<10000x128xf32>
    %swap3A = arith.constant 0 : index
    %swap3A_46 = arith.constant 0 : index
    %swap3A_47 = vector.load %arg6[%swap3A, %swap3A_46] : memref<10000x128xf32, #tpu.memory_space<vmem>>, vector<10000x128xf32>
    tpu.vector_store %arg6[%swap3A, %swap3A_46], %add3A_45 {strides = array<i32>} : memref<10000x128xf32, #tpu.memory_space<vmem>>, vector<10000x128xf32>,
    return
  }
}

module attributes {stable_mosaic.version = 14 : i64} {
  func.func @_tc_head_body(%arg0: memref<512x128xf32, #tpu.memory_space<vmem>>, %arg1: memref<512x16xf32, #tpu.memory_space<vmem>>, %arg2: memref<256x1280xf32, #tpu.memory_space<vmem>>, %arg3: memref<1280x128xf32, #tpu.memory_space<vmem>>, %arg4: memref<1x128xf32, #tpu.memory_space<vmem>>, %arg5: memref<128x183xf32, #tpu.memory_space<vmem>>, %arg6: memref<1x183xf32, #tpu.memory_space<vmem>>, %arg7: memref<128x182xf32, #tpu.memory_space<vmem>>, %arg8: memref<1x182xf32, #tpu.memory_space<vmem>>, %arg9: memref<256x183xf32, #tpu.memory_space<vmem>>, %arg10: memref<256x182xf32, #tpu.memory_space<vmem>>) attributes {dimension_semantics = [], scalar_prefetch = 0 : i64, scratch_operands = 0 : i64, tpu.core_type = #tpu.core_type<tc>} {
    %get3A = arith.constant 0 : index
    %get3A_0 = arith.constant 0 : index
    %get3A_1 = vector.load %arg0[%get3A, %get3A_0] : memref<512x128xf32, #tpu.memory_space<vmem>>, vector<512x128xf32>
    %get3A_2 = arith.constant 0 : index
    %get3A_3 = arith.constant 0 : index
    %get3A_4 = vector.load %arg1[%get3A_2, %get3A_3] : memref<512x16xf32, #tpu.memory_space<vmem>>, vector<512x16xf32>
    %slice3A = vector.extract_strided_slice %get3A_4 {offsets = [0, 0], sizes = [256, 1], strides = [1, 1]} : vector<512x16xf32> to vector<256x1xf32>
    %slice3A_5 = vector.extract_strided_slice %get3A_4 {offsets = [256, 0], sizes = [256, 1], strides = [1, 1]} : vector<512x16xf32> to vector<256x1xf32>
    %add3A = arith.addf %slice3A, %slice3A_5 : vector<256x1xf32>
    %max3A = arith.constant 1.000000e+00 : f32
    %max3A_6 = vector.broadcast %max3A : f32 to vector<256x1xf32>
    %max3A_7 = arith.maximumf %add3A, %max3A_6 : vector<256x1xf32>
    %slice3A_8 = vector.extract_strided_slice %get3A_1 {offsets = [0, 0], sizes = [256, 128], strides = [1, 1]} : vector<512x128xf32> to vector<256x128xf32>
    %slice3A_9 = vector.extract_strided_slice %get3A_1 {offsets = [256, 0], sizes = [256, 128], strides = [1, 1]} : vector<512x128xf32> to vector<256x128xf32>
    %add3A_10 = arith.addf %slice3A_8, %slice3A_9 : vector<256x128xf32>
    %div3A = vector.broadcast %max3A_7 : vector<256x1xf32> to vector<256x128xf32>
    %div3A_11 = arith.divf %add3A_10, %div3A : vector<256x128xf32>
    %get3A_12 = arith.constant 0 : index
    %get3A_13 = arith.constant 0 : index
    %get3A_14 = vector.load %arg2[%get3A_12, %get3A_13] : memref<256x1280xf32, #tpu.memory_space<vmem>>, vector<256x1280xf32>
    %get3A_15 = arith.constant 0 : index
    %get3A_16 = arith.constant 0 : index
    %get3A_17 = vector.load %arg3[%get3A_15, %get3A_16] : memref<1280x128xf32, #tpu.memory_space<vmem>>, vector<1280x128xf32>
    %dot_general3A = arith.constant dense<0.000000e+00> : vector<256x128xf32>
    %dot_general3A_18 = tpu.matmul %get3A_14, %get3A_17, %dot_general3A {dimension_numbers = #tpu.dot_dimension_numbers<[1], [0], [0], [1], [0, 0, 1, 1], [], []>, transpose_lhs_hint = false} : vector<256x1280xf32>, vector<1280x128xf32>, vector<256x128xf32> -> vector<256x128xf32>
    %add3A_19 = arith.addf %div3A_11, %dot_general3A_18 : vector<256x128xf32>
    %get3A_20 = arith.constant 0 : index
    %get3A_21 = arith.constant 0 : index
    %get3A_22 = vector.load %arg4[%get3A_20, %get3A_21] : memref<1x128xf32, #tpu.memory_space<vmem>>, vector<1x128xf32>
    %add3A_23 = vector.broadcast %get3A_22 : vector<1x128xf32> to vector<256x128xf32>
    %add3A_24 = arith.addf %add3A_19, %add3A_23 : vector<256x128xf32>
    %get3A_25 = arith.constant 0 : index
    %get3A_26 = arith.constant 0 : index
    %get3A_27 = vector.load %arg5[%get3A_25, %get3A_26] : memref<128x183xf32, #tpu.memory_space<vmem>>, vector<128x183xf32>
    %dot_general3A_28 = arith.constant dense<0.000000e+00> : vector<256x183xf32>
    %dot_general3A_29 = tpu.matmul %add3A_24, %get3A_27, %dot_general3A_28 {dimension_numbers = #tpu.dot_dimension_numbers<[1], [0], [0], [1], [0, 0, 1, 1], [], []>, transpose_lhs_hint = false} : vector<256x128xf32>, vector<128x183xf32>, vector<256x183xf32> -> vector<256x183xf32>
    %get3A_30 = arith.constant 0 : index
    %get3A_31 = arith.constant 0 : index
    %get3A_32 = vector.load %arg6[%get3A_30, %get3A_31] : memref<1x183xf32, #tpu.memory_space<vmem>>, vector<1x183xf32>
    %add3A_33 = vector.broadcast %get3A_32 : vector<1x183xf32> to vector<256x183xf32>
    %add3A_34 = arith.addf %dot_general3A_29, %add3A_33 : vector<256x183xf32>
    %get3A_35 = arith.constant 0 : index
    %get3A_36 = arith.constant 0 : index
    %get3A_37 = vector.load %arg7[%get3A_35, %get3A_36] : memref<128x182xf32, #tpu.memory_space<vmem>>, vector<128x182xf32>
    %dot_general3A_38 = arith.constant dense<0.000000e+00> : vector<256x182xf32>
    %dot_general3A_39 = tpu.matmul %add3A_24, %get3A_37, %dot_general3A_38 {dimension_numbers = #tpu.dot_dimension_numbers<[1], [0], [0], [1], [0, 0, 1, 1], [], []>, transpose_lhs_hint = false} : vector<256x128xf32>, vector<128x182xf32>, vector<256x182xf32> -> vector<256x182xf32>
    %get3A_40 = arith.constant 0 : index
    %get3A_41 = arith.constant 0 : index
    %get3A_42 = vector.load %arg8[%get3A_40, %get3A_41] : memref<1x182xf32, #tpu.memory_space<vmem>>, vector<1x182xf32>
    %add3A_43 = vector.broadcast %get3A_42 : vector<1x182xf32> to vector<256x182xf32>
    %add3A_44 = arith.addf %dot_general3A_39, %add3A_43 : vector<256x182xf32>
    %neg3A = arith.constant 0.000000e+00 : f32
    %neg3A_45 = vector.broadcast %neg3A : f32 to vector<256x183xf32>
    %neg3A_46 = arith.subf %neg3A_45, %add3A_34 : vector<256x183xf32>
    %exp3A = math.exp %neg3A_46 : vector<256x183xf32>
    %add3A_47 = arith.constant 1.000000e+00 : f32
    %add3A_48 = vector.broadcast %add3A_47 : f32 to vector<256x183xf32>
    %add3A_49 = arith.addf %add3A_48, %exp3A : vector<256x183xf32>
    %div3A_50 = arith.constant 1.000000e+00 : f32
    %div3A_51 = vector.broadcast %div3A_50 : f32 to vector<256x183xf32>
    %div3A_52 = arith.divf %div3A_51, %add3A_49 : vector<256x183xf32>
    %swap3A = arith.constant 0 : index
    %swap3A_53 = arith.constant 0 : index
    %swap3A_54 = vector.load %arg9[%swap3A, %swap3A_53] : memref<256x183xf32, #tpu.memory_space<vmem>>, vector<256x183xf32>
    tpu.vector_store %arg9[%swap3A, %swap3A_53], %div3A_52 {strides = array<i32>} : memref<256x183xf32, #tpu.memory_space<vmem>>, vector<256x183xf32>,
    %neg3A_55 = arith.constant 0.000000e+00 : f32
    %neg3A_56 = vector.broadcast %neg3A_55 : f32 to vector<256x182xf32>
    %neg3A_57 = arith.subf %neg3A_56, %add3A_44 : vector<256x182xf32>
    %exp3A_58 = math.exp %neg3A_57 : vector<256x182xf32>
    %add3A_59 = arith.constant 1.000000e+00 : f32
    %add3A_60 = vector.broadcast %add3A_59 : f32 to vector<256x182xf32>
    %add3A_61 = arith.addf %add3A_60, %exp3A_58 : vector<256x182xf32>
    %div3A_62 = arith.constant 1.000000e+00 : f32
    %div3A_63 = vector.broadcast %div3A_62 : f32 to vector<256x182xf32>
    %div3A_64 = arith.divf %div3A_63, %add3A_61 : vector<256x182xf32>
    %swap3A_65 = arith.constant 0 : index
    %swap3A_66 = arith.constant 0 : index
    %swap3A_67 = vector.load %arg10[%swap3A_65, %swap3A_66] : memref<256x182xf32, #tpu.memory_space<vmem>>, vector<256x182xf32>
    tpu.vector_store %arg10[%swap3A_65, %swap3A_66], %div3A_64 {strides = array<i32>} : memref<256x182xf32, #tpu.memory_space<vmem>>, vector<256x182xf32>,
    return
  }
}

</mosaic_0001>

<sc_bundles>
// kernel: kernel.12.cloned.1.call-start
scs
__scs_entry_jumppad:
0x0: {  	(pc) =	sbr.rel $0x88, $3  }
0x1: {  	(tag) =	ssettag $0x0;
	lr =	simm.s32 $0x1  }
0x2: {  	[smem:$0x3F8B] =	sst lr;
	_ =	strace $0xD0000000  }
0x3: {  	_ = 	snop  }
0x4: {  	_ = 	snop  }
0x5: {  	_ = 	snop  }
0x6: {  	_ = 	snop  }
0x7: {  	_ = 	snop  }
__scs_overlays_trampoline_lowered:
0x8: {  	[smem:$0x3F9A] =	sst s0  }
0x9: {  	[smem:$0x3F9B] =	sst s1  }
0xa: {  	[smem:$0x3F9C] =	sst s2  }
0xb: {  	[smem:$0x3F9D] =	sst s3  }
0xc: {  	[smem:$0x3F9E] =	sst s4  }
0xd: {  	[smem:$0x3F9F] =	sst s5  }
0xe: {  	[smem:$0x3FA0] =	sst s6  }
0xf: {  	[smem:$0x3FA1] =	sst s7  }
0x10: {  	[smem:$0x3FA2] =	sst s8  }
0x11: {  	[smem:$0x3FA3] =	sst s9;
	s0 =	simm.s32 @!p0 $0x0  }
0x12: {  	s1 =	sld [smem:$0x3F89];
	s0 =	simm.s32 @p0 $0x1  }
0x13: {  	[smem:$0x3FA4] =	sst s0;
	s0 =	simm.s32 @!p1 $0x0  }
0x14: {  	s2 =	sld [smem:$0x3F88];
	s0 =	simm.s32 @p1 $0x1  }
0x15: {  	[smem:$0x3FA5] =	sst s0;
	s0 =	simm.s32 @!p2 $0x0  }
0x16: {  	s3 =	sld [smem:$0x3FDB];
	s0 =	simm.s32 @p2 $0x1  }
0x17: {  	s4 =	simm.s32 $0x1BF5;
	[smem:$0x3FA7] =	sst s0  }
0x18: {  	s0 =	sld [smem:$0x3F8A];
	_ =	swait.ge [sflag:s4], $0x0  }
0x19: {  	s7 =	sld [smem:$0x3F8B]  }
0x1a: {  	s8 =	sadd.s32 $0xFFFFE003, lr  }
0x1b: {  	s9 =	sadd.s32 $0xFFFFFEF7, lr;
	s5 =	simm.s32 $0xFFFFFFFF;
	p2 =	slt.u32 s8, $0xFFFFF086  }
0x1c: {  	p1 =	slt.u32 s9, $0xF7A;
	s5 =	simm.s32 @!p2 $0x0  }
0x1d: {  	s5 =	simm.s32 @p1 $0x1;
	p0 =	seq.s32 s7, s2  }
0x1e: {  	s7 =	smul.u32 @!p0 $0xF7A, s2;
	p2 =	seq.s32 @!p0 s5, $0x0  }
0x1f: {  	s9 =	smul.u32 $0xF7A, s1;
	s8 =	simm.s32 @!p0 $0x1BF5;
	p2 =	por !p2, p0  }
0x20: {  	[sflag:s8] =	ssyncset.s32 @!p0 $0xFFFFF086;
	s6 =	sadd.s32 @!p0 s3, s7;
	s7 =	simm.s32 @!p0 $0x108  }
0x21: {  	s3 =	sadd.s32 s3, s9;
	s6 =	sadd.s32 @!p0 $0x88, s6;
	s7 =	simm.s32 @p2 $0x1082  }
0x22: {  	[simem:s7], [sflag:s8] =	dma.local @!p0 [hbm:s6], $0xF7A  }
0x23: {  	s9 =	sor.u32 $0xD0000000, s2;
	s6 =	simm.s32 $0x108;
	_ =	swait.ge @!p0 [sflag:s8], $0x0  }
0x24: {  	s3 =	sadd.s32 $0x88, s3;
	s6 =	simm.s32 @!p1 $0x1082;
	[sflag:s4] =	ssyncset.s32 $0xFFFFF086  }
0x25: {  	[simem:s6], [sflag:s4] =	dma.local [hbm:s3], $0xF7A  }
0x26: {  	[smem:$0x3F8B] =	sst s1;
	(tag) =	ssettag s2;
	_ =	strace s9  }
0x27: {  	s1 =	sld [smem:$0x3F9B]  }
0x28: {  	s2 =	sld [smem:$0x3F9C]  }
0x29: {  	s4 =	sld [smem:$0x3F9E]  }
0x2a: {  	p0 =	seq.s32 s5, $0x0;
	s5 =	sld [smem:$0x3F9F]  }
0x2b: {  	s6 =	sld [smem:$0x3FA0]  }
0x2c: {  	s7 =	sld [smem:$0x3FA1]  }
0x2d: {  	s3 =	simm.s32 $0x108;
	s8 =	sld [smem:$0x3FA2]  }
0x2e: {  	s3 =	simm.s32 @!p0 $0x1082;
	s9 =	sld [smem:$0x3FA3]  }
0x2f: {  	lr =	sadd.s32 s0, s3;
	s0 =	sld [smem:$0x3F9A]  }
0x30: {  	s3 =	sld [smem:$0x3F9D]  }
0x31: {  	[smem:$0x3FA6] =	sst s10  }
0x32: {  	s10 =	sld [smem:$0x3FA4];
	_ =	sdelay $0x3  }
0x33: {  	p0 =	seq.s32 s10, $0x1;
	s10 =	sld [smem:$0x3FA6];
	_ =	sdelay $0x3  }
0x34: {  	[smem:$0x3FA6] =	sst s10  }
0x35: {  	s10 =	sld [smem:$0x3FA5];
	_ =	sdelay $0x3  }
0x36: {  	p1 =	seq.s32 s10, $0x1;
	s10 =	sld [smem:$0x3FA6];
	_ =	sdelay $0x3  }
0x37: {  	[smem:$0x3FA6] =	sst s10  }
0x38: {  	s10 =	sld [smem:$0x3FA7]  }
0x39: {  	_ = 	snop;
	(pc) =	sbr.ind lr, $3  }
0x3a: {  	_ = 	snop  }
0x3b: {  	_ = 	snop  }
0x3c: {  	p2 =	seq.s32 s10, $0x1;
	s10 =	sld [smem:$0x3FA6]  }
0x3d: {  	_ =	shalt  }
0x3e: {  	_ =	shalt  }
0x3f: {  	_ =	shalt  }
0x40: {  	_ =	shalt  }
0x41: {  	_ =	shalt  }
0x42: {  	_ =	shalt  }
0x43: {  	_ =	shalt  }
0x44: {  	_ =	shalt  }
0x45: {  	_ =	shalt  }
0x46: {  	_ =	shalt  }
0x47: {  	_ =	shalt  }
0x48: {  	_ =	shalt  }
0x49: {  	_ =	shalt  }
0x4a: {  	_ =	shalt  }
0x4b: {  	_ =	shalt  }
0x4c: {  	_ =	shalt  }
0x4d: {  	_ =	shalt  }
0x4e: {  	_ =	shalt  }
0x4f: {  	_ =	shalt  }
0x50: {  	_ =	shalt  }
0x51: {  	_ =	shalt  }
0x52: {  	_ =	shalt  }
0x53: {  	_ =	shalt  }
0x54: {  	_ =	shalt  }
0x55: {  	_ =	shalt  }
0x56: {  	_ =	shalt  }
0x57: {  	_ =	shalt  }
0x58: {  	_ =	shalt  }
0x59: {  	_ =	shalt  }
0x5a: {  	_ =	shalt  }
0x5b: {  	_ =	shalt  }
0x5c: {  	_ =	shalt  }
0x5d: {  	_ =	shalt  }
0x5e: {  	_ =	shalt  }
0x5f: {  	_ =	shalt  }
0x60: {  	_ =	shalt  }
0x61: {  	_ =	shalt  }
0x62: {  	_ =	shalt  }
0x63: {  	_ =	shalt  }
0x64: {  	_ =	shalt  }
0x65: {  	_ =	shalt  }
0x66: {  	_ =	shalt  }
0x67: {  	_ =	shalt  }
0x68: {  	_ =	shalt  }
0x69: {  	_ =	shalt  }
0x6a: {  	_ =	shalt  }
0x6b: {  	_ =	shalt  }
0x6c: {  	_ =	shalt  }
0x6d: {  	_ =	shalt  }
0x6e: {  	_ =	shalt  }
0x6f: {  	_ =	shalt  }
0x70: {  	_ =	shalt  }
0x71: {  	_ =	shalt  }
0x72: {  	_ =	shalt  }
0x73: {  	_ =	shalt  }
0x74: {  	_ =	shalt  }
0x75: {  	_ =	shalt  }
0x76: {  	_ =	shalt  }
0x77: {  	_ =	shalt  }
0x78: {  	_ =	shalt  }
0x79: {  	_ =	shalt  }
0x7a: {  	_ =	shalt  }
0x7b: {  	_ =	shalt  }
0x7c: {  	_ =	shalt  }
0x7d: {  	_ =	shalt  }
0x7e: {  	_ =	shalt  }
0x7f: {  	_ =	shalt  }
0x80: {  	_ =	shalt  }
0x81: {  	_ =	shalt  }
0x82: {  	_ =	shalt  }
0x83: {  	_ =	shalt  }
0x84: {  	_ =	shalt  }
0x85: {  	_ =	shalt  }
0x86: {  	_ =	shalt  }
0x87: {  	_ =	shalt  }
.Lfunc_end0:
.L_simem_size_0:
called_computation_lowered:
.L_overlay_start_0:
0x88: {  	s2 =	sld [smem:$0x3FD9]  }
0x89: {  	s3 =	sld [smem:$0x3FFE];
	_ =	sdelay $0x1  }
0x8a: {  	s1 =	srdreg.scid  }
0x8b: {  	s0 =	sand.u32 $0x1, s1  }
0x8c: {  	s16 =	sshll.u32 s0, $0xA;
	s2 =	sadd.s32 s3, s2  }
0x8d: {  	s2 =	sadd.s32 s2, s16  }
0x8e: {  	[smem:$0x3FB2] =	sst s2  }
0x8f: {  	_ = 	snop  }
0x90: {  	(tm) =	ssettm $0x1  }
0x91: {  	s17 =	sld [smem:$0x3FFB];
	_ =	sdelay $0x3  }
0x92: {  	_ =	strace s17  }
0x93: {  	s2 =	sld [smem:$0x3FFC];
	_ =	sdelay $0x3  }
0x94: {  	_ =	strace s2  }
0x95: {  	s2 =	sld [smem:$0x3FFD];
	_ =	sdelay $0x3  }
0x96: {  	_ =	strace s2  }
0x97: {  	_ =	strace $0x8FFFFFFF  }
0x98: {  	s18 =	sld [smem:$0x3FDB];
	_ =	sdelay $0x1  }
0x99: {  	s19 =	simm.s32 $_scs_section_size  }
0x9a: {  	s4 =	simm.s32 $_size__tile_overlayer_lowered;
	s5 =	simm.s32 $_tile_overlayer_lowered  }
0x9b: {  	s22 =	simm.s32 $0x1BFF;
	s21 =	sshll.u32 s5, $0x1;
	s2 =	sadd.s32 s19, s18  }
0x9c: {  	s6 =	simm.s32 $0x0;
	s20 =	sshll.u32 s4, $0x1;
	s4 =	sadd.s32 s21, s2  }
0x9d: {  	[timem:s6], [sflag:s22] =	dma.local [hbm:s4], s20  }
0x9e: {  	_ =	swait.ge [sflag:s22], s20  }
0x9f: {  	s3 =	ssub.s32 $0x0, s20;
	[sflag:s22] =	ssyncset.done $0x0  }
0xa0: {  	[sflag:s22] =	ssyncadd.s32 s3;
	_ =	sdelay $0x1  }
0xa1: {  	s23 =	simm.s32 $0x1B8B  }
0xa2: {  	_ =	swait.ge [sflag:s23], $0x1  }
0xa3: {  	[sflag:s23] =	ssyncset.done $0x0  }
0xa4: {  	s25 =	simm.s32 $0x1B8E;
	s24 =	sld [smem:$0x3FFE];
	[sflag:s23] =	ssyncadd.s32 $0xFFFFFFFF  }
0xa5: {  	s26 =	simm.s32 $execute0_lowered;
	[smem:$0x3FD2] =	sst s25  }
0xa6: {  	s4 =	sshll.u32 s26, $0x1;
	_ =	strace $0x80000046;
	[dreg:$0x1] =	wrdreg $0xFFFFFFFF  }
0xa7: {  	s28 =	simm.s32 $_size_execute0_lowered;
	s2 =	sadd.s32 s2, s4;
	[dreg:$0x0] =	wrdreg $0x0  }
0xa8: {  	s4 =	sshll.u32 s28, $0x1;
	[dreg:$0x2] =	wrdreg s2  }
0xa9: {  	[dreg:$0x3] =	wrdreg s4  }
0xaa: {  	[dreg:$0x4] =	wrdreg $0xC0  }
0xab: {  	_ =	task [dreg:s6], $0x5FFFF  }
0xac: {  	[dreg:$0x1] =	wrdreg $0xFFFFFFFF  }
0xad: {  	[dreg:$0x0] =	wrdreg $0x60  }
0xae: {  	[dreg:$0x2] =	wrdreg s24  }
0xaf: {  	[dreg:$0x3] =	wrdreg $0x78800  }
0xb0: {  	[dreg:$0x4] =	wrdreg $0x9  }
0xb1: {  	_ =	task.clear_ibuf [dreg:s6], $0x5FFFF;
	_ =	strace $0x90000046  }
0xb2: {  	s29 =	simm.s32 $0x9;
	_ =	strace $0x80000048  }
0xb3: {  	_ =	swait.ge [sflag:s29], $0x1  }
0xb4: {  	[sflag:s29] =	ssyncadd.s32 $0xFFFFFFFF  }
0xb5: {  	_ =	strace $0x90000048  }
0xb6: {  	_ =	sfence  }
0xb7: {  	s30 =	sld [smem:$0x0];
	_ =	sdelay $0x2  }
0xb8: {  	s31 =	sshll.u32 s1, $0xD;
	s1 =	sshrl.u32 s1, $0x2  }
0xb9: {  	s3 =	sand.u32 $0x4000, s31;
	s1 =	sadd.s32 s1, s30  }
0xba: {  	s0 =	sor.u32 s3, s0;
	s1 =	sshll.u32 s1, $0x11  }
0xbb: {  	s0 =	sor.u32 s1, s0  }
0xbc: {  	s0 =	sadd.s32 $0x8F2B, s0  }
0xbd: {  	[sflag:s0] =	ssyncadd.remote.s32 $0x1  }
0xbe: {  	_ =	sfence.sel $0xFFFF  }
0xbf: {  	[dreg:$0x0] =	wrdreg $0xFFFFFFFF;
	(pc) =	sbr.abs _section_cstart, $3  }
0xc0: {  	[dreg:$0x1] =	wrdreg $0xFFFFFFFF  }
0xc1: {  	_ =	task.clear_ibuf [dreg:s6], $0x2FFFF;
	_ =	strace $0x9FFFFFFF  }
0xc2: {  	(tm) =	ssettm $0x7FFFFFFF  }
0xc3: {  	_ =	shalt  }
tec
execute0_lowered:
.L_overlay_start_1:
0x0: {  	(tag) =	ssettag $0x1  }
0x1: {  	s0 =	srdreg.scid;
	s3 =	rddreg [dreg:$0x0]  }
0x2: {  	s18 =	stileid.u32;
	s2 =	rddreg [dreg:$0x1]  }
0x3: {  	s5 =	simm.s32 $0x0;
	s0 =	sand.u32 $0x1, s0;
	s6 =	smul.u32 $0xA000, s18  }
0x4: {  	s28 =	simm.s32 $0x2780;
	s8 =	sor.u32 $0x10, s18;
	s19 =	smul.u32 $0x27100, s0  }
0x5: {  	s29 =	simm.s32 $0x2880;
	s10 =	sor.u32 $0x20, s18;
	s7 =	smul.u32 $0xA000, s8  }
0x6: {  	s30 =	simm.s32 $0x1;
	s11 =	sor.u32 $0x30, s18;
	s9 =	smul.u32 $0xA000, s10  }
0x7: {  	s31 =	simm.s32 $0x2800;
	s13 =	sor.u32 $0x40, s18;
	s12 =	smul.u32 $0xA000, s11  }
0x8: {  	s4 =	sshll.u32 s18, $0x7;
	s14 =	sor.u32 $0x50, s18;
	s21 =	smul.u32 $0xA000, s13  }
0x9: {  	[smem:$0x7FF] =	sst s5;
	s16 =	sor.u32 $0x60, s18;
	s15 =	smul.u32 $0xA000, s14  }
0xa: {  	s22 =	sor.u32 $0x70, s18;
	s1 =	sshll.u32 s0, $0x4;
	s23 =	smul.u32 $0xA000, s16  }
0xb: {  	s4 =	sand.u32 $0x380, s4;
	_ =	strace $0x80000047;
	s17 =	smul.u32 $0xA000, s22  }
0xc: {  	s0 =	ssub.s32 $0x2, s0;
	s26 =	smul.u32 $0x500, s16;
	p0 =	sgt.u32 s22, $0x7C  }
0xd: {  	s1 =	sor.u32 s18, s1;
	s20 =	sshrl.u32 s0, $0x1;
	s6 =	sshrl.u32 s6, $0x2  }
0xe: {  	s18 =	smul.u32 $0x500, s18;
	s1 =	sshrl.u32 s1, $0x3;
	s0 =	ssub.s32 s0, s20  }
0xf: {  	s7 =	sshrl.u32 s7, $0x2;
	s6 =	sadd.s32 s6, s2;
	s1 =	smul.u32 $0x13C00, s1  }
0x10: {  	s9 =	sshrl.u32 s9, $0x2;
	s12 =	sshrl.u32 s12, $0x2;
	s20 =	smul.u32 $0x500, s10  }
0x11: {  	s24 =	sshrl.u32 s15, $0x2;
	s25 =	sshrl.u32 s17, $0x2;
	s1 =	sor.u32 s4, s1  }
0x12: {  	s5 =	smax.u32 s0, $0x1;
	s7 =	sadd.s32 s7, s2;
	s1 =	sshrl.u32 s1, $0x3  }
0x13: {  	s0 =	sshrl.u32 s23, $0x2;
	s23 =	smul.u32 $0x500, s14;
	s1 =	sadd.s32 s1, s3  }
0x14: {  	s3 =	sadd.s32 s19, s3;
	s19 =	smul.u32 $0x500, s8;
	s8 =	sadd.s32 s9, s2  }
0x15: {  	s9 =	sadd.s32 s12, s2;
	s12 =	sadd.s32 s0, s2;
	s4 =	sadd.s32 $0x5A00, s1  }
0x16: {  	s3 =	sadd.s32 $0xF800, s3;
	s1 =	sshrl.u32 s21, $0x2;
	s21 =	smul.u32 $0x500, s11  }
0x17: {  	s11 =	sadd.s32 s24, s2;
	s24 =	smul.u32 $0x500, s22;
	s10 =	sadd.s32 s1, s2  }
0x18: {  	s1 =	smul.u32 $0x500, s13;
	s13 =	sadd.s32 s25, s2;
	s14 =	sadd.s32 s3, s18  }
0x19: {  	s15 =	sadd.s32 s3, s19;
	s16 =	sadd.s32 s3, s20;
	s19 =	sadd.s32 s3, s23  }
0x1a: {  	s20 =	sadd.s32 s3, s26;
	s25 =	simm.s32 $0x5080;
	s26 =	simm.s32 $0x50  }
0x1b: {  	s17 =	sadd.s32 s3, s21;
	s21 =	sadd.s32 s3, s24;
	s24 =	simm.s32 $0x3  }
0x1c: {  	v0 =	vimm.f32 $1.000000000e+00;
	v1 =	vimm.f32 $0.0e+00;
	s18 =	sadd.s32 s3, s1;
	s1 =	simm.s32 $0x2;
	s3 =	simm.s32 $0x0  }
.LBB2_1:
0x1d: {  	s0 =	simm.s32 $0x0;
	s22 =	simm.s32 $0x80;
	s23 =	simm.s32 $0x400  }
0x1e: {  	[tilespmem:s0], [sflag:$0x3] =	stream.strided.gather [hbm4b:s4+s22], $0x2780, s23, s22, $0x38;
	[tilespmem:$0x9F90] =	vst v63  }
0x1f: {  	_ =	swait.ge [sflag:s24], $0x2780  }
0x20: {  	[sflag:s24] =	ssyncset.done $0x0  }
0x21: {  	s0 =	simm.s32 $0x0;
	[sflag:s24] =	ssyncadd.s32 $0xFFFFD880  }
.LBB2_2:
0x22: {  	p1 =	sne.s32 s0, $0x9E00  }
.Ltmp0:
0x23: {  	_ = 	snop;
	(pc) =	sbr.rel @p1 .LBB2_2-.Ltmp0, $3  }
0x24: {  	_ =	sdelay $0x1  }
0x25: {  	s22 =	sshra.s32 s0, $0x2  }
0x26: {  	s0 =	sadd.s32 $0x200, s0;
	[tilespmem:s22+$0x2880] =	vst v0  }
0x27: {  	s0 =	simm.s32 $0x200;
	s22 =	simm.s32 $0x0  }
.LBB2_4:
0x28: {  	p1 =	sne.s32 s0, $0x9E00;
	[tilespmem:s22+$0x5080] =	vst v1;
	s22 =	smov.u32 s0;
	s0 =	sadd.s32 $0x200, s0  }
.Ltmp1:
0x29: {  	(pc) =	sbr.rel @p1 .LBB2_4-.Ltmp1, $2  }
0x2a: {  	_ =	sdelay $0x2  }
0x2b: {  	s22 =	sshra.s32 s22, $0x2  }
0x2c: {  	[tilespmem:s22+$0x5080] =	vst v1  }
0x2d: {  	[spmem:s6] =	stream.linear.scatter [tilespmem:s25], [sflag:$0x3], $0x2800, $0x38;
	[tilespmem:$0x9F90] =	vst v63  }
0x2e: {  	_ =	swait.ge [sflag:s24], $0x2800  }
0x2f: {  	[sflag:s24] =	ssyncset.done $0x0  }
0x30: {  	[sflag:s24] =	ssyncadd.s32 $0xFFFFD800  }
0x31: {  	[spmem:s7] =	stream.linear.scatter [tilespmem:s25], [sflag:$0x3], $0x2800, $0x38;
	[tilespmem:$0x9F90] =	vst v63  }
0x32: {  	_ =	swait.ge [sflag:s24], $0x2800  }
0x33: {  	[sflag:s24] =	ssyncset.done $0x0  }
0x34: {  	[sflag:s24] =	ssyncadd.s32 $0xFFFFD800  }
0x35: {  	[spmem:s8] =	stream.linear.scatter [tilespmem:s25], [sflag:$0x3], $0x2800, $0x38;
	[tilespmem:$0x9F90] =	vst v63  }
0x36: {  	_ =	swait.ge [sflag:s24], $0x2800  }
0x37: {  	[sflag:s24] =	ssyncset.done $0x0  }
0x38: {  	[sflag:s24] =	ssyncadd.s32 $0xFFFFD800  }
0x39: {  	[spmem:s9] =	stream.linear.scatter [tilespmem:s25], [sflag:$0x3], $0x2800, $0x38;
	[tilespmem:$0x9F90] =	vst v63  }
0x3a: {  	_ =	swait.ge [sflag:s24], $0x2800  }
0x3b: {  	[sflag:s24] =	ssyncset.done $0x0  }
0x3c: {  	[sflag:s24] =	ssyncadd.s32 $0xFFFFD800  }
0x3d: {  	[spmem:s10] =	stream.linear.scatter [tilespmem:s25], [sflag:$0x3], $0x2800, $0x38;
	[tilespmem:$0x9F90] =	vst v63  }
0x3e: {  	_ =	swait.ge [sflag:s24], $0x2800  }
0x3f: {  	[sflag:s24] =	ssyncset.done $0x0  }
0x40: {  	[sflag:s24] =	ssyncadd.s32 $0xFFFFD800  }
0x41: {  	[spmem:s11] =	stream.linear.scatter [tilespmem:s25], [sflag:$0x3], $0x2800, $0x38;
	[tilespmem:$0x9F90] =	vst v63  }
0x42: {  	_ =	swait.ge [sflag:s24], $0x2800  }
0x43: {  	[sflag:s24] =	ssyncset.done $0x0  }
0x44: {  	[sflag:s24] =	ssyncadd.s32 $0xFFFFD800  }
0x45: {  	[spmem:s12] =	stream.linear.scatter [tilespmem:s25], [sflag:$0x3], $0x2800, $0x38;
	[tilespmem:$0x9F90] =	vst v63  }
0x46: {  	_ =	swait.ge [sflag:s24], $0x2800  }
0x47: {  	[sflag:s24] =	ssyncset.done $0x0  }
0x48: {  	s0 =	simm.s32 @!p0 $0x5080;
	[sflag:s24] =	ssyncadd.s32 $0xFFFFD800  }
0x49: {  	[spmem:s13] =	stream.linear.scatter @!p0 [tilespmem:s0], [sflag:$0x3], $0x2800, $0x38;
	[tilespmem:$0x9F90] =	vst v63  }
0x4a: {  	s0 =	simm.s32 @!p0 $0x3  }
0x4b: {  	_ =	swait.ge @!p0 [sflag:s0], $0x2800  }
0x4c: {  	[sflag:s0] =	ssyncset.done @!p0 $0x0  }
0x4d: {  	[sflag:s0] =	ssyncadd.s32 @!p0 $0xFFFFD800  }
0x4e: {  	s22 =	simm.s32 $0x50;
	[bflag:$0x0] =	sbarrier.arrive $0xFFFF  }
0x4f: {  	v2 =	vld [tilespmem:s22+$0xFFFFFFB0];
	_ =	sdelay $0x4  }
0x50: {  	[tilespmem:$0x2780] =	vst v2  }
0x51: {  	v2 =	vld [tilespmem:s22+$0xFFFFFFC0];
	_ =	sdelay $0x4  }
0x52: {  	[tilespmem:$0x2790] =	vst v2  }
0x53: {  	v2 =	vld [tilespmem:s22+$0xFFFFFFD0];
	_ =	sdelay $0x4  }
0x54: {  	[tilespmem:$0x27A0] =	vst v2  }
0x55: {  	v2 =	vld [tilespmem:s22+$0xFFFFFFE0];
	_ =	sdelay $0x4  }
0x56: {  	[tilespmem:$0x27B0] =	vst v2  }
0x57: {  	v2 =	vld [tilespmem:s22+$0xFFFFFFF0];
	_ =	sdelay $0x4  }
0x58: {  	[tilespmem:$0x27C0] =	vst v2  }
0x59: {  	[spmem:s2] =	stream.indirect.scatter.add.f32 [tilespmem:s29], [sflag:$0x1], $0x10, s28, s26, $0xb8;
	[tilespmem:$0x9F90] =	vst v63  }
0x5a: {  	v2 =	vld [tilespmem:s22+$0x0];
	_ =	sdelay $0x4  }
0x5b: {  	[tilespmem:$0x2800] =	vst v2  }
0x5c: {  	v2 =	vld [tilespmem:s22+$0x10];
	_ =	sdelay $0x4  }
0x5d: {  	[tilespmem:$0x2810] =	vst v2  }
0x5e: {  	v2 =	vld [tilespmem:s22+$0x20];
	_ =	sdelay $0x3  }
0x5f: {  	s23 =	simm.s32 $0x0  }
0x60: {  	s0 =	sand.u32 $0x3FE0, s23;
	[tilespmem:$0x2820] =	vst v2  }
0x61: {  	v2 =	vld [tilespmem:s0+$0x80];
	_ =	sdelay $0x4  }
0x62: {  	[tilespmem:$0x2830] =	vst v2  }
0x63: {  	v2 =	vld [tilespmem:s22+$0x40];
	_ =	sdelay $0x4  }
0x64: {  	[tilespmem:$0x2840] =	vst v2  }
0x65: {  	_ =	swait.ge [sflag:s30], $0x500  }
0x66: {  	[sflag:s30] =	ssyncset.done $0x0  }
0x67: {  	[sflag:s30] =	ssyncadd.s32 $0xFFFFFB00  }
0x68: {  	[spmem:s2] =	stream.indirect.scatter.add.f32 [tilespmem:s29], [sflag:$0x2], $0x10, s31, s26, $0xb8;
	[tilespmem:$0x9F90] =	vst v63  }
0x69: {  	_ =	swait.ge [sflag:s1], $0x500  }
0x6a: {  	s23 =	simm.s32 $0xA0;
	[sflag:s1] =	ssyncset.done $0x0  }
.LBB2_6:
0x6b: {  	p1 =	sne.s32 s23, $0x2620;
	[sflag:s1] =	ssyncadd.s32 $0xFFFFFB00;
	s22 =	sadd.s32 $0xA0, s22  }
0x6c: {  	s0 =	smov.u32 s23;
	s23 =	sadd.s32 $0xA0, s23;
	v2 =	vld [tilespmem:s22+$0xFFFFFFB0];
	_ =	sdelay $0x4  }
0x6d: {  	[tilespmem:$0x2780] =	vst v2  }
0x6e: {  	v2 =	vld [tilespmem:s22+$0xFFFFFFC0];
	_ =	sdelay $0x4  }
0x6f: {  	[tilespmem:$0x2790] =	vst v2  }
0x70: {  	v2 =	vld [tilespmem:s22+$0xFFFFFFD0];
	_ =	sdelay $0x4  }
0x71: {  	[tilespmem:$0x27A0] =	vst v2  }
0x72: {  	v2 =	vld [tilespmem:s22+$0xFFFFFFE0];
	_ =	sdelay $0x4  }
0x73: {  	[tilespmem:$0x27B0] =	vst v2  }
0x74: {  	v2 =	vld [tilespmem:s22+$0xFFFFFFF0];
	_ =	sdelay $0x4  }
0x75: {  	[tilespmem:$0x27C0] =	vst v2  }
0x76: {  	[spmem:s2] =	stream.indirect.scatter.add.f32 [tilespmem:s29], [sflag:$0x1], $0x10, s28, s26, $0xb8;
	[tilespmem:$0x9F90] =	vst v63  }
0x77: {  	v2 =	vld [tilespmem:s22+$0x0];
	_ =	sdelay $0x4  }
0x78: {  	[tilespmem:$0x2800] =	vst v2  }
0x79: {  	v2 =	vld [tilespmem:s22+$0x10];
	_ =	sdelay $0x4  }
0x7a: {  	[tilespmem:$0x2810] =	vst v2  }
0x7b: {  	v2 =	vld [tilespmem:s22+$0x20];
	_ =	sdelay $0x4  }
0x7c: {  	s0 =	sand.u32 $0x3FE0, s0;
	[tilespmem:$0x2820] =	vst v2  }
0x7d: {  	v2 =	vld [tilespmem:s0+$0x80];
	_ =	sdelay $0x4  }
0x7e: {  	[tilespmem:$0x2830] =	vst v2  }
0x7f: {  	v2 =	vld [tilespmem:s22+$0x40];
	_ =	sdelay $0x4  }
0x80: {  	[tilespmem:$0x2840] =	vst v2  }
0x81: {  	_ =	swait.ge [sflag:s30], $0x500  }
.Ltmp2:
0x82: {  	[sflag:s30] =	ssyncset.done $0x0;
	(pc) =	sbr.rel @p1 .LBB2_6-.Ltmp2, $4  }
0x83: {  	[sflag:s30] =	ssyncadd.s32 $0xFFFFFB00  }
0x84: {  	[spmem:s2] =	stream.indirect.scatter.add.f32 [tilespmem:s29], [sflag:$0x2], $0x10, s31, s26, $0xb8;
	[tilespmem:$0x9F90] =	vst v63  }
0x85: {  	_ =	swait.ge [sflag:s1], $0x500  }
0x86: {  	[sflag:s1] =	ssyncset.done $0x0  }
0x87: {  	[sflag:s1] =	ssyncadd.s32 $0xFFFFFB00  }
0x88: {  	v2 =	vld [tilespmem:$0x26C0]  }
0x89: {  	v3 =	vld [tilespmem:$0x26D0]  }
0x8a: {  	v4 =	vld [tilespmem:$0x26E0]  }
0x8b: {  	v5 =	vld [tilespmem:$0x26F0]  }
0x8c: {  	v6 =	vld [tilespmem:$0x2700]  }
0x8d: {  	[tilespmem:$0x2780] =	vst v2  }
0x8e: {  	[tilespmem:$0x2790] =	vst v3  }
0x8f: {  	[tilespmem:$0x27A0] =	vst v4  }
0x90: {  	[tilespmem:$0x27B0] =	vst v5  }
0x91: {  	[tilespmem:$0x27C0] =	vst v6  }
0x92: {  	[spmem:s2] =	stream.indirect.scatter.add.f32 [tilespmem:s29], [sflag:$0x3], $0x10, s28, s26, $0xb8;
	[tilespmem:$0x9F90] =	vst v63  }
0x93: {  	_ =	swait.ge [sflag:s24], $0x500  }
0x94: {  	s0 =	stileid.u32;
	[sflag:s24] =	ssyncset.done $0x0  }
0x95: {  	s0 =	sshll.u32 s0, $0x6;
	[sflag:s24] =	ssyncadd.s32 $0xFFFFFB00  }
0x96: {  	s22 =	sshrl.u32 s6, $0x3;
	s0 =	sor.u32 $0x1C03, s0;
	[bflag:$0x0] =	sbarrier.arrive $0xFFFF  }
0x97: {  	[hbm:s14], [sflag:s0] =	dma.local [spmem:s22], $0x500  }
0x98: {  	_ =	swait.ge [sflag:s24], $0x500  }
0x99: {  	[sflag:s24] =	ssyncset.done $0x0  }
0x9a: {  	s23 =	sshrl.u32 s7, $0x3;
	[sflag:s24] =	ssyncadd.s32 $0xFFFFFB00  }
0x9b: {  	[hbm:s15], [sflag:s0] =	dma.local [spmem:s23], $0x500  }
0x9c: {  	_ =	swait.ge [sflag:s24], $0x500  }
0x9d: {  	[sflag:s24] =	ssyncset.done $0x0  }
0x9e: {  	s23 =	sshrl.u32 s8, $0x3;
	[sflag:s24] =	ssyncadd.s32 $0xFFFFFB00  }
0x9f: {  	[hbm:s16], [sflag:s0] =	dma.local [spmem:s23], $0x500  }
0xa0: {  	_ =	swait.ge [sflag:s24], $0x500  }
0xa1: {  	[sflag:s24] =	ssyncset.done $0x0  }
0xa2: {  	s23 =	sshrl.u32 s9, $0x3;
	[sflag:s24] =	ssyncadd.s32 $0xFFFFFB00  }
0xa3: {  	[hbm:s17], [sflag:s0] =	dma.local [spmem:s23], $0x500  }
0xa4: {  	_ =	swait.ge [sflag:s24], $0x500  }
0xa5: {  	[sflag:s24] =	ssyncset.done $0x0  }
0xa6: {  	s23 =	sshrl.u32 s10, $0x3;
	[sflag:s24] =	ssyncadd.s32 $0xFFFFFB00  }
0xa7: {  	[hbm:s18], [sflag:s0] =	dma.local [spmem:s23], $0x500  }
0xa8: {  	_ =	swait.ge [sflag:s24], $0x500  }
0xa9: {  	[sflag:s24] =	ssyncset.done $0x0  }
0xaa: {  	s23 =	sshrl.u32 s11, $0x3;
	[sflag:s24] =	ssyncadd.s32 $0xFFFFFB00  }
0xab: {  	[hbm:s19], [sflag:s0] =	dma.local [spmem:s23], $0x500  }
0xac: {  	_ =	swait.ge [sflag:s24], $0x500  }
0xad: {  	[sflag:s24] =	ssyncset.done $0x0  }
0xae: {  	s23 =	sshrl.u32 s12, $0x3;
	[sflag:s24] =	ssyncadd.s32 $0xFFFFFB00  }
0xaf: {  	[hbm:s20], [sflag:s0] =	dma.local [spmem:s23], $0x500  }
0xb0: {  	_ =	swait.ge [sflag:s24], $0x500  }
0xb1: {  	s3 =	sadd.s32 $0x1, s3;
	[sflag:s24] =	ssyncset.done $0x0  }
0xb2: {  	p1 =	sne.s32 s3, s5;
	s22 =	sshrl.u32 @!p0 s13, $0x3;
	[sflag:s24] =	ssyncadd.s32 $0xFFFFFB00  }
0xb3: {  	[hbm:s21], [sflag:s0] =	dma.local @!p0 [spmem:s22], $0x500  }
.Ltmp3:
0xb4: {  	_ = 	snop;
	(pc) =	sbr.rel @p1 .LBB2_1-.Ltmp3, $4  }
0xb5: {  	s0 =	simm.s32 @!p0 $0x3  }
0xb6: {  	_ =	swait.ge @!p0 [sflag:s0], $0x500  }
0xb7: {  	[sflag:s0] =	ssyncset.done @!p0 $0x0  }
0xb8: {  	[sflag:s0] =	ssyncadd.s32 @!p0 $0xFFFFFB00  }
0xb9: {  	_ =	sfence.sel $0x180000  }
0xba: {  	[bflag:$0x0] =	sbarrier.arrive $0xFFFF  }
0xbb: {  	_ =	strace $0x90000047  }
0xbc: {  	s0 =	stileid.u32;
	[bflag:$0x2] =	sbarrier.arrive $0xFFFF  }
0xbd: {  	p0 =	sne.s32 s0, $0x0;
	s0 =	rddreg [dreg:$0x2]  }
0xbe: {  	s0 =	sadd.s32 @!p0 $0x100000, s0  }
0xbf: {  	[sflag:s0] =	ssyncadd.tile.s32 @!p0 $0x1;
	_ =	shalt  }
.Lfunc_end2:
_tile_overlayer_lowered:
.L_overlay_start_2:
0xc0: {  	(tag) =	ssettag $0x2  }
0xc1: {  	s0 =	rddreg [dreg:$0x0];
	s2 =	stileid.u32  }
0xc2: {  	s1 =	rddreg [dreg:$0x1];
	p0 =	sne.s32 s2, $0x0  }
0xc3: {  	s3 =	rddreg [dreg:$0x2];
	[bflag:$0x3] =	sbarrier.arrive $0xFFFF;
	s2 =	simm.s32 @!p0 $0x1C03  }
0xc4: {  	[timem:s3], [sflag:s2] =	dma.local @!p0 [hbm:s0], s1  }
0xc5: {  	s0 =	simm.s32 @!p0 $0x3  }
0xc6: {  	_ =	swait.ge @!p0 [sflag:s0], s1  }
0xc7: {  	s1 =	ssub.s32 @!p0 $0x0, s1;
	[sflag:s0] =	ssyncset.done @!p0 $0x0  }
0xc8: {  	[sflag:s0] =	ssyncadd.s32 @!p0 s1  }
0xc9: {  	[bflag:$0x3] =	sbarrier.arrive $0xFFFF  }
0xca: {  	_ =	shalt  }

// kernel: kernel.15.cloned.1.call-start
scs
__scs_entry_jumppad:
0x0: {  	(pc) =	sbr.rel $0x88, $3  }
0x1: {  	(tag) =	ssettag $0x0;
	lr =	simm.s32 $0x1  }
0x2: {  	[smem:$0x3F8B] =	sst lr;
	_ =	strace $0xD0000000  }
0x3: {  	_ = 	snop  }
0x4: {  	_ = 	snop  }
0x5: {  	_ = 	snop  }
0x6: {  	_ = 	snop  }
0x7: {  	_ = 	snop  }
__scs_overlays_trampoline_lowered:
0x8: {  	[smem:$0x3F9A] =	sst s0  }
0x9: {  	[smem:$0x3F9B] =	sst s1  }
0xa: {  	[smem:$0x3F9C] =	sst s2  }
0xb: {  	[smem:$0x3F9D] =	sst s3  }
0xc: {  	[smem:$0x3F9E] =	sst s4  }
0xd: {  	[smem:$0x3F9F] =	sst s5  }
0xe: {  	[smem:$0x3FA0] =	sst s6  }
0xf: {  	[smem:$0x3FA1] =	sst s7  }
0x10: {  	[smem:$0x3FA2] =	sst s8  }
0x11: {  	[smem:$0x3FA3] =	sst s9;
	s0 =	simm.s32 @!p0 $0x0  }
0x12: {  	s1 =	sld [smem:$0x3F89];
	s0 =	simm.s32 @p0 $0x1  }
0x13: {  	[smem:$0x3FA4] =	sst s0;
	s0 =	simm.s32 @!p1 $0x0  }
0x14: {  	s2 =	sld [smem:$0x3F88];
	s0 =	simm.s32 @p1 $0x1  }
0x15: {  	[smem:$0x3FA5] =	sst s0;
	s0 =	simm.s32 @!p2 $0x0  }
0x16: {  	s3 =	sld [smem:$0x3FDB];
	s0 =	simm.s32 @p2 $0x1  }
0x17: {  	s4 =	simm.s32 $0x1BF5;
	[smem:$0x3FA7] =	sst s0  }
0x18: {  	s0 =	sld [smem:$0x3F8A];
	_ =	swait.ge [sflag:s4], $0x0  }
0x19: {  	s7 =	sld [smem:$0x3F8B]  }
0x1a: {  	s8 =	sadd.s32 $0xFFFFE003, lr  }
0x1b: {  	s9 =	sadd.s32 $0xFFFFFEF7, lr;
	s5 =	simm.s32 $0xFFFFFFFF;
	p2 =	slt.u32 s8, $0xFFFFF086  }
0x1c: {  	p1 =	slt.u32 s9, $0xF7A;
	s5 =	simm.s32 @!p2 $0x0  }
0x1d: {  	s5 =	simm.s32 @p1 $0x1;
	p0 =	seq.s32 s7, s2  }
0x1e: {  	s7 =	smul.u32 @!p0 $0xF7A, s2;
	p2 =	seq.s32 @!p0 s5, $0x0  }
0x1f: {  	s9 =	smul.u32 $0xF7A, s1;
	s8 =	simm.s32 @!p0 $0x1BF5;
	p2 =	por !p2, p0  }
0x20: {  	[sflag:s8] =	ssyncset.s32 @!p0 $0xFFFFF086;
	s6 =	sadd.s32 @!p0 s3, s7;
	s7 =	simm.s32 @!p0 $0x108  }
0x21: {  	s3 =	sadd.s32 s3, s9;
	s6 =	sadd.s32 @!p0 $0x88, s6;
	s7 =	simm.s32 @p2 $0x1082  }
0x22: {  	[simem:s7], [sflag:s8] =	dma.local @!p0 [hbm:s6], $0xF7A  }
0x23: {  	s9 =	sor.u32 $0xD0000000, s2;
	s6 =	simm.s32 $0x108;
	_ =	swait.ge @!p0 [sflag:s8], $0x0  }
0x24: {  	s3 =	sadd.s32 $0x88, s3;
	s6 =	simm.s32 @!p1 $0x1082;
	[sflag:s4] =	ssyncset.s32 $0xFFFFF086  }
0x25: {  	[simem:s6], [sflag:s4] =	dma.local [hbm:s3], $0xF7A  }
0x26: {  	[smem:$0x3F8B] =	sst s1;
	(tag) =	ssettag s2;
	_ =	strace s9  }
0x27: {  	s1 =	sld [smem:$0x3F9B]  }
0x28: {  	s2 =	sld [smem:$0x3F9C]  }
0x29: {  	s4 =	sld [smem:$0x3F9E]  }
0x2a: {  	p0 =	seq.s32 s5, $0x0;
	s5 =	sld [smem:$0x3F9F]  }
0x2b: {  	s6 =	sld [smem:$0x3FA0]  }
0x2c: {  	s7 =	sld [smem:$0x3FA1]  }
0x2d: {  	s3 =	simm.s32 $0x108;
	s8 =	sld [smem:$0x3FA2]  }
0x2e: {  	s3 =	simm.s32 @!p0 $0x1082;
	s9 =	sld [smem:$0x3FA3]  }
0x2f: {  	lr =	sadd.s32 s0, s3;
	s0 =	sld [smem:$0x3F9A]  }
0x30: {  	s3 =	sld [smem:$0x3F9D]  }
0x31: {  	[smem:$0x3FA6] =	sst s10  }
0x32: {  	s10 =	sld [smem:$0x3FA4];
	_ =	sdelay $0x3  }
0x33: {  	p0 =	seq.s32 s10, $0x1;
	s10 =	sld [smem:$0x3FA6];
	_ =	sdelay $0x3  }
0x34: {  	[smem:$0x3FA6] =	sst s10  }
0x35: {  	s10 =	sld [smem:$0x3FA5];
	_ =	sdelay $0x3  }
0x36: {  	p1 =	seq.s32 s10, $0x1;
	s10 =	sld [smem:$0x3FA6];
	_ =	sdelay $0x3  }
0x37: {  	[smem:$0x3FA6] =	sst s10  }
0x38: {  	s10 =	sld [smem:$0x3FA7]  }
0x39: {  	_ = 	snop;
	(pc) =	sbr.ind lr, $3  }
0x3a: {  	_ = 	snop  }
0x3b: {  	_ = 	snop  }
0x3c: {  	p2 =	seq.s32 s10, $0x1;
	s10 =	sld [smem:$0x3FA6]  }
0x3d: {  	_ =	shalt  }
0x3e: {  	_ =	shalt  }
0x3f: {  	_ =	shalt  }
0x40: {  	_ =	shalt  }
0x41: {  	_ =	shalt  }
0x42: {  	_ =	shalt  }
0x43: {  	_ =	shalt  }
0x44: {  	_ =	shalt  }
0x45: {  	_ =	shalt  }
0x46: {  	_ =	shalt  }
0x47: {  	_ =	shalt  }
0x48: {  	_ =	shalt  }
0x49: {  	_ =	shalt  }
0x4a: {  	_ =	shalt  }
0x4b: {  	_ =	shalt  }
0x4c: {  	_ =	shalt  }
0x4d: {  	_ =	shalt  }
0x4e: {  	_ =	shalt  }
0x4f: {  	_ =	shalt  }
0x50: {  	_ =	shalt  }
0x51: {  	_ =	shalt  }
0x52: {  	_ =	shalt  }
0x53: {  	_ =	shalt  }
0x54: {  	_ =	shalt  }
0x55: {  	_ =	shalt  }
0x56: {  	_ =	shalt  }
0x57: {  	_ =	shalt  }
0x58: {  	_ =	shalt  }
0x59: {  	_ =	shalt  }
0x5a: {  	_ =	shalt  }
0x5b: {  	_ =	shalt  }
0x5c: {  	_ =	shalt  }
0x5d: {  	_ =	shalt  }
0x5e: {  	_ =	shalt  }
0x5f: {  	_ =	shalt  }
0x60: {  	_ =	shalt  }
0x61: {  	_ =	shalt  }
0x62: {  	_ =	shalt  }
0x63: {  	_ =	shalt  }
0x64: {  	_ =	shalt  }
0x65: {  	_ =	shalt  }
0x66: {  	_ =	shalt  }
0x67: {  	_ =	shalt  }
0x68: {  	_ =	shalt  }
0x69: {  	_ =	shalt  }
0x6a: {  	_ =	shalt  }
0x6b: {  	_ =	shalt  }
0x6c: {  	_ =	shalt  }
0x6d: {  	_ =	shalt  }
0x6e: {  	_ =	shalt  }
0x6f: {  	_ =	shalt  }
0x70: {  	_ =	shalt  }
0x71: {  	_ =	shalt  }
0x72: {  	_ =	shalt  }
0x73: {  	_ =	shalt  }
0x74: {  	_ =	shalt  }
0x75: {  	_ =	shalt  }
0x76: {  	_ =	shalt  }
0x77: {  	_ =	shalt  }
0x78: {  	_ =	shalt  }
0x79: {  	_ =	shalt  }
0x7a: {  	_ =	shalt  }
0x7b: {  	_ =	shalt  }
0x7c: {  	_ =	shalt  }
0x7d: {  	_ =	shalt  }
0x7e: {  	_ =	shalt  }
0x7f: {  	_ =	shalt  }
0x80: {  	_ =	shalt  }
0x81: {  	_ =	shalt  }
0x82: {  	_ =	shalt  }
0x83: {  	_ =	shalt  }
0x84: {  	_ =	shalt  }
0x85: {  	_ =	shalt  }
0x86: {  	_ =	shalt  }
0x87: {  	_ =	shalt  }
.Lfunc_end0:
.L_simem_size_0:
called_computation.1_lowered:
.L_overlay_start_0:
0x88: {  	s2 =	sld [smem:$0x3FD9]  }
0x89: {  	s3 =	sld [smem:$0x3FFE];
	_ =	sdelay $0x1  }
0x8a: {  	s1 =	srdreg.scid  }
0x8b: {  	s0 =	sand.u32 $0x1, s1  }
0x8c: {  	s16 =	sshll.u32 s0, $0xA;
	s2 =	sadd.s32 s3, s2  }
0x8d: {  	s2 =	sadd.s32 s2, s16  }
0x8e: {  	[smem:$0x3FB2] =	sst s2  }
0x8f: {  	_ = 	snop  }
0x90: {  	(tm) =	ssettm $0x1  }
0x91: {  	s17 =	sld [smem:$0x3FFB];
	_ =	sdelay $0x3  }
0x92: {  	_ =	strace s17  }
0x93: {  	s2 =	sld [smem:$0x3FFC];
	_ =	sdelay $0x3  }
0x94: {  	_ =	strace s2  }
0x95: {  	s2 =	sld [smem:$0x3FFD];
	_ =	sdelay $0x3  }
0x96: {  	_ =	strace s2  }
0x97: {  	_ =	strace $0x8FFFFFFF  }
0x98: {  	s18 =	sld [smem:$0x3FDB];
	_ =	sdelay $0x1  }
0x99: {  	s19 =	simm.s32 $_scs_section_size  }
0x9a: {  	s4 =	simm.s32 $_size__tile_overlayer_lowered;
	s5 =	simm.s32 $_tile_overlayer_lowered  }
0x9b: {  	s22 =	simm.s32 $0x1BFF;
	s21 =	sshll.u32 s5, $0x1;
	s2 =	sadd.s32 s19, s18  }
0x9c: {  	s6 =	simm.s32 $0x0;
	s20 =	sshll.u32 s4, $0x1;
	s4 =	sadd.s32 s21, s2  }
0x9d: {  	[timem:s6], [sflag:s22] =	dma.local [hbm:s4], s20  }
0x9e: {  	_ =	swait.ge [sflag:s22], s20  }
0x9f: {  	s3 =	ssub.s32 $0x0, s20;
	[sflag:s22] =	ssyncset.done $0x0  }
0xa0: {  	[sflag:s22] =	ssyncadd.s32 s3;
	_ =	sdelay $0x1  }
0xa1: {  	s23 =	simm.s32 $0x1B8B  }
0xa2: {  	_ =	swait.ge [sflag:s23], $0x1  }
0xa3: {  	[sflag:s23] =	ssyncset.done $0x0  }
0xa4: {  	s25 =	simm.s32 $0x1B8E;
	s24 =	sld [smem:$0x3FFE];
	[sflag:s23] =	ssyncadd.s32 $0xFFFFFFFF  }
0xa5: {  	s26 =	simm.s32 $execute0_lowered;
	[smem:$0x3FD2] =	sst s25  }
0xa6: {  	s4 =	sshll.u32 s26, $0x1;
	_ =	strace $0x80000049;
	[dreg:$0x1] =	wrdreg $0xFFFFFFFF  }
0xa7: {  	s28 =	simm.s32 $_size_execute0_lowered;
	s2 =	sadd.s32 s2, s4;
	[dreg:$0x0] =	wrdreg $0x0  }
0xa8: {  	s4 =	sshll.u32 s28, $0x1;
	[dreg:$0x2] =	wrdreg s2  }
0xa9: {  	[dreg:$0x3] =	wrdreg s4  }
0xaa: {  	[dreg:$0x4] =	wrdreg $0xC0  }
0xab: {  	_ =	task [dreg:s6], $0x5FFFF  }
0xac: {  	[dreg:$0x1] =	wrdreg $0xFFFFFFFF  }
0xad: {  	[dreg:$0x0] =	wrdreg $0x60  }
0xae: {  	[dreg:$0x2] =	wrdreg s24  }
0xaf: {  	[dreg:$0x3] =	wrdreg $0xC7800  }
0xb0: {  	[dreg:$0x4] =	wrdreg $0x9  }
0xb1: {  	_ =	task.clear_ibuf [dreg:s6], $0x5FFFF;
	_ =	strace $0x90000049  }
0xb2: {  	s29 =	simm.s32 $0x9;
	_ =	strace $0x8000004B  }
0xb3: {  	_ =	swait.ge [sflag:s29], $0x1  }
0xb4: {  	[sflag:s29] =	ssyncadd.s32 $0xFFFFFFFF  }
0xb5: {  	_ =	strace $0x9000004B  }
0xb6: {  	_ =	sfence  }
0xb7: {  	s30 =	sld [smem:$0x0];
	_ =	sdelay $0x2  }
0xb8: {  	s31 =	sshll.u32 s1, $0xD;
	s1 =	sshrl.u32 s1, $0x2  }
0xb9: {  	s3 =	sand.u32 $0x4000, s31;
	s1 =	sadd.s32 s1, s30  }
0xba: {  	s0 =	sor.u32 s3, s0;
	s1 =	sshll.u32 s1, $0x11  }
0xbb: {  	s0 =	sor.u32 s1, s0  }
0xbc: {  	s0 =	sadd.s32 $0x8F2B, s0  }
0xbd: {  	[sflag:s0] =	ssyncadd.remote.s32 $0x1  }
0xbe: {  	_ =	sfence.sel $0xFFFF  }
0xbf: {  	[dreg:$0x0] =	wrdreg $0xFFFFFFFF;
	(pc) =	sbr.abs _section_cstart, $3  }
0xc0: {  	[dreg:$0x1] =	wrdreg $0xFFFFFFFF  }
0xc1: {  	_ =	task.clear_ibuf [dreg:s6], $0x2FFFF;
	_ =	strace $0x9FFFFFFF  }
0xc2: {  	(tm) =	ssettm $0x7FFFFFFF  }
0xc3: {  	_ =	shalt  }
tec
execute0_lowered:
.L_overlay_start_1:
0x0: {  	(tag) =	ssettag $0x1  }
0x1: {  	s0 =	srdreg.scid;
	s1 =	rddreg [dreg:$0x0]  }
0x2: {  	s11 =	stileid.u32;
	s2 =	rddreg [dreg:$0x1]  }
0x3: {  	s5 =	simm.s32 $0x0;
	s29 =	simm.s32 $0x4F80;
	s30 =	simm.s32 $0x50  }
0x4: {  	s31 =	simm.s32 $0x7780;
	s0 =	sand.u32 $0x1, s0;
	s18 =	smul.u32 $0xA000, s11  }
0x5: {  	s28 =	simm.s32 $0x9F80;
	s6 =	sor.u32 $0x10, s11;
	s16 =	smul.u32 $0x27100, s0  }
0x6: {  	s4 =	sshll.u32 s11, $0x7;
	s12 =	sor.u32 $0x20, s11;
	s19 =	smul.u32 $0xA000, s6  }
0x7: {  	[smem:$0x7FF] =	sst s5;
	s14 =	sor.u32 $0x30, s11;
	s20 =	smul.u32 $0xA000, s12  }
0x8: {  	s15 =	sor.u32 $0x40, s11;
	s24 =	sor.u32 $0x70, s11;
	s10 =	smul.u32 $0xA000, s14  }
0x9: {  	s3 =	sshll.u32 s0, $0x4;
	s4 =	sand.u32 $0x380, s4;
	s21 =	smul.u32 $0xA000, s15  }
0xa: {  	_ =	strace $0x8000004A;
	s0 =	ssub.s32 $0x2, s0;
	s22 =	smul.u32 $0xA000, s24  }
0xb: {  	s25 =	smul.u32 $0x500, s12;
	p0 =	sgt.u32 s24, $0x7C;
	s3 =	sor.u32 s11, s3  }
0xc: {  	s17 =	sshrl.u32 s0, $0x1;
	s5 =	sshrl.u32 s18, $0x2;
	s3 =	sshrl.u32 s3, $0x3  }
0xd: {  	s0 =	ssub.s32 s0, s17;
	s17 =	sor.u32 $0x60, s11;
	s8 =	sadd.s32 s5, s2  }
0xe: {  	s26 =	sshrl.u32 s10, $0x2;
	s3 =	smul.u32 $0x13C00, s3;
	s0 =	smax.u32 s0, $0x1  }
0xf: {  	s5 =	sshrl.u32 s22, $0x2;
	s18 =	smul.u32 $0xA000, s17;
	[dreg:$0x5] =	wrdreg s0  }
0x10: {  	s0 =	sshrl.u32 s21, $0x2;
	s3 =	sor.u32 s4, s3;
	s4 =	sadd.s32 $0xF800, s1  }
0x11: {  	s12 =	sadd.s32 s0, s2;
	s18 =	sshrl.u32 s18, $0x2;
	s3 =	sshrl.u32 s3, $0x3  }
0x12: {  	s3 =	sadd.s32 s3, s1;
	s1 =	sadd.s32 s16, s1;
	s16 =	sor.u32 $0x50, s11  }
0x13: {  	s0 =	simm.s32 $0x2;
	s7 =	sadd.s32 $0x5DA00, s3;
	s13 =	smul.u32 $0xA000, s16  }
0x14: {  	s3 =	sadd.s32 $0x5A00, s3;
	s1 =	sadd.s32 $0x67800, s1;
	s21 =	smul.u32 $0x500, s16  }
0x15: {  	[dreg:$0x3] =	wrdreg s7;
	s7 =	sshrl.u32 s19, $0x2;
	s19 =	smul.u32 $0x500, s11  }
0x16: {  	[dreg:$0x4] =	wrdreg s3;
	s11 =	sadd.s32 s26, s2;
	s26 =	smul.u32 $0x500, s14  }
0x17: {  	s3 =	sshrl.u32 s20, $0x2;
	s20 =	smul.u32 $0x500, s15;
	s14 =	sadd.s32 s18, s2  }
0x18: {  	s15 =	sadd.s32 s5, s2;
	s25 =	sadd.s32 s1, s25;
	s5 =	simm.s32 $0x3  }
0x19: {  	s9 =	sadd.s32 s7, s2;
	s10 =	sadd.s32 s3, s2;
	s7 =	smul.u32 $0x500, s6  }
0x1a: {  	s23 =	sshrl.u32 s13, $0x2;
	[dreg:$0x8] =	wrdreg s25;
	s21 =	sadd.s32 s1, s21  }
0x1b: {  	s6 =	simm.s32 $0x0;
	s13 =	sadd.s32 s23, s2;
	s23 =	smul.u32 $0x500, s17  }
0x1c: {  	s22 =	sadd.s32 s1, s19;
	s19 =	sadd.s32 s1, s26;
	s26 =	smul.u32 $0x500, s24  }
0x1d: {  	s20 =	sadd.s32 s1, s20;
	[dreg:$0x6] =	wrdreg s22;
	s3 =	sadd.s32 s1, s7  }
0x1e: {  	[dreg:$0x7] =	wrdreg s3;
	s22 =	sadd.s32 s1, s23;
	s23 =	sadd.s32 s1, s26  }
0x1f: {  	v0 =	vimm.f32 $0.0e+00;
	s26 =	simm.s32 $0x4;
	s1 =	simm.s32 $0x1;
	s3 =	simm.s32 $0x4F00  }
.LBB2_1:
0x20: {  	s7 =	simm.s32 $0x0  }
0x21: {  	s16 =	rddreg [dreg:$0x3];
	s17 =	simm.s32 $0x80;
	s18 =	simm.s32 $0x400  }
0x22: {  	[tilespmem:s7], [sflag:$0x4] =	stream.strided.gather [hbm4b:s16+s17], $0x2780, s18, s17, $0x38;
	v63 =	vld [tilespmem:$0x0]  }
0x23: {  	_ =	swait.ge [sflag:s26], $0x2780  }
0x24: {  	[sflag:s26] =	ssyncset.done $0x0  }
0x25: {  	s25 =	simm.s32 $0x2780;
	s24 =	rddreg [dreg:$0x4];
	[sflag:s26] =	ssyncadd.s32 $0xFFFFD880  }
0x26: {  	[tilespmem:s25], [sflag:$0x4] =	stream.strided.gather [hbm4b:s24+s17], $0x2780, s18, s17, $0x38;
	v63 =	vld [tilespmem:$0x0]  }
0x27: {  	_ =	swait.ge [sflag:s26], $0x2780  }
0x28: {  	[sflag:s26] =	ssyncset.done $0x0  }
0x29: {  	s7 =	simm.s32 $0x0;
	s16 =	simm.s32 $0x200;
	[sflag:s26] =	ssyncadd.s32 $0xFFFFD880  }
.LBB2_2:
0x2a: {  	p1 =	sne.s32 s16, $0x9E00;
	[tilespmem:s7+$0x4FF0] =	vst v0  }
0x2b: {  	[tilespmem:s7+$0x4F80] =	vst v0  }
0x2c: {  	[tilespmem:s7+$0x4F90] =	vst v0  }
.Ltmp0:
0x2d: {  	[tilespmem:s7+$0x4FA0] =	vst v0;
	(pc) =	sbr.rel @p1 .LBB2_2-.Ltmp0, $4  }
0x2e: {  	[tilespmem:s7+$0x4FB0] =	vst v0  }
0x2f: {  	[tilespmem:s7+$0x4FC0] =	vst v0  }
0x30: {  	[tilespmem:s7+$0x4FD0] =	vst v0  }
0x31: {  	[tilespmem:s7+$0x4FE0] =	vst v0;
	s7 =	sshra.s32 s16, $0x2;
	s16 =	sadd.s32 $0x200, s16  }
0x32: {  	[tilespmem:s7+$0x4FF0] =	vst v0  }
0x33: {  	[tilespmem:s7+$0x4F80] =	vst v0  }
0x34: {  	[tilespmem:s7+$0x4F90] =	vst v0  }
0x35: {  	[tilespmem:s7+$0x4FA0] =	vst v0  }
0x36: {  	[tilespmem:s7+$0x4FB0] =	vst v0  }
0x37: {  	[tilespmem:s7+$0x4FC0] =	vst v0  }
0x38: {  	[tilespmem:s7+$0x4FD0] =	vst v0  }
0x39: {  	[tilespmem:s7+$0x4FE0] =	vst v0  }
0x3a: {  	[spmem:s8] =	stream.linear.scatter [tilespmem:s29], [sflag:$0x4], $0x2800, $0x38;
	v63 =	vld [tilespmem:$0x0]  }
0x3b: {  	_ =	swait.ge [sflag:s26], $0x2800  }
0x3c: {  	[sflag:s26] =	ssyncset.done $0x0  }
0x3d: {  	[sflag:s26] =	ssyncadd.s32 $0xFFFFD800  }
0x3e: {  	[spmem:s9] =	stream.linear.scatter [tilespmem:s29], [sflag:$0x4], $0x2800, $0x38;
	v63 =	vld [tilespmem:$0x0]  }
0x3f: {  	_ =	swait.ge [sflag:s26], $0x2800  }
0x40: {  	[sflag:s26] =	ssyncset.done $0x0  }
0x41: {  	[sflag:s26] =	ssyncadd.s32 $0xFFFFD800  }
0x42: {  	[spmem:s10] =	stream.linear.scatter [tilespmem:s29], [sflag:$0x4], $0x2800, $0x38;
	v63 =	vld [tilespmem:$0x0]  }
0x43: {  	_ =	swait.ge [sflag:s26], $0x2800  }
0x44: {  	[sflag:s26] =	ssyncset.done $0x0  }
0x45: {  	[sflag:s26] =	ssyncadd.s32 $0xFFFFD800  }
0x46: {  	[spmem:s11] =	stream.linear.scatter [tilespmem:s29], [sflag:$0x4], $0x2800, $0x38;
	v63 =	vld [tilespmem:$0x0]  }
0x47: {  	_ =	swait.ge [sflag:s26], $0x2800  }
0x48: {  	[sflag:s26] =	ssyncset.done $0x0  }
0x49: {  	[sflag:s26] =	ssyncadd.s32 $0xFFFFD800  }
0x4a: {  	[spmem:s12] =	stream.linear.scatter [tilespmem:s29], [sflag:$0x4], $0x2800, $0x38;
	v63 =	vld [tilespmem:$0x0]  }
0x4b: {  	_ =	swait.ge [sflag:s26], $0x2800  }
0x4c: {  	[sflag:s26] =	ssyncset.done $0x0  }
0x4d: {  	[sflag:s26] =	ssyncadd.s32 $0xFFFFD800  }
0x4e: {  	[spmem:s13] =	stream.linear.scatter [tilespmem:s29], [sflag:$0x4], $0x2800, $0x38;
	v63 =	vld [tilespmem:$0x0]  }
0x4f: {  	_ =	swait.ge [sflag:s26], $0x2800  }
0x50: {  	[sflag:s26] =	ssyncset.done $0x0  }
0x51: {  	[sflag:s26] =	ssyncadd.s32 $0xFFFFD800  }
0x52: {  	[spmem:s14] =	stream.linear.scatter [tilespmem:s29], [sflag:$0x4], $0x2800, $0x38;
	v63 =	vld [tilespmem:$0x0]  }
0x53: {  	_ =	swait.ge [sflag:s26], $0x2800  }
0x54: {  	[sflag:s26] =	ssyncset.done $0x0  }
0x55: {  	s7 =	simm.s32 @!p0 $0x4F80;
	[sflag:s26] =	ssyncadd.s32 $0xFFFFD800  }
0x56: {  	[spmem:s15] =	stream.linear.scatter @!p0 [tilespmem:s7], [sflag:$0x4], $0x2800, $0x38;
	v63 =	vld [tilespmem:$0x0]  }
0x57: {  	s7 =	simm.s32 @!p0 $0x4  }
0x58: {  	_ =	swait.ge @!p0 [sflag:s7], $0x2800  }
0x59: {  	[sflag:s7] =	ssyncset.done @!p0 $0x0  }
0x5a: {  	[sflag:s7] =	ssyncadd.s32 @!p0 $0xFFFFD800  }
0x5b: {  	s7 =	simm.s32 $0x0;
	[bflag:$0x0] =	sbarrier.arrive $0xFFFF  }
0x5c: {  	[tilespmem:s29], [sflag:$0x1] =	stream.indirect.gather [hbm4b:s4+s30], $0x80, s7, s30, $0xb8;
	v63 =	vld [tilespmem:$0x0]  }
0x5d: {  	s16 =	simm.s32 $0x50  }
0x5e: {  	[tilespmem:s31], [sflag:$0x2] =	stream.indirect.gather [hbm4b:s4+s30], $0x80, s16, s30, $0xb8;
	v63 =	vld [tilespmem:$0x0]  }
0x5f: {  	_ =	swait.ge [sflag:s1], $0x2800  }
0x60: {  	[sflag:s1] =	ssyncset.done $0x0  }
0x61: {  	[sflag:s1] =	ssyncadd.s32 $0xFFFFD800  }
0x62: {  	v1 =	vld [tilespmem:s7+$0x2780];
	_ =	sdelay $0x4  }
0x63: {  	[tilespmem:$0x4F00] =	vst v1  }
0x64: {  	v1 =	vld [tilespmem:s7+$0x2790];
	_ =	sdelay $0x4  }
0x65: {  	[tilespmem:$0x4F10] =	vst v1  }
0x66: {  	v1 =	vld [tilespmem:s7+$0x27A0];
	_ =	sdelay $0x4  }
0x67: {  	[tilespmem:$0x4F20] =	vst v1  }
0x68: {  	v1 =	vld [tilespmem:s7+$0x27B0];
	_ =	sdelay $0x4  }
0x69: {  	[tilespmem:$0x4F30] =	vst v1  }
0x6a: {  	v1 =	vld [tilespmem:s7+$0x27C0];
	_ =	sdelay $0x4  }
0x6b: {  	[tilespmem:$0x4F40] =	vst v1  }
0x6c: {  	[spmem:s2] =	stream.indirect.scatter.add.f32 [tilespmem:s29], [sflag:$0x4], $0x80, s3, s30, $0xb8;
	v63 =	vld [tilespmem:$0x0]  }
0x6d: {  	_ =	swait.ge [sflag:s26], $0x2800  }
0x6e: {  	[sflag:s26] =	ssyncset.done $0x0  }
0x6f: {  	s18 =	simm.s32 $0xA0;
	[sflag:s26] =	ssyncadd.s32 $0xFFFFD800  }
0x70: {  	[tilespmem:s28], [sflag:$0x3] =	stream.indirect.gather [hbm4b:s4+s30], $0x80, s18, s30, $0xb8;
	v63 =	vld [tilespmem:$0x0]  }
0x71: {  	_ =	swait.ge [sflag:s0], $0x2800  }
0x72: {  	[sflag:s0] =	ssyncset.done $0x0  }
0x73: {  	[sflag:s0] =	ssyncadd.s32 $0xFFFFD800  }
0x74: {  	v1 =	vld [tilespmem:s7+$0x27D0];
	_ =	sdelay $0x4  }
0x75: {  	[tilespmem:$0x4F00] =	vst v1  }
0x76: {  	v1 =	vld [tilespmem:s7+$0x27E0];
	_ =	sdelay $0x4  }
0x77: {  	[tilespmem:$0x4F10] =	vst v1  }
0x78: {  	v1 =	vld [tilespmem:s7+$0x27F0];
	_ =	sdelay $0x3  }
0x79: {  	s24 =	simm.s32 $0x0  }
0x7a: {  	s16 =	sand.u32 $0x3FF0, s24;
	[tilespmem:$0x4F20] =	vst v1  }
0x7b: {  	v1 =	vld [tilespmem:s16+$0x2800];
	_ =	sdelay $0x4  }
0x7c: {  	[tilespmem:$0x4F30] =	vst v1  }
0x7d: {  	v1 =	vld [tilespmem:s7+$0x2810];
	_ =	sdelay $0x4  }
0x7e: {  	[tilespmem:$0x4F40] =	vst v1  }
0x7f: {  	[spmem:s2] =	stream.indirect.scatter.add.f32 [tilespmem:s31], [sflag:$0x4], $0x80, s3, s30, $0xb8;
	v63 =	vld [tilespmem:$0x0]  }
0x80: {  	_ =	swait.ge [sflag:s26], $0x2800  }
0x81: {  	[sflag:s26] =	ssyncset.done $0x0  }
0x82: {  	s17 =	simm.s32 $0xF0;
	[sflag:s26] =	ssyncadd.s32 $0xFFFFD800  }
0x83: {  	[tilespmem:s29], [sflag:$0x1] =	stream.indirect.gather [hbm4b:s4+s30], $0x80, s17, s30, $0xb8;
	v63 =	vld [tilespmem:$0x0]  }
0x84: {  	_ =	swait.ge [sflag:s5], $0x2800  }
0x85: {  	[sflag:s5] =	ssyncset.done $0x0  }
0x86: {  	[sflag:s5] =	ssyncadd.s32 $0xFFFFD800  }
0x87: {  	v1 =	vld [tilespmem:s7+$0x2820];
	_ =	sdelay $0x4  }
0x88: {  	[tilespmem:$0x4F00] =	vst v1  }
0x89: {  	v1 =	vld [tilespmem:s7+$0x2830];
	_ =	sdelay $0x4  }
0x8a: {  	[tilespmem:$0x4F10] =	vst v1  }
0x8b: {  	v1 =	vld [tilespmem:s7+$0x2840];
	_ =	sdelay $0x4  }
0x8c: {  	[tilespmem:$0x4F20] =	vst v1  }
0x8d: {  	v1 =	vld [tilespmem:s7+$0x2850];
	_ =	sdelay $0x4  }
0x8e: {  	[tilespmem:$0x4F30] =	vst v1  }
0x8f: {  	v1 =	vld [tilespmem:s7+$0x2860];
	_ =	sdelay $0x4  }
0x90: {  	[tilespmem:$0x4F40] =	vst v1  }
0x91: {  	[spmem:s2] =	stream.indirect.scatter.add.f32 [tilespmem:s28], [sflag:$0x4], $0x80, s3, s30, $0xb8;
	v63 =	vld [tilespmem:$0x0]  }
0x92: {  	_ =	swait.ge [sflag:s26], $0x2800  }
0x93: {  	[sflag:s26] =	ssyncset.done $0x0  }
0x94: {  	s25 =	simm.s32 $0x140;
	[sflag:s26] =	ssyncadd.s32 $0xFFFFD800  }
0x95: {  	[tilespmem:s31], [sflag:$0x2] =	stream.indirect.gather [hbm4b:s4+s30], $0x80, s25, s30, $0xb8;
	v63 =	vld [tilespmem:$0x0]  }
0x96: {  	_ =	swait.ge [sflag:s1], $0x2800  }
0x97: {  	[sflag:s1] =	ssyncset.done $0x0  }
0x98: {  	[sflag:s1] =	ssyncadd.s32 $0xFFFFD800  }
0x99: {  	v1 =	vld [tilespmem:s7+$0x2870];
	_ =	sdelay $0x4  }
0x9a: {  	[tilespmem:$0x4F00] =	vst v1  }
0x9b: {  	v1 =	vld [tilespmem:s16+$0x2880];
	_ =	sdelay $0x4  }
0x9c: {  	[tilespmem:$0x4F10] =	vst v1  }
0x9d: {  	v1 =	vld [tilespmem:s7+$0x2890];
	_ =	sdelay $0x4  }
0x9e: {  	[tilespmem:$0x4F20] =	vst v1  }
0x9f: {  	v1 =	vld [tilespmem:s7+$0x28A0];
	_ =	sdelay $0x4  }
0xa0: {  	[tilespmem:$0x4F30] =	vst v1  }
0xa1: {  	v1 =	vld [tilespmem:s7+$0x28B0];
	_ =	sdelay $0x4  }
0xa2: {  	[tilespmem:$0x4F40] =	vst v1  }
0xa3: {  	[spmem:s2] =	stream.indirect.scatter.add.f32 [tilespmem:s29], [sflag:$0x4], $0x80, s3, s30, $0xb8;
	v63 =	vld [tilespmem:$0x0]  }
0xa4: {  	_ =	swait.ge [sflag:s26], $0x2800  }
0xa5: {  	[sflag:s26] =	ssyncset.done $0x0  }
0xa6: {  	[sflag:s26] =	ssyncadd.s32 $0xFFFFD800  }
0xa7: {  	_ =	swait.ge [sflag:s0], $0x2800  }
0xa8: {  	[sflag:s0] =	ssyncset.done $0x0  }
0xa9: {  	[sflag:s0] =	ssyncadd.s32 $0xFFFFD800  }
0xaa: {  	v1 =	vld [tilespmem:s7+$0x28C0];
	_ =	sdelay $0x4  }
0xab: {  	[tilespmem:$0x4F00] =	vst v1  }
0xac: {  	v1 =	vld [tilespmem:s7+$0x28D0];
	_ =	sdelay $0x4  }
0xad: {  	[tilespmem:$0x4F10] =	vst v1  }
0xae: {  	v1 =	vld [tilespmem:s7+$0x28E0];
	_ =	sdelay $0x4  }
0xaf: {  	[tilespmem:$0x4F20] =	vst v1  }
0xb0: {  	v1 =	vld [tilespmem:s7+$0x28F0];
	_ =	sdelay $0x4  }
0xb1: {  	[tilespmem:$0x4F30] =	vst v1  }
0xb2: {  	v1 =	vld [tilespmem:s16+$0x2900];
	_ =	sdelay $0x4  }
0xb3: {  	[tilespmem:$0x4F40] =	vst v1  }
0xb4: {  	[spmem:s2] =	stream.indirect.scatter.add.f32 [tilespmem:s31], [sflag:$0x4], $0x80, s3, s30, $0xb8;
	v63 =	vld [tilespmem:$0x0]  }
0xb5: {  	s24 =	simm.s32 $0x640;
	_ =	swait.ge [sflag:s26], $0x2800  }
0xb6: {  	s25 =	simm.s32 $0xC80;
	s7 =	simm.s32 $0x190;
	[sflag:s26] =	ssyncset.done $0x0  }
.LBB2_4:
0xb7: {  	s17 =	sshra.s32 s24, $0x2  }
0xb8: {  	[sflag:s26] =	ssyncadd.s32 $0xFFFFD800;
	s24 =	smov.u32 s25;
	s16 =	sadd.s32 $0x640, s25  }
0xb9: {  	[tilespmem:s29], [sflag:$0x1] =	stream.indirect.gather [hbm4b:s4+s30], $0x80, s17, s30, $0xb8;
	v63 =	vld [tilespmem:$0x0]  }
0xba: {  	p1 =	sne.s32 s25, $0x9600;
	s25 =	sadd.s32 $0x50, s17  }
0xbb: {  	[tilespmem:s31], [sflag:$0x2] =	stream.indirect.gather [hbm4b:s4+s30], $0x80, s25, s30, $0xb8;
	v63 =	vld [tilespmem:$0x0]  }
0xbc: {  	_ =	swait.ge [sflag:s1], $0x2800  }
0xbd: {  	[sflag:s1] =	ssyncset.done $0x0  }
0xbe: {  	[sflag:s1] =	ssyncadd.s32 $0xFFFFD800  }
0xbf: {  	v1 =	vld [tilespmem:s17+$0x2780];
	_ =	sdelay $0x4  }
0xc0: {  	[tilespmem:$0x4F00] =	vst v1  }
0xc1: {  	v1 =	vld [tilespmem:s17+$0x2790];
	_ =	sdelay $0x4  }
0xc2: {  	[tilespmem:$0x4F10] =	vst v1  }
0xc3: {  	v1 =	vld [tilespmem:s17+$0x27A0];
	_ =	sdelay $0x4  }
0xc4: {  	[tilespmem:$0x4F20] =	vst v1  }
0xc5: {  	v1 =	vld [tilespmem:s17+$0x27B0];
	_ =	sdelay $0x4  }
0xc6: {  	[tilespmem:$0x4F30] =	vst v1  }
0xc7: {  	v1 =	vld [tilespmem:s17+$0x27C0];
	_ =	sdelay $0x4  }
0xc8: {  	[tilespmem:$0x4F40] =	vst v1  }
0xc9: {  	[spmem:s2] =	stream.indirect.scatter.add.f32 [tilespmem:s29], [sflag:$0x4], $0x80, s3, s30, $0xb8;
	v63 =	vld [tilespmem:$0x0]  }
0xca: {  	_ =	swait.ge [sflag:s26], $0x2800  }
0xcb: {  	[sflag:s26] =	ssyncset.done $0x0  }
0xcc: {  	s25 =	sadd.s32 $0xA0, s17;
	[sflag:s26] =	ssyncadd.s32 $0xFFFFD800  }
0xcd: {  	[tilespmem:s28], [sflag:$0x3] =	stream.indirect.gather [hbm4b:s4+s30], $0x80, s25, s30, $0xb8;
	v63 =	vld [tilespmem:$0x0]  }
0xce: {  	_ =	swait.ge [sflag:s0], $0x2800  }
0xcf: {  	[sflag:s0] =	ssyncset.done $0x0  }
0xd0: {  	[sflag:s0] =	ssyncadd.s32 $0xFFFFD800  }
0xd1: {  	v1 =	vld [tilespmem:s17+$0x27D0];
	_ =	sdelay $0x4  }
0xd2: {  	[tilespmem:$0x4F00] =	vst v1  }
0xd3: {  	v1 =	vld [tilespmem:s17+$0x27E0];
	_ =	sdelay $0x4  }
0xd4: {  	[tilespmem:$0x4F10] =	vst v1  }
0xd5: {  	v1 =	vld [tilespmem:s17+$0x27F0];
	_ =	sdelay $0x4  }
0xd6: {  	s25 =	sand.u32 $0x3FF0, s7;
	[tilespmem:$0x4F20] =	vst v1  }
0xd7: {  	v1 =	vld [tilespmem:s25+$0x2800];
	_ =	sdelay $0x4  }
0xd8: {  	[tilespmem:$0x4F30] =	vst v1  }
0xd9: {  	v1 =	vld [tilespmem:s17+$0x2810];
	_ =	sdelay $0x4  }
0xda: {  	[tilespmem:$0x4F40] =	vst v1  }
0xdb: {  	[spmem:s2] =	stream.indirect.scatter.add.f32 [tilespmem:s31], [sflag:$0x4], $0x80, s3, s30, $0xb8;
	v63 =	vld [tilespmem:$0x0]  }
0xdc: {  	_ =	swait.ge [sflag:s26], $0x2800  }
0xdd: {  	[sflag:s26] =	ssyncset.done $0x0  }
0xde: {  	s18 =	sadd.s32 $0xF0, s17;
	[sflag:s26] =	ssyncadd.s32 $0xFFFFD800  }
0xdf: {  	[tilespmem:s29], [sflag:$0x1] =	stream.indirect.gather [hbm4b:s4+s30], $0x80, s18, s30, $0xb8;
	v63 =	vld [tilespmem:$0x0]  }
0xe0: {  	_ =	swait.ge [sflag:s5], $0x2800  }
0xe1: {  	[sflag:s5] =	ssyncset.done $0x0  }
0xe2: {  	[sflag:s5] =	ssyncadd.s32 $0xFFFFD800  }
0xe3: {  	v1 =	vld [tilespmem:s17+$0x2820];
	_ =	sdelay $0x4  }
0xe4: {  	[tilespmem:$0x4F00] =	vst v1  }
0xe5: {  	v1 =	vld [tilespmem:s17+$0x2830];
	_ =	sdelay $0x4  }
0xe6: {  	[tilespmem:$0x4F10] =	vst v1  }
0xe7: {  	v1 =	vld [tilespmem:s17+$0x2840];
	_ =	sdelay $0x4  }
0xe8: {  	[tilespmem:$0x4F20] =	vst v1  }
0xe9: {  	v1 =	vld [tilespmem:s17+$0x2850];
	_ =	sdelay $0x4  }
0xea: {  	[tilespmem:$0x4F30] =	vst v1  }
0xeb: {  	v1 =	vld [tilespmem:s17+$0x2860];
	_ =	sdelay $0x4  }
0xec: {  	[tilespmem:$0x4F40] =	vst v1  }
0xed: {  	[spmem:s2] =	stream.indirect.scatter.add.f32 [tilespmem:s28], [sflag:$0x4], $0x80, s3, s30, $0xb8;
	v63 =	vld [tilespmem:$0x0]  }
0xee: {  	_ =	swait.ge [sflag:s26], $0x2800  }
0xef: {  	[sflag:s26] =	ssyncset.done $0x0  }
0xf0: {  	s18 =	sadd.s32 $0x140, s17;
	[sflag:s26] =	ssyncadd.s32 $0xFFFFD800  }
0xf1: {  	[tilespmem:s31], [sflag:$0x2] =	stream.indirect.gather [hbm4b:s4+s30], $0x80, s18, s30, $0xb8;
	v63 =	vld [tilespmem:$0x0]  }
0xf2: {  	_ =	swait.ge [sflag:s1], $0x2800  }
0xf3: {  	[sflag:s1] =	ssyncset.done $0x0  }
0xf4: {  	[sflag:s1] =	ssyncadd.s32 $0xFFFFD800  }
0xf5: {  	v1 =	vld [tilespmem:s17+$0x2870];
	_ =	sdelay $0x4  }
0xf6: {  	[tilespmem:$0x4F00] =	vst v1  }
0xf7: {  	v1 =	vld [tilespmem:s25+$0x2880];
	_ =	sdelay $0x4  }
0xf8: {  	[tilespmem:$0x4F10] =	vst v1  }
0xf9: {  	v1 =	vld [tilespmem:s17+$0x2890];
	_ =	sdelay $0x4  }
0xfa: {  	[tilespmem:$0x4F20] =	vst v1  }
0xfb: {  	v1 =	vld [tilespmem:s17+$0x28A0];
	_ =	sdelay $0x4  }
0xfc: {  	[tilespmem:$0x4F30] =	vst v1  }
0xfd: {  	v1 =	vld [tilespmem:s17+$0x28B0];
	_ =	sdelay $0x4  }
0xfe: {  	[tilespmem:$0x4F40] =	vst v1  }
0xff: {  	[spmem:s2] =	stream.indirect.scatter.add.f32 [tilespmem:s29], [sflag:$0x4], $0x80, s3, s30, $0xb8;
	v63 =	vld [tilespmem:$0x0]  }
0x100: {  	_ =	swait.ge [sflag:s26], $0x2800  }
0x101: {  	[sflag:s26] =	ssyncset.done $0x0  }
0x102: {  	[sflag:s26] =	ssyncadd.s32 $0xFFFFD800  }
0x103: {  	_ =	swait.ge [sflag:s0], $0x2800  }
0x104: {  	[sflag:s0] =	ssyncset.done $0x0  }
0x105: {  	[sflag:s0] =	ssyncadd.s32 $0xFFFFD800  }
0x106: {  	v1 =	vld [tilespmem:s17+$0x28C0];
	_ =	sdelay $0x4  }
0x107: {  	[tilespmem:$0x4F00] =	vst v1  }
0x108: {  	v1 =	vld [tilespmem:s17+$0x28D0];
	_ =	sdelay $0x4  }
0x109: {  	[tilespmem:$0x4F10] =	vst v1  }
0x10a: {  	v1 =	vld [tilespmem:s17+$0x28E0];
	_ =	sdelay $0x4  }
0x10b: {  	[tilespmem:$0x4F20] =	vst v1  }
0x10c: {  	v1 =	vld [tilespmem:s17+$0x28F0];
	_ =	sdelay $0x4  }
0x10d: {  	[tilespmem:$0x4F30] =	vst v1  }
0x10e: {  	v1 =	vld [tilespmem:s25+$0x2900];
	_ =	sdelay $0x3  }
.Ltmp1:
0x10f: {  	(pc) =	sbr.rel @p1 .LBB2_4-.Ltmp1, $4  }
0x110: {  	[tilespmem:$0x4F40] =	vst v1  }
0x111: {  	[spmem:s2] =	stream.indirect.scatter.add.f32 [tilespmem:s31], [sflag:$0x4], $0x80, s3, s30, $0xb8;
	v63 =	vld [tilespmem:$0x0]  }
0x112: {  	_ =	swait.ge [sflag:s26], $0x2800  }
0x113: {  	s7 =	sadd.s32 $0x190, s7;
	s25 =	smov.u32 s16;
	[sflag:s26] =	ssyncset.done $0x0  }
0x114: {  	s16 =	sshra.s32 s24, $0x2;
	[sflag:s26] =	ssyncadd.s32 $0xFFFFD800  }
0x115: {  	[tilespmem:s29], [sflag:$0x1] =	stream.indirect.gather [hbm4b:s4+s30], $0x80, s16, s30, $0xb8;
	v63 =	vld [tilespmem:$0x0]  }
0x116: {  	s17 =	sadd.s32 $0x50, s16  }
0x117: {  	[tilespmem:s31], [sflag:$0x2] =	stream.indirect.gather [hbm4b:s4+s30], $0x80, s17, s30, $0xb8;
	v63 =	vld [tilespmem:$0x0]  }
0x118: {  	_ =	swait.ge [sflag:s1], $0x2800  }
0x119: {  	[sflag:s1] =	ssyncset.done $0x0  }
0x11a: {  	[sflag:s1] =	ssyncadd.s32 $0xFFFFD800  }
0x11b: {  	v1 =	vld [tilespmem:s16+$0x2780];
	_ =	sdelay $0x4  }
0x11c: {  	[tilespmem:$0x4F00] =	vst v1  }
0x11d: {  	v1 =	vld [tilespmem:s16+$0x2790];
	_ =	sdelay $0x4  }
0x11e: {  	[tilespmem:$0x4F10] =	vst v1  }
0x11f: {  	v1 =	vld [tilespmem:s16+$0x27A0];
	_ =	sdelay $0x4  }
0x120: {  	[tilespmem:$0x4F20] =	vst v1  }
0x121: {  	v1 =	vld [tilespmem:s16+$0x27B0];
	_ =	sdelay $0x4  }
0x122: {  	[tilespmem:$0x4F30] =	vst v1  }
0x123: {  	v1 =	vld [tilespmem:s16+$0x27C0];
	_ =	sdelay $0x4  }
0x124: {  	[tilespmem:$0x4F40] =	vst v1  }
0x125: {  	[spmem:s2] =	stream.indirect.scatter.add.f32 [tilespmem:s29], [sflag:$0x4], $0x80, s3, s30, $0xb8;
	v63 =	vld [tilespmem:$0x0]  }
0x126: {  	_ =	swait.ge [sflag:s26], $0x2800  }
0x127: {  	[sflag:s26] =	ssyncset.done $0x0  }
0x128: {  	s18 =	sadd.s32 $0xA0, s16;
	[sflag:s26] =	ssyncadd.s32 $0xFFFFD800  }
0x129: {  	[tilespmem:s28], [sflag:$0x3] =	stream.indirect.gather [hbm4b:s4+s30], $0x80, s18, s30, $0xb8;
	v63 =	vld [tilespmem:$0x0]  }
0x12a: {  	_ =	swait.ge [sflag:s0], $0x2800  }
0x12b: {  	[sflag:s0] =	ssyncset.done $0x0  }
0x12c: {  	[sflag:s0] =	ssyncadd.s32 $0xFFFFD800  }
0x12d: {  	v1 =	vld [tilespmem:s16+$0x27D0];
	_ =	sdelay $0x4  }
0x12e: {  	[tilespmem:$0x4F00] =	vst v1  }
0x12f: {  	v1 =	vld [tilespmem:s16+$0x27E0];
	_ =	sdelay $0x4  }
0x130: {  	[tilespmem:$0x4F10] =	vst v1  }
0x131: {  	v1 =	vld [tilespmem:s16+$0x27F0];
	_ =	sdelay $0x4  }
0x132: {  	s7 =	sand.u32 $0x3FF0, s7;
	[tilespmem:$0x4F20] =	vst v1  }
0x133: {  	v1 =	vld [tilespmem:s7+$0x2800];
	_ =	sdelay $0x4  }
0x134: {  	[tilespmem:$0x4F30] =	vst v1  }
0x135: {  	v1 =	vld [tilespmem:s16+$0x2810];
	_ =	sdelay $0x4  }
0x136: {  	[tilespmem:$0x4F40] =	vst v1  }
0x137: {  	[spmem:s2] =	stream.indirect.scatter.add.f32 [tilespmem:s31], [sflag:$0x4], $0x80, s3, s30, $0xb8;
	v63 =	vld [tilespmem:$0x0]  }
0x138: {  	_ =	swait.ge [sflag:s26], $0x2800  }
0x139: {  	[sflag:s26] =	ssyncset.done $0x0  }
0x13a: {  	s24 =	sadd.s32 $0xF0, s16;
	[sflag:s26] =	ssyncadd.s32 $0xFFFFD800  }
0x13b: {  	[tilespmem:s29], [sflag:$0x1] =	stream.indirect.gather [hbm4b:s4+s30], $0x80, s24, s30, $0xb8;
	v63 =	vld [tilespmem:$0x0]  }
0x13c: {  	_ =	swait.ge [sflag:s5], $0x2800  }
0x13d: {  	[sflag:s5] =	ssyncset.done $0x0  }
0x13e: {  	[sflag:s5] =	ssyncadd.s32 $0xFFFFD800  }
0x13f: {  	v1 =	vld [tilespmem:s16+$0x2820];
	_ =	sdelay $0x4  }
0x140: {  	[tilespmem:$0x4F00] =	vst v1  }
0x141: {  	v1 =	vld [tilespmem:s16+$0x2830];
	_ =	sdelay $0x4  }
0x142: {  	[tilespmem:$0x4F10] =	vst v1  }
0x143: {  	v1 =	vld [tilespmem:s16+$0x2840];
	_ =	sdelay $0x4  }
0x144: {  	[tilespmem:$0x4F20] =	vst v1  }
0x145: {  	v1 =	vld [tilespmem:s16+$0x2850];
	_ =	sdelay $0x4  }
0x146: {  	[tilespmem:$0x4F30] =	vst v1  }
0x147: {  	v1 =	vld [tilespmem:s16+$0x2860];
	_ =	sdelay $0x4  }
0x148: {  	[tilespmem:$0x4F40] =	vst v1  }
0x149: {  	[spmem:s2] =	stream.indirect.scatter.add.f32 [tilespmem:s28], [sflag:$0x4], $0x80, s3, s30, $0xb8;
	v63 =	vld [tilespmem:$0x0]  }
0x14a: {  	_ =	swait.ge [sflag:s26], $0x2800  }
0x14b: {  	[sflag:s26] =	ssyncset.done $0x0  }
0x14c: {  	s25 =	sadd.s32 $0x140, s16;
	[sflag:s26] =	ssyncadd.s32 $0xFFFFD800  }
0x14d: {  	[tilespmem:s31], [sflag:$0x2] =	stream.indirect.gather [hbm4b:s4+s30], $0x80, s25, s30, $0xb8;
	v63 =	vld [tilespmem:$0x0]  }
0x14e: {  	_ =	swait.ge [sflag:s1], $0x2800  }
0x14f: {  	[sflag:s1] =	ssyncset.done $0x0  }
0x150: {  	[sflag:s1] =	ssyncadd.s32 $0xFFFFD800  }
0x151: {  	v1 =	vld [tilespmem:s16+$0x2870];
	_ =	sdelay $0x4  }
0x152: {  	[tilespmem:$0x4F00] =	vst v1  }
0x153: {  	v1 =	vld [tilespmem:s7+$0x2880];
	_ =	sdelay $0x4  }
0x154: {  	[tilespmem:$0x4F10] =	vst v1  }
0x155: {  	v1 =	vld [tilespmem:s16+$0x2890];
	_ =	sdelay $0x4  }
0x156: {  	[tilespmem:$0x4F20] =	vst v1  }
0x157: {  	v1 =	vld [tilespmem:s16+$0x28A0];
	_ =	sdelay $0x4  }
0x158: {  	[tilespmem:$0x4F30] =	vst v1  }
0x159: {  	v1 =	vld [tilespmem:s16+$0x28B0];
	_ =	sdelay $0x4  }
0x15a: {  	[tilespmem:$0x4F40] =	vst v1  }
0x15b: {  	[spmem:s2] =	stream.indirect.scatter.add.f32 [tilespmem:s29], [sflag:$0x4], $0x80, s3, s30, $0xb8;
	v63 =	vld [tilespmem:$0x0]  }
0x15c: {  	_ =	swait.ge [sflag:s26], $0x2800  }
0x15d: {  	[sflag:s26] =	ssyncset.done $0x0  }
0x15e: {  	[sflag:s26] =	ssyncadd.s32 $0xFFFFD800  }
0x15f: {  	_ =	swait.ge [sflag:s0], $0x2800  }
0x160: {  	[sflag:s0] =	ssyncset.done $0x0  }
0x161: {  	[sflag:s0] =	ssyncadd.s32 $0xFFFFD800  }
0x162: {  	v1 =	vld [tilespmem:s16+$0x28C0];
	_ =	sdelay $0x4  }
0x163: {  	[tilespmem:$0x4F00] =	vst v1  }
0x164: {  	v1 =	vld [tilespmem:s16+$0x28D0];
	_ =	sdelay $0x4  }
0x165: {  	[tilespmem:$0x4F10] =	vst v1  }
0x166: {  	v1 =	vld [tilespmem:s16+$0x28E0];
	_ =	sdelay $0x4  }
0x167: {  	[tilespmem:$0x4F20] =	vst v1  }
0x168: {  	v1 =	vld [tilespmem:s16+$0x28F0];
	_ =	sdelay $0x4  }
0x169: {  	[tilespmem:$0x4F30] =	vst v1  }
0x16a: {  	v1 =	vld [tilespmem:s7+$0x2900];
	_ =	sdelay $0x4  }
0x16b: {  	[tilespmem:$0x4F40] =	vst v1  }
0x16c: {  	[spmem:s2] =	stream.indirect.scatter.add.f32 [tilespmem:s31], [sflag:$0x4], $0x80, s3, s30, $0xb8;
	v63 =	vld [tilespmem:$0x0]  }
0x16d: {  	_ =	swait.ge [sflag:s26], $0x2800  }
0x16e: {  	[sflag:s26] =	ssyncset.done $0x0  }
0x16f: {  	s16 =	stileid.u32;
	[sflag:s26] =	ssyncadd.s32 $0xFFFFD800  }
0x170: {  	s7 =	sshll.u32 s16, $0x6;
	[bflag:$0x0] =	sbarrier.arrive $0xFFFF  }
0x171: {  	s17 =	sshrl.u32 s8, $0x3;
	s7 =	sor.u32 $0x1C04, s7;
	s18 =	rddreg [dreg:$0x6]  }
0x172: {  	[hbm:s18], [sflag:s7] =	dma.local [spmem:s17], $0x500  }
0x173: {  	_ =	swait.ge [sflag:s26], $0x500  }
0x174: {  	[sflag:s26] =	ssyncset.done $0x0  }
0x175: {  	s24 =	sshrl.u32 s9, $0x3;
	s25 =	rddreg [dreg:$0x7];
	[sflag:s26] =	ssyncadd.s32 $0xFFFFFB00  }
0x176: {  	[hbm:s25], [sflag:s7] =	dma.local [spmem:s24], $0x500  }
0x177: {  	_ =	swait.ge [sflag:s26], $0x500  }
0x178: {  	[sflag:s26] =	ssyncset.done $0x0  }
0x179: {  	s18 =	sshrl.u32 s10, $0x3;
	s24 =	rddreg [dreg:$0x8];
	[sflag:s26] =	ssyncadd.s32 $0xFFFFFB00  }
0x17a: {  	[hbm:s24], [sflag:s7] =	dma.local [spmem:s18], $0x500  }
0x17b: {  	_ =	swait.ge [sflag:s26], $0x500  }
0x17c: {  	[sflag:s26] =	ssyncset.done $0x0  }
0x17d: {  	s25 =	sshrl.u32 s11, $0x3;
	[sflag:s26] =	ssyncadd.s32 $0xFFFFFB00  }
0x17e: {  	[hbm:s19], [sflag:s7] =	dma.local [spmem:s25], $0x500  }
0x17f: {  	_ =	swait.ge [sflag:s26], $0x500  }
0x180: {  	[sflag:s26] =	ssyncset.done $0x0  }
0x181: {  	s17 =	sshrl.u32 s12, $0x3;
	[sflag:s26] =	ssyncadd.s32 $0xFFFFFB00  }
0x182: {  	[hbm:s20], [sflag:s7] =	dma.local [spmem:s17], $0x500  }
0x183: {  	_ =	swait.ge [sflag:s26], $0x500  }
0x184: {  	[sflag:s26] =	ssyncset.done $0x0  }
0x185: {  	s18 =	sshrl.u32 s13, $0x3;
	[sflag:s26] =	ssyncadd.s32 $0xFFFFFB00  }
0x186: {  	[hbm:s21], [sflag:s7] =	dma.local [spmem:s18], $0x500  }
0x187: {  	_ =	swait.ge [sflag:s26], $0x500  }
0x188: {  	[sflag:s26] =	ssyncset.done $0x0  }
0x189: {  	s24 =	sshrl.u32 s14, $0x3;
	[sflag:s26] =	ssyncadd.s32 $0xFFFFFB00  }
0x18a: {  	[hbm:s22], [sflag:s7] =	dma.local [spmem:s24], $0x500  }
0x18b: {  	_ =	swait.ge [sflag:s26], $0x500  }
0x18c: {  	[sflag:s26] =	ssyncset.done $0x0  }
0x18d: {  	s16 =	sshrl.u32 @!p0 s15, $0x3;
	[sflag:s26] =	ssyncadd.s32 $0xFFFFFB00  }
0x18e: {  	[hbm:s23], [sflag:s7] =	dma.local @!p0 [spmem:s16], $0x500  }
0x18f: {  	s7 =	simm.s32 @!p0 $0x4  }
0x190: {  	_ =	swait.ge @!p0 [sflag:s7], $0x500  }
0x191: {  	s6 =	sadd.s32 $0x1, s6;
	s25 =	rddreg [dreg:$0x5]  }
0x192: {  	p1 =	sne.s32 s6, s25  }
.Ltmp2:
0x193: {  	_ = 	snop;
	(pc) =	sbr.rel @p1 .LBB2_1-.Ltmp2, $3  }
0x194: {  	_ =	sdelay $0x1  }
0x195: {  	[sflag:s7] =	ssyncset.done @!p0 $0x0  }
0x196: {  	[sflag:s7] =	ssyncadd.s32 @!p0 $0xFFFFFB00  }
0x197: {  	_ =	sfence.sel $0x180000  }
0x198: {  	[bflag:$0x0] =	sbarrier.arrive $0xFFFF  }
0x199: {  	_ =	strace $0x9000004A  }
0x19a: {  	s0 =	stileid.u32;
	[bflag:$0x2] =	sbarrier.arrive $0xFFFF  }
0x19b: {  	p0 =	sne.s32 s0, $0x0;
	s0 =	rddreg [dreg:$0x2]  }
0x19c: {  	s0 =	sadd.s32 @!p0 $0x100000, s0  }
0x19d: {  	[sflag:s0] =	ssyncadd.tile.s32 @!p0 $0x1;
	_ =	shalt  }
.Lfunc_end2:
_tile_overlayer_lowered:
.L_overlay_start_2:
0x19e: {  	(tag) =	ssettag $0x2  }
0x19f: {  	s0 =	rddreg [dreg:$0x0];
	s2 =	stileid.u32  }
0x1a0: {  	s1 =	rddreg [dreg:$0x1];
	p0 =	sne.s32 s2, $0x0  }
0x1a1: {  	s3 =	rddreg [dreg:$0x2];
	[bflag:$0x3] =	sbarrier.arrive $0xFFFF;
	s2 =	simm.s32 @!p0 $0x1C04  }
0x1a2: {  	[timem:s3], [sflag:s2] =	dma.local @!p0 [hbm:s0], s1  }
0x1a3: {  	s0 =	simm.s32 @!p0 $0x4  }
0x1a4: {  	_ =	swait.ge @!p0 [sflag:s0], s1  }
0x1a5: {  	s1 =	ssub.s32 @!p0 $0x0, s1;
	[sflag:s0] =	ssyncset.done @!p0 $0x0  }
0x1a6: {  	[sflag:s0] =	ssyncadd.s32 @!p0 s1  }
0x1a7: {  	[bflag:$0x3] =	sbarrier.arrive $0xFFFF  }
0x1a8: {  	_ =	shalt  }

// kernel: kernel.18.cloned.1.call-start
scs
__scs_entry_jumppad:
0x0: {  	(pc) =	sbr.rel $0x88, $3  }
0x1: {  	(tag) =	ssettag $0x0;
	lr =	simm.s32 $0x1  }
0x2: {  	[smem:$0x3F8B] =	sst lr;
	_ =	strace $0xD0000000  }
0x3: {  	_ = 	snop  }
0x4: {  	_ = 	snop  }
0x5: {  	_ = 	snop  }
0x6: {  	_ = 	snop  }
0x7: {  	_ = 	snop  }
__scs_overlays_trampoline_lowered:
0x8: {  	[smem:$0x3F9A] =	sst s0  }
0x9: {  	[smem:$0x3F9B] =	sst s1  }
0xa: {  	[smem:$0x3F9C] =	sst s2  }
0xb: {  	[smem:$0x3F9D] =	sst s3  }
0xc: {  	[smem:$0x3F9E] =	sst s4  }
0xd: {  	[smem:$0x3F9F] =	sst s5  }
0xe: {  	[smem:$0x3FA0] =	sst s6  }
0xf: {  	[smem:$0x3FA1] =	sst s7  }
0x10: {  	[smem:$0x3FA2] =	sst s8  }
0x11: {  	[smem:$0x3FA3] =	sst s9;
	s0 =	simm.s32 @!p0 $0x0  }
0x12: {  	s1 =	sld [smem:$0x3F89];
	s0 =	simm.s32 @p0 $0x1  }
0x13: {  	[smem:$0x3FA4] =	sst s0;
	s0 =	simm.s32 @!p1 $0x0  }
0x14: {  	s2 =	sld [smem:$0x3F88];
	s0 =	simm.s32 @p1 $0x1  }
0x15: {  	[smem:$0x3FA5] =	sst s0;
	s0 =	simm.s32 @!p2 $0x0  }
0x16: {  	s3 =	sld [smem:$0x3FDB];
	s0 =	simm.s32 @p2 $0x1  }
0x17: {  	s4 =	simm.s32 $0x1BF5;
	[smem:$0x3FA7] =	sst s0  }
0x18: {  	s0 =	sld [smem:$0x3F8A];
	_ =	swait.ge [sflag:s4], $0x0  }
0x19: {  	s7 =	sld [smem:$0x3F8B]  }
0x1a: {  	s8 =	sadd.s32 $0xFFFFE003, lr  }
0x1b: {  	s9 =	sadd.s32 $0xFFFFFEF7, lr;
	s5 =	simm.s32 $0xFFFFFFFF;
	p2 =	slt.u32 s8, $0xFFFFF086  }
0x1c: {  	p1 =	slt.u32 s9, $0xF7A;
	s5 =	simm.s32 @!p2 $0x0  }
0x1d: {  	s5 =	simm.s32 @p1 $0x1;
	p0 =	seq.s32 s7, s2  }
0x1e: {  	s7 =	smul.u32 @!p0 $0xF7A, s2;
	p2 =	seq.s32 @!p0 s5, $0x0  }
0x1f: {  	s9 =	smul.u32 $0xF7A, s1;
	s8 =	simm.s32 @!p0 $0x1BF5;
	p2 =	por !p2, p0  }
0x20: {  	[sflag:s8] =	ssyncset.s32 @!p0 $0xFFFFF086;
	s6 =	sadd.s32 @!p0 s3, s7;
	s7 =	simm.s32 @!p0 $0x108  }
0x21: {  	s3 =	sadd.s32 s3, s9;
	s6 =	sadd.s32 @!p0 $0x88, s6;
	s7 =	simm.s32 @p2 $0x1082  }
0x22: {  	[simem:s7], [sflag:s8] =	dma.local @!p0 [hbm:s6], $0xF7A  }
0x23: {  	s9 =	sor.u32 $0xD0000000, s2;
	s6 =	simm.s32 $0x108;
	_ =	swait.ge @!p0 [sflag:s8], $0x0  }
0x24: {  	s3 =	sadd.s32 $0x88, s3;
	s6 =	simm.s32 @!p1 $0x1082;
	[sflag:s4] =	ssyncset.s32 $0xFFFFF086  }
0x25: {  	[simem:s6], [sflag:s4] =	dma.local [hbm:s3], $0xF7A  }
0x26: {  	[smem:$0x3F8B] =	sst s1;
	(tag) =	ssettag s2;
	_ =	strace s9  }
0x27: {  	s1 =	sld [smem:$0x3F9B]  }
0x28: {  	s2 =	sld [smem:$0x3F9C]  }
0x29: {  	s4 =	sld [smem:$0x3F9E]  }
0x2a: {  	p0 =	seq.s32 s5, $0x0;
	s5 =	sld [smem:$0x3F9F]  }
0x2b: {  	s6 =	sld [smem:$0x3FA0]  }
0x2c: {  	s7 =	sld [smem:$0x3FA1]  }
0x2d: {  	s3 =	simm.s32 $0x108;
	s8 =	sld [smem:$0x3FA2]  }
0x2e: {  	s3 =	simm.s32 @!p0 $0x1082;
	s9 =	sld [smem:$0x3FA3]  }
0x2f: {  	lr =	sadd.s32 s0, s3;
	s0 =	sld [smem:$0x3F9A]  }
0x30: {  	s3 =	sld [smem:$0x3F9D]  }
0x31: {  	[smem:$0x3FA6] =	sst s10  }
0x32: {  	s10 =	sld [smem:$0x3FA4];
	_ =	sdelay $0x3  }
0x33: {  	p0 =	seq.s32 s10, $0x1;
	s10 =	sld [smem:$0x3FA6];
	_ =	sdelay $0x3  }
0x34: {  	[smem:$0x3FA6] =	sst s10  }
0x35: {  	s10 =	sld [smem:$0x3FA5];
	_ =	sdelay $0x3  }
0x36: {  	p1 =	seq.s32 s10, $0x1;
	s10 =	sld [smem:$0x3FA6];
	_ =	sdelay $0x3  }
0x37: {  	[smem:$0x3FA6] =	sst s10  }
0x38: {  	s10 =	sld [smem:$0x3FA7]  }
0x39: {  	_ = 	snop;
	(pc) =	sbr.ind lr, $3  }
0x3a: {  	_ = 	snop  }
0x3b: {  	_ = 	snop  }
0x3c: {  	p2 =	seq.s32 s10, $0x1;
	s10 =	sld [smem:$0x3FA6]  }
0x3d: {  	_ =	shalt  }
0x3e: {  	_ =	shalt  }
0x3f: {  	_ =	shalt  }
0x40: {  	_ =	shalt  }
0x41: {  	_ =	shalt  }
0x42: {  	_ =	shalt  }
0x43: {  	_ =	shalt  }
0x44: {  	_ =	shalt  }
0x45: {  	_ =	shalt  }
0x46: {  	_ =	shalt  }
0x47: {  	_ =	shalt  }
0x48: {  	_ =	shalt  }
0x49: {  	_ =	shalt  }
0x4a: {  	_ =	shalt  }
0x4b: {  	_ =	shalt  }
0x4c: {  	_ =	shalt  }
0x4d: {  	_ =	shalt  }
0x4e: {  	_ =	shalt  }
0x4f: {  	_ =	shalt  }
0x50: {  	_ =	shalt  }
0x51: {  	_ =	shalt  }
0x52: {  	_ =	shalt  }
0x53: {  	_ =	shalt  }
0x54: {  	_ =	shalt  }
0x55: {  	_ =	shalt  }
0x56: {  	_ =	shalt  }
0x57: {  	_ =	shalt  }
0x58: {  	_ =	shalt  }
0x59: {  	_ =	shalt  }
0x5a: {  	_ =	shalt  }
0x5b: {  	_ =	shalt  }
0x5c: {  	_ =	shalt  }
0x5d: {  	_ =	shalt  }
0x5e: {  	_ =	shalt  }
0x5f: {  	_ =	shalt  }
0x60: {  	_ =	shalt  }
0x61: {  	_ =	shalt  }
0x62: {  	_ =	shalt  }
0x63: {  	_ =	shalt  }
0x64: {  	_ =	shalt  }
0x65: {  	_ =	shalt  }
0x66: {  	_ =	shalt  }
0x67: {  	_ =	shalt  }
0x68: {  	_ =	shalt  }
0x69: {  	_ =	shalt  }
0x6a: {  	_ =	shalt  }
0x6b: {  	_ =	shalt  }
0x6c: {  	_ =	shalt  }
0x6d: {  	_ =	shalt  }
0x6e: {  	_ =	shalt  }
0x6f: {  	_ =	shalt  }
0x70: {  	_ =	shalt  }
0x71: {  	_ =	shalt  }
0x72: {  	_ =	shalt  }
0x73: {  	_ =	shalt  }
0x74: {  	_ =	shalt  }
0x75: {  	_ =	shalt  }
0x76: {  	_ =	shalt  }
0x77: {  	_ =	shalt  }
0x78: {  	_ =	shalt  }
0x79: {  	_ =	shalt  }
0x7a: {  	_ =	shalt  }
0x7b: {  	_ =	shalt  }
0x7c: {  	_ =	shalt  }
0x7d: {  	_ =	shalt  }
0x7e: {  	_ =	shalt  }
0x7f: {  	_ =	shalt  }
0x80: {  	_ =	shalt  }
0x81: {  	_ =	shalt  }
0x82: {  	_ =	shalt  }
0x83: {  	_ =	shalt  }
0x84: {  	_ =	shalt  }
0x85: {  	_ =	shalt  }
0x86: {  	_ =	shalt  }
0x87: {  	_ =	shalt  }
.Lfunc_end0:
.L_simem_size_0:
called_computation.2_lowered:
.L_overlay_start_0:
0x88: {  	s2 =	sld [smem:$0x3FD9]  }
0x89: {  	s3 =	sld [smem:$0x3FFE];
	_ =	sdelay $0x1  }
0x8a: {  	s1 =	srdreg.scid  }
0x8b: {  	s0 =	sand.u32 $0x1, s1  }
0x8c: {  	s16 =	sshll.u32 s0, $0xA;
	s2 =	sadd.s32 s3, s2  }
0x8d: {  	s2 =	sadd.s32 s2, s16  }
0x8e: {  	[smem:$0x3FB2] =	sst s2  }
0x8f: {  	_ = 	snop  }
0x90: {  	(tm) =	ssettm $0x1  }
0x91: {  	s17 =	sld [smem:$0x3FFB];
	_ =	sdelay $0x3  }
0x92: {  	_ =	strace s17  }
0x93: {  	s2 =	sld [smem:$0x3FFC];
	_ =	sdelay $0x3  }
0x94: {  	_ =	strace s2  }
0x95: {  	s2 =	sld [smem:$0x3FFD];
	_ =	sdelay $0x3  }
0x96: {  	_ =	strace s2  }
0x97: {  	_ =	strace $0x8FFFFFFF  }
0x98: {  	s18 =	sld [smem:$0x3FDB];
	_ =	sdelay $0x1  }
0x99: {  	s19 =	simm.s32 $_scs_section_size  }
0x9a: {  	s4 =	simm.s32 $_size__tile_overlayer_lowered;
	s5 =	simm.s32 $_tile_overlayer_lowered  }
0x9b: {  	s22 =	simm.s32 $0x1BFF;
	s21 =	sshll.u32 s5, $0x1;
	s2 =	sadd.s32 s19, s18  }
0x9c: {  	s6 =	simm.s32 $0x0;
	s20 =	sshll.u32 s4, $0x1;
	s4 =	sadd.s32 s21, s2  }
0x9d: {  	[timem:s6], [sflag:s22] =	dma.local [hbm:s4], s20  }
0x9e: {  	_ =	swait.ge [sflag:s22], s20  }
0x9f: {  	s3 =	ssub.s32 $0x0, s20;
	[sflag:s22] =	ssyncset.done $0x0  }
0xa0: {  	[sflag:s22] =	ssyncadd.s32 s3;
	_ =	sdelay $0x1  }
0xa1: {  	s23 =	simm.s32 $0x1B8B  }
0xa2: {  	_ =	swait.ge [sflag:s23], $0x1  }
0xa3: {  	[sflag:s23] =	ssyncset.done $0x0  }
0xa4: {  	s25 =	simm.s32 $0x1B8E;
	s24 =	sld [smem:$0x3FFE];
	[sflag:s23] =	ssyncadd.s32 $0xFFFFFFFF  }
0xa5: {  	s26 =	simm.s32 $execute0_lowered;
	[smem:$0x3FD2] =	sst s25  }
0xa6: {  	s4 =	sshll.u32 s26, $0x1;
	_ =	strace $0x8000004C;
	[dreg:$0x1] =	wrdreg $0xFFFFFFFF  }
0xa7: {  	s28 =	simm.s32 $_size_execute0_lowered;
	s2 =	sadd.s32 s2, s4;
	[dreg:$0x0] =	wrdreg $0x0  }
0xa8: {  	s4 =	sshll.u32 s28, $0x1;
	[dreg:$0x2] =	wrdreg s2  }
0xa9: {  	[dreg:$0x3] =	wrdreg s4  }
0xaa: {  	[dreg:$0x4] =	wrdreg $0xC0  }
0xab: {  	_ =	task [dreg:s6], $0x5FFFF  }
0xac: {  	[dreg:$0x1] =	wrdreg $0xFFFFFFFF  }
0xad: {  	[dreg:$0x0] =	wrdreg $0x60  }
0xae: {  	[dreg:$0x2] =	wrdreg s24  }
0xaf: {  	[dreg:$0x3] =	wrdreg $0xC7800  }
0xb0: {  	[dreg:$0x4] =	wrdreg $0x9  }
0xb1: {  	_ =	task.clear_ibuf [dreg:s6], $0x5FFFF;
	_ =	strace $0x9000004C  }
0xb2: {  	s29 =	simm.s32 $0x9;
	_ =	strace $0x8000004E  }
0xb3: {  	_ =	swait.ge [sflag:s29], $0x1  }
0xb4: {  	[sflag:s29] =	ssyncadd.s32 $0xFFFFFFFF  }
0xb5: {  	_ =	strace $0x9000004E  }
0xb6: {  	_ =	sfence  }
0xb7: {  	s30 =	sld [smem:$0x0];
	_ =	sdelay $0x2  }
0xb8: {  	s31 =	sshll.u32 s1, $0xD;
	s1 =	sshrl.u32 s1, $0x2  }
0xb9: {  	s3 =	sand.u32 $0x4000, s31;
	s1 =	sadd.s32 s1, s30  }
0xba: {  	s0 =	sor.u32 s3, s0;
	s1 =	sshll.u32 s1, $0x11  }
0xbb: {  	s0 =	sor.u32 s1, s0  }
0xbc: {  	s0 =	sadd.s32 $0x8F2B, s0  }
0xbd: {  	[sflag:s0] =	ssyncadd.remote.s32 $0x1  }
0xbe: {  	_ =	sfence.sel $0xFFFF  }
0xbf: {  	[dreg:$0x0] =	wrdreg $0xFFFFFFFF;
	(pc) =	sbr.abs _section_cstart, $3  }
0xc0: {  	[dreg:$0x1] =	wrdreg $0xFFFFFFFF  }
0xc1: {  	_ =	task.clear_ibuf [dreg:s6], $0x2FFFF;
	_ =	strace $0x9FFFFFFF  }
0xc2: {  	(tm) =	ssettm $0x7FFFFFFF  }
0xc3: {  	_ =	shalt  }
tec
execute0_lowered:
.L_overlay_start_1:
0x0: {  	(tag) =	ssettag $0x1  }
0x1: {  	s0 =	srdreg.scid;
	s1 =	rddreg [dreg:$0x0]  }
0x2: {  	s11 =	stileid.u32;
	s2 =	rddreg [dreg:$0x1]  }
0x3: {  	s5 =	simm.s32 $0x0;
	s29 =	simm.s32 $0x4F80;
	s30 =	simm.s32 $0x50  }
0x4: {  	s31 =	simm.s32 $0x7780;
	s0 =	sand.u32 $0x1, s0;
	s18 =	smul.u32 $0xA000, s11  }
0x5: {  	s28 =	simm.s32 $0x9F80;
	s6 =	sor.u32 $0x10, s11;
	s16 =	smul.u32 $0x27100, s0  }
0x6: {  	s4 =	sshll.u32 s11, $0x7;
	s12 =	sor.u32 $0x20, s11;
	s19 =	smul.u32 $0xA000, s6  }
0x7: {  	[smem:$0x7FF] =	sst s5;
	s14 =	sor.u32 $0x30, s11;
	s20 =	smul.u32 $0xA000, s12  }
0x8: {  	s15 =	sor.u32 $0x40, s11;
	s24 =	sor.u32 $0x70, s11;
	s10 =	smul.u32 $0xA000, s14  }
0x9: {  	s3 =	sshll.u32 s0, $0x4;
	s4 =	sand.u32 $0x380, s4;
	s21 =	smul.u32 $0xA000, s15  }
0xa: {  	_ =	strace $0x8000004D;
	s0 =	ssub.s32 $0x2, s0;
	s22 =	smul.u32 $0xA000, s24  }
0xb: {  	s25 =	smul.u32 $0x500, s12;
	p0 =	sgt.u32 s24, $0x7C;
	s3 =	sor.u32 s11, s3  }
0xc: {  	s17 =	sshrl.u32 s0, $0x1;
	s5 =	sshrl.u32 s18, $0x2;
	s3 =	sshrl.u32 s3, $0x3  }
0xd: {  	s0 =	ssub.s32 s0, s17;
	s17 =	sor.u32 $0x60, s11;
	s8 =	sadd.s32 s5, s2  }
0xe: {  	s26 =	sshrl.u32 s10, $0x2;
	s3 =	smul.u32 $0x13C00, s3;
	s0 =	smax.u32 s0, $0x1  }
0xf: {  	s5 =	sshrl.u32 s22, $0x2;
	s18 =	smul.u32 $0xA000, s17;
	[dreg:$0x5] =	wrdreg s0  }
0x10: {  	s0 =	sshrl.u32 s21, $0x2;
	s3 =	sor.u32 s4, s3;
	s4 =	sadd.s32 $0xF800, s1  }
0x11: {  	s12 =	sadd.s32 s0, s2;
	s18 =	sshrl.u32 s18, $0x2;
	s3 =	sshrl.u32 s3, $0x3  }
0x12: {  	s3 =	sadd.s32 s3, s1;
	s1 =	sadd.s32 s16, s1;
	s16 =	sor.u32 $0x50, s11  }
0x13: {  	s0 =	simm.s32 $0x2;
	s7 =	sadd.s32 $0x5DA00, s3;
	s13 =	smul.u32 $0xA000, s16  }
0x14: {  	s3 =	sadd.s32 $0x5A00, s3;
	s1 =	sadd.s32 $0x67800, s1;
	s21 =	smul.u32 $0x500, s16  }
0x15: {  	[dreg:$0x3] =	wrdreg s7;
	s7 =	sshrl.u32 s19, $0x2;
	s19 =	smul.u32 $0x500, s11  }
0x16: {  	[dreg:$0x4] =	wrdreg s3;
	s11 =	sadd.s32 s26, s2;
	s26 =	smul.u32 $0x500, s14  }
0x17: {  	s3 =	sshrl.u32 s20, $0x2;
	s20 =	smul.u32 $0x500, s15;
	s14 =	sadd.s32 s18, s2  }
0x18: {  	s15 =	sadd.s32 s5, s2;
	s25 =	sadd.s32 s1, s25;
	s5 =	simm.s32 $0x3  }
0x19: {  	s9 =	sadd.s32 s7, s2;
	s10 =	sadd.s32 s3, s2;
	s7 =	smul.u32 $0x500, s6  }
0x1a: {  	s23 =	sshrl.u32 s13, $0x2;
	[dreg:$0x8] =	wrdreg s25;
	s21 =	sadd.s32 s1, s21  }
0x1b: {  	s6 =	simm.s32 $0x0;
	s13 =	sadd.s32 s23, s2;
	s23 =	smul.u32 $0x500, s17  }
0x1c: {  	s22 =	sadd.s32 s1, s19;
	s19 =	sadd.s32 s1, s26;
	s26 =	smul.u32 $0x500, s24  }
0x1d: {  	s20 =	sadd.s32 s1, s20;
	[dreg:$0x6] =	wrdreg s22;
	s3 =	sadd.s32 s1, s7  }
0x1e: {  	[dreg:$0x7] =	wrdreg s3;
	s22 =	sadd.s32 s1, s23;
	s23 =	sadd.s32 s1, s26  }
0x1f: {  	v0 =	vimm.f32 $0.0e+00;
	s26 =	simm.s32 $0x4;
	s1 =	simm.s32 $0x1;
	s3 =	simm.s32 $0x4F00  }
.LBB2_1:
0x20: {  	s7 =	simm.s32 $0x0  }
0x21: {  	s16 =	rddreg [dreg:$0x3];
	s17 =	simm.s32 $0x80;
	s18 =	simm.s32 $0x400  }
0x22: {  	[tilespmem:s7], [sflag:$0x4] =	stream.strided.gather [hbm4b:s16+s17], $0x2780, s18, s17, $0x38;
	v63 =	vld [tilespmem:$0x0]  }
0x23: {  	_ =	swait.ge [sflag:s26], $0x2780  }
0x24: {  	[sflag:s26] =	ssyncset.done $0x0  }
0x25: {  	s25 =	simm.s32 $0x2780;
	s24 =	rddreg [dreg:$0x4];
	[sflag:s26] =	ssyncadd.s32 $0xFFFFD880  }
0x26: {  	[tilespmem:s25], [sflag:$0x4] =	stream.strided.gather [hbm4b:s24+s17], $0x2780, s18, s17, $0x38;
	v63 =	vld [tilespmem:$0x0]  }
0x27: {  	_ =	swait.ge [sflag:s26], $0x2780  }
0x28: {  	[sflag:s26] =	ssyncset.done $0x0  }
0x29: {  	s7 =	simm.s32 $0x0;
	s16 =	simm.s32 $0x200;
	[sflag:s26] =	ssyncadd.s32 $0xFFFFD880  }
.LBB2_2:
0x2a: {  	p1 =	sne.s32 s16, $0x9E00;
	[tilespmem:s7+$0x4FF0] =	vst v0  }
0x2b: {  	[tilespmem:s7+$0x4F80] =	vst v0  }
0x2c: {  	[tilespmem:s7+$0x4F90] =	vst v0  }
.Ltmp0:
0x2d: {  	[tilespmem:s7+$0x4FA0] =	vst v0;
	(pc) =	sbr.rel @p1 .LBB2_2-.Ltmp0, $4  }
0x2e: {  	[tilespmem:s7+$0x4FB0] =	vst v0  }
0x2f: {  	[tilespmem:s7+$0x4FC0] =	vst v0  }
0x30: {  	[tilespmem:s7+$0x4FD0] =	vst v0  }
0x31: {  	[tilespmem:s7+$0x4FE0] =	vst v0;
	s7 =	sshra.s32 s16, $0x2;
	s16 =	sadd.s32 $0x200, s16  }
0x32: {  	[tilespmem:s7+$0x4FF0] =	vst v0  }
0x33: {  	[tilespmem:s7+$0x4F80] =	vst v0  }
0x34: {  	[tilespmem:s7+$0x4F90] =	vst v0  }
0x35: {  	[tilespmem:s7+$0x4FA0] =	vst v0  }
0x36: {  	[tilespmem:s7+$0x4FB0] =	vst v0  }
0x37: {  	[tilespmem:s7+$0x4FC0] =	vst v0  }
0x38: {  	[tilespmem:s7+$0x4FD0] =	vst v0  }
0x39: {  	[tilespmem:s7+$0x4FE0] =	vst v0  }
0x3a: {  	[spmem:s8] =	stream.linear.scatter [tilespmem:s29], [sflag:$0x4], $0x2800, $0x38;
	v63 =	vld [tilespmem:$0x0]  }
0x3b: {  	_ =	swait.ge [sflag:s26], $0x2800  }
0x3c: {  	[sflag:s26] =	ssyncset.done $0x0  }
0x3d: {  	[sflag:s26] =	ssyncadd.s32 $0xFFFFD800  }
0x3e: {  	[spmem:s9] =	stream.linear.scatter [tilespmem:s29], [sflag:$0x4], $0x2800, $0x38;
	v63 =	vld [tilespmem:$0x0]  }
0x3f: {  	_ =	swait.ge [sflag:s26], $0x2800  }
0x40: {  	[sflag:s26] =	ssyncset.done $0x0  }
0x41: {  	[sflag:s26] =	ssyncadd.s32 $0xFFFFD800  }
0x42: {  	[spmem:s10] =	stream.linear.scatter [tilespmem:s29], [sflag:$0x4], $0x2800, $0x38;
	v63 =	vld [tilespmem:$0x0]  }
0x43: {  	_ =	swait.ge [sflag:s26], $0x2800  }
0x44: {  	[sflag:s26] =	ssyncset.done $0x0  }
0x45: {  	[sflag:s26] =	ssyncadd.s32 $0xFFFFD800  }
0x46: {  	[spmem:s11] =	stream.linear.scatter [tilespmem:s29], [sflag:$0x4], $0x2800, $0x38;
	v63 =	vld [tilespmem:$0x0]  }
0x47: {  	_ =	swait.ge [sflag:s26], $0x2800  }
0x48: {  	[sflag:s26] =	ssyncset.done $0x0  }
0x49: {  	[sflag:s26] =	ssyncadd.s32 $0xFFFFD800  }
0x4a: {  	[spmem:s12] =	stream.linear.scatter [tilespmem:s29], [sflag:$0x4], $0x2800, $0x38;
	v63 =	vld [tilespmem:$0x0]  }
0x4b: {  	_ =	swait.ge [sflag:s26], $0x2800  }
0x4c: {  	[sflag:s26] =	ssyncset.done $0x0  }
0x4d: {  	[sflag:s26] =	ssyncadd.s32 $0xFFFFD800  }
0x4e: {  	[spmem:s13] =	stream.linear.scatter [tilespmem:s29], [sflag:$0x4], $0x2800, $0x38;
	v63 =	vld [tilespmem:$0x0]  }
0x4f: {  	_ =	swait.ge [sflag:s26], $0x2800  }
0x50: {  	[sflag:s26] =	ssyncset.done $0x0  }
0x51: {  	[sflag:s26] =	ssyncadd.s32 $0xFFFFD800  }
0x52: {  	[spmem:s14] =	stream.linear.scatter [tilespmem:s29], [sflag:$0x4], $0x2800, $0x38;
	v63 =	vld [tilespmem:$0x0]  }
0x53: {  	_ =	swait.ge [sflag:s26], $0x2800  }
0x54: {  	[sflag:s26] =	ssyncset.done $0x0  }
0x55: {  	s7 =	simm.s32 @!p0 $0x4F80;
	[sflag:s26] =	ssyncadd.s32 $0xFFFFD800  }
0x56: {  	[spmem:s15] =	stream.linear.scatter @!p0 [tilespmem:s7], [sflag:$0x4], $0x2800, $0x38;
	v63 =	vld [tilespmem:$0x0]  }
0x57: {  	s7 =	simm.s32 @!p0 $0x4  }
0x58: {  	_ =	swait.ge @!p0 [sflag:s7], $0x2800  }
0x59: {  	[sflag:s7] =	ssyncset.done @!p0 $0x0  }
0x5a: {  	[sflag:s7] =	ssyncadd.s32 @!p0 $0xFFFFD800  }
0x5b: {  	s7 =	simm.s32 $0x0;
	[bflag:$0x0] =	sbarrier.arrive $0xFFFF  }
0x5c: {  	[tilespmem:s29], [sflag:$0x1] =	stream.indirect.gather [hbm4b:s4+s30], $0x80, s7, s30, $0xb8;
	v63 =	vld [tilespmem:$0x0]  }
0x5d: {  	s16 =	simm.s32 $0x50  }
0x5e: {  	[tilespmem:s31], [sflag:$0x2] =	stream.indirect.gather [hbm4b:s4+s30], $0x80, s16, s30, $0xb8;
	v63 =	vld [tilespmem:$0x0]  }
0x5f: {  	_ =	swait.ge [sflag:s1], $0x2800  }
0x60: {  	[sflag:s1] =	ssyncset.done $0x0  }
0x61: {  	[sflag:s1] =	ssyncadd.s32 $0xFFFFD800  }
0x62: {  	v1 =	vld [tilespmem:s7+$0x2780];
	_ =	sdelay $0x4  }
0x63: {  	[tilespmem:$0x4F00] =	vst v1  }
0x64: {  	v1 =	vld [tilespmem:s7+$0x2790];
	_ =	sdelay $0x4  }
0x65: {  	[tilespmem:$0x4F10] =	vst v1  }
0x66: {  	v1 =	vld [tilespmem:s7+$0x27A0];
	_ =	sdelay $0x4  }
0x67: {  	[tilespmem:$0x4F20] =	vst v1  }
0x68: {  	v1 =	vld [tilespmem:s7+$0x27B0];
	_ =	sdelay $0x4  }
0x69: {  	[tilespmem:$0x4F30] =	vst v1  }
0x6a: {  	v1 =	vld [tilespmem:s7+$0x27C0];
	_ =	sdelay $0x4  }
0x6b: {  	[tilespmem:$0x4F40] =	vst v1  }
0x6c: {  	[spmem:s2] =	stream.indirect.scatter.add.f32 [tilespmem:s29], [sflag:$0x4], $0x80, s3, s30, $0xb8;
	v63 =	vld [tilespmem:$0x0]  }
0x6d: {  	_ =	swait.ge [sflag:s26], $0x2800  }
0x6e: {  	[sflag:s26] =	ssyncset.done $0x0  }
0x6f: {  	s18 =	simm.s32 $0xA0;
	[sflag:s26] =	ssyncadd.s32 $0xFFFFD800  }
0x70: {  	[tilespmem:s28], [sflag:$0x3] =	stream.indirect.gather [hbm4b:s4+s30], $0x80, s18, s30, $0xb8;
	v63 =	vld [tilespmem:$0x0]  }
0x71: {  	_ =	swait.ge [sflag:s0], $0x2800  }
0x72: {  	[sflag:s0] =	ssyncset.done $0x0  }
0x73: {  	[sflag:s0] =	ssyncadd.s32 $0xFFFFD800  }
0x74: {  	v1 =	vld [tilespmem:s7+$0x27D0];
	_ =	sdelay $0x4  }
0x75: {  	[tilespmem:$0x4F00] =	vst v1  }
0x76: {  	v1 =	vld [tilespmem:s7+$0x27E0];
	_ =	sdelay $0x4  }
0x77: {  	[tilespmem:$0x4F10] =	vst v1  }
0x78: {  	v1 =	vld [tilespmem:s7+$0x27F0];
	_ =	sdelay $0x3  }
0x79: {  	s24 =	simm.s32 $0x0  }
0x7a: {  	s16 =	sand.u32 $0x3FF0, s24;
	[tilespmem:$0x4F20] =	vst v1  }
0x7b: {  	v1 =	vld [tilespmem:s16+$0x2800];
	_ =	sdelay $0x4  }
0x7c: {  	[tilespmem:$0x4F30] =	vst v1  }
0x7d: {  	v1 =	vld [tilespmem:s7+$0x2810];
	_ =	sdelay $0x4  }
0x7e: {  	[tilespmem:$0x4F40] =	vst v1  }
0x7f: {  	[spmem:s2] =	stream.indirect.scatter.add.f32 [tilespmem:s31], [sflag:$0x4], $0x80, s3, s30, $0xb8;
	v63 =	vld [tilespmem:$0x0]  }
0x80: {  	_ =	swait.ge [sflag:s26], $0x2800  }
0x81: {  	[sflag:s26] =	ssyncset.done $0x0  }
0x82: {  	s17 =	simm.s32 $0xF0;
	[sflag:s26] =	ssyncadd.s32 $0xFFFFD800  }
0x83: {  	[tilespmem:s29], [sflag:$0x1] =	stream.indirect.gather [hbm4b:s4+s30], $0x80, s17, s30, $0xb8;
	v63 =	vld [tilespmem:$0x0]  }
0x84: {  	_ =	swait.ge [sflag:s5], $0x2800  }
0x85: {  	[sflag:s5] =	ssyncset.done $0x0  }
0x86: {  	[sflag:s5] =	ssyncadd.s32 $0xFFFFD800  }
0x87: {  	v1 =	vld [tilespmem:s7+$0x2820];
	_ =	sdelay $0x4  }
0x88: {  	[tilespmem:$0x4F00] =	vst v1  }
0x89: {  	v1 =	vld [tilespmem:s7+$0x2830];
	_ =	sdelay $0x4  }
0x8a: {  	[tilespmem:$0x4F10] =	vst v1  }
0x8b: {  	v1 =	vld [tilespmem:s7+$0x2840];
	_ =	sdelay $0x4  }
0x8c: {  	[tilespmem:$0x4F20] =	vst v1  }
0x8d: {  	v1 =	vld [tilespmem:s7+$0x2850];
	_ =	sdelay $0x4  }
0x8e: {  	[tilespmem:$0x4F30] =	vst v1  }
0x8f: {  	v1 =	vld [tilespmem:s7+$0x2860];
	_ =	sdelay $0x4  }
0x90: {  	[tilespmem:$0x4F40] =	vst v1  }
0x91: {  	[spmem:s2] =	stream.indirect.scatter.add.f32 [tilespmem:s28], [sflag:$0x4], $0x80, s3, s30, $0xb8;
	v63 =	vld [tilespmem:$0x0]  }
0x92: {  	_ =	swait.ge [sflag:s26], $0x2800  }
0x93: {  	[sflag:s26] =	ssyncset.done $0x0  }
0x94: {  	s25 =	simm.s32 $0x140;
	[sflag:s26] =	ssyncadd.s32 $0xFFFFD800  }
0x95: {  	[tilespmem:s31], [sflag:$0x2] =	stream.indirect.gather [hbm4b:s4+s30], $0x80, s25, s30, $0xb8;
	v63 =	vld [tilespmem:$0x0]  }
0x96: {  	_ =	swait.ge [sflag:s1], $0x2800  }
0x97: {  	[sflag:s1] =	ssyncset.done $0x0  }
0x98: {  	[sflag:s1] =	ssyncadd.s32 $0xFFFFD800  }
0x99: {  	v1 =	vld [tilespmem:s7+$0x2870];
	_ =	sdelay $0x4  }
0x9a: {  	[tilespmem:$0x4F00] =	vst v1  }
0x9b: {  	v1 =	vld [tilespmem:s16+$0x2880];
	_ =	sdelay $0x4  }
0x9c: {  	[tilespmem:$0x4F10] =	vst v1  }
0x9d: {  	v1 =	vld [tilespmem:s7+$0x2890];
	_ =	sdelay $0x4  }
0x9e: {  	[tilespmem:$0x4F20] =	vst v1  }
0x9f: {  	v1 =	vld [tilespmem:s7+$0x28A0];
	_ =	sdelay $0x4  }
0xa0: {  	[tilespmem:$0x4F30] =	vst v1  }
0xa1: {  	v1 =	vld [tilespmem:s7+$0x28B0];
	_ =	sdelay $0x4  }
0xa2: {  	[tilespmem:$0x4F40] =	vst v1  }
0xa3: {  	[spmem:s2] =	stream.indirect.scatter.add.f32 [tilespmem:s29], [sflag:$0x4], $0x80, s3, s30, $0xb8;
	v63 =	vld [tilespmem:$0x0]  }
0xa4: {  	_ =	swait.ge [sflag:s26], $0x2800  }
0xa5: {  	[sflag:s26] =	ssyncset.done $0x0  }
0xa6: {  	[sflag:s26] =	ssyncadd.s32 $0xFFFFD800  }
0xa7: {  	_ =	swait.ge [sflag:s0], $0x2800  }
0xa8: {  	[sflag:s0] =	ssyncset.done $0x0  }
0xa9: {  	[sflag:s0] =	ssyncadd.s32 $0xFFFFD800  }
0xaa: {  	v1 =	vld [tilespmem:s7+$0x28C0];
	_ =	sdelay $0x4  }
0xab: {  	[tilespmem:$0x4F00] =	vst v1  }
0xac: {  	v1 =	vld [tilespmem:s7+$0x28D0];
	_ =	sdelay $0x4  }
0xad: {  	[tilespmem:$0x4F10] =	vst v1  }
0xae: {  	v1 =	vld [tilespmem:s7+$0x28E0];
	_ =	sdelay $0x4  }
0xaf: {  	[tilespmem:$0x4F20] =	vst v1  }
0xb0: {  	v1 =	vld [tilespmem:s7+$0x28F0];
	_ =	sdelay $0x4  }
0xb1: {  	[tilespmem:$0x4F30] =	vst v1  }
0xb2: {  	v1 =	vld [tilespmem:s16+$0x2900];
	_ =	sdelay $0x4  }
0xb3: {  	[tilespmem:$0x4F40] =	vst v1  }
0xb4: {  	[spmem:s2] =	stream.indirect.scatter.add.f32 [tilespmem:s31], [sflag:$0x4], $0x80, s3, s30, $0xb8;
	v63 =	vld [tilespmem:$0x0]  }
0xb5: {  	s24 =	simm.s32 $0x640;
	_ =	swait.ge [sflag:s26], $0x2800  }
0xb6: {  	s25 =	simm.s32 $0xC80;
	s7 =	simm.s32 $0x190;
	[sflag:s26] =	ssyncset.done $0x0  }
.LBB2_4:
0xb7: {  	s17 =	sshra.s32 s24, $0x2  }
0xb8: {  	[sflag:s26] =	ssyncadd.s32 $0xFFFFD800;
	s24 =	smov.u32 s25;
	s16 =	sadd.s32 $0x640, s25  }
0xb9: {  	[tilespmem:s29], [sflag:$0x1] =	stream.indirect.gather [hbm4b:s4+s30], $0x80, s17, s30, $0xb8;
	v63 =	vld [tilespmem:$0x0]  }
0xba: {  	p1 =	sne.s32 s25, $0x9600;
	s25 =	sadd.s32 $0x50, s17  }
0xbb: {  	[tilespmem:s31], [sflag:$0x2] =	stream.indirect.gather [hbm4b:s4+s30], $0x80, s25, s30, $0xb8;
	v63 =	vld [tilespmem:$0x0]  }
0xbc: {  	_ =	swait.ge [sflag:s1], $0x2800  }
0xbd: {  	[sflag:s1] =	ssyncset.done $0x0  }
0xbe: {  	[sflag:s1] =	ssyncadd.s32 $0xFFFFD800  }
0xbf: {  	v1 =	vld [tilespmem:s17+$0x2780];
	_ =	sdelay $0x4  }
0xc0: {  	[tilespmem:$0x4F00] =	vst v1  }
0xc1: {  	v1 =	vld [tilespmem:s17+$0x2790];
	_ =	sdelay $0x4  }
0xc2: {  	[tilespmem:$0x4F10] =	vst v1  }
0xc3: {  	v1 =	vld [tilespmem:s17+$0x27A0];
	_ =	sdelay $0x4  }
0xc4: {  	[tilespmem:$0x4F20] =	vst v1  }
0xc5: {  	v1 =	vld [tilespmem:s17+$0x27B0];
	_ =	sdelay $0x4  }
0xc6: {  	[tilespmem:$0x4F30] =	vst v1  }
0xc7: {  	v1 =	vld [tilespmem:s17+$0x27C0];
	_ =	sdelay $0x4  }
0xc8: {  	[tilespmem:$0x4F40] =	vst v1  }
0xc9: {  	[spmem:s2] =	stream.indirect.scatter.add.f32 [tilespmem:s29], [sflag:$0x4], $0x80, s3, s30, $0xb8;
	v63 =	vld [tilespmem:$0x0]  }
0xca: {  	_ =	swait.ge [sflag:s26], $0x2800  }
0xcb: {  	[sflag:s26] =	ssyncset.done $0x0  }
0xcc: {  	s25 =	sadd.s32 $0xA0, s17;
	[sflag:s26] =	ssyncadd.s32 $0xFFFFD800  }
0xcd: {  	[tilespmem:s28], [sflag:$0x3] =	stream.indirect.gather [hbm4b:s4+s30], $0x80, s25, s30, $0xb8;
	v63 =	vld [tilespmem:$0x0]  }
0xce: {  	_ =	swait.ge [sflag:s0], $0x2800  }
0xcf: {  	[sflag:s0] =	ssyncset.done $0x0  }
0xd0: {  	[sflag:s0] =	ssyncadd.s32 $0xFFFFD800  }
0xd1: {  	v1 =	vld [tilespmem:s17+$0x27D0];
	_ =	sdelay $0x4  }
0xd2: {  	[tilespmem:$0x4F00] =	vst v1  }
0xd3: {  	v1 =	vld [tilespmem:s17+$0x27E0];
	_ =	sdelay $0x4  }
0xd4: {  	[tilespmem:$0x4F10] =	vst v1  }
0xd5: {  	v1 =	vld [tilespmem:s17+$0x27F0];
	_ =	sdelay $0x4  }
0xd6: {  	s25 =	sand.u32 $0x3FF0, s7;
	[tilespmem:$0x4F20] =	vst v1  }
0xd7: {  	v1 =	vld [tilespmem:s25+$0x2800];
	_ =	sdelay $0x4  }
0xd8: {  	[tilespmem:$0x4F30] =	vst v1  }
0xd9: {  	v1 =	vld [tilespmem:s17+$0x2810];
	_ =	sdelay $0x4  }
0xda: {  	[tilespmem:$0x4F40] =	vst v1  }
0xdb: {  	[spmem:s2] =	stream.indirect.scatter.add.f32 [tilespmem:s31], [sflag:$0x4], $0x80, s3, s30, $0xb8;
	v63 =	vld [tilespmem:$0x0]  }
0xdc: {  	_ =	swait.ge [sflag:s26], $0x2800  }
0xdd: {  	[sflag:s26] =	ssyncset.done $0x0  }
0xde: {  	s18 =	sadd.s32 $0xF0, s17;
	[sflag:s26] =	ssyncadd.s32 $0xFFFFD800  }
0xdf: {  	[tilespmem:s29], [sflag:$0x1] =	stream.indirect.gather [hbm4b:s4+s30], $0x80, s18, s30, $0xb8;
	v63 =	vld [tilespmem:$0x0]  }
0xe0: {  	_ =	swait.ge [sflag:s5], $0x2800  }
0xe1: {  	[sflag:s5] =	ssyncset.done $0x0  }
0xe2: {  	[sflag:s5] =	ssyncadd.s32 $0xFFFFD800  }
0xe3: {  	v1 =	vld [tilespmem:s17+$0x2820];
	_ =	sdelay $0x4  }
0xe4: {  	[tilespmem:$0x4F00] =	vst v1  }
0xe5: {  	v1 =	vld [tilespmem:s17+$0x2830];
	_ =	sdelay $0x4  }
0xe6: {  	[tilespmem:$0x4F10] =	vst v1  }
0xe7: {  	v1 =	vld [tilespmem:s17+$0x2840];
	_ =	sdelay $0x4  }
0xe8: {  	[tilespmem:$0x4F20] =	vst v1  }
0xe9: {  	v1 =	vld [tilespmem:s17+$0x2850];
	_ =	sdelay $0x4  }
0xea: {  	[tilespmem:$0x4F30] =	vst v1  }
0xeb: {  	v1 =	vld [tilespmem:s17+$0x2860];
	_ =	sdelay $0x4  }
0xec: {  	[tilespmem:$0x4F40] =	vst v1  }
0xed: {  	[spmem:s2] =	stream.indirect.scatter.add.f32 [tilespmem:s28], [sflag:$0x4], $0x80, s3, s30, $0xb8;
	v63 =	vld [tilespmem:$0x0]  }
0xee: {  	_ =	swait.ge [sflag:s26], $0x2800  }
0xef: {  	[sflag:s26] =	ssyncset.done $0x0  }
0xf0: {  	s18 =	sadd.s32 $0x140, s17;
	[sflag:s26] =	ssyncadd.s32 $0xFFFFD800  }
0xf1: {  	[tilespmem:s31], [sflag:$0x2] =	stream.indirect.gather [hbm4b:s4+s30], $0x80, s18, s30, $0xb8;
	v63 =	vld [tilespmem:$0x0]  }
0xf2: {  	_ =	swait.ge [sflag:s1], $0x2800  }
0xf3: {  	[sflag:s1] =	ssyncset.done $0x0  }
0xf4: {  	[sflag:s1] =	ssyncadd.s32 $0xFFFFD800  }
0xf5: {  	v1 =	vld [tilespmem:s17+$0x2870];
	_ =	sdelay $0x4  }
0xf6: {  	[tilespmem:$0x4F00] =	vst v1  }
0xf7: {  	v1 =	vld [tilespmem:s25+$0x2880];
	_ =	sdelay $0x4  }
0xf8: {  	[tilespmem:$0x4F10] =	vst v1  }
0xf9: {  	v1 =	vld [tilespmem:s17+$0x2890];
	_ =	sdelay $0x4  }
0xfa: {  	[tilespmem:$0x4F20] =	vst v1  }
0xfb: {  	v1 =	vld [tilespmem:s17+$0x28A0];
	_ =	sdelay $0x4  }
0xfc: {  	[tilespmem:$0x4F30] =	vst v1  }
0xfd: {  	v1 =	vld [tilespmem:s17+$0x28B0];
	_ =	sdelay $0x4  }
0xfe: {  	[tilespmem:$0x4F40] =	vst v1  }
0xff: {  	[spmem:s2] =	stream.indirect.scatter.add.f32 [tilespmem:s29], [sflag:$0x4], $0x80, s3, s30, $0xb8;
	v63 =	vld [tilespmem:$0x0]  }
0x100: {  	_ =	swait.ge [sflag:s26], $0x2800  }
0x101: {  	[sflag:s26] =	ssyncset.done $0x0  }
0x102: {  	[sflag:s26] =	ssyncadd.s32 $0xFFFFD800  }
0x103: {  	_ =	swait.ge [sflag:s0], $0x2800  }
0x104: {  	[sflag:s0] =	ssyncset.done $0x0  }
0x105: {  	[sflag:s0] =	ssyncadd.s32 $0xFFFFD800  }
0x106: {  	v1 =	vld [tilespmem:s17+$0x28C0];
	_ =	sdelay $0x4  }
0x107: {  	[tilespmem:$0x4F00] =	vst v1  }
0x108: {  	v1 =	vld [tilespmem:s17+$0x28D0];
	_ =	sdelay $0x4  }
0x109: {  	[tilespmem:$0x4F10] =	vst v1  }
0x10a: {  	v1 =	vld [tilespmem:s17+$0x28E0];
	_ =	sdelay $0x4  }
0x10b: {  	[tilespmem:$0x4F20] =	vst v1  }
0x10c: {  	v1 =	vld [tilespmem:s17+$0x28F0];
	_ =	sdelay $0x4  }
0x10d: {  	[tilespmem:$0x4F30] =	vst v1  }
0x10e: {  	v1 =	vld [tilespmem:s25+$0x2900];
	_ =	sdelay $0x3  }
.Ltmp1:
0x10f: {  	(pc) =	sbr.rel @p1 .LBB2_4-.Ltmp1, $4  }
0x110: {  	[tilespmem:$0x4F40] =	vst v1  }
0x111: {  	[spmem:s2] =	stream.indirect.scatter.add.f32 [tilespmem:s31], [sflag:$0x4], $0x80, s3, s30, $0xb8;
	v63 =	vld [tilespmem:$0x0]  }
0x112: {  	_ =	swait.ge [sflag:s26], $0x2800  }
0x113: {  	s7 =	sadd.s32 $0x190, s7;
	s25 =	smov.u32 s16;
	[sflag:s26] =	ssyncset.done $0x0  }
0x114: {  	s16 =	sshra.s32 s24, $0x2;
	[sflag:s26] =	ssyncadd.s32 $0xFFFFD800  }
0x115: {  	[tilespmem:s29], [sflag:$0x1] =	stream.indirect.gather [hbm4b:s4+s30], $0x80, s16, s30, $0xb8;
	v63 =	vld [tilespmem:$0x0]  }
0x116: {  	s17 =	sadd.s32 $0x50, s16  }
0x117: {  	[tilespmem:s31], [sflag:$0x2] =	stream.indirect.gather [hbm4b:s4+s30], $0x80, s17, s30, $0xb8;
	v63 =	vld [tilespmem:$0x0]  }
0x118: {  	_ =	swait.ge [sflag:s1], $0x2800  }
0x119: {  	[sflag:s1] =	ssyncset.done $0x0  }
0x11a: {  	[sflag:s1] =	ssyncadd.s32 $0xFFFFD800  }
0x11b: {  	v1 =	vld [tilespmem:s16+$0x2780];
	_ =	sdelay $0x4  }
0x11c: {  	[tilespmem:$0x4F00] =	vst v1  }
0x11d: {  	v1 =	vld [tilespmem:s16+$0x2790];
	_ =	sdelay $0x4  }
0x11e: {  	[tilespmem:$0x4F10] =	vst v1  }
0x11f: {  	v1 =	vld [tilespmem:s16+$0x27A0];
	_ =	sdelay $0x4  }
0x120: {  	[tilespmem:$0x4F20] =	vst v1  }
0x121: {  	v1 =	vld [tilespmem:s16+$0x27B0];
	_ =	sdelay $0x4  }
0x122: {  	[tilespmem:$0x4F30] =	vst v1  }
0x123: {  	v1 =	vld [tilespmem:s16+$0x27C0];
	_ =	sdelay $0x4  }
0x124: {  	[tilespmem:$0x4F40] =	vst v1  }
0x125: {  	[spmem:s2] =	stream.indirect.scatter.add.f32 [tilespmem:s29], [sflag:$0x4], $0x80, s3, s30, $0xb8;
	v63 =	vld [tilespmem:$0x0]  }
0x126: {  	_ =	swait.ge [sflag:s26], $0x2800  }
0x127: {  	[sflag:s26] =	ssyncset.done $0x0  }
0x128: {  	s18 =	sadd.s32 $0xA0, s16;
	[sflag:s26] =	ssyncadd.s32 $0xFFFFD800  }
0x129: {  	[tilespmem:s28], [sflag:$0x3] =	stream.indirect.gather [hbm4b:s4+s30], $0x80, s18, s30, $0xb8;
	v63 =	vld [tilespmem:$0x0]  }
0x12a: {  	_ =	swait.ge [sflag:s0], $0x2800  }
0x12b: {  	[sflag:s0] =	ssyncset.done $0x0  }
0x12c: {  	[sflag:s0] =	ssyncadd.s32 $0xFFFFD800  }
0x12d: {  	v1 =	vld [tilespmem:s16+$0x27D0];
	_ =	sdelay $0x4  }
0x12e: {  	[tilespmem:$0x4F00] =	vst v1  }
0x12f: {  	v1 =	vld [tilespmem:s16+$0x27E0];
	_ =	sdelay $0x4  }
0x130: {  	[tilespmem:$0x4F10] =	vst v1  }
0x131: {  	v1 =	vld [tilespmem:s16+$0x27F0];
	_ =	sdelay $0x4  }
0x132: {  	s7 =	sand.u32 $0x3FF0, s7;
	[tilespmem:$0x4F20] =	vst v1  }
0x133: {  	v1 =	vld [tilespmem:s7+$0x2800];
	_ =	sdelay $0x4  }
0x134: {  	[tilespmem:$0x4F30] =	vst v1  }
0x135: {  	v1 =	vld [tilespmem:s16+$0x2810];
	_ =	sdelay $0x4  }
0x136: {  	[tilespmem:$0x4F40] =	vst v1  }
0x137: {  	[spmem:s2] =	stream.indirect.scatter.add.f32 [tilespmem:s31], [sflag:$0x4], $0x80, s3, s30, $0xb8;
	v63 =	vld [tilespmem:$0x0]  }
0x138: {  	_ =	swait.ge [sflag:s26], $0x2800  }
0x139: {  	[sflag:s26] =	ssyncset.done $0x0  }
0x13a: {  	s24 =	sadd.s32 $0xF0, s16;
	[sflag:s26] =	ssyncadd.s32 $0xFFFFD800  }
0x13b: {  	[tilespmem:s29], [sflag:$0x1] =	stream.indirect.gather [hbm4b:s4+s30], $0x80, s24, s30, $0xb8;
	v63 =	vld [tilespmem:$0x0]  }
0x13c: {  	_ =	swait.ge [sflag:s5], $0x2800  }
0x13d: {  	[sflag:s5] =	ssyncset.done $0x0  }
0x13e: {  	[sflag:s5] =	ssyncadd.s32 $0xFFFFD800  }
0x13f: {  	v1 =	vld [tilespmem:s16+$0x2820];
	_ =	sdelay $0x4  }
0x140: {  	[tilespmem:$0x4F00] =	vst v1  }
0x141: {  	v1 =	vld [tilespmem:s16+$0x2830];
	_ =	sdelay $0x4  }
0x142: {  	[tilespmem:$0x4F10] =	vst v1  }
0x143: {  	v1 =	vld [tilespmem:s16+$0x2840];
	_ =	sdelay $0x4  }
0x144: {  	[tilespmem:$0x4F20] =	vst v1  }
0x145: {  	v1 =	vld [tilespmem:s16+$0x2850];
	_ =	sdelay $0x4  }
0x146: {  	[tilespmem:$0x4F30] =	vst v1  }
0x147: {  	v1 =	vld [tilespmem:s16+$0x2860];
	_ =	sdelay $0x4  }
0x148: {  	[tilespmem:$0x4F40] =	vst v1  }
0x149: {  	[spmem:s2] =	stream.indirect.scatter.add.f32 [tilespmem:s28], [sflag:$0x4], $0x80, s3, s30, $0xb8;
	v63 =	vld [tilespmem:$0x0]  }
0x14a: {  	_ =	swait.ge [sflag:s26], $0x2800  }
0x14b: {  	[sflag:s26] =	ssyncset.done $0x0  }
0x14c: {  	s25 =	sadd.s32 $0x140, s16;
	[sflag:s26] =	ssyncadd.s32 $0xFFFFD800  }
0x14d: {  	[tilespmem:s31], [sflag:$0x2] =	stream.indirect.gather [hbm4b:s4+s30], $0x80, s25, s30, $0xb8;
	v63 =	vld [tilespmem:$0x0]  }
0x14e: {  	_ =	swait.ge [sflag:s1], $0x2800  }
0x14f: {  	[sflag:s1] =	ssyncset.done $0x0  }
0x150: {  	[sflag:s1] =	ssyncadd.s32 $0xFFFFD800  }
0x151: {  	v1 =	vld [tilespmem:s16+$0x2870];
	_ =	sdelay $0x4  }
0x152: {  	[tilespmem:$0x4F00] =	vst v1  }
0x153: {  	v1 =	vld [tilespmem:s7+$0x2880];
	_ =	sdelay $0x4  }
0x154: {  	[tilespmem:$0x4F10] =	vst v1  }
0x155: {  	v1 =	vld [tilespmem:s16+$0x2890];
	_ =	sdelay $0x4  }
0x156: {  	[tilespmem:$0x4F20] =	vst v1  }
0x157: {  	v1 =	vld [tilespmem:s16+$0x28A0];
	_ =	sdelay $0x4  }
0x158: {  	[tilespmem:$0x4F30] =	vst v1  }
0x159: {  	v1 =	vld [tilespmem:s16+$0x28B0];
	_ =	sdelay $0x4  }
0x15a: {  	[tilespmem:$0x4F40] =	vst v1  }
0x15b: {  	[spmem:s2] =	stream.indirect.scatter.add.f32 [tilespmem:s29], [sflag:$0x4], $0x80, s3, s30, $0xb8;
	v63 =	vld [tilespmem:$0x0]  }
0x15c: {  	_ =	swait.ge [sflag:s26], $0x2800  }
0x15d: {  	[sflag:s26] =	ssyncset.done $0x0  }
0x15e: {  	[sflag:s26] =	ssyncadd.s32 $0xFFFFD800  }
0x15f: {  	_ =	swait.ge [sflag:s0], $0x2800  }
0x160: {  	[sflag:s0] =	ssyncset.done $0x0  }
0x161: {  	[sflag:s0] =	ssyncadd.s32 $0xFFFFD800  }
0x162: {  	v1 =	vld [tilespmem:s16+$0x28C0];
	_ =	sdelay $0x4  }
0x163: {  	[tilespmem:$0x4F00] =	vst v1  }
0x164: {  	v1 =	vld [tilespmem:s16+$0x28D0];
	_ =	sdelay $0x4  }
0x165: {  	[tilespmem:$0x4F10] =	vst v1  }
0x166: {  	v1 =	vld [tilespmem:s16+$0x28E0];
	_ =	sdelay $0x4  }
0x167: {  	[tilespmem:$0x4F20] =	vst v1  }
0x168: {  	v1 =	vld [tilespmem:s16+$0x28F0];
	_ =	sdelay $0x4  }
0x169: {  	[tilespmem:$0x4F30] =	vst v1  }
0x16a: {  	v1 =	vld [tilespmem:s7+$0x2900];
	_ =	sdelay $0x4  }
0x16b: {  	[tilespmem:$0x4F40] =	vst v1  }
0x16c: {  	[spmem:s2] =	stream.indirect.scatter.add.f32 [tilespmem:s31], [sflag:$0x4], $0x80, s3, s30, $0xb8;
	v63 =	vld [tilespmem:$0x0]  }
0x16d: {  	_ =	swait.ge [sflag:s26], $0x2800  }
0x16e: {  	[sflag:s26] =	ssyncset.done $0x0  }
0x16f: {  	s16 =	stileid.u32;
	[sflag:s26] =	ssyncadd.s32 $0xFFFFD800  }
0x170: {  	s7 =	sshll.u32 s16, $0x6;
	[bflag:$0x0] =	sbarrier.arrive $0xFFFF  }
0x171: {  	s17 =	sshrl.u32 s8, $0x3;
	s7 =	sor.u32 $0x1C04, s7;
	s18 =	rddreg [dreg:$0x6]  }
0x172: {  	[hbm:s18], [sflag:s7] =	dma.local [spmem:s17], $0x500  }
0x173: {  	_ =	swait.ge [sflag:s26], $0x500  }
0x174: {  	[sflag:s26] =	ssyncset.done $0x0  }
0x175: {  	s24 =	sshrl.u32 s9, $0x3;
	s25 =	rddreg [dreg:$0x7];
	[sflag:s26] =	ssyncadd.s32 $0xFFFFFB00  }
0x176: {  	[hbm:s25], [sflag:s7] =	dma.local [spmem:s24], $0x500  }
0x177: {  	_ =	swait.ge [sflag:s26], $0x500  }
0x178: {  	[sflag:s26] =	ssyncset.done $0x0  }
0x179: {  	s18 =	sshrl.u32 s10, $0x3;
	s24 =	rddreg [dreg:$0x8];
	[sflag:s26] =	ssyncadd.s32 $0xFFFFFB00  }
0x17a: {  	[hbm:s24], [sflag:s7] =	dma.local [spmem:s18], $0x500  }
0x17b: {  	_ =	swait.ge [sflag:s26], $0x500  }
0x17c: {  	[sflag:s26] =	ssyncset.done $0x0  }
0x17d: {  	s25 =	sshrl.u32 s11, $0x3;
	[sflag:s26] =	ssyncadd.s32 $0xFFFFFB00  }
0x17e: {  	[hbm:s19], [sflag:s7] =	dma.local [spmem:s25], $0x500  }
0x17f: {  	_ =	swait.ge [sflag:s26], $0x500  }
0x180: {  	[sflag:s26] =	ssyncset.done $0x0  }
0x181: {  	s17 =	sshrl.u32 s12, $0x3;
	[sflag:s26] =	ssyncadd.s32 $0xFFFFFB00  }
0x182: {  	[hbm:s20], [sflag:s7] =	dma.local [spmem:s17], $0x500  }
0x183: {  	_ =	swait.ge [sflag:s26], $0x500  }
0x184: {  	[sflag:s26] =	ssyncset.done $0x0  }
0x185: {  	s18 =	sshrl.u32 s13, $0x3;
	[sflag:s26] =	ssyncadd.s32 $0xFFFFFB00  }
0x186: {  	[hbm:s21], [sflag:s7] =	dma.local [spmem:s18], $0x500  }
0x187: {  	_ =	swait.ge [sflag:s26], $0x500  }
0x188: {  	[sflag:s26] =	ssyncset.done $0x0  }
0x189: {  	s24 =	sshrl.u32 s14, $0x3;
	[sflag:s26] =	ssyncadd.s32 $0xFFFFFB00  }
0x18a: {  	[hbm:s22], [sflag:s7] =	dma.local [spmem:s24], $0x500  }
0x18b: {  	_ =	swait.ge [sflag:s26], $0x500  }
0x18c: {  	[sflag:s26] =	ssyncset.done $0x0  }
0x18d: {  	s16 =	sshrl.u32 @!p0 s15, $0x3;
	[sflag:s26] =	ssyncadd.s32 $0xFFFFFB00  }
0x18e: {  	[hbm:s23], [sflag:s7] =	dma.local @!p0 [spmem:s16], $0x500  }
0x18f: {  	s7 =	simm.s32 @!p0 $0x4  }
0x190: {  	_ =	swait.ge @!p0 [sflag:s7], $0x500  }
0x191: {  	s6 =	sadd.s32 $0x1, s6;
	s25 =	rddreg [dreg:$0x5]  }
0x192: {  	p1 =	sne.s32 s6, s25  }
.Ltmp2:
0x193: {  	_ = 	snop;
	(pc) =	sbr.rel @p1 .LBB2_1-.Ltmp2, $3  }
0x194: {  	_ =	sdelay $0x1  }
0x195: {  	[sflag:s7] =	ssyncset.done @!p0 $0x0  }
0x196: {  	[sflag:s7] =	ssyncadd.s32 @!p0 $0xFFFFFB00  }
0x197: {  	_ =	sfence.sel $0x180000  }
0x198: {  	[bflag:$0x0] =	sbarrier.arrive $0xFFFF  }
0x199: {  	_ =	strace $0x9000004D  }
0x19a: {  	s0 =	stileid.u32;
	[bflag:$0x2] =	sbarrier.arrive $0xFFFF  }
0x19b: {  	p0 =	sne.s32 s0, $0x0;
	s0 =	rddreg [dreg:$0x2]  }
0x19c: {  	s0 =	sadd.s32 @!p0 $0x100000, s0  }
0x19d: {  	[sflag:s0] =	ssyncadd.tile.s32 @!p0 $0x1;
	_ =	shalt  }
.Lfunc_end2:
_tile_overlayer_lowered:
.L_overlay_start_2:
0x19e: {  	(tag) =	ssettag $0x2  }
0x19f: {  	s0 =	rddreg [dreg:$0x0];
	s2 =	stileid.u32  }
0x1a0: {  	s1 =	rddreg [dreg:$0x1];
	p0 =	sne.s32 s2, $0x0  }
0x1a1: {  	s3 =	rddreg [dreg:$0x2];
	[bflag:$0x3] =	sbarrier.arrive $0xFFFF;
	s2 =	simm.s32 @!p0 $0x1C04  }
0x1a2: {  	[timem:s3], [sflag:s2] =	dma.local @!p0 [hbm:s0], s1  }
0x1a3: {  	s0 =	simm.s32 @!p0 $0x4  }
0x1a4: {  	_ =	swait.ge @!p0 [sflag:s0], s1  }
0x1a5: {  	s1 =	ssub.s32 @!p0 $0x0, s1;
	[sflag:s0] =	ssyncset.done @!p0 $0x0  }
0x1a6: {  	[sflag:s0] =	ssyncadd.s32 @!p0 s1  }
0x1a7: {  	[bflag:$0x3] =	sbarrier.arrive $0xFFFF  }
0x1a8: {  	_ =	shalt  }

// kernel: kernel.21.cloned.1.call-start
scs
__scs_entry_jumppad:
0x0: {  	(pc) =	sbr.rel $0x88, $3  }
0x1: {  	(tag) =	ssettag $0x0;
	lr =	simm.s32 $0x1  }
0x2: {  	[smem:$0x3F8B] =	sst lr;
	_ =	strace $0xD0000000  }
0x3: {  	_ = 	snop  }
0x4: {  	_ = 	snop  }
0x5: {  	_ = 	snop  }
0x6: {  	_ = 	snop  }
0x7: {  	_ = 	snop  }
__scs_overlays_trampoline_lowered:
0x8: {  	[smem:$0x3F9A] =	sst s0  }
0x9: {  	[smem:$0x3F9B] =	sst s1  }
0xa: {  	[smem:$0x3F9C] =	sst s2  }
0xb: {  	[smem:$0x3F9D] =	sst s3  }
0xc: {  	[smem:$0x3F9E] =	sst s4  }
0xd: {  	[smem:$0x3F9F] =	sst s5  }
0xe: {  	[smem:$0x3FA0] =	sst s6  }
0xf: {  	[smem:$0x3FA1] =	sst s7  }
0x10: {  	[smem:$0x3FA2] =	sst s8  }
0x11: {  	[smem:$0x3FA3] =	sst s9;
	s0 =	simm.s32 @!p0 $0x0  }
0x12: {  	s1 =	sld [smem:$0x3F89];
	s0 =	simm.s32 @p0 $0x1  }
0x13: {  	[smem:$0x3FA4] =	sst s0;
	s0 =	simm.s32 @!p1 $0x0  }
0x14: {  	s2 =	sld [smem:$0x3F88];
	s0 =	simm.s32 @p1 $0x1  }
0x15: {  	[smem:$0x3FA5] =	sst s0;
	s0 =	simm.s32 @!p2 $0x0  }
0x16: {  	s3 =	sld [smem:$0x3FDB];
	s0 =	simm.s32 @p2 $0x1  }
0x17: {  	s4 =	simm.s32 $0x1BF5;
	[smem:$0x3FA7] =	sst s0  }
0x18: {  	s0 =	sld [smem:$0x3F8A];
	_ =	swait.ge [sflag:s4], $0x0  }
0x19: {  	s7 =	sld [smem:$0x3F8B]  }
0x1a: {  	s8 =	sadd.s32 $0xFFFFE003, lr  }
0x1b: {  	s9 =	sadd.s32 $0xFFFFFEF7, lr;
	s5 =	simm.s32 $0xFFFFFFFF;
	p2 =	slt.u32 s8, $0xFFFFF086  }
0x1c: {  	p1 =	slt.u32 s9, $0xF7A;
	s5 =	simm.s32 @!p2 $0x0  }
0x1d: {  	s5 =	simm.s32 @p1 $0x1;
	p0 =	seq.s32 s7, s2  }
0x1e: {  	s7 =	smul.u32 @!p0 $0xF7A, s2;
	p2 =	seq.s32 @!p0 s5, $0x0  }
0x1f: {  	s9 =	smul.u32 $0xF7A, s1;
	s8 =	simm.s32 @!p0 $0x1BF5;
	p2 =	por !p2, p0  }
0x20: {  	[sflag:s8] =	ssyncset.s32 @!p0 $0xFFFFF086;
	s6 =	sadd.s32 @!p0 s3, s7;
	s7 =	simm.s32 @!p0 $0x108  }
0x21: {  	s3 =	sadd.s32 s3, s9;
	s6 =	sadd.s32 @!p0 $0x88, s6;
	s7 =	simm.s32 @p2 $0x1082  }
0x22: {  	[simem:s7], [sflag:s8] =	dma.local @!p0 [hbm:s6], $0xF7A  }
0x23: {  	s9 =	sor.u32 $0xD0000000, s2;
	s6 =	simm.s32 $0x108;
	_ =	swait.ge @!p0 [sflag:s8], $0x0  }
0x24: {  	s3 =	sadd.s32 $0x88, s3;
	s6 =	simm.s32 @!p1 $0x1082;
	[sflag:s4] =	ssyncset.s32 $0xFFFFF086  }
0x25: {  	[simem:s6], [sflag:s4] =	dma.local [hbm:s3], $0xF7A  }
0x26: {  	[smem:$0x3F8B] =	sst s1;
	(tag) =	ssettag s2;
	_ =	strace s9  }
0x27: {  	s1 =	sld [smem:$0x3F9B]  }
0x28: {  	s2 =	sld [smem:$0x3F9C]  }
0x29: {  	s4 =	sld [smem:$0x3F9E]  }
0x2a: {  	p0 =	seq.s32 s5, $0x0;
	s5 =	sld [smem:$0x3F9F]  }
0x2b: {  	s6 =	sld [smem:$0x3FA0]  }
0x2c: {  	s7 =	sld [smem:$0x3FA1]  }
0x2d: {  	s3 =	simm.s32 $0x108;
	s8 =	sld [smem:$0x3FA2]  }
0x2e: {  	s3 =	simm.s32 @!p0 $0x1082;
	s9 =	sld [smem:$0x3FA3]  }
0x2f: {  	lr =	sadd.s32 s0, s3;
	s0 =	sld [smem:$0x3F9A]  }
0x30: {  	s3 =	sld [smem:$0x3F9D]  }
0x31: {  	[smem:$0x3FA6] =	sst s10  }
0x32: {  	s10 =	sld [smem:$0x3FA4];
	_ =	sdelay $0x3  }
0x33: {  	p0 =	seq.s32 s10, $0x1;
	s10 =	sld [smem:$0x3FA6];
	_ =	sdelay $0x3  }
0x34: {  	[smem:$0x3FA6] =	sst s10  }
0x35: {  	s10 =	sld [smem:$0x3FA5];
	_ =	sdelay $0x3  }
0x36: {  	p1 =	seq.s32 s10, $0x1;
	s10 =	sld [smem:$0x3FA6];
	_ =	sdelay $0x3  }
0x37: {  	[smem:$0x3FA6] =	sst s10  }
0x38: {  	s10 =	sld [smem:$0x3FA7]  }
0x39: {  	_ = 	snop;
	(pc) =	sbr.ind lr, $3  }
0x3a: {  	_ = 	snop  }
0x3b: {  	_ = 	snop  }
0x3c: {  	p2 =	seq.s32 s10, $0x1;
	s10 =	sld [smem:$0x3FA6]  }
0x3d: {  	_ =	shalt  }
0x3e: {  	_ =	shalt  }
0x3f: {  	_ =	shalt  }
0x40: {  	_ =	shalt  }
0x41: {  	_ =	shalt  }
0x42: {  	_ =	shalt  }
0x43: {  	_ =	shalt  }
0x44: {  	_ =	shalt  }
0x45: {  	_ =	shalt  }
0x46: {  	_ =	shalt  }
0x47: {  	_ =	shalt  }
0x48: {  	_ =	shalt  }
0x49: {  	_ =	shalt  }
0x4a: {  	_ =	shalt  }
0x4b: {  	_ =	shalt  }
0x4c: {  	_ =	shalt  }
0x4d: {  	_ =	shalt  }
0x4e: {  	_ =	shalt  }
0x4f: {  	_ =	shalt  }
0x50: {  	_ =	shalt  }
0x51: {  	_ =	shalt  }
0x52: {  	_ =	shalt  }
0x53: {  	_ =	shalt  }
0x54: {  	_ =	shalt  }
0x55: {  	_ =	shalt  }
0x56: {  	_ =	shalt  }
0x57: {  	_ =	shalt  }
0x58: {  	_ =	shalt  }
0x59: {  	_ =	shalt  }
0x5a: {  	_ =	shalt  }
0x5b: {  	_ =	shalt  }
0x5c: {  	_ =	shalt  }
0x5d: {  	_ =	shalt  }
0x5e: {  	_ =	shalt  }
0x5f: {  	_ =	shalt  }
0x60: {  	_ =	shalt  }
0x61: {  	_ =	shalt  }
0x62: {  	_ =	shalt  }
0x63: {  	_ =	shalt  }
0x64: {  	_ =	shalt  }
0x65: {  	_ =	shalt  }
0x66: {  	_ =	shalt  }
0x67: {  	_ =	shalt  }
0x68: {  	_ =	shalt  }
0x69: {  	_ =	shalt  }
0x6a: {  	_ =	shalt  }
0x6b: {  	_ =	shalt  }
0x6c: {  	_ =	shalt  }
0x6d: {  	_ =	shalt  }
0x6e: {  	_ =	shalt  }
0x6f: {  	_ =	shalt  }
0x70: {  	_ =	shalt  }
0x71: {  	_ =	shalt  }
0x72: {  	_ =	shalt  }
0x73: {  	_ =	shalt  }
0x74: {  	_ =	shalt  }
0x75: {  	_ =	shalt  }
0x76: {  	_ =	shalt  }
0x77: {  	_ =	shalt  }
0x78: {  	_ =	shalt  }
0x79: {  	_ =	shalt  }
0x7a: {  	_ =	shalt  }
0x7b: {  	_ =	shalt  }
0x7c: {  	_ =	shalt  }
0x7d: {  	_ =	shalt  }
0x7e: {  	_ =	shalt  }
0x7f: {  	_ =	shalt  }
0x80: {  	_ =	shalt  }
0x81: {  	_ =	shalt  }
0x82: {  	_ =	shalt  }
0x83: {  	_ =	shalt  }
0x84: {  	_ =	shalt  }
0x85: {  	_ =	shalt  }
0x86: {  	_ =	shalt  }
0x87: {  	_ =	shalt  }
.Lfunc_end0:
.L_simem_size_0:
called_computation.3_lowered:
.L_overlay_start_0:
0x88: {  	s2 =	sld [smem:$0x3FD9]  }
0x89: {  	s3 =	sld [smem:$0x3FFE];
	_ =	sdelay $0x1  }
0x8a: {  	s1 =	srdreg.scid  }
0x8b: {  	s0 =	sand.u32 $0x1, s1  }
0x8c: {  	s16 =	sshll.u32 s0, $0xA;
	s2 =	sadd.s32 s3, s2  }
0x8d: {  	s2 =	sadd.s32 s2, s16  }
0x8e: {  	[smem:$0x3FB2] =	sst s2  }
0x8f: {  	_ = 	snop  }
0x90: {  	(tm) =	ssettm $0x1  }
0x91: {  	s17 =	sld [smem:$0x3FFB];
	_ =	sdelay $0x3  }
0x92: {  	_ =	strace s17  }
0x93: {  	s2 =	sld [smem:$0x3FFC];
	_ =	sdelay $0x3  }
0x94: {  	_ =	strace s2  }
0x95: {  	s2 =	sld [smem:$0x3FFD];
	_ =	sdelay $0x3  }
0x96: {  	_ =	strace s2  }
0x97: {  	_ =	strace $0x8FFFFFFF  }
0x98: {  	s18 =	sld [smem:$0x3FDB];
	_ =	sdelay $0x1  }
0x99: {  	s19 =	simm.s32 $_scs_section_size  }
0x9a: {  	s4 =	simm.s32 $_size__tile_overlayer_lowered;
	s5 =	simm.s32 $_tile_overlayer_lowered  }
0x9b: {  	s22 =	simm.s32 $0x1BFF;
	s21 =	sshll.u32 s5, $0x1;
	s2 =	sadd.s32 s19, s18  }
0x9c: {  	s6 =	simm.s32 $0x0;
	s20 =	sshll.u32 s4, $0x1;
	s4 =	sadd.s32 s21, s2  }
0x9d: {  	[timem:s6], [sflag:s22] =	dma.local [hbm:s4], s20  }
0x9e: {  	_ =	swait.ge [sflag:s22], s20  }
0x9f: {  	s3 =	ssub.s32 $0x0, s20;
	[sflag:s22] =	ssyncset.done $0x0  }
0xa0: {  	[sflag:s22] =	ssyncadd.s32 s3;
	_ =	sdelay $0x1  }
0xa1: {  	s23 =	simm.s32 $0x1B8B  }
0xa2: {  	_ =	swait.ge [sflag:s23], $0x1  }
0xa3: {  	[sflag:s23] =	ssyncset.done $0x0  }
0xa4: {  	s25 =	simm.s32 $0x1B8E;
	s24 =	sld [smem:$0x3FFE];
	[sflag:s23] =	ssyncadd.s32 $0xFFFFFFFF  }
0xa5: {  	s26 =	simm.s32 $execute0_lowered;
	[smem:$0x3FD2] =	sst s25  }
0xa6: {  	s4 =	sshll.u32 s26, $0x1;
	_ =	strace $0x8000004F;
	[dreg:$0x1] =	wrdreg $0xFFFFFFFF  }
0xa7: {  	s28 =	simm.s32 $_size_execute0_lowered;
	s2 =	sadd.s32 s2, s4;
	[dreg:$0x0] =	wrdreg $0x0  }
0xa8: {  	s4 =	sshll.u32 s28, $0x1;
	[dreg:$0x2] =	wrdreg s2  }
0xa9: {  	[dreg:$0x3] =	wrdreg s4  }
0xaa: {  	[dreg:$0x4] =	wrdreg $0xC0  }
0xab: {  	_ =	task [dreg:s6], $0x5FFFF  }
0xac: {  	[dreg:$0x1] =	wrdreg $0xFFFFFFFF  }
0xad: {  	[dreg:$0x0] =	wrdreg $0x60  }
0xae: {  	[dreg:$0x2] =	wrdreg s24  }
0xaf: {  	[dreg:$0x3] =	wrdreg $0xC7800  }
0xb0: {  	[dreg:$0x4] =	wrdreg $0x9  }
0xb1: {  	_ =	task.clear_ibuf [dreg:s6], $0x5FFFF;
	_ =	strace $0x9000004F  }
0xb2: {  	s29 =	simm.s32 $0x9;
	_ =	strace $0x80000051  }
0xb3: {  	_ =	swait.ge [sflag:s29], $0x1  }
0xb4: {  	[sflag:s29] =	ssyncadd.s32 $0xFFFFFFFF  }
0xb5: {  	_ =	strace $0x90000051  }
0xb6: {  	_ =	sfence  }
0xb7: {  	s30 =	sld [smem:$0x0];
	_ =	sdelay $0x2  }
0xb8: {  	s31 =	sshll.u32 s1, $0xD;
	s1 =	sshrl.u32 s1, $0x2  }
0xb9: {  	s3 =	sand.u32 $0x4000, s31;
	s1 =	sadd.s32 s1, s30  }
0xba: {  	s0 =	sor.u32 s3, s0;
	s1 =	sshll.u32 s1, $0x11  }
0xbb: {  	s0 =	sor.u32 s1, s0  }
0xbc: {  	s0 =	sadd.s32 $0x8F2B, s0  }
0xbd: {  	[sflag:s0] =	ssyncadd.remote.s32 $0x1  }
0xbe: {  	_ =	sfence.sel $0xFFFF  }
0xbf: {  	[dreg:$0x0] =	wrdreg $0xFFFFFFFF;
	(pc) =	sbr.abs _section_cstart, $3  }
0xc0: {  	[dreg:$0x1] =	wrdreg $0xFFFFFFFF  }
0xc1: {  	_ =	task.clear_ibuf [dreg:s6], $0x2FFFF;
	_ =	strace $0x9FFFFFFF  }
0xc2: {  	(tm) =	ssettm $0x7FFFFFFF  }
0xc3: {  	_ =	shalt  }
tec
execute0_lowered:
.L_overlay_start_1:
0x0: {  	(tag) =	ssettag $0x1  }
0x1: {  	s0 =	srdreg.scid;
	s1 =	rddreg [dreg:$0x0]  }
0x2: {  	s11 =	stileid.u32;
	s2 =	rddreg [dreg:$0x1]  }
0x3: {  	s5 =	simm.s32 $0x0;
	s29 =	simm.s32 $0x4F80;
	s30 =	simm.s32 $0x50  }
0x4: {  	s31 =	simm.s32 $0x7780;
	s0 =	sand.u32 $0x1, s0;
	s18 =	smul.u32 $0xA000, s11  }
0x5: {  	s28 =	simm.s32 $0x9F80;
	s6 =	sor.u32 $0x10, s11;
	s16 =	smul.u32 $0x27100, s0  }
0x6: {  	s4 =	sshll.u32 s11, $0x7;
	s12 =	sor.u32 $0x20, s11;
	s19 =	smul.u32 $0xA000, s6  }
0x7: {  	[smem:$0x7FF] =	sst s5;
	s14 =	sor.u32 $0x30, s11;
	s20 =	smul.u32 $0xA000, s12  }
0x8: {  	s15 =	sor.u32 $0x40, s11;
	s24 =	sor.u32 $0x70, s11;
	s10 =	smul.u32 $0xA000, s14  }
0x9: {  	s3 =	sshll.u32 s0, $0x4;
	s4 =	sand.u32 $0x380, s4;
	s21 =	smul.u32 $0xA000, s15  }
0xa: {  	_ =	strace $0x80000050;
	s0 =	ssub.s32 $0x2, s0;
	s22 =	smul.u32 $0xA000, s24  }
0xb: {  	s25 =	smul.u32 $0x500, s12;
	p0 =	sgt.u32 s24, $0x7C;
	s3 =	sor.u32 s11, s3  }
0xc: {  	s17 =	sshrl.u32 s0, $0x1;
	s5 =	sshrl.u32 s18, $0x2;
	s3 =	sshrl.u32 s3, $0x3  }
0xd: {  	s0 =	ssub.s32 s0, s17;
	s17 =	sor.u32 $0x60, s11;
	s8 =	sadd.s32 s5, s2  }
0xe: {  	s26 =	sshrl.u32 s10, $0x2;
	s3 =	smul.u32 $0x13C00, s3;
	s0 =	smax.u32 s0, $0x1  }
0xf: {  	s5 =	sshrl.u32 s22, $0x2;
	s18 =	smul.u32 $0xA000, s17;
	[dreg:$0x5] =	wrdreg s0  }
0x10: {  	s0 =	sshrl.u32 s21, $0x2;
	s3 =	sor.u32 s4, s3;
	s4 =	sadd.s32 $0xF800, s1  }
0x11: {  	s12 =	sadd.s32 s0, s2;
	s18 =	sshrl.u32 s18, $0x2;
	s3 =	sshrl.u32 s3, $0x3  }
0x12: {  	s3 =	sadd.s32 s3, s1;
	s1 =	sadd.s32 s16, s1;
	s16 =	sor.u32 $0x50, s11  }
0x13: {  	s0 =	simm.s32 $0x2;
	s7 =	sadd.s32 $0x5DA00, s3;
	s13 =	smul.u32 $0xA000, s16  }
0x14: {  	s3 =	sadd.s32 $0x5A00, s3;
	s1 =	sadd.s32 $0x67800, s1;
	s21 =	smul.u32 $0x500, s16  }
0x15: {  	[dreg:$0x3] =	wrdreg s7;
	s7 =	sshrl.u32 s19, $0x2;
	s19 =	smul.u32 $0x500, s11  }
0x16: {  	[dreg:$0x4] =	wrdreg s3;
	s11 =	sadd.s32 s26, s2;
	s26 =	smul.u32 $0x500, s14  }
0x17: {  	s3 =	sshrl.u32 s20, $0x2;
	s20 =	smul.u32 $0x500, s15;
	s14 =	sadd.s32 s18, s2  }
0x18: {  	s15 =	sadd.s32 s5, s2;
	s25 =	sadd.s32 s1, s25;
	s5 =	simm.s32 $0x3  }
0x19: {  	s9 =	sadd.s32 s7, s2;
	s10 =	sadd.s32 s3, s2;
	s7 =	smul.u32 $0x500, s6  }
0x1a: {  	s23 =	sshrl.u32 s13, $0x2;
	[dreg:$0x8] =	wrdreg s25;
	s21 =	sadd.s32 s1, s21  }
0x1b: {  	s6 =	simm.s32 $0x0;
	s13 =	sadd.s32 s23, s2;
	s23 =	smul.u32 $0x500, s17  }
0x1c: {  	s22 =	sadd.s32 s1, s19;
	s19 =	sadd.s32 s1, s26;
	s26 =	smul.u32 $0x500, s24  }
0x1d: {  	s20 =	sadd.s32 s1, s20;
	[dreg:$0x6] =	wrdreg s22;
	s3 =	sadd.s32 s1, s7  }
0x1e: {  	[dreg:$0x7] =	wrdreg s3;
	s22 =	sadd.s32 s1, s23;
	s23 =	sadd.s32 s1, s26  }
0x1f: {  	v0 =	vimm.f32 $0.0e+00;
	s26 =	simm.s32 $0x4;
	s1 =	simm.s32 $0x1;
	s3 =	simm.s32 $0x4F00  }
.LBB2_1:
0x20: {  	s7 =	simm.s32 $0x0  }
0x21: {  	s16 =	rddreg [dreg:$0x3];
	s17 =	simm.s32 $0x80;
	s18 =	simm.s32 $0x400  }
0x22: {  	[tilespmem:s7], [sflag:$0x4] =	stream.strided.gather [hbm4b:s16+s17], $0x2780, s18, s17, $0x38;
	v63 =	vld [tilespmem:$0x0]  }
0x23: {  	_ =	swait.ge [sflag:s26], $0x2780  }
0x24: {  	[sflag:s26] =	ssyncset.done $0x0  }
0x25: {  	s25 =	simm.s32 $0x2780;
	s24 =	rddreg [dreg:$0x4];
	[sflag:s26] =	ssyncadd.s32 $0xFFFFD880  }
0x26: {  	[tilespmem:s25], [sflag:$0x4] =	stream.strided.gather [hbm4b:s24+s17], $0x2780, s18, s17, $0x38;
	v63 =	vld [tilespmem:$0x0]  }
0x27: {  	_ =	swait.ge [sflag:s26], $0x2780  }
0x28: {  	[sflag:s26] =	ssyncset.done $0x0  }
0x29: {  	s7 =	simm.s32 $0x0;
	s16 =	simm.s32 $0x200;
	[sflag:s26] =	ssyncadd.s32 $0xFFFFD880  }
.LBB2_2:
0x2a: {  	p1 =	sne.s32 s16, $0x9E00;
	[tilespmem:s7+$0x4FF0] =	vst v0  }
0x2b: {  	[tilespmem:s7+$0x4F80] =	vst v0  }
0x2c: {  	[tilespmem:s7+$0x4F90] =	vst v0  }
.Ltmp0:
0x2d: {  	[tilespmem:s7+$0x4FA0] =	vst v0;
	(pc) =	sbr.rel @p1 .LBB2_2-.Ltmp0, $4  }
0x2e: {  	[tilespmem:s7+$0x4FB0] =	vst v0  }
0x2f: {  	[tilespmem:s7+$0x4FC0] =	vst v0  }
0x30: {  	[tilespmem:s7+$0x4FD0] =	vst v0  }
0x31: {  	[tilespmem:s7+$0x4FE0] =	vst v0;
	s7 =	sshra.s32 s16, $0x2;
	s16 =	sadd.s32 $0x200, s16  }
0x32: {  	[tilespmem:s7+$0x4FF0] =	vst v0  }
0x33: {  	[tilespmem:s7+$0x4F80] =	vst v0  }
0x34: {  	[tilespmem:s7+$0x4F90] =	vst v0  }
0x35: {  	[tilespmem:s7+$0x4FA0] =	vst v0  }
0x36: {  	[tilespmem:s7+$0x4FB0] =	vst v0  }
0x37: {  	[tilespmem:s7+$0x4FC0] =	vst v0  }
0x38: {  	[tilespmem:s7+$0x4FD0] =	vst v0  }
0x39: {  	[tilespmem:s7+$0x4FE0] =	vst v0  }
0x3a: {  	[spmem:s8] =	stream.linear.scatter [tilespmem:s29], [sflag:$0x4], $0x2800, $0x38;
	v63 =	vld [tilespmem:$0x0]  }
0x3b: {  	_ =	swait.ge [sflag:s26], $0x2800  }
0x3c: {  	[sflag:s26] =	ssyncset.done $0x0  }
0x3d: {  	[sflag:s26] =	ssyncadd.s32 $0xFFFFD800  }
0x3e: {  	[spmem:s9] =	stream.linear.scatter [tilespmem:s29], [sflag:$0x4], $0x2800, $0x38;
	v63 =	vld [tilespmem:$0x0]  }
0x3f: {  	_ =	swait.ge [sflag:s26], $0x2800  }
0x40: {  	[sflag:s26] =	ssyncset.done $0x0  }
0x41: {  	[sflag:s26] =	ssyncadd.s32 $0xFFFFD800  }
0x42: {  	[spmem:s10] =	stream.linear.scatter [tilespmem:s29], [sflag:$0x4], $0x2800, $0x38;
	v63 =	vld [tilespmem:$0x0]  }
0x43: {  	_ =	swait.ge [sflag:s26], $0x2800  }
0x44: {  	[sflag:s26] =	ssyncset.done $0x0  }
0x45: {  	[sflag:s26] =	ssyncadd.s32 $0xFFFFD800  }
0x46: {  	[spmem:s11] =	stream.linear.scatter [tilespmem:s29], [sflag:$0x4], $0x2800, $0x38;
	v63 =	vld [tilespmem:$0x0]  }
0x47: {  	_ =	swait.ge [sflag:s26], $0x2800  }
0x48: {  	[sflag:s26] =	ssyncset.done $0x0  }
0x49: {  	[sflag:s26] =	ssyncadd.s32 $0xFFFFD800  }
0x4a: {  	[spmem:s12] =	stream.linear.scatter [tilespmem:s29], [sflag:$0x4], $0x2800, $0x38;
	v63 =	vld [tilespmem:$0x0]  }
0x4b: {  	_ =	swait.ge [sflag:s26], $0x2800  }
0x4c: {  	[sflag:s26] =	ssyncset.done $0x0  }
0x4d: {  	[sflag:s26] =	ssyncadd.s32 $0xFFFFD800  }
0x4e: {  	[spmem:s13] =	stream.linear.scatter [tilespmem:s29], [sflag:$0x4], $0x2800, $0x38;
	v63 =	vld [tilespmem:$0x0]  }
0x4f: {  	_ =	swait.ge [sflag:s26], $0x2800  }
0x50: {  	[sflag:s26] =	ssyncset.done $0x0  }
0x51: {  	[sflag:s26] =	ssyncadd.s32 $0xFFFFD800  }
0x52: {  	[spmem:s14] =	stream.linear.scatter [tilespmem:s29], [sflag:$0x4], $0x2800, $0x38;
	v63 =	vld [tilespmem:$0x0]  }
0x53: {  	_ =	swait.ge [sflag:s26], $0x2800  }
0x54: {  	[sflag:s26] =	ssyncset.done $0x0  }
0x55: {  	s7 =	simm.s32 @!p0 $0x4F80;
	[sflag:s26] =	ssyncadd.s32 $0xFFFFD800  }
0x56: {  	[spmem:s15] =	stream.linear.scatter @!p0 [tilespmem:s7], [sflag:$0x4], $0x2800, $0x38;
	v63 =	vld [tilespmem:$0x0]  }
0x57: {  	s7 =	simm.s32 @!p0 $0x4  }
0x58: {  	_ =	swait.ge @!p0 [sflag:s7], $0x2800  }
0x59: {  	[sflag:s7] =	ssyncset.done @!p0 $0x0  }
0x5a: {  	[sflag:s7] =	ssyncadd.s32 @!p0 $0xFFFFD800  }
0x5b: {  	s7 =	simm.s32 $0x0;
	[bflag:$0x0] =	sbarrier.arrive $0xFFFF  }
0x5c: {  	[tilespmem:s29], [sflag:$0x1] =	stream.indirect.gather [hbm4b:s4+s30], $0x80, s7, s30, $0xb8;
	v63 =	vld [tilespmem:$0x0]  }
0x5d: {  	s16 =	simm.s32 $0x50  }
0x5e: {  	[tilespmem:s31], [sflag:$0x2] =	stream.indirect.gather [hbm4b:s4+s30], $0x80, s16, s30, $0xb8;
	v63 =	vld [tilespmem:$0x0]  }
0x5f: {  	_ =	swait.ge [sflag:s1], $0x2800  }
0x60: {  	[sflag:s1] =	ssyncset.done $0x0  }
0x61: {  	[sflag:s1] =	ssyncadd.s32 $0xFFFFD800  }
0x62: {  	v1 =	vld [tilespmem:s7+$0x2780];
	_ =	sdelay $0x4  }
0x63: {  	[tilespmem:$0x4F00] =	vst v1  }
0x64: {  	v1 =	vld [tilespmem:s7+$0x2790];
	_ =	sdelay $0x4  }
0x65: {  	[tilespmem:$0x4F10] =	vst v1  }
0x66: {  	v1 =	vld [tilespmem:s7+$0x27A0];
	_ =	sdelay $0x4  }
0x67: {  	[tilespmem:$0x4F20] =	vst v1  }
0x68: {  	v1 =	vld [tilespmem:s7+$0x27B0];
	_ =	sdelay $0x4  }
0x69: {  	[tilespmem:$0x4F30] =	vst v1  }
0x6a: {  	v1 =	vld [tilespmem:s7+$0x27C0];
	_ =	sdelay $0x4  }
0x6b: {  	[tilespmem:$0x4F40] =	vst v1  }
0x6c: {  	[spmem:s2] =	stream.indirect.scatter.add.f32 [tilespmem:s29], [sflag:$0x4], $0x80, s3, s30, $0xb8;
	v63 =	vld [tilespmem:$0x0]  }
0x6d: {  	_ =	swait.ge [sflag:s26], $0x2800  }
0x6e: {  	[sflag:s26] =	ssyncset.done $0x0  }
0x6f: {  	s18 =	simm.s32 $0xA0;
	[sflag:s26] =	ssyncadd.s32 $0xFFFFD800  }
0x70: {  	[tilespmem:s28], [sflag:$0x3] =	stream.indirect.gather [hbm4b:s4+s30], $0x80, s18, s30, $0xb8;
	v63 =	vld [tilespmem:$0x0]  }
0x71: {  	_ =	swait.ge [sflag:s0], $0x2800  }
0x72: {  	[sflag:s0] =	ssyncset.done $0x0  }
0x73: {  	[sflag:s0] =	ssyncadd.s32 $0xFFFFD800  }
0x74: {  	v1 =	vld [tilespmem:s7+$0x27D0];
	_ =	sdelay $0x4  }
0x75: {  	[tilespmem:$0x4F00] =	vst v1  }
0x76: {  	v1 =	vld [tilespmem:s7+$0x27E0];
	_ =	sdelay $0x4  }
0x77: {  	[tilespmem:$0x4F10] =	vst v1  }
0x78: {  	v1 =	vld [tilespmem:s7+$0x27F0];
	_ =	sdelay $0x3  }
0x79: {  	s24 =	simm.s32 $0x0  }
0x7a: {  	s16 =	sand.u32 $0x3FF0, s24;
	[tilespmem:$0x4F20] =	vst v1  }
0x7b: {  	v1 =	vld [tilespmem:s16+$0x2800];
	_ =	sdelay $0x4  }
0x7c: {  	[tilespmem:$0x4F30] =	vst v1  }
0x7d: {  	v1 =	vld [tilespmem:s7+$0x2810];
	_ =	sdelay $0x4  }
0x7e: {  	[tilespmem:$0x4F40] =	vst v1  }
0x7f: {  	[spmem:s2] =	stream.indirect.scatter.add.f32 [tilespmem:s31], [sflag:$0x4], $0x80, s3, s30, $0xb8;
	v63 =	vld [tilespmem:$0x0]  }
0x80: {  	_ =	swait.ge [sflag:s26], $0x2800  }
0x81: {  	[sflag:s26] =	ssyncset.done $0x0  }
0x82: {  	s17 =	simm.s32 $0xF0;
	[sflag:s26] =	ssyncadd.s32 $0xFFFFD800  }
0x83: {  	[tilespmem:s29], [sflag:$0x1] =	stream.indirect.gather [hbm4b:s4+s30], $0x80, s17, s30, $0xb8;
	v63 =	vld [tilespmem:$0x0]  }
0x84: {  	_ =	swait.ge [sflag:s5], $0x2800  }
0x85: {  	[sflag:s5] =	ssyncset.done $0x0  }
0x86: {  	[sflag:s5] =	ssyncadd.s32 $0xFFFFD800  }
0x87: {  	v1 =	vld [tilespmem:s7+$0x2820];
	_ =	sdelay $0x4  }
0x88: {  	[tilespmem:$0x4F00] =	vst v1  }
0x89: {  	v1 =	vld [tilespmem:s7+$0x2830];
	_ =	sdelay $0x4  }
0x8a: {  	[tilespmem:$0x4F10] =	vst v1  }
0x8b: {  	v1 =	vld [tilespmem:s7+$0x2840];
	_ =	sdelay $0x4  }
0x8c: {  	[tilespmem:$0x4F20] =	vst v1  }
0x8d: {  	v1 =	vld [tilespmem:s7+$0x2850];
	_ =	sdelay $0x4  }
0x8e: {  	[tilespmem:$0x4F30] =	vst v1  }
0x8f: {  	v1 =	vld [tilespmem:s7+$0x2860];
	_ =	sdelay $0x4  }
0x90: {  	[tilespmem:$0x4F40] =	vst v1  }
0x91: {  	[spmem:s2] =	stream.indirect.scatter.add.f32 [tilespmem:s28], [sflag:$0x4], $0x80, s3, s30, $0xb8;
	v63 =	vld [tilespmem:$0x0]  }
0x92: {  	_ =	swait.ge [sflag:s26], $0x2800  }
0x93: {  	[sflag:s26] =	ssyncset.done $0x0  }
0x94: {  	s25 =	simm.s32 $0x140;
	[sflag:s26] =	ssyncadd.s32 $0xFFFFD800  }
0x95: {  	[tilespmem:s31], [sflag:$0x2] =	stream.indirect.gather [hbm4b:s4+s30], $0x80, s25, s30, $0xb8;
	v63 =	vld [tilespmem:$0x0]  }
0x96: {  	_ =	swait.ge [sflag:s1], $0x2800  }
0x97: {  	[sflag:s1] =	ssyncset.done $0x0  }
0x98: {  	[sflag:s1] =	ssyncadd.s32 $0xFFFFD800  }
0x99: {  	v1 =	vld [tilespmem:s7+$0x2870];
	_ =	sdelay $0x4  }
0x9a: {  	[tilespmem:$0x4F00] =	vst v1  }
0x9b: {  	v1 =	vld [tilespmem:s16+$0x2880];
	_ =	sdelay $0x4  }
0x9c: {  	[tilespmem:$0x4F10] =	vst v1  }
0x9d: {  	v1 =	vld [tilespmem:s7+$0x2890];
	_ =	sdelay $0x4  }
0x9e: {  	[tilespmem:$0x4F20] =	vst v1  }
0x9f: {  	v1 =	vld [tilespmem:s7+$0x28A0];
	_ =	sdelay $0x4  }
0xa0: {  	[tilespmem:$0x4F30] =	vst v1  }
0xa1: {  	v1 =	vld [tilespmem:s7+$0x28B0];
	_ =	sdelay $0x4  }
0xa2: {  	[tilespmem:$0x4F40] =	vst v1  }
0xa3: {  	[spmem:s2] =	stream.indirect.scatter.add.f32 [tilespmem:s29], [sflag:$0x4], $0x80, s3, s30, $0xb8;
	v63 =	vld [tilespmem:$0x0]  }
0xa4: {  	_ =	swait.ge [sflag:s26], $0x2800  }
0xa5: {  	[sflag:s26] =	ssyncset.done $0x0  }
0xa6: {  	[sflag:s26] =	ssyncadd.s32 $0xFFFFD800  }
0xa7: {  	_ =	swait.ge [sflag:s0], $0x2800  }
0xa8: {  	[sflag:s0] =	ssyncset.done $0x0  }
0xa9: {  	[sflag:s0] =	ssyncadd.s32 $0xFFFFD800  }
0xaa: {  	v1 =	vld [tilespmem:s7+$0x28C0];
	_ =	sdelay $0x4  }
0xab: {  	[tilespmem:$0x4F00] =	vst v1  }
0xac: {  	v1 =	vld [tilespmem:s7+$0x28D0];
	_ =	sdelay $0x4  }
0xad: {  	[tilespmem:$0x4F10] =	vst v1  }
0xae: {  	v1 =	vld [tilespmem:s7+$0x28E0];
	_ =	sdelay $0x4  }
0xaf: {  	[tilespmem:$0x4F20] =	vst v1  }
0xb0: {  	v1 =	vld [tilespmem:s7+$0x28F0];
	_ =	sdelay $0x4  }
0xb1: {  	[tilespmem:$0x4F30] =	vst v1  }
0xb2: {  	v1 =	vld [tilespmem:s16+$0x2900];
	_ =	sdelay $0x4  }
0xb3: {  	[tilespmem:$0x4F40] =	vst v1  }
0xb4: {  	[spmem:s2] =	stream.indirect.scatter.add.f32 [tilespmem:s31], [sflag:$0x4], $0x80, s3, s30, $0xb8;
	v63 =	vld [tilespmem:$0x0]  }
0xb5: {  	s24 =	simm.s32 $0x640;
	_ =	swait.ge [sflag:s26], $0x2800  }
0xb6: {  	s25 =	simm.s32 $0xC80;
	s7 =	simm.s32 $0x190;
	[sflag:s26] =	ssyncset.done $0x0  }
.LBB2_4:
0xb7: {  	s17 =	sshra.s32 s24, $0x2  }
0xb8: {  	[sflag:s26] =	ssyncadd.s32 $0xFFFFD800;
	s24 =	smov.u32 s25;
	s16 =	sadd.s32 $0x640, s25  }
0xb9: {  	[tilespmem:s29], [sflag:$0x1] =	stream.indirect.gather [hbm4b:s4+s30], $0x80, s17, s30, $0xb8;
	v63 =	vld [tilespmem:$0x0]  }
0xba: {  	p1 =	sne.s32 s25, $0x9600;
	s25 =	sadd.s32 $0x50, s17  }
0xbb: {  	[tilespmem:s31], [sflag:$0x2] =	stream.indirect.gather [hbm4b:s4+s30], $0x80, s25, s30, $0xb8;
	v63 =	vld [tilespmem:$0x0]  }
0xbc: {  	_ =	swait.ge [sflag:s1], $0x2800  }
0xbd: {  	[sflag:s1] =	ssyncset.done $0x0  }
0xbe: {  	[sflag:s1] =	ssyncadd.s32 $0xFFFFD800  }
0xbf: {  	v1 =	vld [tilespmem:s17+$0x2780];
	_ =	sdelay $0x4  }
0xc0: {  	[tilespmem:$0x4F00] =	vst v1  }
0xc1: {  	v1 =	vld [tilespmem:s17+$0x2790];
	_ =	sdelay $0x4  }
0xc2: {  	[tilespmem:$0x4F10] =	vst v1  }
0xc3: {  	v1 =	vld [tilespmem:s17+$0x27A0];
	_ =	sdelay $0x4  }
0xc4: {  	[tilespmem:$0x4F20] =	vst v1  }
0xc5: {  	v1 =	vld [tilespmem:s17+$0x27B0];
	_ =	sdelay $0x4  }
0xc6: {  	[tilespmem:$0x4F30] =	vst v1  }
0xc7: {  	v1 =	vld [tilespmem:s17+$0x27C0];
	_ =	sdelay $0x4  }
0xc8: {  	[tilespmem:$0x4F40] =	vst v1  }
0xc9: {  	[spmem:s2] =	stream.indirect.scatter.add.f32 [tilespmem:s29], [sflag:$0x4], $0x80, s3, s30, $0xb8;
	v63 =	vld [tilespmem:$0x0]  }
0xca: {  	_ =	swait.ge [sflag:s26], $0x2800  }
0xcb: {  	[sflag:s26] =	ssyncset.done $0x0  }
0xcc: {  	s25 =	sadd.s32 $0xA0, s17;
	[sflag:s26] =	ssyncadd.s32 $0xFFFFD800  }
0xcd: {  	[tilespmem:s28], [sflag:$0x3] =	stream.indirect.gather [hbm4b:s4+s30], $0x80, s25, s30, $0xb8;
	v63 =	vld [tilespmem:$0x0]  }
0xce: {  	_ =	swait.ge [sflag:s0], $0x2800  }
0xcf: {  	[sflag:s0] =	ssyncset.done $0x0  }
0xd0: {  	[sflag:s0] =	ssyncadd.s32 $0xFFFFD800  }
0xd1: {  	v1 =	vld [tilespmem:s17+$0x27D0];
	_ =	sdelay $0x4  }
0xd2: {  	[tilespmem:$0x4F00] =	vst v1  }
0xd3: {  	v1 =	vld [tilespmem:s17+$0x27E0];
	_ =	sdelay $0x4  }
0xd4: {  	[tilespmem:$0x4F10] =	vst v1  }
0xd5: {  	v1 =	vld [tilespmem:s17+$0x27F0];
	_ =	sdelay $0x4  }
0xd6: {  	s25 =	sand.u32 $0x3FF0, s7;
	[tilespmem:$0x4F20] =	vst v1  }
0xd7: {  	v1 =	vld [tilespmem:s25+$0x2800];
	_ =	sdelay $0x4  }
0xd8: {  	[tilespmem:$0x4F30] =	vst v1  }
0xd9: {  	v1 =	vld [tilespmem:s17+$0x2810];
	_ =	sdelay $0x4  }
0xda: {  	[tilespmem:$0x4F40] =	vst v1  }
0xdb: {  	[spmem:s2] =	stream.indirect.scatter.add.f32 [tilespmem:s31], [sflag:$0x4], $0x80, s3, s30, $0xb8;
	v63 =	vld [tilespmem:$0x0]  }
0xdc: {  	_ =	swait.ge [sflag:s26], $0x2800  }
0xdd: {  	[sflag:s26] =	ssyncset.done $0x0  }
0xde: {  	s18 =	sadd.s32 $0xF0, s17;
	[sflag:s26] =	ssyncadd.s32 $0xFFFFD800  }
0xdf: {  	[tilespmem:s29], [sflag:$0x1] =	stream.indirect.gather [hbm4b:s4+s30], $0x80, s18, s30, $0xb8;
	v63 =	vld [tilespmem:$0x0]  }
0xe0: {  	_ =	swait.ge [sflag:s5], $0x2800  }
0xe1: {  	[sflag:s5] =	ssyncset.done $0x0  }
0xe2: {  	[sflag:s5] =	ssyncadd.s32 $0xFFFFD800  }
0xe3: {  	v1 =	vld [tilespmem:s17+$0x2820];
	_ =	sdelay $0x4  }
0xe4: {  	[tilespmem:$0x4F00] =	vst v1  }
0xe5: {  	v1 =	vld [tilespmem:s17+$0x2830];
	_ =	sdelay $0x4  }
0xe6: {  	[tilespmem:$0x4F10] =	vst v1  }
0xe7: {  	v1 =	vld [tilespmem:s17+$0x2840];
	_ =	sdelay $0x4  }
0xe8: {  	[tilespmem:$0x4F20] =	vst v1  }
0xe9: {  	v1 =	vld [tilespmem:s17+$0x2850];
	_ =	sdelay $0x4  }
0xea: {  	[tilespmem:$0x4F30] =	vst v1  }
0xeb: {  	v1 =	vld [tilespmem:s17+$0x2860];
	_ =	sdelay $0x4  }
0xec: {  	[tilespmem:$0x4F40] =	vst v1  }
0xed: {  	[spmem:s2] =	stream.indirect.scatter.add.f32 [tilespmem:s28], [sflag:$0x4], $0x80, s3, s30, $0xb8;
	v63 =	vld [tilespmem:$0x0]  }
0xee: {  	_ =	swait.ge [sflag:s26], $0x2800  }
0xef: {  	[sflag:s26] =	ssyncset.done $0x0  }
0xf0: {  	s18 =	sadd.s32 $0x140, s17;
	[sflag:s26] =	ssyncadd.s32 $0xFFFFD800  }
0xf1: {  	[tilespmem:s31], [sflag:$0x2] =	stream.indirect.gather [hbm4b:s4+s30], $0x80, s18, s30, $0xb8;
	v63 =	vld [tilespmem:$0x0]  }
0xf2: {  	_ =	swait.ge [sflag:s1], $0x2800  }
0xf3: {  	[sflag:s1] =	ssyncset.done $0x0  }
0xf4: {  	[sflag:s1] =	ssyncadd.s32 $0xFFFFD800  }
0xf5: {  	v1 =	vld [tilespmem:s17+$0x2870];
	_ =	sdelay $0x4  }
0xf6: {  	[tilespmem:$0x4F00] =	vst v1  }
0xf7: {  	v1 =	vld [tilespmem:s25+$0x2880];
	_ =	sdelay $0x4  }
0xf8: {  	[tilespmem:$0x4F10] =	vst v1  }
0xf9: {  	v1 =	vld [tilespmem:s17+$0x2890];
	_ =	sdelay $0x4  }
0xfa: {  	[tilespmem:$0x4F20] =	vst v1  }
0xfb: {  	v1 =	vld [tilespmem:s17+$0x28A0];
	_ =	sdelay $0x4  }
0xfc: {  	[tilespmem:$0x4F30] =	vst v1  }
0xfd: {  	v1 =	vld [tilespmem:s17+$0x28B0];
	_ =	sdelay $0x4  }
0xfe: {  	[tilespmem:$0x4F40] =	vst v1  }
0xff: {  	[spmem:s2] =	stream.indirect.scatter.add.f32 [tilespmem:s29], [sflag:$0x4], $0x80, s3, s30, $0xb8;
	v63 =	vld [tilespmem:$0x0]  }
0x100: {  	_ =	swait.ge [sflag:s26], $0x2800  }
0x101: {  	[sflag:s26] =	ssyncset.done $0x0  }
0x102: {  	[sflag:s26] =	ssyncadd.s32 $0xFFFFD800  }
0x103: {  	_ =	swait.ge [sflag:s0], $0x2800  }
0x104: {  	[sflag:s0] =	ssyncset.done $0x0  }
0x105: {  	[sflag:s0] =	ssyncadd.s32 $0xFFFFD800  }
0x106: {  	v1 =	vld [tilespmem:s17+$0x28C0];
	_ =	sdelay $0x4  }
0x107: {  	[tilespmem:$0x4F00] =	vst v1  }
0x108: {  	v1 =	vld [tilespmem:s17+$0x28D0];
	_ =	sdelay $0x4  }
0x109: {  	[tilespmem:$0x4F10] =	vst v1  }
0x10a: {  	v1 =	vld [tilespmem:s17+$0x28E0];
	_ =	sdelay $0x4  }
0x10b: {  	[tilespmem:$0x4F20] =	vst v1  }
0x10c: {  	v1 =	vld [tilespmem:s17+$0x28F0];
	_ =	sdelay $0x4  }
0x10d: {  	[tilespmem:$0x4F30] =	vst v1  }
0x10e: {  	v1 =	vld [tilespmem:s25+$0x2900];
	_ =	sdelay $0x3  }
.Ltmp1:
0x10f: {  	(pc) =	sbr.rel @p1 .LBB2_4-.Ltmp1, $4  }
0x110: {  	[tilespmem:$0x4F40] =	vst v1  }
0x111: {  	[spmem:s2] =	stream.indirect.scatter.add.f32 [tilespmem:s31], [sflag:$0x4], $0x80, s3, s30, $0xb8;
	v63 =	vld [tilespmem:$0x0]  }
0x112: {  	_ =	swait.ge [sflag:s26], $0x2800  }
0x113: {  	s7 =	sadd.s32 $0x190, s7;
	s25 =	smov.u32 s16;
	[sflag:s26] =	ssyncset.done $0x0  }
0x114: {  	s16 =	sshra.s32 s24, $0x2;
	[sflag:s26] =	ssyncadd.s32 $0xFFFFD800  }
0x115: {  	[tilespmem:s29], [sflag:$0x1] =	stream.indirect.gather [hbm4b:s4+s30], $0x80, s16, s30, $0xb8;
	v63 =	vld [tilespmem:$0x0]  }
0x116: {  	s17 =	sadd.s32 $0x50, s16  }
0x117: {  	[tilespmem:s31], [sflag:$0x2] =	stream.indirect.gather [hbm4b:s4+s30], $0x80, s17, s30, $0xb8;
	v63 =	vld [tilespmem:$0x0]  }
0x118: {  	_ =	swait.ge [sflag:s1], $0x2800  }
0x119: {  	[sflag:s1] =	ssyncset.done $0x0  }
0x11a: {  	[sflag:s1] =	ssyncadd.s32 $0xFFFFD800  }
0x11b: {  	v1 =	vld [tilespmem:s16+$0x2780];
	_ =	sdelay $0x4  }
0x11c: {  	[tilespmem:$0x4F00] =	vst v1  }
0x11d: {  	v1 =	vld [tilespmem:s16+$0x2790];
	_ =	sdelay $0x4  }
0x11e: {  	[tilespmem:$0x4F10] =	vst v1  }
0x11f: {  	v1 =	vld [tilespmem:s16+$0x27A0];
	_ =	sdelay $0x4  }
0x120: {  	[tilespmem:$0x4F20] =	vst v1  }
0x121: {  	v1 =	vld [tilespmem:s16+$0x27B0];
	_ =	sdelay $0x4  }
0x122: {  	[tilespmem:$0x4F30] =	vst v1  }
0x123: {  	v1 =	vld [tilespmem:s16+$0x27C0];
	_ =	sdelay $0x4  }
0x124: {  	[tilespmem:$0x4F40] =	vst v1  }
0x125: {  	[spmem:s2] =	stream.indirect.scatter.add.f32 [tilespmem:s29], [sflag:$0x4], $0x80, s3, s30, $0xb8;
	v63 =	vld [tilespmem:$0x0]  }
0x126: {  	_ =	swait.ge [sflag:s26], $0x2800  }
0x127: {  	[sflag:s26] =	ssyncset.done $0x0  }
0x128: {  	s18 =	sadd.s32 $0xA0, s16;
	[sflag:s26] =	ssyncadd.s32 $0xFFFFD800  }
0x129: {  	[tilespmem:s28], [sflag:$0x3] =	stream.indirect.gather [hbm4b:s4+s30], $0x80, s18, s30, $0xb8;
	v63 =	vld [tilespmem:$0x0]  }
0x12a: {  	_ =	swait.ge [sflag:s0], $0x2800  }
0x12b: {  	[sflag:s0] =	ssyncset.done $0x0  }
0x12c: {  	[sflag:s0] =	ssyncadd.s32 $0xFFFFD800  }
0x12d: {  	v1 =	vld [tilespmem:s16+$0x27D0];
	_ =	sdelay $0x4  }
0x12e: {  	[tilespmem:$0x4F00] =	vst v1  }
0x12f: {  	v1 =	vld [tilespmem:s16+$0x27E0];
	_ =	sdelay $0x4  }
0x130: {  	[tilespmem:$0x4F10] =	vst v1  }
0x131: {  	v1 =	vld [tilespmem:s16+$0x27F0];
	_ =	sdelay $0x4  }
0x132: {  	s7 =	sand.u32 $0x3FF0, s7;
	[tilespmem:$0x4F20] =	vst v1  }
0x133: {  	v1 =	vld [tilespmem:s7+$0x2800];
	_ =	sdelay $0x4  }
0x134: {  	[tilespmem:$0x4F30] =	vst v1  }
0x135: {  	v1 =	vld [tilespmem:s16+$0x2810];
	_ =	sdelay $0x4  }
0x136: {  	[tilespmem:$0x4F40] =	vst v1  }
0x137: {  	[spmem:s2] =	stream.indirect.scatter.add.f32 [tilespmem:s31], [sflag:$0x4], $0x80, s3, s30, $0xb8;
	v63 =	vld [tilespmem:$0x0]  }
0x138: {  	_ =	swait.ge [sflag:s26], $0x2800  }
0x139: {  	[sflag:s26] =	ssyncset.done $0x0  }
0x13a: {  	s24 =	sadd.s32 $0xF0, s16;
	[sflag:s26] =	ssyncadd.s32 $0xFFFFD800  }
0x13b: {  	[tilespmem:s29], [sflag:$0x1] =	stream.indirect.gather [hbm4b:s4+s30], $0x80, s24, s30, $0xb8;
	v63 =	vld [tilespmem:$0x0]  }
0x13c: {  	_ =	swait.ge [sflag:s5], $0x2800  }
0x13d: {  	[sflag:s5] =	ssyncset.done $0x0  }
0x13e: {  	[sflag:s5] =	ssyncadd.s32 $0xFFFFD800  }
0x13f: {  	v1 =	vld [tilespmem:s16+$0x2820];
	_ =	sdelay $0x4  }
0x140: {  	[tilespmem:$0x4F00] =	vst v1  }
0x141: {  	v1 =	vld [tilespmem:s16+$0x2830];
	_ =	sdelay $0x4  }
0x142: {  	[tilespmem:$0x4F10] =	vst v1  }
0x143: {  	v1 =	vld [tilespmem:s16+$0x2840];
	_ =	sdelay $0x4  }
0x144: {  	[tilespmem:$0x4F20] =	vst v1  }
0x145: {  	v1 =	vld [tilespmem:s16+$0x2850];
	_ =	sdelay $0x4  }
0x146: {  	[tilespmem:$0x4F30] =	vst v1  }
0x147: {  	v1 =	vld [tilespmem:s16+$0x2860];
	_ =	sdelay $0x4  }
0x148: {  	[tilespmem:$0x4F40] =	vst v1  }
0x149: {  	[spmem:s2] =	stream.indirect.scatter.add.f32 [tilespmem:s28], [sflag:$0x4], $0x80, s3, s30, $0xb8;
	v63 =	vld [tilespmem:$0x0]  }
0x14a: {  	_ =	swait.ge [sflag:s26], $0x2800  }
0x14b: {  	[sflag:s26] =	ssyncset.done $0x0  }
0x14c: {  	s25 =	sadd.s32 $0x140, s16;
	[sflag:s26] =	ssyncadd.s32 $0xFFFFD800  }
0x14d: {  	[tilespmem:s31], [sflag:$0x2] =	stream.indirect.gather [hbm4b:s4+s30], $0x80, s25, s30, $0xb8;
	v63 =	vld [tilespmem:$0x0]  }
0x14e: {  	_ =	swait.ge [sflag:s1], $0x2800  }
0x14f: {  	[sflag:s1] =	ssyncset.done $0x0  }
0x150: {  	[sflag:s1] =	ssyncadd.s32 $0xFFFFD800  }
0x151: {  	v1 =	vld [tilespmem:s16+$0x2870];
	_ =	sdelay $0x4  }
0x152: {  	[tilespmem:$0x4F00] =	vst v1  }
0x153: {  	v1 =	vld [tilespmem:s7+$0x2880];
	_ =	sdelay $0x4  }
0x154: {  	[tilespmem:$0x4F10] =	vst v1  }
0x155: {  	v1 =	vld [tilespmem:s16+$0x2890];
	_ =	sdelay $0x4  }
0x156: {  	[tilespmem:$0x4F20] =	vst v1  }
0x157: {  	v1 =	vld [tilespmem:s16+$0x28A0];
	_ =	sdelay $0x4  }
0x158: {  	[tilespmem:$0x4F30] =	vst v1  }
0x159: {  	v1 =	vld [tilespmem:s16+$0x28B0];
	_ =	sdelay $0x4  }
0x15a: {  	[tilespmem:$0x4F40] =	vst v1  }
0x15b: {  	[spmem:s2] =	stream.indirect.scatter.add.f32 [tilespmem:s29], [sflag:$0x4], $0x80, s3, s30, $0xb8;
	v63 =	vld [tilespmem:$0x0]  }
0x15c: {  	_ =	swait.ge [sflag:s26], $0x2800  }
0x15d: {  	[sflag:s26] =	ssyncset.done $0x0  }
0x15e: {  	[sflag:s26] =	ssyncadd.s32 $0xFFFFD800  }
0x15f: {  	_ =	swait.ge [sflag:s0], $0x2800  }
0x160: {  	[sflag:s0] =	ssyncset.done $0x0  }
0x161: {  	[sflag:s0] =	ssyncadd.s32 $0xFFFFD800  }
0x162: {  	v1 =	vld [tilespmem:s16+$0x28C0];
	_ =	sdelay $0x4  }
0x163: {  	[tilespmem:$0x4F00] =	vst v1  }
0x164: {  	v1 =	vld [tilespmem:s16+$0x28D0];
	_ =	sdelay $0x4  }
0x165: {  	[tilespmem:$0x4F10] =	vst v1  }
0x166: {  	v1 =	vld [tilespmem:s16+$0x28E0];
	_ =	sdelay $0x4  }
0x167: {  	[tilespmem:$0x4F20] =	vst v1  }
0x168: {  	v1 =	vld [tilespmem:s16+$0x28F0];
	_ =	sdelay $0x4  }
0x169: {  	[tilespmem:$0x4F30] =	vst v1  }
0x16a: {  	v1 =	vld [tilespmem:s7+$0x2900];
	_ =	sdelay $0x4  }
0x16b: {  	[tilespmem:$0x4F40] =	vst v1  }
0x16c: {  	[spmem:s2] =	stream.indirect.scatter.add.f32 [tilespmem:s31], [sflag:$0x4], $0x80, s3, s30, $0xb8;
	v63 =	vld [tilespmem:$0x0]  }
0x16d: {  	_ =	swait.ge [sflag:s26], $0x2800  }
0x16e: {  	[sflag:s26] =	ssyncset.done $0x0  }
0x16f: {  	s16 =	stileid.u32;
	[sflag:s26] =	ssyncadd.s32 $0xFFFFD800  }
0x170: {  	s7 =	sshll.u32 s16, $0x6;
	[bflag:$0x0] =	sbarrier.arrive $0xFFFF  }
0x171: {  	s17 =	sshrl.u32 s8, $0x3;
	s7 =	sor.u32 $0x1C04, s7;
	s18 =	rddreg [dreg:$0x6]  }
0x172: {  	[hbm:s18], [sflag:s7] =	dma.local [spmem:s17], $0x500  }
0x173: {  	_ =	swait.ge [sflag:s26], $0x500  }
0x174: {  	[sflag:s26] =	ssyncset.done $0x0  }
0x175: {  	s24 =	sshrl.u32 s9, $0x3;
	s25 =	rddreg [dreg:$0x7];
	[sflag:s26] =	ssyncadd.s32 $0xFFFFFB00  }
0x176: {  	[hbm:s25], [sflag:s7] =	dma.local [spmem:s24], $0x500  }
0x177: {  	_ =	swait.ge [sflag:s26], $0x500  }
0x178: {  	[sflag:s26] =	ssyncset.done $0x0  }
0x179: {  	s18 =	sshrl.u32 s10, $0x3;
	s24 =	rddreg [dreg:$0x8];
	[sflag:s26] =	ssyncadd.s32 $0xFFFFFB00  }
0x17a: {  	[hbm:s24], [sflag:s7] =	dma.local [spmem:s18], $0x500  }
0x17b: {  	_ =	swait.ge [sflag:s26], $0x500  }
0x17c: {  	[sflag:s26] =	ssyncset.done $0x0  }
0x17d: {  	s25 =	sshrl.u32 s11, $0x3;
	[sflag:s26] =	ssyncadd.s32 $0xFFFFFB00  }
0x17e: {  	[hbm:s19], [sflag:s7] =	dma.local [spmem:s25], $0x500  }
0x17f: {  	_ =	swait.ge [sflag:s26], $0x500  }
0x180: {  	[sflag:s26] =	ssyncset.done $0x0  }
0x181: {  	s17 =	sshrl.u32 s12, $0x3;
	[sflag:s26] =	ssyncadd.s32 $0xFFFFFB00  }
0x182: {  	[hbm:s20], [sflag:s7] =	dma.local [spmem:s17], $0x500  }
0x183: {  	_ =	swait.ge [sflag:s26], $0x500  }
0x184: {  	[sflag:s26] =	ssyncset.done $0x0  }
0x185: {  	s18 =	sshrl.u32 s13, $0x3;
	[sflag:s26] =	ssyncadd.s32 $0xFFFFFB00  }
0x186: {  	[hbm:s21], [sflag:s7] =	dma.local [spmem:s18], $0x500  }
0x187: {  	_ =	swait.ge [sflag:s26], $0x500  }
0x188: {  	[sflag:s26] =	ssyncset.done $0x0  }
0x189: {  	s24 =	sshrl.u32 s14, $0x3;
	[sflag:s26] =	ssyncadd.s32 $0xFFFFFB00  }
0x18a: {  	[hbm:s22], [sflag:s7] =	dma.local [spmem:s24], $0x500  }
0x18b: {  	_ =	swait.ge [sflag:s26], $0x500  }
0x18c: {  	[sflag:s26] =	ssyncset.done $0x0  }
0x18d: {  	s16 =	sshrl.u32 @!p0 s15, $0x3;
	[sflag:s26] =	ssyncadd.s32 $0xFFFFFB00  }
0x18e: {  	[hbm:s23], [sflag:s7] =	dma.local @!p0 [spmem:s16], $0x500  }
0x18f: {  	s7 =	simm.s32 @!p0 $0x4  }
0x190: {  	_ =	swait.ge @!p0 [sflag:s7], $0x500  }
0x191: {  	s6 =	sadd.s32 $0x1, s6;
	s25 =	rddreg [dreg:$0x5]  }
0x192: {  	p1 =	sne.s32 s6, s25  }
.Ltmp2:
0x193: {  	_ = 	snop;
	(pc) =	sbr.rel @p1 .LBB2_1-.Ltmp2, $3  }
0x194: {  	_ =	sdelay $0x1  }
0x195: {  	[sflag:s7] =	ssyncset.done @!p0 $0x0  }
0x196: {  	[sflag:s7] =	ssyncadd.s32 @!p0 $0xFFFFFB00  }
0x197: {  	_ =	sfence.sel $0x180000  }
0x198: {  	[bflag:$0x0] =	sbarrier.arrive $0xFFFF  }
0x199: {  	_ =	strace $0x90000050  }
0x19a: {  	s0 =	stileid.u32;
	[bflag:$0x2] =	sbarrier.arrive $0xFFFF  }
0x19b: {  	p0 =	sne.s32 s0, $0x0;
	s0 =	rddreg [dreg:$0x2]  }
0x19c: {  	s0 =	sadd.s32 @!p0 $0x100000, s0  }
0x19d: {  	[sflag:s0] =	ssyncadd.tile.s32 @!p0 $0x1;
	_ =	shalt  }
.Lfunc_end2:
_tile_overlayer_lowered:
.L_overlay_start_2:
0x19e: {  	(tag) =	ssettag $0x2  }
0x19f: {  	s0 =	rddreg [dreg:$0x0];
	s2 =	stileid.u32  }
0x1a0: {  	s1 =	rddreg [dreg:$0x1];
	p0 =	sne.s32 s2, $0x0  }
0x1a1: {  	s3 =	rddreg [dreg:$0x2];
	[bflag:$0x3] =	sbarrier.arrive $0xFFFF;
	s2 =	simm.s32 @!p0 $0x1C04  }
0x1a2: {  	[timem:s3], [sflag:s2] =	dma.local @!p0 [hbm:s0], s1  }
0x1a3: {  	s0 =	simm.s32 @!p0 $0x4  }
0x1a4: {  	_ =	swait.ge @!p0 [sflag:s0], s1  }
0x1a5: {  	s1 =	ssub.s32 @!p0 $0x0, s1;
	[sflag:s0] =	ssyncset.done @!p0 $0x0  }
0x1a6: {  	[sflag:s0] =	ssyncadd.s32 @!p0 s1  }
0x1a7: {  	[bflag:$0x3] =	sbarrier.arrive $0xFFFF  }
0x1a8: {  	_ =	shalt  }

// kernel: kernel.24.cloned.1.call-start
scs
__scs_entry_jumppad:
0x0: {  	(pc) =	sbr.rel $0x88, $3  }
0x1: {  	(tag) =	ssettag $0x0;
	lr =	simm.s32 $0x1  }
0x2: {  	[smem:$0x3F8B] =	sst lr;
	_ =	strace $0xD0000000  }
0x3: {  	_ = 	snop  }
0x4: {  	_ = 	snop  }
0x5: {  	_ = 	snop  }
0x6: {  	_ = 	snop  }
0x7: {  	_ = 	snop  }
__scs_overlays_trampoline_lowered:
0x8: {  	[smem:$0x3F9A] =	sst s0  }
0x9: {  	[smem:$0x3F9B] =	sst s1  }
0xa: {  	[smem:$0x3F9C] =	sst s2  }
0xb: {  	[smem:$0x3F9D] =	sst s3  }
0xc: {  	[smem:$0x3F9E] =	sst s4  }
0xd: {  	[smem:$0x3F9F] =	sst s5  }
0xe: {  	[smem:$0x3FA0] =	sst s6  }
0xf: {  	[smem:$0x3FA1] =	sst s7  }
0x10: {  	[smem:$0x3FA2] =	sst s8  }
0x11: {  	[smem:$0x3FA3] =	sst s9;
	s0 =	simm.s32 @!p0 $0x0  }
0x12: {  	s1 =	sld [smem:$0x3F89];
	s0 =	simm.s32 @p0 $0x1  }
0x13: {  	[smem:$0x3FA4] =	sst s0;
	s0 =	simm.s32 @!p1 $0x0  }
0x14: {  	s2 =	sld [smem:$0x3F88];
	s0 =	simm.s32 @p1 $0x1  }
0x15: {  	[smem:$0x3FA5] =	sst s0;
	s0 =	simm.s32 @!p2 $0x0  }
0x16: {  	s3 =	sld [smem:$0x3FDB];
	s0 =	simm.s32 @p2 $0x1  }
0x17: {  	s4 =	simm.s32 $0x1BF5;
	[smem:$0x3FA7] =	sst s0  }
0x18: {  	s0 =	sld [smem:$0x3F8A];
	_ =	swait.ge [sflag:s4], $0x0  }
0x19: {  	s7 =	sld [smem:$0x3F8B]  }
0x1a: {  	s8 =	sadd.s32 $0xFFFFE003, lr  }
0x1b: {  	s9 =	sadd.s32 $0xFFFFFEF7, lr;
	s5 =	simm.s32 $0xFFFFFFFF;
	p2 =	slt.u32 s8, $0xFFFFF086  }
0x1c: {  	p1 =	slt.u32 s9, $0xF7A;
	s5 =	simm.s32 @!p2 $0x0  }
0x1d: {  	s5 =	simm.s32 @p1 $0x1;
	p0 =	seq.s32 s7, s2  }
0x1e: {  	s7 =	smul.u32 @!p0 $0xF7A, s2;
	p2 =	seq.s32 @!p0 s5, $0x0  }
0x1f: {  	s9 =	smul.u32 $0xF7A, s1;
	s8 =	simm.s32 @!p0 $0x1BF5;
	p2 =	por !p2, p0  }
0x20: {  	[sflag:s8] =	ssyncset.s32 @!p0 $0xFFFFF086;
	s6 =	sadd.s32 @!p0 s3, s7;
	s7 =	simm.s32 @!p0 $0x108  }
0x21: {  	s3 =	sadd.s32 s3, s9;
	s6 =	sadd.s32 @!p0 $0x88, s6;
	s7 =	simm.s32 @p2 $0x1082  }
0x22: {  	[simem:s7], [sflag:s8] =	dma.local @!p0 [hbm:s6], $0xF7A  }
0x23: {  	s9 =	sor.u32 $0xD0000000, s2;
	s6 =	simm.s32 $0x108;
	_ =	swait.ge @!p0 [sflag:s8], $0x0  }
0x24: {  	s3 =	sadd.s32 $0x88, s3;
	s6 =	simm.s32 @!p1 $0x1082;
	[sflag:s4] =	ssyncset.s32 $0xFFFFF086  }
0x25: {  	[simem:s6], [sflag:s4] =	dma.local [hbm:s3], $0xF7A  }
0x26: {  	[smem:$0x3F8B] =	sst s1;
	(tag) =	ssettag s2;
	_ =	strace s9  }
0x27: {  	s1 =	sld [smem:$0x3F9B]  }
0x28: {  	s2 =	sld [smem:$0x3F9C]  }
0x29: {  	s4 =	sld [smem:$0x3F9E]  }
0x2a: {  	p0 =	seq.s32 s5, $0x0;
	s5 =	sld [smem:$0x3F9F]  }
0x2b: {  	s6 =	sld [smem:$0x3FA0]  }
0x2c: {  	s7 =	sld [smem:$0x3FA1]  }
0x2d: {  	s3 =	simm.s32 $0x108;
	s8 =	sld [smem:$0x3FA2]  }
0x2e: {  	s3 =	simm.s32 @!p0 $0x1082;
	s9 =	sld [smem:$0x3FA3]  }
0x2f: {  	lr =	sadd.s32 s0, s3;
	s0 =	sld [smem:$0x3F9A]  }
0x30: {  	s3 =	sld [smem:$0x3F9D]  }
0x31: {  	[smem:$0x3FA6] =	sst s10  }
0x32: {  	s10 =	sld [smem:$0x3FA4];
	_ =	sdelay $0x3  }
0x33: {  	p0 =	seq.s32 s10, $0x1;
	s10 =	sld [smem:$0x3FA6];
	_ =	sdelay $0x3  }
0x34: {  	[smem:$0x3FA6] =	sst s10  }
0x35: {  	s10 =	sld [smem:$0x3FA5];
	_ =	sdelay $0x3  }
0x36: {  	p1 =	seq.s32 s10, $0x1;
	s10 =	sld [smem:$0x3FA6];
	_ =	sdelay $0x3  }
0x37: {  	[smem:$0x3FA6] =	sst s10  }
0x38: {  	s10 =	sld [smem:$0x3FA7]  }
0x39: {  	_ = 	snop;
	(pc) =	sbr.ind lr, $3  }
0x3a: {  	_ = 	snop  }
0x3b: {  	_ = 	snop  }
0x3c: {  	p2 =	seq.s32 s10, $0x1;
	s10 =	sld [smem:$0x3FA6]  }
0x3d: {  	_ =	shalt  }
0x3e: {  	_ =	shalt  }
0x3f: {  	_ =	shalt  }
0x40: {  	_ =	shalt  }
0x41: {  	_ =	shalt  }
0x42: {  	_ =	shalt  }
0x43: {  	_ =	shalt  }
0x44: {  	_ =	shalt  }
0x45: {  	_ =	shalt  }
0x46: {  	_ =	shalt  }
0x47: {  	_ =	shalt  }
0x48: {  	_ =	shalt  }
0x49: {  	_ =	shalt  }
0x4a: {  	_ =	shalt  }
0x4b: {  	_ =	shalt  }
0x4c: {  	_ =	shalt  }
0x4d: {  	_ =	shalt  }
0x4e: {  	_ =	shalt  }
0x4f: {  	_ =	shalt  }
0x50: {  	_ =	shalt  }
0x51: {  	_ =	shalt  }
0x52: {  	_ =	shalt  }
0x53: {  	_ =	shalt  }
0x54: {  	_ =	shalt  }
0x55: {  	_ =	shalt  }
0x56: {  	_ =	shalt  }
0x57: {  	_ =	shalt  }
0x58: {  	_ =	shalt  }
0x59: {  	_ =	shalt  }
0x5a: {  	_ =	shalt  }
0x5b: {  	_ =	shalt  }
0x5c: {  	_ =	shalt  }
0x5d: {  	_ =	shalt  }
0x5e: {  	_ =	shalt  }
0x5f: {  	_ =	shalt  }
0x60: {  	_ =	shalt  }
0x61: {  	_ =	shalt  }
0x62: {  	_ =	shalt  }
0x63: {  	_ =	shalt  }
0x64: {  	_ =	shalt  }
0x65: {  	_ =	shalt  }
0x66: {  	_ =	shalt  }
0x67: {  	_ =	shalt  }
0x68: {  	_ =	shalt  }
0x69: {  	_ =	shalt  }
0x6a: {  	_ =	shalt  }
0x6b: {  	_ =	shalt  }
0x6c: {  	_ =	shalt  }
0x6d: {  	_ =	shalt  }
0x6e: {  	_ =	shalt  }
0x6f: {  	_ =	shalt  }
0x70: {  	_ =	shalt  }
0x71: {  	_ =	shalt  }
0x72: {  	_ =	shalt  }
0x73: {  	_ =	shalt  }
0x74: {  	_ =	shalt  }
0x75: {  	_ =	shalt  }
0x76: {  	_ =	shalt  }
0x77: {  	_ =	shalt  }
0x78: {  	_ =	shalt  }
0x79: {  	_ =	shalt  }
0x7a: {  	_ =	shalt  }
0x7b: {  	_ =	shalt  }
0x7c: {  	_ =	shalt  }
0x7d: {  	_ =	shalt  }
0x7e: {  	_ =	shalt  }
0x7f: {  	_ =	shalt  }
0x80: {  	_ =	shalt  }
0x81: {  	_ =	shalt  }
0x82: {  	_ =	shalt  }
0x83: {  	_ =	shalt  }
0x84: {  	_ =	shalt  }
0x85: {  	_ =	shalt  }
0x86: {  	_ =	shalt  }
0x87: {  	_ =	shalt  }
.Lfunc_end0:
.L_simem_size_0:
called_computation.4_lowered:
.L_overlay_start_0:
0x88: {  	s2 =	sld [smem:$0x3FD9]  }
0x89: {  	s3 =	sld [smem:$0x3FFE];
	_ =	sdelay $0x1  }
0x8a: {  	s1 =	srdreg.scid  }
0x8b: {  	s0 =	sand.u32 $0x1, s1  }
0x8c: {  	s17 =	sshll.u32 s0, $0xA;
	s2 =	sadd.s32 s3, s2  }
0x8d: {  	s2 =	sadd.s32 s2, s17  }
0x8e: {  	[smem:$0x3FB2] =	sst s2  }
0x8f: {  	_ = 	snop  }
0x90: {  	s2 =	sld [smem:$0x3FC7]  }
0x91: {  	s18 =	sld [smem:$0x3FD0];
	(tm) =	ssettm $0x1  }
0x92: {  	s4 =	sld [smem:$0x3FFB];
	_ =	sdelay $0x3  }
0x93: {  	_ =	strace s4  }
0x94: {  	s4 =	sld [smem:$0x3FFC];
	_ =	sdelay $0x3  }
0x95: {  	_ =	strace s4  }
0x96: {  	s4 =	sld [smem:$0x3FFD];
	_ =	sdelay $0x3  }
0x97: {  	_ =	strace s4  }
0x98: {  	_ =	strace $0x8FFFFFFF  }
0x99: {  	s19 =	sld [smem:$0x3FDB];
	_ =	sdelay $0x1  }
0x9a: {  	s5 =	simm.s32 $_scs_section_size  }
0x9b: {  	s6 =	simm.s32 $_size__tile_overlayer_lowered;
	s7 =	simm.s32 $_tile_overlayer_lowered  }
0x9c: {  	s22 =	simm.s32 $0x1BFF;
	s21 =	sshll.u32 s7, $0x1;
	s4 =	sadd.s32 s5, s19  }
0x9d: {  	s8 =	simm.s32 $0x0;
	s20 =	sshll.u32 s6, $0x1;
	s6 =	sadd.s32 s21, s4  }
0x9e: {  	[timem:s8], [sflag:s22] =	dma.local [hbm:s6], s20  }
0x9f: {  	_ =	swait.ge [sflag:s22], s20  }
0xa0: {  	s5 =	ssub.s32 $0x0, s20;
	[sflag:s22] =	ssyncset.done $0x0  }
0xa1: {  	[sflag:s22] =	ssyncadd.s32 s5;
	_ =	sdelay $0x1  }
0xa2: {  	s23 =	simm.s32 $0x1B8B  }
0xa3: {  	_ =	swait.ge [sflag:s23], $0x1  }
0xa4: {  	[sflag:s23] =	ssyncset.done $0x0  }
0xa5: {  	s25 =	simm.s32 $0x1B8E;
	s24 =	sld [smem:$0x3FFE];
	[sflag:s23] =	ssyncadd.s32 $0xFFFFFFFF  }
0xa6: {  	s26 =	simm.s32 $execute0_lowered;
	[smem:$0x3FD2] =	sst s25  }
0xa7: {  	s6 =	sshll.u32 s26, $0x1;
	_ =	strace $0x80000052;
	[dreg:$0x1] =	wrdreg $0xFFFFFFFF  }
0xa8: {  	s28 =	simm.s32 $_size_execute0_lowered;
	s4 =	sadd.s32 s4, s6;
	[dreg:$0x0] =	wrdreg $0x0  }
0xa9: {  	s6 =	sshll.u32 s28, $0x1;
	[dreg:$0x2] =	wrdreg s4  }
0xaa: {  	[dreg:$0x3] =	wrdreg s6  }
0xab: {  	[dreg:$0x4] =	wrdreg $0xC0  }
0xac: {  	_ =	task [dreg:s8], $0x5FFFF  }
0xad: {  	[dreg:$0x1] =	wrdreg $0xFFFFFFFF  }
0xae: {  	[dreg:$0x0] =	wrdreg $0x60  }
0xaf: {  	[dreg:$0x2] =	wrdreg s24  }
0xb0: {  	[dreg:$0x3] =	wrdreg s2  }
0xb1: {  	[dreg:$0x4] =	wrdreg s18  }
0xb2: {  	[dreg:$0x5] =	wrdreg $0x60800  }
0xb3: {  	[dreg:$0x6] =	wrdreg $0x68800  }
0xb4: {  	[dreg:$0x7] =	wrdreg $0x9  }
0xb5: {  	_ =	task.clear_ibuf [dreg:s8], $0x8FFFF;
	_ =	strace $0x90000052  }
0xb6: {  	s29 =	simm.s32 $0x9;
	_ =	strace $0x80000054  }
0xb7: {  	_ =	swait.ge [sflag:s29], $0x1  }
0xb8: {  	[sflag:s29] =	ssyncadd.s32 $0xFFFFFFFF  }
0xb9: {  	_ =	strace $0x90000054  }
0xba: {  	_ =	sfence  }
0xbb: {  	s30 =	sld [smem:$0x0];
	_ =	sdelay $0x2  }
0xbc: {  	s31 =	sshll.u32 s1, $0xD;
	s1 =	sshrl.u32 s1, $0x2  }
0xbd: {  	s3 =	sand.u32 $0x4000, s31;
	s1 =	sadd.s32 s1, s30  }
0xbe: {  	s0 =	sor.u32 s3, s0;
	s1 =	sshll.u32 s1, $0x11  }
0xbf: {  	s0 =	sor.u32 s1, s0  }
0xc0: {  	s0 =	sadd.s32 $0x8F2B, s0  }
0xc1: {  	[sflag:s0] =	ssyncadd.remote.s32 $0x1  }
0xc2: {  	_ =	sfence.sel $0xFFFF  }
0xc3: {  	[dreg:$0x0] =	wrdreg $0xFFFFFFFF;
	(pc) =	sbr.abs _section_cstart, $3  }
0xc4: {  	[dreg:$0x1] =	wrdreg $0xFFFFFFFF  }
0xc5: {  	_ =	task.clear_ibuf [dreg:s8], $0x2FFFF;
	_ =	strace $0x9FFFFFFF  }
0xc6: {  	(tm) =	ssettm $0x7FFFFFFF  }
0xc7: {  	_ =	shalt  }
tec
execute0_lowered:
.L_overlay_start_1:
0x0: {  	(tag) =	ssettag $0x1  }
0x1: {  	s5 =	rddreg [dreg:$0x0]  }
0x2: {  	s16 =	rddreg [dreg:$0x1]  }
0x3: {  	s7 =	rddreg [dreg:$0x2]  }
0x4: {  	s1 =	rddreg [dreg:$0x3]  }
0x5: {  	s2 =	rddreg [dreg:$0x4]  }
0x6: {  	s0 =	rddreg [dreg:$0x5];
	s4 =	simm.s32 $0x0;
	s6 =	srdreg.scid  }
0x7: {  	s3 =	stileid.u32;
	s23 =	simm.s32 $0x50;
	s6 =	sand.u32 $0x1, s6  }
0x8: {  	s24 =	simm.s32 $0x2880;
	s25 =	simm.s32 $0x0;
	s10 =	sshll.u32 s6, $0x4  }
0x9: {  	[smem:$0x7FF] =	sst s4;
	s8 =	sshll.u32 s3, $0xB;
	s10 =	sor.u32 s3, s10  }
0xa: {  	s17 =	sadd.s32 $0x5A00, s5;
	s9 =	sshll.u32 s6, $0xF;
	s11 =	smul.u32 $0xA, s10  }
0xb: {  	_ =	strace $0x80000053;
	s12 =	smul.u32 $0x500, s10;
	s13 =	sor.u32 $0x20, s10  }
0xc: {  	s6 =	ssub.s32 $0x2, s6;
	s9 =	sor.u32 s8, s9;
	s15 =	smul.u32 $0xA, s13  }
0xd: {  	s30 =	sshrl.u32 s6, $0x1;
	s19 =	sor.u32 $0x40, s10;
	s13 =	smul.u32 $0x500, s13  }
0xe: {  	s9 =	sshrl.u32 s9, $0x3;
	s18 =	ssub.s32 s6, s30;
	s20 =	smul.u32 $0xA, s19  }
0xf: {  	s6 =	sadd.s32 s8, s2;
	s21 =	sor.u32 $0x60, s10;
	s19 =	smul.u32 $0x500, s19  }
0x10: {  	s14 =	sadd.s32 s9, s5;
	s5 =	sadd.s32 s8, s1;
	s31 =	smul.u32 $0xA, s21  }
0x11: {  	s7 =	sadd.s32 s7, s9;
	s9 =	smax.u32 s18, $0x1;
	s22 =	smul.u32 $0x500, s21  }
0x12: {  	p0 =	sgt.u32 s21, $0x7C;
	s18 =	simm.s32 $0x5080;
	s21 =	simm.s32 $0x2  }
0x13: {  	s8 =	sadd.s32 $0x2CC00, s14;
	s10 =	sadd.s32 s16, s11;
	s11 =	sadd.s32 s17, s12  }
0x14: {  	s12 =	sadd.s32 s16, s15;
	s13 =	sadd.s32 s17, s13;
	s14 =	sadd.s32 s16, s20  }
0x15: {  	s15 =	sadd.s32 s17, s19;
	s16 =	sadd.s32 s16, s31;
	s17 =	sadd.s32 s17, s22  }
0x16: {  	v0 =	vimm.f32 $1.000000000e+00;
	v1 =	vimm.f32 $0.0e+00;
	s19 =	simm.s32 $0x1;
	s20 =	simm.s32 $0x5880;
	s22 =	simm.s32 $0x80  }
.LBB2_1:
0x17: {  	s26 =	simm.s32 $0x0  }
.LBB2_2:
0x18: {  	p1 =	sne.s32 s26, $0x9E00  }
.Ltmp0:
0x19: {  	_ = 	snop;
	(pc) =	sbr.rel @p1 .LBB2_2-.Ltmp0, $3  }
0x1a: {  	_ =	sdelay $0x1  }
0x1b: {  	s28 =	sshra.s32 s26, $0x2  }
0x1c: {  	s26 =	sadd.s32 $0x200, s26;
	[tilespmem:s28+$0x2880] =	vst v0  }
0x1d: {  	s26 =	simm.s32 $0x0;
	s28 =	simm.s32 $0x200  }
.LBB2_4:
0x1e: {  	p1 =	sne.s32 s28, $0x1E00;
	[tilespmem:s26+$0x50F0] =	vst v1  }
0x1f: {  	[tilespmem:s26+$0x5080] =	vst v1  }
0x20: {  	[tilespmem:s26+$0x5090] =	vst v1  }
.Ltmp1:
0x21: {  	[tilespmem:s26+$0x50A0] =	vst v1;
	(pc) =	sbr.rel @p1 .LBB2_4-.Ltmp1, $4  }
0x22: {  	[tilespmem:s26+$0x50B0] =	vst v1  }
0x23: {  	[tilespmem:s26+$0x50C0] =	vst v1  }
0x24: {  	[tilespmem:s26+$0x50D0] =	vst v1  }
0x25: {  	[tilespmem:s26+$0x50E0] =	vst v1;
	s26 =	sshra.s32 s28, $0x2;
	s28 =	sadd.s32 $0x200, s28  }
0x26: {  	[tilespmem:s26+$0x50F0] =	vst v1  }
0x27: {  	[tilespmem:s26+$0x5080] =	vst v1  }
0x28: {  	[tilespmem:s26+$0x5090] =	vst v1  }
0x29: {  	[tilespmem:s26+$0x50A0] =	vst v1  }
0x2a: {  	[tilespmem:s26+$0x50B0] =	vst v1  }
0x2b: {  	[tilespmem:s26+$0x50C0] =	vst v1  }
0x2c: {  	[tilespmem:s26+$0x50D0] =	vst v1  }
0x2d: {  	[tilespmem:s26+$0x50E0] =	vst v1  }
0x2e: {  	[tilespmem:$0x5880] =	vst v1  }
0x2f: {  	[tilespmem:$0x5900] =	vst v1  }
0x30: {  	[tilespmem:$0x5980] =	vst v1  }
0x31: {  	[tilespmem:$0x5A00] =	vst v1  }
0x32: {  	[tilespmem:$0x5A80] =	vst v1  }
0x33: {  	[tilespmem:$0x5B00] =	vst v1  }
0x34: {  	[tilespmem:$0x5B80] =	vst v1  }
0x35: {  	[tilespmem:$0x5C00] =	vst v1  }
0x36: {  	[tilespmem:$0x5C80] =	vst v1  }
0x37: {  	[tilespmem:$0x5D00] =	vst v1  }
0x38: {  	[tilespmem:$0x5D80] =	vst v1  }
0x39: {  	[tilespmem:$0x5E00] =	vst v1  }
0x3a: {  	[tilespmem:$0x5E80] =	vst v1  }
0x3b: {  	[tilespmem:$0x5F00] =	vst v1  }
0x3c: {  	[tilespmem:$0x5F80] =	vst v1  }
0x3d: {  	[tilespmem:$0x6000] =	vst v1  }
0x3e: {  	[spmem:s5] =	stream.linear.scatter [tilespmem:s18], [sflag:$0x1], $0x800, $0x38;
	[tilespmem:$0x6980] =	vst v63  }
0x3f: {  	_ =	swait.ge [sflag:s19], $0x800  }
0x40: {  	[sflag:s19] =	ssyncset.done $0x0  }
0x41: {  	[sflag:s19] =	ssyncadd.s32 $0xFFFFF800  }
0x42: {  	[spmem:s6] =	stream.linear.scatter [tilespmem:s20], [sflag:$0x1], $0x800, $0x38;
	[tilespmem:$0x6980] =	vst v63  }
0x43: {  	_ =	swait.ge [sflag:s19], $0x800  }
0x44: {  	[sflag:s19] =	ssyncset.done $0x0  }
0x45: {  	[sflag:s19] =	ssyncadd.s32 $0xFFFFF800  }
0x46: {  	[bflag:$0x0] =	sbarrier.arrive $0xFFFF  }
0x47: {  	[tilespmem:s4], [sflag:$0x2] =	stream.linear.gather [hbm4b:s10+s4], $0x50, $0x38;
	[tilespmem:$0x6980] =	vst v63  }
0x48: {  	_ =	swait.ge [sflag:s21], $0x50  }
0x49: {  	[sflag:s21] =	ssyncset.done $0x0  }
0x4a: {  	[sflag:s21] =	ssyncadd.s32 $0xFFFFFFB0  }
0x4b: {  	[tilespmem:s22], [sflag:$0x2] =	stream.linear.gather [hbm4b:s11+s4], $0x2800, $0x38;
	[tilespmem:$0x6980] =	vst v63  }
0x4c: {  	_ =	swait.ge [sflag:s21], $0x2800  }
0x4d: {  	[sflag:s21] =	ssyncset.done $0x0  }
0x4e: {  	[sflag:s21] =	ssyncadd.s32 $0xFFFFD800  }
0x4f: {  	[spmem:s1] =	stream.indirect.scatter.add.f32 [tilespmem:s22], [sflag:$0x2], $0x80, s4, s23, $0xb8;
	[tilespmem:$0x6980] =	vst v63  }
0x50: {  	_ =	swait.ge [sflag:s21], $0x2800  }
0x51: {  	[sflag:s21] =	ssyncset.done $0x0  }
0x52: {  	[sflag:s21] =	ssyncadd.s32 $0xFFFFD800  }
0x53: {  	[spmem:s2] =	stream.indirect.scatter.add.f32 [tilespmem:s24], [sflag:$0x1], $0x10, s4, s23, $0xb8;
	[tilespmem:$0x6980] =	vst v63  }
0x54: {  	_ =	swait.ge [sflag:s19], $0x500  }
0x55: {  	[sflag:s19] =	ssyncset.done $0x0  }
0x56: {  	[sflag:s19] =	ssyncadd.s32 $0xFFFFFB00  }
0x57: {  	[tilespmem:s4], [sflag:$0x2] =	stream.linear.gather [hbm4b:s12+s4], $0x50, $0x38;
	[tilespmem:$0x6980] =	vst v63  }
0x58: {  	_ =	swait.ge [sflag:s21], $0x50  }
0x59: {  	[sflag:s21] =	ssyncset.done $0x0  }
0x5a: {  	[sflag:s21] =	ssyncadd.s32 $0xFFFFFFB0  }
0x5b: {  	[tilespmem:s22], [sflag:$0x2] =	stream.linear.gather [hbm4b:s13+s4], $0x2800, $0x38;
	[tilespmem:$0x6980] =	vst v63  }
0x5c: {  	_ =	swait.ge [sflag:s21], $0x2800  }
0x5d: {  	[sflag:s21] =	ssyncset.done $0x0  }
0x5e: {  	[sflag:s21] =	ssyncadd.s32 $0xFFFFD800  }
0x5f: {  	[spmem:s1] =	stream.indirect.scatter.add.f32 [tilespmem:s22], [sflag:$0x2], $0x80, s4, s23, $0xb8;
	[tilespmem:$0x6980] =	vst v63  }
0x60: {  	_ =	swait.ge [sflag:s21], $0x2800  }
0x61: {  	[sflag:s21] =	ssyncset.done $0x0  }
0x62: {  	[sflag:s21] =	ssyncadd.s32 $0xFFFFD800  }
0x63: {  	[spmem:s2] =	stream.indirect.scatter.add.f32 [tilespmem:s24], [sflag:$0x1], $0x10, s4, s23, $0xb8;
	[tilespmem:$0x6980] =	vst v63  }
0x64: {  	_ =	swait.ge [sflag:s19], $0x500  }
0x65: {  	[sflag:s19] =	ssyncset.done $0x0  }
0x66: {  	[sflag:s19] =	ssyncadd.s32 $0xFFFFFB00  }
0x67: {  	[tilespmem:s4], [sflag:$0x2] =	stream.linear.gather [hbm4b:s14+s4], $0x50, $0x38;
	[tilespmem:$0x6980] =	vst v63  }
0x68: {  	_ =	swait.ge [sflag:s21], $0x50  }
0x69: {  	[sflag:s21] =	ssyncset.done $0x0  }
0x6a: {  	[sflag:s21] =	ssyncadd.s32 $0xFFFFFFB0  }
0x6b: {  	[tilespmem:s22], [sflag:$0x2] =	stream.linear.gather [hbm4b:s15+s4], $0x2800, $0x38;
	[tilespmem:$0x6980] =	vst v63  }
0x6c: {  	_ =	swait.ge [sflag:s21], $0x2800  }
0x6d: {  	[sflag:s21] =	ssyncset.done $0x0  }
0x6e: {  	[sflag:s21] =	ssyncadd.s32 $0xFFFFD800  }
0x6f: {  	[spmem:s1] =	stream.indirect.scatter.add.f32 [tilespmem:s22], [sflag:$0x2], $0x80, s4, s23, $0xb8;
	[tilespmem:$0x6980] =	vst v63  }
0x70: {  	_ =	swait.ge [sflag:s21], $0x2800  }
0x71: {  	[sflag:s21] =	ssyncset.done $0x0  }
0x72: {  	[sflag:s21] =	ssyncadd.s32 $0xFFFFD800  }
0x73: {  	[spmem:s2] =	stream.indirect.scatter.add.f32 [tilespmem:s24], [sflag:$0x1], $0x10, s4, s23, $0xb8;
	[tilespmem:$0x6980] =	vst v63  }
0x74: {  	_ =	swait.ge [sflag:s19], $0x500  }
0x75: {  	[sflag:s19] =	ssyncset.done $0x0  }
0x76: {  	s26 =	simm.s32 @!p0 $0x0;
	s28 =	simm.s32 @!p0 $0x2;
	[sflag:s19] =	ssyncadd.s32 $0xFFFFFB00  }
0x77: {  	[tilespmem:s26], [sflag:$0x2] =	stream.linear.gather @!p0 [hbm4b:s16+s26], $0x50, $0x38;
	[tilespmem:$0x6980] =	vst v63  }
0x78: {  	_ =	swait.ge @!p0 [sflag:s28], $0x50  }
0x79: {  	[sflag:s28] =	ssyncset.done @!p0 $0x0  }
0x7a: {  	s29 =	simm.s32 @!p0 $0x80;
	[sflag:s28] =	ssyncadd.s32 @!p0 $0xFFFFFFB0  }
0x7b: {  	[tilespmem:s29], [sflag:$0x2] =	stream.linear.gather @!p0 [hbm4b:s17+s26], $0x2800, $0x38;
	[tilespmem:$0x6980] =	vst v63  }
0x7c: {  	_ =	swait.ge @!p0 [sflag:s28], $0x2800  }
0x7d: {  	[sflag:s28] =	ssyncset.done @!p0 $0x0  }
0x7e: {  	s30 =	simm.s32 @!p0 $0x50;
	[sflag:s28] =	ssyncadd.s32 @!p0 $0xFFFFD800  }
0x7f: {  	[spmem:s1] =	stream.indirect.scatter.add.f32 @!p0 [tilespmem:s29], [sflag:$0x2], $0x80, s26, s30, $0xb8;
	[tilespmem:$0x6980] =	vst v63  }
0x80: {  	_ =	swait.ge @!p0 [sflag:s28], $0x2800  }
0x81: {  	[sflag:s28] =	ssyncset.done @!p0 $0x0  }
0x82: {  	[sflag:s28] =	ssyncadd.s32 @!p0 $0xFFFFD800;
	s28 =	simm.s32 @!p0 $0x2880  }
0x83: {  	[spmem:s2] =	stream.indirect.scatter.add.f32 @!p0 [tilespmem:s28], [sflag:$0x1], $0x10, s26, s30, $0xb8;
	[tilespmem:$0x6980] =	vst v63  }
0x84: {  	s26 =	simm.s32 @!p0 $0x1  }
0x85: {  	_ =	swait.ge @!p0 [sflag:s26], $0x500  }
0x86: {  	[sflag:s26] =	ssyncset.done @!p0 $0x0  }
0x87: {  	s29 =	sshll.u32 s3, $0x6;
	[sflag:s26] =	ssyncadd.s32 @!p0 $0xFFFFFB00  }
0x88: {  	s30 =	sshrl.u32 s5, $0x3;
	s26 =	sor.u32 $0x1C01, s29;
	[bflag:$0x0] =	sbarrier.arrive $0xFFFF  }
0x89: {  	[hbm:s7], [sflag:s26] =	dma.local [spmem:s30], $0x100  }
0x8a: {  	s25 =	sadd.s32 $0x1, s25;
	_ =	swait.ge [sflag:s19], $0x100  }
0x8b: {  	p1 =	sne.s32 s25, s9;
	[sflag:s19] =	ssyncset.done $0x0  }
.Ltmp2:
0x8c: {  	s31 =	sshrl.u32 s6, $0x3;
	[sflag:s19] =	ssyncadd.s32 $0xFFFFFF00;
	(pc) =	sbr.rel @p1 .LBB2_1-.Ltmp2, $4  }
0x8d: {  	[hbm:s8], [sflag:s26] =	dma.local [spmem:s31], $0x100  }
0x8e: {  	_ =	swait.ge [sflag:s19], $0x100  }
0x8f: {  	[sflag:s19] =	ssyncset.done $0x0  }
0x90: {  	[sflag:s19] =	ssyncadd.s32 $0xFFFFFF00  }
0x91: {  	_ =	sfence.sel $0x180000  }
0x92: {  	[bflag:$0x0] =	sbarrier.arrive $0xFFFF  }
0x93: {  	p0 =	sne.s32 s3, $0x0;
	_ =	strace $0x90000053  }
0x94: {  	s0 =	sadd.s32 @!p0 $0x100000, s0;
	[bflag:$0x2] =	sbarrier.arrive $0xFFFF  }
0x95: {  	[sflag:s0] =	ssyncadd.tile.s32 @!p0 $0x1;
	_ =	shalt  }
.Lfunc_end2:
_tile_overlayer_lowered:
.L_overlay_start_2:
0x96: {  	(tag) =	ssettag $0x2  }
0x97: {  	s0 =	rddreg [dreg:$0x0];
	s2 =	stileid.u32  }
0x98: {  	s1 =	rddreg [dreg:$0x1];
	p0 =	sne.s32 s2, $0x0  }
0x99: {  	s3 =	rddreg [dreg:$0x2];
	[bflag:$0x3] =	sbarrier.arrive $0xFFFF;
	s2 =	simm.s32 @!p0 $0x1C01  }
0x9a: {  	[timem:s3], [sflag:s2] =	dma.local @!p0 [hbm:s0], s1  }
0x9b: {  	s0 =	simm.s32 @!p0 $0x1  }
0x9c: {  	_ =	swait.ge @!p0 [sflag:s0], s1  }
0x9d: {  	s1 =	ssub.s32 @!p0 $0x0, s1;
	[sflag:s0] =	ssyncset.done @!p0 $0x0  }
0x9e: {  	[sflag:s0] =	ssyncadd.s32 @!p0 s1  }
0x9f: {  	[bflag:$0x3] =	sbarrier.arrive $0xFFFF  }
0xa0: {  	_ =	shalt  }

</sc_bundles>
